<compile_context>
chip_gen: v7x
topology: tpu7x:2x2x1
jax: 0.10.2.dev20260603
libtpu: 0.0.44.dev20260713+nightly
codegen_flags: <defaults>
</compile_context>

<pallas_src>
import functools

import jax
import jax.numpy as jnp
from jax import lax
from jax.experimental import pallas as pl
from jax.experimental.pallas import tpu as pltpu
from jax.experimental.pallas import tpu_sc as plsc

NCLU = 64
NFREQ = 10
NTOK = 32768
HID = 256
IN_DIM = 3 + 6 * NFREQ
BLK = 512
NBLK = NTOK // BLK
NPAIR = NBLK + NCLU
NW = 16
CHUNK = NTOK // NW
NROW = CHUNK // 128

def _route_body(ids_hbm, x_hbm, xs_hbm, inv_hbm, hist_hbm, offs_hbm,
                ids_v, hist2d_v, hist_v, histall_v, cursor_v, pos2d_v,
                xrows_v, offs_v, sem):
    wid = lax.axis_index("s")
    base = wid * CHUNK
    zeros16 = jnp.zeros((16,), jnp.int32)
    lane = lax.iota(jnp.int32, 16)

    pltpu.sync_copy(ids_hbm.at[pl.ds(base, CHUNK)], ids_v)
    for v in range(NCLU * 16 // 16):
        hist2d_v[pl.ds(v * 16, 16)] = zeros16

    def hbody(j, carry):
        idx = lane * 128 + j
        cid = plsc.load_gather(ids_v, [idx])
        slot = cid * 16 + lane
        cnt = plsc.load_gather(hist2d_v, [slot])
        plsc.store_scatter(hist2d_v, [slot], cnt + 1)
        return carry

    lax.fori_loop(0, 128, hbody, 0)

    for cv in range(NCLU // 16):
        acc = zeros16
        cbase = (cv * 16 + lane) * 16
        for l in range(16):
            acc = acc + plsc.load_gather(hist2d_v, [cbase + l])
        hist_v[pl.ds(cv * 16, 16)] = acc
    pltpu.sync_copy(hist_v, hist_hbm.at[wid])
    plsc.subcore_barrier()

    pltpu.sync_copy(hist_hbm, histall_v)
    carry = jnp.int32(0)
    basevecs = []
    for v in range(NCLU // 16):
        sl = pl.ds(v * 16, 16)
        tot = zeros16
        part = zeros16
        for w in range(NW):
            row = histall_v[w, sl]
            tot = tot + row
            wmask = jnp.full((16,), w, jnp.int32) < wid
            part = part + jnp.where(wmask, row, zeros16)
        excl = plsc.cumsum(tot) - tot
        offv = excl + carry
        offs_v[sl] = offv
        basevecs.append(offv + part)
        carry = carry + jnp.sum(tot)
    offs_v[pl.ds(NCLU, 16)] = jnp.full((16,), NTOK, jnp.int32)

    for c in range(NCLU):
        own = hist2d_v[pl.ds(c * 16, 16)]
        excl = plsc.cumsum(own) - own
        cursor_v[pl.ds(c * 16, 16)] = excl + basevecs[c // 16][c % 16]

    def pbody(j, carry):
        idx = lane * 128 + j
        cid = plsc.load_gather(ids_v, [idx])
        slot = cid * 16 + lane
        p = plsc.load_gather(cursor_v, [slot])
        plsc.store_scatter(cursor_v, [slot], p + 1)
        plsc.store_scatter(pos2d_v, [lane, jnp.full((16,), j, jnp.int32)], p)
        return carry

    lax.fori_loop(0, 128, pbody, 0)
    pltpu.sync_copy(pos2d_v, inv_hbm.at[pl.ds(wid * NROW, NROW)])

    pltpu.sync_copy(x_hbm.at[pl.ds(base, CHUNK)], xrows_v)
    for k in range(NROW):
        pltpu.async_copy(xrows_v.at[pl.ds(k * 128, 128)],
                         xs_hbm.at[pos2d_v.at[k]], sem).wait()

    @pl.when(wid == 0)
    def _():
        pltpu.sync_copy(offs_v, offs_hbm)


def _pairs_body(offs_ref, pb_ref, pc_ref, prs_ref, pre_ref):
    def init(i, carry):
        pb_ref[i] = NBLK - 1
        pc_ref[i] = NCLU - 1
        prs_ref[i] = 0
        pre_ref[i] = 0
        return carry

    lax.fori_loop(0, NPAIR, init, 0)

    def cbody(c, p):
        s = offs_ref[c]
        e = offs_ref[c + 1]

        def nonempty(p0):
            b1 = (e - 1) // BLK

            def wbody(bp):
                b, q = bp
                pb_ref[q] = b
                pc_ref[q] = c
                prs_ref[q] = s
                pre_ref[q] = e
                return (b + 1, q + 1)

            return lax.while_loop(lambda bp: bp[0] <= b1, wbody,
                                  (s // BLK, p0))[1]

        return lax.cond(e > s, nonempty, lambda q: q, p)

    lax.fori_loop(0, NCLU, cbody, jnp.int32(0))


_pairs = pl.pallas_call(
    _pairs_body,
    in_specs=[pl.BlockSpec(memory_space=pltpu.SMEM)],
    out_specs=[pl.BlockSpec(memory_space=pltpu.SMEM)] * 4,
    out_shape=[jax.ShapeDtypeStruct((NPAIR,), jnp.int32)] * 4,
)


def _mlp_body(pb_s, pc_s, prs_s, pre_s,
              x_ref, fr_ref, vx_ref, vs_ref, vc_ref, v1_ref, v2_ref, v3_ref,
              v4_ref, gb_ref, gb4_ref, out_ref,
              sin_sc, cos_sc, wx_sc, ws_sc, wc_sc, w1_sc, w2_sc, w3_sc,
              w4_sc):
    i = pl.program_id(0)
    rs = prs_s[i]
    re = pre_s[i]
    blk = pb_s[i]
    ip = jnp.maximum(i - 1, 0)
    c_changed = (i == 0) | (pc_s[i] != pc_s[ip])
    b_changed = (i == 0) | (pb_s[i] != pb_s[ip])
    f32 = jnp.float32
    dns = (((1,), (0,)), ((), ()))

    @pl.when((re > rs) & b_changed)
    def _():
        xb = x_ref[...] * fr_ref[...]
        sin_sc[...] = jnp.sin(xb)
        cos_sc[...] = jnp.cos(xb)

    @pl.when((re > rs) & c_changed)
    def _():
        def kd2(v):
            return jnp.sum(v * v, axis=1, keepdims=True)

        gb = gb_ref[0]
        vx = vx_ref[0]
        vs = vs_ref[0]
        vc = vc_ref[0]
        s0 = gb[0:1].T * lax.rsqrt(kd2(vx) + kd2(vs) + kd2(vc))
        wx_sc[...] = (vx * s0).T
        ws_sc[...] = (vs * s0).T
        wc_sc[...] = (vc * s0).T
        for v_ref, w_sc, grow in ((v1_ref, w1_sc, gb[2:3]),
                                  (v2_ref, w2_sc, gb[4:5]),
                                  (v3_ref, w3_sc, gb[6:7])):
            v = v_ref[0]
            w_sc[...] = (v * (grow.T * lax.rsqrt(kd2(v)))).T
        v4 = v4_ref[0]
        w4_sc[...] = (v4 * (gb4_ref[0][0:1].T * lax.rsqrt(kd2(v4)))).T

    @pl.when(re > rs)
    def _():
        gb = gb_ref[0]
        h = (lax.dot_general(x_ref[...], wx_sc[...], dns,
                             preferred_element_type=f32)
             + lax.dot_general(sin_sc[...], ws_sc[...], dns,
                               preferred_element_type=f32)
             + lax.dot_general(cos_sc[...], wc_sc[...], dns,
                               preferred_element_type=f32))
        h = jnp.maximum(h + gb[1:2], 0.0)
        for w_sc, j in ((w1_sc, 3), (w2_sc, 5), (w3_sc, 7)):
            h = lax.dot_general(h, w_sc[...], dns, preferred_element_type=f32)
            h = jnp.maximum(h + gb[j:j + 1], 0.0)
        y = jnp.tanh(lax.dot_general(h, w4_sc[...], dns,
                                     preferred_element_type=f32)
                     + gb4_ref[0][1:2])

        rows = blk * BLK + lax.broadcasted_iota(jnp.int32, (BLK, 1), 0)
        m = (rows >= rs) & (rows < re)
        out_ref[...] = jnp.where(m, y, out_ref[...])


def _pb_map(i, pb, pc, rs, re):
    return (pb[i], 0)


def _pc_map(i, pb, pc, rs, re):
    return (pc[i], 0, 0)


_mlp = pl.pallas_call(
    _mlp_body,
    grid_spec=pltpu.PrefetchScalarGridSpec(
        num_scalar_prefetch=4,
        grid=(NPAIR,),
        in_specs=[
            pl.BlockSpec((BLK, 32), _pb_map),
            pl.BlockSpec((1, 32), lambda i, *_: (0, 0)),
            pl.BlockSpec((1, HID, 32), _pc_map),
            pl.BlockSpec((1, HID, 32), _pc_map),
            pl.BlockSpec((1, HID, 32), _pc_map),
            pl.BlockSpec((1, HID, HID), _pc_map),
            pl.BlockSpec((1, HID, HID), _pc_map),
            pl.BlockSpec((1, HID, HID), _pc_map),
            pl.BlockSpec((1, 16, HID), _pc_map),
            pl.BlockSpec((1, 8, HID), _pc_map),
            pl.BlockSpec((1, 2, 16), _pc_map),
        ],
        out_specs=pl.BlockSpec((BLK, 16), _pb_map),
        scratch_shapes=[
            pltpu.VMEM((BLK, 32), jnp.float32),
            pltpu.VMEM((BLK, 32), jnp.float32),
            pltpu.VMEM((32, HID), jnp.float32),
            pltpu.VMEM((32, HID), jnp.float32),
            pltpu.VMEM((32, HID), jnp.float32),
            pltpu.VMEM((HID, HID), jnp.float32),
            pltpu.VMEM((HID, HID), jnp.float32),
            pltpu.VMEM((HID, HID), jnp.float32),
            pltpu.VMEM((HID, 16), jnp.float32),
        ],
    ),
    out_shape=jax.ShapeDtypeStruct((NTOK, 16), jnp.float32),
    compiler_params=pltpu.CompilerParams(
        dimension_semantics=("arbitrary",)),
)


def _unsort_body(ys_hbm, inv_hbm, out_hbm, idx_v, rows_v, sem):
    wid = lax.axis_index("s")
    for k in range(NROW):
        r = wid * NROW + k
        pltpu.sync_copy(inv_hbm.at[r], idx_v)
        pltpu.async_copy(ys_hbm.at[idx_v], rows_v, sem).wait()
        pltpu.sync_copy(rows_v, out_hbm.at[pl.ds(r * 128, 128)])


@functools.lru_cache(maxsize=None)
def _sc_kernels():
    mesh = plsc.VectorSubcoreMesh(core_axis_name="c", subcore_axis_name="s",
                                  num_cores=1, num_subcores=NW)
    sc_params = pltpu.CompilerParams(needs_layout_passes=False,
                                     use_tc_tiling_on_sc=False)
    route = pl.kernel(
        _route_body,
        mesh=mesh,
        compiler_params=sc_params,
        out_type=(
            jax.ShapeDtypeStruct((NTOK, 32), jnp.float32),
            jax.ShapeDtypeStruct((NTOK // 128, 128), jnp.int32),
            jax.ShapeDtypeStruct((NW, NCLU), jnp.int32),
            jax.ShapeDtypeStruct((NCLU + 16,), jnp.int32),
        ),
        scratch_types=[
            pltpu.VMEM((CHUNK,), jnp.int32),
            pltpu.VMEM((NCLU * 16,), jnp.int32),
            pltpu.VMEM((NCLU,), jnp.int32),
            pltpu.VMEM((NW, NCLU), jnp.int32),
            pltpu.VMEM((NCLU * 16,), jnp.int32),
            pltpu.VMEM((NROW, 128), jnp.int32),
            pltpu.VMEM((CHUNK, 32), jnp.float32),
            pltpu.VMEM((NCLU + 16,), jnp.int32),
            pltpu.SemaphoreType.DMA,
        ],
    )
    unsort = pl.kernel(
        _unsort_body,
        mesh=mesh,
        compiler_params=sc_params,
        out_type=jax.ShapeDtypeStruct((NTOK, 16), jnp.float32),
        scratch_types=[
            pltpu.VMEM((128,), jnp.int32),
            pltpu.VMEM((128, 16), jnp.float32),
            pltpu.SemaphoreType.DMA,
        ],
    )
    return route, unsort


@jax.jit
def kernel(X, cluster_ids, V0, g0, b0, V1, g1, b1, V2, g2, b2, V3, g3, b3,
           V4, g4, b4):
    ids = cluster_ids.astype(jnp.int32)
    route, unsort = _sc_kernels()
    xp = jnp.pad(jnp.tile(X, (1, NFREQ)), ((0, 0), (0, 2)))
    xs, inv, _hist, offs = route(ids, xp)
    pb, pc, prs, pre = _pairs(offs)

    rest = V0[:, :, 3:].reshape(NCLU, HID, NFREQ, 2, 3)
    vsin = jnp.pad(rest[:, :, :, 0, :].reshape(NCLU, HID, 3 * NFREQ),
                   ((0, 0), (0, 0), (0, 2)))
    vcos = jnp.pad(rest[:, :, :, 1, :].reshape(NCLU, HID, 3 * NFREQ),
                   ((0, 0), (0, 0), (0, 2)))
    vx = jnp.pad(V0[:, :, :3], ((0, 0), (0, 0), (0, 29)))
    freqs = 2.0 ** jnp.arange(NFREQ, dtype=jnp.float32)
    fr32 = jnp.pad(jnp.kron(freqs, jnp.ones((3,), jnp.float32)),
                   (0, 2))[None]

    v4p = jnp.concatenate(
        [V4, jnp.zeros((NCLU, 13, HID), jnp.float32)
             .at[:, :, 0].set(1.0)], axis=1)
    gb = jnp.stack([g0, b0, g1, b1, g2, b2, g3, b3], axis=1)
    gb4 = jnp.stack([jnp.pad(g4, ((0, 0), (0, 13))),
                     jnp.pad(b4, ((0, 0), (0, 13)))], axis=1)

    ys = _mlp(pb, pc, prs, pre, xs, fr32, vx, vsin, vcos, V1, V2, V3, v4p,
              gb, gb4)
    return unsort(ys, inv)[:, :3]

# --- scband reference (transcript-rebuilt; emitter-appended) ---
"""Pipeline reference for scband-clusterised-mlp-47107201303343 (READ-ONLY COPY).

The authoritative reference and input builder live on the scoring server;
editing this copy changes nothing except your own understanding.
"""

import jax, jax.numpy as jnp
import numpy as np

NUM_CLUSTERS = 64
NUM_FREQS = 10
N = 32768
HID = 256
IN_CH = 3 + 3 * 2 * NUM_FREQS
DIMS = [(IN_CH, HID), (HID, HID), (HID, HID), (HID, HID), (HID, 3)]


def posenc(x, num_freqs):
    freqs = 2.0 ** jnp.arange(num_freqs, dtype=jnp.float32)
    xb = x[:, None, :] * freqs[None, :, None]  # [N, F, 3]
    enc = jnp.concatenate([jnp.sin(xb), jnp.cos(xb)], axis=-1).reshape(x.shape[0], -1)
    return jnp.concatenate([x, enc], axis=-1)  # [N, 3 + 3*2*F] = [N, 63]


def setup_inputs(seed: int = 0):
    key = jax.random.key(seed)
    ks = jax.random.split(key, 2 + 3 * len(DIMS))
    X = jax.random.uniform(ks[0], (N, 3), dtype=jnp.float32)
    cluster_ids = jax.random.randint(ks[1], (N,), 0, NUM_CLUSTERS, dtype=jnp.int64 if jax.config.jax_enable_x64 else jnp.int32)
    inp = {"X": X, "cluster_ids": cluster_ids}
    for li, (din, dout) in enumerate(DIMS):
        inp[f"V{li}"] = jax.random.normal(ks[2 + 3 * li], (NUM_CLUSTERS, dout, din), dtype=jnp.float32) * (1.0 / np.sqrt(din))
        inp[f"g{li}"] = jnp.ones((NUM_CLUSTERS, dout), dtype=jnp.float32)
        inp[f"b{li}"] = jnp.zeros((NUM_CLUSTERS, dout), dtype=jnp.float32)
    return inp


def wn_linear(x, V, g, b):
    # torch weight_norm with dim=0: W = g * V / ||V|| over input dim per output row
    W = g[:, None] * V / jnp.linalg.norm(V, axis=1, keepdims=True)
    return x @ W.T + b


def mlp_apply(x, params):
    for (V, g, b) in params[:-1]:
        x = jax.nn.relu(wn_linear(x, V, g, b))
    V, g, b = params[-1]
    return jnp.tanh(wn_linear(x, V, g, b))


def reference(X, cluster_ids, V0, g0, b0, V1, g1, b1, V2, g2, b2, V3, g3, b3, V4, g4, b4):
    Vs = [V0, V1, V2, V3, V4]
    gs = [g0, g1, g2, g3, g4]
    bs = [b0, b1, b2, b3, b4]
    enc = posenc(X, NUM_FREQS)
    out = jnp.zeros((X.shape[0], 3), dtype=jnp.float32)

    def body(i, out):
        params = [(Vs[li][i], gs[li][i], bs[li][i]) for li in range(len(DIMS))]
        y = mlp_apply(enc, params)
        mask = (cluster_ids == i)[:, None]
        return jnp.where(mask, y, out)

    out = jax.lax.fori_loop(0, NUM_CLUSTERS, body, out)
    return out

if __name__ == "__main__":
    import jax
    _d = setup_inputs()
    print(jax.jit(kernel)(*tuple(_d.values())))

</pallas_src>

<mosaic_0001>
#map = affine_map<(d0, d1) -> (0, 0)>
module attributes {stable_mosaic.version = 14 : i64} {
  func.func @_unsort_body(%arg0: i32, %arg1: i32, %arg2: memref<32768x16xf32, #tpu.memory_space<hbm>>, %arg3: memref<256x128xi32, #tpu.memory_space<hbm>>, %arg4: memref<32768x16xf32, #tpu.memory_space<hbm>>, %arg5: memref<128xi32, #tpu.memory_space<vmem>>, %arg6: memref<128x16xf32, #tpu.memory_space<vmem>>, %arg7: memref<!tpu.dma_semaphore, #tpu.memory_space<semaphore_mem>>) attributes {dimension_semantics = [#tpu.dimension_semantics<core_parallel>, #tpu.dimension_semantics<subcore_parallel>], iteration_bounds = array<i64: 1, 16>, scalar_prefetch = 0 : i64, scratch_operands = 3 : i64, tpu.core_type = #tpu.core_type<sc_vector_subcore>, window_params = [{transform_indices = #map}, {transform_indices = #map}, {transform_indices = #map}]} {
    %mul3A = arith.constant 16 : i32
    %mul3A_0 = arith.muli %arg1, %mul3A : i32
    %add3A = arith.constant 0 : i32
    %add3A_1 = arith.addi %mul3A_0, %add3A : i32
    "tpu.region"() ({
      %run_scoped3A = tpu.sem_alloc : memref<!tpu.dma_semaphore, #tpu.memory_space<semaphore_mem>>
      %dma_start3A_188 = arith.constant 0 : i32
      %dma_start3A_189 = tpu.memref_slice %arg3[%add3A_1, %dma_start3A_188] : memref<256x128xi32, #tpu.memory_space<hbm>> -> memref<1x128xi32, #tpu.memory_space<hbm>>
      %dma_start3A_190 = tpu.memref_squeeze %dma_start3A_189 : memref<1x128xi32, #tpu.memory_space<hbm>> -> memref<128xi32, #tpu.memory_space<hbm>>
      %dma_start3A_191 = arith.constant 0 : i32
      %dma_start3A_192 = tpu.memref_slice %arg3[%add3A_1, %dma_start3A_191] : memref<256x128xi32, #tpu.memory_space<hbm>> -> memref<1x128xi32, #tpu.memory_space<hbm>>
      %dma_start3A_193 = tpu.memref_squeeze %dma_start3A_192 : memref<1x128xi32, #tpu.memory_space<hbm>> -> memref<128xi32, #tpu.memory_space<hbm>>
      tpu.enqueue_dma source(%dma_start3A_193 : memref<128xi32, #tpu.memory_space<hbm>>) target(%arg5 : memref<128xi32, #tpu.memory_space<vmem>>) target_semaphore(%run_scoped3A : memref<!tpu.dma_semaphore, #tpu.memory_space<semaphore_mem>>)
      %dma_wait3A_194 = arith.constant 0 : i32
      %dma_wait3A_195 = tpu.memref_slice %arg3[%add3A_1, %dma_wait3A_194] : memref<256x128xi32, #tpu.memory_space<hbm>> -> memref<1x128xi32, #tpu.memory_space<hbm>>
      %dma_wait3A_196 = tpu.memref_squeeze %dma_wait3A_195 : memref<1x128xi32, #tpu.memory_space<hbm>> -> memref<128xi32, #tpu.memory_space<hbm>>
      %dma_wait3A_197 = arith.constant 0 : i32
      %dma_wait3A_198 = tpu.memref_slice %arg3[%add3A_1, %dma_wait3A_197] : memref<256x128xi32, #tpu.memory_space<hbm>> -> memref<1x128xi32, #tpu.memory_space<hbm>>
      %dma_wait3A_199 = tpu.memref_squeeze %dma_wait3A_198 : memref<1x128xi32, #tpu.memory_space<hbm>> -> memref<128xi32, #tpu.memory_space<hbm>>
      tpu.wait_dma2 semaphore(%run_scoped3A : memref<!tpu.dma_semaphore, #tpu.memory_space<semaphore_mem>>) src(%dma_wait3A_199 : memref<128xi32, #tpu.memory_space<hbm>>) dst(%arg5 : memref<128xi32, #tpu.memory_space<vmem>>)
      tpu.yield
    }) : () -> ()
    %dma_start3A = arith.constant 0 : i32
    %dma_start3A_2 = arith.constant 0 : i32
    %dma_start3A_3 = tpu.memref_slice %arg2[%dma_start3A, %dma_start3A_2] : memref<32768x16xf32, #tpu.memory_space<hbm>> -> memref<32768x16xf32, #tpu.memory_space<hbm>>
    tpu.enqueue_indirect_dma source(%dma_start3A_3 : memref<32768x16xf32, #tpu.memory_space<hbm>>) target(%arg6 : memref<128x16xf32, #tpu.memory_space<vmem>>) offsets(%arg5 : memref<128xi32, #tpu.memory_space<vmem>>) semaphore(%arg7 : memref<!tpu.dma_semaphore, #tpu.memory_space<semaphore_mem>>)
    %dma_wait3A = arith.constant 0 : i32
    %dma_wait3A_4 = arith.constant 0 : i32
    %dma_wait3A_5 = tpu.memref_slice %arg2[%dma_wait3A, %dma_wait3A_4] : memref<32768x16xf32, #tpu.memory_space<hbm>> -> memref<32768x16xf32, #tpu.memory_space<hbm>>
    tpu.wait_indirect_dma semaphore(%arg7 : memref<!tpu.dma_semaphore, #tpu.memory_space<semaphore_mem>>) src(%dma_wait3A_5 : memref<32768x16xf32, #tpu.memory_space<hbm>>) dst(%arg6 : memref<128x16xf32, #tpu.memory_space<vmem>>)
    %mul3A_6 = arith.constant 128 : i32
    %mul3A_7 = arith.muli %add3A_1, %mul3A_6 : i32
    "tpu.region"() ({
      %run_scoped3A = tpu.sem_alloc : memref<!tpu.dma_semaphore, #tpu.memory_space<semaphore_mem>>
      %dma_start3A_188 = arith.constant 0 : i32
      %dma_start3A_189 = tpu.memref_slice %arg4[%mul3A_7, %dma_start3A_188] : memref<32768x16xf32, #tpu.memory_space<hbm>> -> memref<128x16xf32, #tpu.memory_space<hbm>>
      %dma_start3A_190 = arith.constant 0 : i32
      %dma_start3A_191 = tpu.memref_slice %arg4[%mul3A_7, %dma_start3A_190] : memref<32768x16xf32, #tpu.memory_space<hbm>> -> memref<128x16xf32, #tpu.memory_space<hbm>>
      tpu.enqueue_dma source(%arg6 : memref<128x16xf32, #tpu.memory_space<vmem>>) target(%dma_start3A_191 : memref<128x16xf32, #tpu.memory_space<hbm>>) target_semaphore(%run_scoped3A : memref<!tpu.dma_semaphore, #tpu.memory_space<semaphore_mem>>)
      %dma_wait3A_192 = arith.constant 0 : i32
      %dma_wait3A_193 = tpu.memref_slice %arg4[%mul3A_7, %dma_wait3A_192] : memref<32768x16xf32, #tpu.memory_space<hbm>> -> memref<128x16xf32, #tpu.memory_space<hbm>>
      %dma_wait3A_194 = arith.constant 0 : i32
      %dma_wait3A_195 = tpu.memref_slice %arg4[%mul3A_7, %dma_wait3A_194] : memref<32768x16xf32, #tpu.memory_space<hbm>> -> memref<128x16xf32, #tpu.memory_space<hbm>>
      tpu.wait_dma2 semaphore(%run_scoped3A : memref<!tpu.dma_semaphore, #tpu.memory_space<semaphore_mem>>) src(%arg6 : memref<128x16xf32, #tpu.memory_space<vmem>>) dst(%dma_wait3A_195 : memref<128x16xf32, #tpu.memory_space<hbm>>)
      tpu.yield
    }) : () -> ()
    %mul3A_8 = arith.constant 16 : i32
    %mul3A_9 = arith.muli %arg1, %mul3A_8 : i32
    %add3A_10 = arith.constant 1 : i32
    %add3A_11 = arith.addi %mul3A_9, %add3A_10 : i32
    "tpu.region"() ({
      %run_scoped3A = tpu.sem_alloc : memref<!tpu.dma_semaphore, #tpu.memory_space<semaphore_mem>>
      %dma_start3A_188 = arith.constant 0 : i32
      %dma_start3A_189 = tpu.memref_slice %arg3[%add3A_11, %dma_start3A_188] : memref<256x128xi32, #tpu.memory_space<hbm>> -> memref<1x128xi32, #tpu.memory_space<hbm>>
      %dma_start3A_190 = tpu.memref_squeeze %dma_start3A_189 : memref<1x128xi32, #tpu.memory_space<hbm>> -> memref<128xi32, #tpu.memory_space<hbm>>
      %dma_start3A_191 = arith.constant 0 : i32
      %dma_start3A_192 = tpu.memref_slice %arg3[%add3A_11, %dma_start3A_191] : memref<256x128xi32, #tpu.memory_space<hbm>> -> memref<1x128xi32, #tpu.memory_space<hbm>>
      %dma_start3A_193 = tpu.memref_squeeze %dma_start3A_192 : memref<1x128xi32, #tpu.memory_space<hbm>> -> memref<128xi32, #tpu.memory_space<hbm>>
      tpu.enqueue_dma source(%dma_start3A_193 : memref<128xi32, #tpu.memory_space<hbm>>) target(%arg5 : memref<128xi32, #tpu.memory_space<vmem>>) target_semaphore(%run_scoped3A : memref<!tpu.dma_semaphore, #tpu.memory_space<semaphore_mem>>)
      %dma_wait3A_194 = arith.constant 0 : i32
      %dma_wait3A_195 = tpu.memref_slice %arg3[%add3A_11, %dma_wait3A_194] : memref<256x128xi32, #tpu.memory_space<hbm>> -> memref<1x128xi32, #tpu.memory_space<hbm>>
      %dma_wait3A_196 = tpu.memref_squeeze %dma_wait3A_195 : memref<1x128xi32, #tpu.memory_space<hbm>> -> memref<128xi32, #tpu.memory_space<hbm>>
      %dma_wait3A_197 = arith.constant 0 : i32
      %dma_wait3A_198 = tpu.memref_slice %arg3[%add3A_11, %dma_wait3A_197] : memref<256x128xi32, #tpu.memory_space<hbm>> -> memref<1x128xi32, #tpu.memory_space<hbm>>
      %dma_wait3A_199 = tpu.memref_squeeze %dma_wait3A_198 : memref<1x128xi32, #tpu.memory_space<hbm>> -> memref<128xi32, #tpu.memory_space<hbm>>
      tpu.wait_dma2 semaphore(%run_scoped3A : memref<!tpu.dma_semaphore, #tpu.memory_space<semaphore_mem>>) src(%dma_wait3A_199 : memref<128xi32, #tpu.memory_space<hbm>>) dst(%arg5 : memref<128xi32, #tpu.memory_space<vmem>>)
      tpu.yield
    }) : () -> ()
    %dma_start3A_12 = arith.constant 0 : i32
    %dma_start3A_13 = arith.constant 0 : i32
    %dma_start3A_14 = tpu.memref_slice %arg2[%dma_start3A_12, %dma_start3A_13] : memref<32768x16xf32, #tpu.memory_space<hbm>> -> memref<32768x16xf32, #tpu.memory_space<hbm>>
    tpu.enqueue_indirect_dma source(%dma_start3A_14 : memref<32768x16xf32, #tpu.memory_space<hbm>>) target(%arg6 : memref<128x16xf32, #tpu.memory_space<vmem>>) offsets(%arg5 : memref<128xi32, #tpu.memory_space<vmem>>) semaphore(%arg7 : memref<!tpu.dma_semaphore, #tpu.memory_space<semaphore_mem>>)
    %dma_wait3A_15 = arith.constant 0 : i32
    %dma_wait3A_16 = arith.constant 0 : i32
    %dma_wait3A_17 = tpu.memref_slice %arg2[%dma_wait3A_15, %dma_wait3A_16] : memref<32768x16xf32, #tpu.memory_space<hbm>> -> memref<32768x16xf32, #tpu.memory_space<hbm>>
    tpu.wait_indirect_dma semaphore(%arg7 : memref<!tpu.dma_semaphore, #tpu.memory_space<semaphore_mem>>) src(%dma_wait3A_17 : memref<32768x16xf32, #tpu.memory_space<hbm>>) dst(%arg6 : memref<128x16xf32, #tpu.memory_space<vmem>>)
    %mul3A_18 = arith.constant 128 : i32
    %mul3A_19 = arith.muli %add3A_11, %mul3A_18 : i32
    "tpu.region"() ({
      %run_scoped3A = tpu.sem_alloc : memref<!tpu.dma_semaphore, #tpu.memory_space<semaphore_mem>>
      %dma_start3A_188 = arith.constant 0 : i32
      %dma_start3A_189 = tpu.memref_slice %arg4[%mul3A_19, %dma_start3A_188] : memref<32768x16xf32, #tpu.memory_space<hbm>> -> memref<128x16xf32, #tpu.memory_space<hbm>>
      %dma_start3A_190 = arith.constant 0 : i32
      %dma_start3A_191 = tpu.memref_slice %arg4[%mul3A_19, %dma_start3A_190] : memref<32768x16xf32, #tpu.memory_space<hbm>> -> memref<128x16xf32, #tpu.memory_space<hbm>>
      tpu.enqueue_dma source(%arg6 : memref<128x16xf32, #tpu.memory_space<vmem>>) target(%dma_start3A_191 : memref<128x16xf32, #tpu.memory_space<hbm>>) target_semaphore(%run_scoped3A : memref<!tpu.dma_semaphore, #tpu.memory_space<semaphore_mem>>)
      %dma_wait3A_192 = arith.constant 0 : i32
      %dma_wait3A_193 = tpu.memref_slice %arg4[%mul3A_19, %dma_wait3A_192] : memref<32768x16xf32, #tpu.memory_space<hbm>> -> memref<128x16xf32, #tpu.memory_space<hbm>>
      %dma_wait3A_194 = arith.constant 0 : i32
      %dma_wait3A_195 = tpu.memref_slice %arg4[%mul3A_19, %dma_wait3A_194] : memref<32768x16xf32, #tpu.memory_space<hbm>> -> memref<128x16xf32, #tpu.memory_space<hbm>>
      tpu.wait_dma2 semaphore(%run_scoped3A : memref<!tpu.dma_semaphore, #tpu.memory_space<semaphore_mem>>) src(%arg6 : memref<128x16xf32, #tpu.memory_space<vmem>>) dst(%dma_wait3A_195 : memref<128x16xf32, #tpu.memory_space<hbm>>)
      tpu.yield
    }) : () -> ()
    %mul3A_20 = arith.constant 16 : i32
    %mul3A_21 = arith.muli %arg1, %mul3A_20 : i32
    %add3A_22 = arith.constant 2 : i32
    %add3A_23 = arith.addi %mul3A_21, %add3A_22 : i32
    "tpu.region"() ({
      %run_scoped3A = tpu.sem_alloc : memref<!tpu.dma_semaphore, #tpu.memory_space<semaphore_mem>>
      %dma_start3A_188 = arith.constant 0 : i32
      %dma_start3A_189 = tpu.memref_slice %arg3[%add3A_23, %dma_start3A_188] : memref<256x128xi32, #tpu.memory_space<hbm>> -> memref<1x128xi32, #tpu.memory_space<hbm>>
      %dma_start3A_190 = tpu.memref_squeeze %dma_start3A_189 : memref<1x128xi32, #tpu.memory_space<hbm>> -> memref<128xi32, #tpu.memory_space<hbm>>
      %dma_start3A_191 = arith.constant 0 : i32
      %dma_start3A_192 = tpu.memref_slice %arg3[%add3A_23, %dma_start3A_191] : memref<256x128xi32, #tpu.memory_space<hbm>> -> memref<1x128xi32, #tpu.memory_space<hbm>>
      %dma_start3A_193 = tpu.memref_squeeze %dma_start3A_192 : memref<1x128xi32, #tpu.memory_space<hbm>> -> memref<128xi32, #tpu.memory_space<hbm>>
      tpu.enqueue_dma source(%dma_start3A_193 : memref<128xi32, #tpu.memory_space<hbm>>) target(%arg5 : memref<128xi32, #tpu.memory_space<vmem>>) target_semaphore(%run_scoped3A : memref<!tpu.dma_semaphore, #tpu.memory_space<semaphore_mem>>)
      %dma_wait3A_194 = arith.constant 0 : i32
      %dma_wait3A_195 = tpu.memref_slice %arg3[%add3A_23, %dma_wait3A_194] : memref<256x128xi32, #tpu.memory_space<hbm>> -> memref<1x128xi32, #tpu.memory_space<hbm>>
      %dma_wait3A_196 = tpu.memref_squeeze %dma_wait3A_195 : memref<1x128xi32, #tpu.memory_space<hbm>> -> memref<128xi32, #tpu.memory_space<hbm>>
      %dma_wait3A_197 = arith.constant 0 : i32
      %dma_wait3A_198 = tpu.memref_slice %arg3[%add3A_23, %dma_wait3A_197] : memref<256x128xi32, #tpu.memory_space<hbm>> -> memref<1x128xi32, #tpu.memory_space<hbm>>
      %dma_wait3A_199 = tpu.memref_squeeze %dma_wait3A_198 : memref<1x128xi32, #tpu.memory_space<hbm>> -> memref<128xi32, #tpu.memory_space<hbm>>
      tpu.wait_dma2 semaphore(%run_scoped3A : memref<!tpu.dma_semaphore, #tpu.memory_space<semaphore_mem>>) src(%dma_wait3A_199 : memref<128xi32, #tpu.memory_space<hbm>>) dst(%arg5 : memref<128xi32, #tpu.memory_space<vmem>>)
      tpu.yield
    }) : () -> ()
    %dma_start3A_24 = arith.constant 0 : i32
    %dma_start3A_25 = arith.constant 0 : i32
    %dma_start3A_26 = tpu.memref_slice %arg2[%dma_start3A_24, %dma_start3A_25] : memref<32768x16xf32, #tpu.memory_space<hbm>> -> memref<32768x16xf32, #tpu.memory_space<hbm>>
    tpu.enqueue_indirect_dma source(%dma_start3A_26 : memref<32768x16xf32, #tpu.memory_space<hbm>>) target(%arg6 : memref<128x16xf32, #tpu.memory_space<vmem>>) offsets(%arg5 : memref<128xi32, #tpu.memory_space<vmem>>) semaphore(%arg7 : memref<!tpu.dma_semaphore, #tpu.memory_space<semaphore_mem>>)
    %dma_wait3A_27 = arith.constant 0 : i32
    %dma_wait3A_28 = arith.constant 0 : i32
    %dma_wait3A_29 = tpu.memref_slice %arg2[%dma_wait3A_27, %dma_wait3A_28] : memref<32768x16xf32, #tpu.memory_space<hbm>> -> memref<32768x16xf32, #tpu.memory_space<hbm>>
    tpu.wait_indirect_dma semaphore(%arg7 : memref<!tpu.dma_semaphore, #tpu.memory_space<semaphore_mem>>) src(%dma_wait3A_29 : memref<32768x16xf32, #tpu.memory_space<hbm>>) dst(%arg6 : memref<128x16xf32, #tpu.memory_space<vmem>>)
    %mul3A_30 = arith.constant 128 : i32
    %mul3A_31 = arith.muli %add3A_23, %mul3A_30 : i32
    "tpu.region"() ({
      %run_scoped3A = tpu.sem_alloc : memref<!tpu.dma_semaphore, #tpu.memory_space<semaphore_mem>>
      %dma_start3A_188 = arith.constant 0 : i32
      %dma_start3A_189 = tpu.memref_slice %arg4[%mul3A_31, %dma_start3A_188] : memref<32768x16xf32, #tpu.memory_space<hbm>> -> memref<128x16xf32, #tpu.memory_space<hbm>>
      %dma_start3A_190 = arith.constant 0 : i32
      %dma_start3A_191 = tpu.memref_slice %arg4[%mul3A_31, %dma_start3A_190] : memref<32768x16xf32, #tpu.memory_space<hbm>> -> memref<128x16xf32, #tpu.memory_space<hbm>>
      tpu.enqueue_dma source(%arg6 : memref<128x16xf32, #tpu.memory_space<vmem>>) target(%dma_start3A_191 : memref<128x16xf32, #tpu.memory_space<hbm>>) target_semaphore(%run_scoped3A : memref<!tpu.dma_semaphore, #tpu.memory_space<semaphore_mem>>)
      %dma_wait3A_192 = arith.constant 0 : i32
      %dma_wait3A_193 = tpu.memref_slice %arg4[%mul3A_31, %dma_wait3A_192] : memref<32768x16xf32, #tpu.memory_space<hbm>> -> memref<128x16xf32, #tpu.memory_space<hbm>>
      %dma_wait3A_194 = arith.constant 0 : i32
      %dma_wait3A_195 = tpu.memref_slice %arg4[%mul3A_31, %dma_wait3A_194] : memref<32768x16xf32, #tpu.memory_space<hbm>> -> memref<128x16xf32, #tpu.memory_space<hbm>>
      tpu.wait_dma2 semaphore(%run_scoped3A : memref<!tpu.dma_semaphore, #tpu.memory_space<semaphore_mem>>) src(%arg6 : memref<128x16xf32, #tpu.memory_space<vmem>>) dst(%dma_wait3A_195 : memref<128x16xf32, #tpu.memory_space<hbm>>)
      tpu.yield
    }) : () -> ()
    %mul3A_32 = arith.constant 16 : i32
    %mul3A_33 = arith.muli %arg1, %mul3A_32 : i32
    %add3A_34 = arith.constant 3 : i32
    %add3A_35 = arith.addi %mul3A_33, %add3A_34 : i32
    "tpu.region"() ({
      %run_scoped3A = tpu.sem_alloc : memref<!tpu.dma_semaphore, #tpu.memory_space<semaphore_mem>>
      %dma_start3A_188 = arith.constant 0 : i32
      %dma_start3A_189 = tpu.memref_slice %arg3[%add3A_35, %dma_start3A_188] : memref<256x128xi32, #tpu.memory_space<hbm>> -> memref<1x128xi32, #tpu.memory_space<hbm>>
      %dma_start3A_190 = tpu.memref_squeeze %dma_start3A_189 : memref<1x128xi32, #tpu.memory_space<hbm>> -> memref<128xi32, #tpu.memory_space<hbm>>
      %dma_start3A_191 = arith.constant 0 : i32
      %dma_start3A_192 = tpu.memref_slice %arg3[%add3A_35, %dma_start3A_191] : memref<256x128xi32, #tpu.memory_space<hbm>> -> memref<1x128xi32, #tpu.memory_space<hbm>>
      %dma_start3A_193 = tpu.memref_squeeze %dma_start3A_192 : memref<1x128xi32, #tpu.memory_space<hbm>> -> memref<128xi32, #tpu.memory_space<hbm>>
      tpu.enqueue_dma source(%dma_start3A_193 : memref<128xi32, #tpu.memory_space<hbm>>) target(%arg5 : memref<128xi32, #tpu.memory_space<vmem>>) target_semaphore(%run_scoped3A : memref<!tpu.dma_semaphore, #tpu.memory_space<semaphore_mem>>)
      %dma_wait3A_194 = arith.constant 0 : i32
      %dma_wait3A_195 = tpu.memref_slice %arg3[%add3A_35, %dma_wait3A_194] : memref<256x128xi32, #tpu.memory_space<hbm>> -> memref<1x128xi32, #tpu.memory_space<hbm>>
      %dma_wait3A_196 = tpu.memref_squeeze %dma_wait3A_195 : memref<1x128xi32, #tpu.memory_space<hbm>> -> memref<128xi32, #tpu.memory_space<hbm>>
      %dma_wait3A_197 = arith.constant 0 : i32
      %dma_wait3A_198 = tpu.memref_slice %arg3[%add3A_35, %dma_wait3A_197] : memref<256x128xi32, #tpu.memory_space<hbm>> -> memref<1x128xi32, #tpu.memory_space<hbm>>
      %dma_wait3A_199 = tpu.memref_squeeze %dma_wait3A_198 : memref<1x128xi32, #tpu.memory_space<hbm>> -> memref<128xi32, #tpu.memory_space<hbm>>
      tpu.wait_dma2 semaphore(%run_scoped3A : memref<!tpu.dma_semaphore, #tpu.memory_space<semaphore_mem>>) src(%dma_wait3A_199 : memref<128xi32, #tpu.memory_space<hbm>>) dst(%arg5 : memref<128xi32, #tpu.memory_space<vmem>>)
      tpu.yield
    }) : () -> ()
    %dma_start3A_36 = arith.constant 0 : i32
    %dma_start3A_37 = arith.constant 0 : i32
    %dma_start3A_38 = tpu.memref_slice %arg2[%dma_start3A_36, %dma_start3A_37] : memref<32768x16xf32, #tpu.memory_space<hbm>> -> memref<32768x16xf32, #tpu.memory_space<hbm>>
    tpu.enqueue_indirect_dma source(%dma_start3A_38 : memref<32768x16xf32, #tpu.memory_space<hbm>>) target(%arg6 : memref<128x16xf32, #tpu.memory_space<vmem>>) offsets(%arg5 : memref<128xi32, #tpu.memory_space<vmem>>) semaphore(%arg7 : memref<!tpu.dma_semaphore, #tpu.memory_space<semaphore_mem>>)
    %dma_wait3A_39 = arith.constant 0 : i32
    %dma_wait3A_40 = arith.constant 0 : i32
    %dma_wait3A_41 = tpu.memref_slice %arg2[%dma_wait3A_39, %dma_wait3A_40] : memref<32768x16xf32, #tpu.memory_space<hbm>> -> memref<32768x16xf32, #tpu.memory_space<hbm>>
    tpu.wait_indirect_dma semaphore(%arg7 : memref<!tpu.dma_semaphore, #tpu.memory_space<semaphore_mem>>) src(%dma_wait3A_41 : memref<32768x16xf32, #tpu.memory_space<hbm>>) dst(%arg6 : memref<128x16xf32, #tpu.memory_space<vmem>>)
    %mul3A_42 = arith.constant 128 : i32
    %mul3A_43 = arith.muli %add3A_35, %mul3A_42 : i32
    "tpu.region"() ({
      %run_scoped3A = tpu.sem_alloc : memref<!tpu.dma_semaphore, #tpu.memory_space<semaphore_mem>>
      %dma_start3A_188 = arith.constant 0 : i32
      %dma_start3A_189 = tpu.memref_slice %arg4[%mul3A_43, %dma_start3A_188] : memref<32768x16xf32, #tpu.memory_space<hbm>> -> memref<128x16xf32, #tpu.memory_space<hbm>>
      %dma_start3A_190 = arith.constant 0 : i32
      %dma_start3A_191 = tpu.memref_slice %arg4[%mul3A_43, %dma_start3A_190] : memref<32768x16xf32, #tpu.memory_space<hbm>> -> memref<128x16xf32, #tpu.memory_space<hbm>>
      tpu.enqueue_dma source(%arg6 : memref<128x16xf32, #tpu.memory_space<vmem>>) target(%dma_start3A_191 : memref<128x16xf32, #tpu.memory_space<hbm>>) target_semaphore(%run_scoped3A : memref<!tpu.dma_semaphore, #tpu.memory_space<semaphore_mem>>)
      %dma_wait3A_192 = arith.constant 0 : i32
      %dma_wait3A_193 = tpu.memref_slice %arg4[%mul3A_43, %dma_wait3A_192] : memref<32768x16xf32, #tpu.memory_space<hbm>> -> memref<128x16xf32, #tpu.memory_space<hbm>>
      %dma_wait3A_194 = arith.constant 0 : i32
      %dma_wait3A_195 = tpu.memref_slice %arg4[%mul3A_43, %dma_wait3A_194] : memref<32768x16xf32, #tpu.memory_space<hbm>> -> memref<128x16xf32, #tpu.memory_space<hbm>>
      tpu.wait_dma2 semaphore(%run_scoped3A : memref<!tpu.dma_semaphore, #tpu.memory_space<semaphore_mem>>) src(%arg6 : memref<128x16xf32, #tpu.memory_space<vmem>>) dst(%dma_wait3A_195 : memref<128x16xf32, #tpu.memory_space<hbm>>)
      tpu.yield
    }) : () -> ()
    %mul3A_44 = arith.constant 16 : i32
    %mul3A_45 = arith.muli %arg1, %mul3A_44 : i32
    %add3A_46 = arith.constant 4 : i32
    %add3A_47 = arith.addi %mul3A_45, %add3A_46 : i32
    "tpu.region"() ({
      %run_scoped3A = tpu.sem_alloc : memref<!tpu.dma_semaphore, #tpu.memory_space<semaphore_mem>>
      %dma_start3A_188 = arith.constant 0 : i32
      %dma_start3A_189 = tpu.memref_slice %arg3[%add3A_47, %dma_start3A_188] : memref<256x128xi32, #tpu.memory_space<hbm>> -> memref<1x128xi32, #tpu.memory_space<hbm>>
      %dma_start3A_190 = tpu.memref_squeeze %dma_start3A_189 : memref<1x128xi32, #tpu.memory_space<hbm>> -> memref<128xi32, #tpu.memory_space<hbm>>
      %dma_start3A_191 = arith.constant 0 : i32
      %dma_start3A_192 = tpu.memref_slice %arg3[%add3A_47, %dma_start3A_191] : memref<256x128xi32, #tpu.memory_space<hbm>> -> memref<1x128xi32, #tpu.memory_space<hbm>>
      %dma_start3A_193 = tpu.memref_squeeze %dma_start3A_192 : memref<1x128xi32, #tpu.memory_space<hbm>> -> memref<128xi32, #tpu.memory_space<hbm>>
      tpu.enqueue_dma source(%dma_start3A_193 : memref<128xi32, #tpu.memory_space<hbm>>) target(%arg5 : memref<128xi32, #tpu.memory_space<vmem>>) target_semaphore(%run_scoped3A : memref<!tpu.dma_semaphore, #tpu.memory_space<semaphore_mem>>)
      %dma_wait3A_194 = arith.constant 0 : i32
      %dma_wait3A_195 = tpu.memref_slice %arg3[%add3A_47, %dma_wait3A_194] : memref<256x128xi32, #tpu.memory_space<hbm>> -> memref<1x128xi32, #tpu.memory_space<hbm>>
      %dma_wait3A_196 = tpu.memref_squeeze %dma_wait3A_195 : memref<1x128xi32, #tpu.memory_space<hbm>> -> memref<128xi32, #tpu.memory_space<hbm>>
      %dma_wait3A_197 = arith.constant 0 : i32
      %dma_wait3A_198 = tpu.memref_slice %arg3[%add3A_47, %dma_wait3A_197] : memref<256x128xi32, #tpu.memory_space<hbm>> -> memref<1x128xi32, #tpu.memory_space<hbm>>
      %dma_wait3A_199 = tpu.memref_squeeze %dma_wait3A_198 : memref<1x128xi32, #tpu.memory_space<hbm>> -> memref<128xi32, #tpu.memory_space<hbm>>
      tpu.wait_dma2 semaphore(%run_scoped3A : memref<!tpu.dma_semaphore, #tpu.memory_space<semaphore_mem>>) src(%dma_wait3A_199 : memref<128xi32, #tpu.memory_space<hbm>>) dst(%arg5 : memref<128xi32, #tpu.memory_space<vmem>>)
      tpu.yield
    }) : () -> ()
    %dma_start3A_48 = arith.constant 0 : i32
    %dma_start3A_49 = arith.constant 0 : i32
    %dma_start3A_50 = tpu.memref_slice %arg2[%dma_start3A_48, %dma_start3A_49] : memref<32768x16xf32, #tpu.memory_space<hbm>> -> memref<32768x16xf32, #tpu.memory_space<hbm>>
    tpu.enqueue_indirect_dma source(%dma_start3A_50 : memref<32768x16xf32, #tpu.memory_space<hbm>>) target(%arg6 : memref<128x16xf32, #tpu.memory_space<vmem>>) offsets(%arg5 : memref<128xi32, #tpu.memory_space<vmem>>) semaphore(%arg7 : memref<!tpu.dma_semaphore, #tpu.memory_space<semaphore_mem>>)
    %dma_wait3A_51 = arith.constant 0 : i32
    %dma_wait3A_52 = arith.constant 0 : i32
    %dma_wait3A_53 = tpu.memref_slice %arg2[%dma_wait3A_51, %dma_wait3A_52] : memref<32768x16xf32, #tpu.memory_space<hbm>> -> memref<32768x16xf32, #tpu.memory_space<hbm>>
    tpu.wait_indirect_dma semaphore(%arg7 : memref<!tpu.dma_semaphore, #tpu.memory_space<semaphore_mem>>) src(%dma_wait3A_53 : memref<32768x16xf32, #tpu.memory_space<hbm>>) dst(%arg6 : memref<128x16xf32, #tpu.memory_space<vmem>>)
    %mul3A_54 = arith.constant 128 : i32
    %mul3A_55 = arith.muli %add3A_47, %mul3A_54 : i32
    "tpu.region"() ({
      %run_scoped3A = tpu.sem_alloc : memref<!tpu.dma_semaphore, #tpu.memory_space<semaphore_mem>>
      %dma_start3A_188 = arith.constant 0 : i32
      %dma_start3A_189 = tpu.memref_slice %arg4[%mul3A_55, %dma_start3A_188] : memref<32768x16xf32, #tpu.memory_space<hbm>> -> memref<128x16xf32, #tpu.memory_space<hbm>>
      %dma_start3A_190 = arith.constant 0 : i32
      %dma_start3A_191 = tpu.memref_slice %arg4[%mul3A_55, %dma_start3A_190] : memref<32768x16xf32, #tpu.memory_space<hbm>> -> memref<128x16xf32, #tpu.memory_space<hbm>>
      tpu.enqueue_dma source(%arg6 : memref<128x16xf32, #tpu.memory_space<vmem>>) target(%dma_start3A_191 : memref<128x16xf32, #tpu.memory_space<hbm>>) target_semaphore(%run_scoped3A : memref<!tpu.dma_semaphore, #tpu.memory_space<semaphore_mem>>)
      %dma_wait3A_192 = arith.constant 0 : i32
      %dma_wait3A_193 = tpu.memref_slice %arg4[%mul3A_55, %dma_wait3A_192] : memref<32768x16xf32, #tpu.memory_space<hbm>> -> memref<128x16xf32, #tpu.memory_space<hbm>>
      %dma_wait3A_194 = arith.constant 0 : i32
      %dma_wait3A_195 = tpu.memref_slice %arg4[%mul3A_55, %dma_wait3A_194] : memref<32768x16xf32, #tpu.memory_space<hbm>> -> memref<128x16xf32, #tpu.memory_space<hbm>>
      tpu.wait_dma2 semaphore(%run_scoped3A : memref<!tpu.dma_semaphore, #tpu.memory_space<semaphore_mem>>) src(%arg6 : memref<128x16xf32, #tpu.memory_space<vmem>>) dst(%dma_wait3A_195 : memref<128x16xf32, #tpu.memory_space<hbm>>)
      tpu.yield
    }) : () -> ()
    %mul3A_56 = arith.constant 16 : i32
    %mul3A_57 = arith.muli %arg1, %mul3A_56 : i32
    %add3A_58 = arith.constant 5 : i32
    %add3A_59 = arith.addi %mul3A_57, %add3A_58 : i32
    "tpu.region"() ({
      %run_scoped3A = tpu.sem_alloc : memref<!tpu.dma_semaphore, #tpu.memory_space<semaphore_mem>>
      %dma_start3A_188 = arith.constant 0 : i32
      %dma_start3A_189 = tpu.memref_slice %arg3[%add3A_59, %dma_start3A_188] : memref<256x128xi32, #tpu.memory_space<hbm>> -> memref<1x128xi32, #tpu.memory_space<hbm>>
      %dma_start3A_190 = tpu.memref_squeeze %dma_start3A_189 : memref<1x128xi32, #tpu.memory_space<hbm>> -> memref<128xi32, #tpu.memory_space<hbm>>
      %dma_start3A_191 = arith.constant 0 : i32
      %dma_start3A_192 = tpu.memref_slice %arg3[%add3A_59, %dma_start3A_191] : memref<256x128xi32, #tpu.memory_space<hbm>> -> memref<1x128xi32, #tpu.memory_space<hbm>>
      %dma_start3A_193 = tpu.memref_squeeze %dma_start3A_192 : memref<1x128xi32, #tpu.memory_space<hbm>> -> memref<128xi32, #tpu.memory_space<hbm>>
      tpu.enqueue_dma source(%dma_start3A_193 : memref<128xi32, #tpu.memory_space<hbm>>) target(%arg5 : memref<128xi32, #tpu.memory_space<vmem>>) target_semaphore(%run_scoped3A : memref<!tpu.dma_semaphore, #tpu.memory_space<semaphore_mem>>)
      %dma_wait3A_194 = arith.constant 0 : i32
      %dma_wait3A_195 = tpu.memref_slice %arg3[%add3A_59, %dma_wait3A_194] : memref<256x128xi32, #tpu.memory_space<hbm>> -> memref<1x128xi32, #tpu.memory_space<hbm>>
      %dma_wait3A_196 = tpu.memref_squeeze %dma_wait3A_195 : memref<1x128xi32, #tpu.memory_space<hbm>> -> memref<128xi32, #tpu.memory_space<hbm>>
      %dma_wait3A_197 = arith.constant 0 : i32
      %dma_wait3A_198 = tpu.memref_slice %arg3[%add3A_59, %dma_wait3A_197] : memref<256x128xi32, #tpu.memory_space<hbm>> -> memref<1x128xi32, #tpu.memory_space<hbm>>
      %dma_wait3A_199 = tpu.memref_squeeze %dma_wait3A_198 : memref<1x128xi32, #tpu.memory_space<hbm>> -> memref<128xi32, #tpu.memory_space<hbm>>
      tpu.wait_dma2 semaphore(%run_scoped3A : memref<!tpu.dma_semaphore, #tpu.memory_space<semaphore_mem>>) src(%dma_wait3A_199 : memref<128xi32, #tpu.memory_space<hbm>>) dst(%arg5 : memref<128xi32, #tpu.memory_space<vmem>>)
      tpu.yield
    }) : () -> ()
    %dma_start3A_60 = arith.constant 0 : i32
    %dma_start3A_61 = arith.constant 0 : i32
    %dma_start3A_62 = tpu.memref_slice %arg2[%dma_start3A_60, %dma_start3A_61] : memref<32768x16xf32, #tpu.memory_space<hbm>> -> memref<32768x16xf32, #tpu.memory_space<hbm>>
    tpu.enqueue_indirect_dma source(%dma_start3A_62 : memref<32768x16xf32, #tpu.memory_space<hbm>>) target(%arg6 : memref<128x16xf32, #tpu.memory_space<vmem>>) offsets(%arg5 : memref<128xi32, #tpu.memory_space<vmem>>) semaphore(%arg7 : memref<!tpu.dma_semaphore, #tpu.memory_space<semaphore_mem>>)
    %dma_wait3A_63 = arith.constant 0 : i32
    %dma_wait3A_64 = arith.constant 0 : i32
    %dma_wait3A_65 = tpu.memref_slice %arg2[%dma_wait3A_63, %dma_wait3A_64] : memref<32768x16xf32, #tpu.memory_space<hbm>> -> memref<32768x16xf32, #tpu.memory_space<hbm>>
    tpu.wait_indirect_dma semaphore(%arg7 : memref<!tpu.dma_semaphore, #tpu.memory_space<semaphore_mem>>) src(%dma_wait3A_65 : memref<32768x16xf32, #tpu.memory_space<hbm>>) dst(%arg6 : memref<128x16xf32, #tpu.memory_space<vmem>>)
    %mul3A_66 = arith.constant 128 : i32
    %mul3A_67 = arith.muli %add3A_59, %mul3A_66 : i32
    "tpu.region"() ({
      %run_scoped3A = tpu.sem_alloc : memref<!tpu.dma_semaphore, #tpu.memory_space<semaphore_mem>>
      %dma_start3A_188 = arith.constant 0 : i32
      %dma_start3A_189 = tpu.memref_slice %arg4[%mul3A_67, %dma_start3A_188] : memref<32768x16xf32, #tpu.memory_space<hbm>> -> memref<128x16xf32, #tpu.memory_space<hbm>>
      %dma_start3A_190 = arith.constant 0 : i32
      %dma_start3A_191 = tpu.memref_slice %arg4[%mul3A_67, %dma_start3A_190] : memref<32768x16xf32, #tpu.memory_space<hbm>> -> memref<128x16xf32, #tpu.memory_space<hbm>>
      tpu.enqueue_dma source(%arg6 : memref<128x16xf32, #tpu.memory_space<vmem>>) target(%dma_start3A_191 : memref<128x16xf32, #tpu.memory_space<hbm>>) target_semaphore(%run_scoped3A : memref<!tpu.dma_semaphore, #tpu.memory_space<semaphore_mem>>)
      %dma_wait3A_192 = arith.constant 0 : i32
      %dma_wait3A_193 = tpu.memref_slice %arg4[%mul3A_67, %dma_wait3A_192] : memref<32768x16xf32, #tpu.memory_space<hbm>> -> memref<128x16xf32, #tpu.memory_space<hbm>>
      %dma_wait3A_194 = arith.constant 0 : i32
      %dma_wait3A_195 = tpu.memref_slice %arg4[%mul3A_67, %dma_wait3A_194] : memref<32768x16xf32, #tpu.memory_space<hbm>> -> memref<128x16xf32, #tpu.memory_space<hbm>>
      tpu.wait_dma2 semaphore(%run_scoped3A : memref<!tpu.dma_semaphore, #tpu.memory_space<semaphore_mem>>) src(%arg6 : memref<128x16xf32, #tpu.memory_space<vmem>>) dst(%dma_wait3A_195 : memref<128x16xf32, #tpu.memory_space<hbm>>)
      tpu.yield
    }) : () -> ()
    %mul3A_68 = arith.constant 16 : i32
    %mul3A_69 = arith.muli %arg1, %mul3A_68 : i32
    %add3A_70 = arith.constant 6 : i32
    %add3A_71 = arith.addi %mul3A_69, %add3A_70 : i32
    "tpu.region"() ({
      %run_scoped3A = tpu.sem_alloc : memref<!tpu.dma_semaphore, #tpu.memory_space<semaphore_mem>>
      %dma_start3A_188 = arith.constant 0 : i32
      %dma_start3A_189 = tpu.memref_slice %arg3[%add3A_71, %dma_start3A_188] : memref<256x128xi32, #tpu.memory_space<hbm>> -> memref<1x128xi32, #tpu.memory_space<hbm>>
      %dma_start3A_190 = tpu.memref_squeeze %dma_start3A_189 : memref<1x128xi32, #tpu.memory_space<hbm>> -> memref<128xi32, #tpu.memory_space<hbm>>
      %dma_start3A_191 = arith.constant 0 : i32
      %dma_start3A_192 = tpu.memref_slice %arg3[%add3A_71, %dma_start3A_191] : memref<256x128xi32, #tpu.memory_space<hbm>> -> memref<1x128xi32, #tpu.memory_space<hbm>>
      %dma_start3A_193 = tpu.memref_squeeze %dma_start3A_192 : memref<1x128xi32, #tpu.memory_space<hbm>> -> memref<128xi32, #tpu.memory_space<hbm>>
      tpu.enqueue_dma source(%dma_start3A_193 : memref<128xi32, #tpu.memory_space<hbm>>) target(%arg5 : memref<128xi32, #tpu.memory_space<vmem>>) target_semaphore(%run_scoped3A : memref<!tpu.dma_semaphore, #tpu.memory_space<semaphore_mem>>)
      %dma_wait3A_194 = arith.constant 0 : i32
      %dma_wait3A_195 = tpu.memref_slice %arg3[%add3A_71, %dma_wait3A_194] : memref<256x128xi32, #tpu.memory_space<hbm>> -> memref<1x128xi32, #tpu.memory_space<hbm>>
      %dma_wait3A_196 = tpu.memref_squeeze %dma_wait3A_195 : memref<1x128xi32, #tpu.memory_space<hbm>> -> memref<128xi32, #tpu.memory_space<hbm>>
      %dma_wait3A_197 = arith.constant 0 : i32
      %dma_wait3A_198 = tpu.memref_slice %arg3[%add3A_71, %dma_wait3A_197] : memref<256x128xi32, #tpu.memory_space<hbm>> -> memref<1x128xi32, #tpu.memory_space<hbm>>
      %dma_wait3A_199 = tpu.memref_squeeze %dma_wait3A_198 : memref<1x128xi32, #tpu.memory_space<hbm>> -> memref<128xi32, #tpu.memory_space<hbm>>
      tpu.wait_dma2 semaphore(%run_scoped3A : memref<!tpu.dma_semaphore, #tpu.memory_space<semaphore_mem>>) src(%dma_wait3A_199 : memref<128xi32, #tpu.memory_space<hbm>>) dst(%arg5 : memref<128xi32, #tpu.memory_space<vmem>>)
      tpu.yield
    }) : () -> ()
    %dma_start3A_72 = arith.constant 0 : i32
    %dma_start3A_73 = arith.constant 0 : i32
    %dma_start3A_74 = tpu.memref_slice %arg2[%dma_start3A_72, %dma_start3A_73] : memref<32768x16xf32, #tpu.memory_space<hbm>> -> memref<32768x16xf32, #tpu.memory_space<hbm>>
    tpu.enqueue_indirect_dma source(%dma_start3A_74 : memref<32768x16xf32, #tpu.memory_space<hbm>>) target(%arg6 : memref<128x16xf32, #tpu.memory_space<vmem>>) offsets(%arg5 : memref<128xi32, #tpu.memory_space<vmem>>) semaphore(%arg7 : memref<!tpu.dma_semaphore, #tpu.memory_space<semaphore_mem>>)
    %dma_wait3A_75 = arith.constant 0 : i32
    %dma_wait3A_76 = arith.constant 0 : i32
    %dma_wait3A_77 = tpu.memref_slice %arg2[%dma_wait3A_75, %dma_wait3A_76] : memref<32768x16xf32, #tpu.memory_space<hbm>> -> memref<32768x16xf32, #tpu.memory_space<hbm>>
    tpu.wait_indirect_dma semaphore(%arg7 : memref<!tpu.dma_semaphore, #tpu.memory_space<semaphore_mem>>) src(%dma_wait3A_77 : memref<32768x16xf32, #tpu.memory_space<hbm>>) dst(%arg6 : memref<128x16xf32, #tpu.memory_space<vmem>>)
    %mul3A_78 = arith.constant 128 : i32
    %mul3A_79 = arith.muli %add3A_71, %mul3A_78 : i32
    "tpu.region"() ({
      %run_scoped3A = tpu.sem_alloc : memref<!tpu.dma_semaphore, #tpu.memory_space<semaphore_mem>>
      %dma_start3A_188 = arith.constant 0 : i32
      %dma_start3A_189 = tpu.memref_slice %arg4[%mul3A_79, %dma_start3A_188] : memref<32768x16xf32, #tpu.memory_space<hbm>> -> memref<128x16xf32, #tpu.memory_space<hbm>>
      %dma_start3A_190 = arith.constant 0 : i32
      %dma_start3A_191 = tpu.memref_slice %arg4[%mul3A_79, %dma_start3A_190] : memref<32768x16xf32, #tpu.memory_space<hbm>> -> memref<128x16xf32, #tpu.memory_space<hbm>>
      tpu.enqueue_dma source(%arg6 : memref<128x16xf32, #tpu.memory_space<vmem>>) target(%dma_start3A_191 : memref<128x16xf32, #tpu.memory_space<hbm>>) target_semaphore(%run_scoped3A : memref<!tpu.dma_semaphore, #tpu.memory_space<semaphore_mem>>)
      %dma_wait3A_192 = arith.constant 0 : i32
      %dma_wait3A_193 = tpu.memref_slice %arg4[%mul3A_79, %dma_wait3A_192] : memref<32768x16xf32, #tpu.memory_space<hbm>> -> memref<128x16xf32, #tpu.memory_space<hbm>>
      %dma_wait3A_194 = arith.constant 0 : i32
      %dma_wait3A_195 = tpu.memref_slice %arg4[%mul3A_79, %dma_wait3A_194] : memref<32768x16xf32, #tpu.memory_space<hbm>> -> memref<128x16xf32, #tpu.memory_space<hbm>>
      tpu.wait_dma2 semaphore(%run_scoped3A : memref<!tpu.dma_semaphore, #tpu.memory_space<semaphore_mem>>) src(%arg6 : memref<128x16xf32, #tpu.memory_space<vmem>>) dst(%dma_wait3A_195 : memref<128x16xf32, #tpu.memory_space<hbm>>)
      tpu.yield
    }) : () -> ()
    %mul3A_80 = arith.constant 16 : i32
    %mul3A_81 = arith.muli %arg1, %mul3A_80 : i32
    %add3A_82 = arith.constant 7 : i32
    %add3A_83 = arith.addi %mul3A_81, %add3A_82 : i32
    "tpu.region"() ({
      %run_scoped3A = tpu.sem_alloc : memref<!tpu.dma_semaphore, #tpu.memory_space<semaphore_mem>>
      %dma_start3A_188 = arith.constant 0 : i32
      %dma_start3A_189 = tpu.memref_slice %arg3[%add3A_83, %dma_start3A_188] : memref<256x128xi32, #tpu.memory_space<hbm>> -> memref<1x128xi32, #tpu.memory_space<hbm>>
      %dma_start3A_190 = tpu.memref_squeeze %dma_start3A_189 : memref<1x128xi32, #tpu.memory_space<hbm>> -> memref<128xi32, #tpu.memory_space<hbm>>
      %dma_start3A_191 = arith.constant 0 : i32
      %dma_start3A_192 = tpu.memref_slice %arg3[%add3A_83, %dma_start3A_191] : memref<256x128xi32, #tpu.memory_space<hbm>> -> memref<1x128xi32, #tpu.memory_space<hbm>>
      %dma_start3A_193 = tpu.memref_squeeze %dma_start3A_192 : memref<1x128xi32, #tpu.memory_space<hbm>> -> memref<128xi32, #tpu.memory_space<hbm>>
      tpu.enqueue_dma source(%dma_start3A_193 : memref<128xi32, #tpu.memory_space<hbm>>) target(%arg5 : memref<128xi32, #tpu.memory_space<vmem>>) target_semaphore(%run_scoped3A : memref<!tpu.dma_semaphore, #tpu.memory_space<semaphore_mem>>)
      %dma_wait3A_194 = arith.constant 0 : i32
      %dma_wait3A_195 = tpu.memref_slice %arg3[%add3A_83, %dma_wait3A_194] : memref<256x128xi32, #tpu.memory_space<hbm>> -> memref<1x128xi32, #tpu.memory_space<hbm>>
      %dma_wait3A_196 = tpu.memref_squeeze %dma_wait3A_195 : memref<1x128xi32, #tpu.memory_space<hbm>> -> memref<128xi32, #tpu.memory_space<hbm>>
      %dma_wait3A_197 = arith.constant 0 : i32
      %dma_wait3A_198 = tpu.memref_slice %arg3[%add3A_83, %dma_wait3A_197] : memref<256x128xi32, #tpu.memory_space<hbm>> -> memref<1x128xi32, #tpu.memory_space<hbm>>
      %dma_wait3A_199 = tpu.memref_squeeze %dma_wait3A_198 : memref<1x128xi32, #tpu.memory_space<hbm>> -> memref<128xi32, #tpu.memory_space<hbm>>
      tpu.wait_dma2 semaphore(%run_scoped3A : memref<!tpu.dma_semaphore, #tpu.memory_space<semaphore_mem>>) src(%dma_wait3A_199 : memref<128xi32, #tpu.memory_space<hbm>>) dst(%arg5 : memref<128xi32, #tpu.memory_space<vmem>>)
      tpu.yield
    }) : () -> ()
    %dma_start3A_84 = arith.constant 0 : i32
    %dma_start3A_85 = arith.constant 0 : i32
    %dma_start3A_86 = tpu.memref_slice %arg2[%dma_start3A_84, %dma_start3A_85] : memref<32768x16xf32, #tpu.memory_space<hbm>> -> memref<32768x16xf32, #tpu.memory_space<hbm>>
    tpu.enqueue_indirect_dma source(%dma_start3A_86 : memref<32768x16xf32, #tpu.memory_space<hbm>>) target(%arg6 : memref<128x16xf32, #tpu.memory_space<vmem>>) offsets(%arg5 : memref<128xi32, #tpu.memory_space<vmem>>) semaphore(%arg7 : memref<!tpu.dma_semaphore, #tpu.memory_space<semaphore_mem>>)
    %dma_wait3A_87 = arith.constant 0 : i32
    %dma_wait3A_88 = arith.constant 0 : i32
    %dma_wait3A_89 = tpu.memref_slice %arg2[%dma_wait3A_87, %dma_wait3A_88] : memref<32768x16xf32, #tpu.memory_space<hbm>> -> memref<32768x16xf32, #tpu.memory_space<hbm>>
    tpu.wait_indirect_dma semaphore(%arg7 : memref<!tpu.dma_semaphore, #tpu.memory_space<semaphore_mem>>) src(%dma_wait3A_89 : memref<32768x16xf32, #tpu.memory_space<hbm>>) dst(%arg6 : memref<128x16xf32, #tpu.memory_space<vmem>>)
    %mul3A_90 = arith.constant 128 : i32
    %mul3A_91 = arith.muli %add3A_83, %mul3A_90 : i32
    "tpu.region"() ({
      %run_scoped3A = tpu.sem_alloc : memref<!tpu.dma_semaphore, #tpu.memory_space<semaphore_mem>>
      %dma_start3A_188 = arith.constant 0 : i32
      %dma_start3A_189 = tpu.memref_slice %arg4[%mul3A_91, %dma_start3A_188] : memref<32768x16xf32, #tpu.memory_space<hbm>> -> memref<128x16xf32, #tpu.memory_space<hbm>>
      %dma_start3A_190 = arith.constant 0 : i32
      %dma_start3A_191 = tpu.memref_slice %arg4[%mul3A_91, %dma_start3A_190] : memref<32768x16xf32, #tpu.memory_space<hbm>> -> memref<128x16xf32, #tpu.memory_space<hbm>>
      tpu.enqueue_dma source(%arg6 : memref<128x16xf32, #tpu.memory_space<vmem>>) target(%dma_start3A_191 : memref<128x16xf32, #tpu.memory_space<hbm>>) target_semaphore(%run_scoped3A : memref<!tpu.dma_semaphore, #tpu.memory_space<semaphore_mem>>)
      %dma_wait3A_192 = arith.constant 0 : i32
      %dma_wait3A_193 = tpu.memref_slice %arg4[%mul3A_91, %dma_wait3A_192] : memref<32768x16xf32, #tpu.memory_space<hbm>> -> memref<128x16xf32, #tpu.memory_space<hbm>>
      %dma_wait3A_194 = arith.constant 0 : i32
      %dma_wait3A_195 = tpu.memref_slice %arg4[%mul3A_91, %dma_wait3A_194] : memref<32768x16xf32, #tpu.memory_space<hbm>> -> memref<128x16xf32, #tpu.memory_space<hbm>>
      tpu.wait_dma2 semaphore(%run_scoped3A : memref<!tpu.dma_semaphore, #tpu.memory_space<semaphore_mem>>) src(%arg6 : memref<128x16xf32, #tpu.memory_space<vmem>>) dst(%dma_wait3A_195 : memref<128x16xf32, #tpu.memory_space<hbm>>)
      tpu.yield
    }) : () -> ()
    %mul3A_92 = arith.constant 16 : i32
    %mul3A_93 = arith.muli %arg1, %mul3A_92 : i32
    %add3A_94 = arith.constant 8 : i32
    %add3A_95 = arith.addi %mul3A_93, %add3A_94 : i32
    "tpu.region"() ({
      %run_scoped3A = tpu.sem_alloc : memref<!tpu.dma_semaphore, #tpu.memory_space<semaphore_mem>>
      %dma_start3A_188 = arith.constant 0 : i32
      %dma_start3A_189 = tpu.memref_slice %arg3[%add3A_95, %dma_start3A_188] : memref<256x128xi32, #tpu.memory_space<hbm>> -> memref<1x128xi32, #tpu.memory_space<hbm>>
      %dma_start3A_190 = tpu.memref_squeeze %dma_start3A_189 : memref<1x128xi32, #tpu.memory_space<hbm>> -> memref<128xi32, #tpu.memory_space<hbm>>
      %dma_start3A_191 = arith.constant 0 : i32
      %dma_start3A_192 = tpu.memref_slice %arg3[%add3A_95, %dma_start3A_191] : memref<256x128xi32, #tpu.memory_space<hbm>> -> memref<1x128xi32, #tpu.memory_space<hbm>>
      %dma_start3A_193 = tpu.memref_squeeze %dma_start3A_192 : memref<1x128xi32, #tpu.memory_space<hbm>> -> memref<128xi32, #tpu.memory_space<hbm>>
      tpu.enqueue_dma source(%dma_start3A_193 : memref<128xi32, #tpu.memory_space<hbm>>) target(%arg5 : memref<128xi32, #tpu.memory_space<vmem>>) target_semaphore(%run_scoped3A : memref<!tpu.dma_semaphore, #tpu.memory_space<semaphore_mem>>)
      %dma_wait3A_194 = arith.constant 0 : i32
      %dma_wait3A_195 = tpu.memref_slice %arg3[%add3A_95, %dma_wait3A_194] : memref<256x128xi32, #tpu.memory_space<hbm>> -> memref<1x128xi32, #tpu.memory_space<hbm>>
      %dma_wait3A_196 = tpu.memref_squeeze %dma_wait3A_195 : memref<1x128xi32, #tpu.memory_space<hbm>> -> memref<128xi32, #tpu.memory_space<hbm>>
      %dma_wait3A_197 = arith.constant 0 : i32
      %dma_wait3A_198 = tpu.memref_slice %arg3[%add3A_95, %dma_wait3A_197] : memref<256x128xi32, #tpu.memory_space<hbm>> -> memref<1x128xi32, #tpu.memory_space<hbm>>
      %dma_wait3A_199 = tpu.memref_squeeze %dma_wait3A_198 : memref<1x128xi32, #tpu.memory_space<hbm>> -> memref<128xi32, #tpu.memory_space<hbm>>
      tpu.wait_dma2 semaphore(%run_scoped3A : memref<!tpu.dma_semaphore, #tpu.memory_space<semaphore_mem>>) src(%dma_wait3A_199 : memref<128xi32, #tpu.memory_space<hbm>>) dst(%arg5 : memref<128xi32, #tpu.memory_space<vmem>>)
      tpu.yield
    }) : () -> ()
    %dma_start3A_96 = arith.constant 0 : i32
    %dma_start3A_97 = arith.constant 0 : i32
    %dma_start3A_98 = tpu.memref_slice %arg2[%dma_start3A_96, %dma_start3A_97] : memref<32768x16xf32, #tpu.memory_space<hbm>> -> memref<32768x16xf32, #tpu.memory_space<hbm>>
    tpu.enqueue_indirect_dma source(%dma_start3A_98 : memref<32768x16xf32, #tpu.memory_space<hbm>>) target(%arg6 : memref<128x16xf32, #tpu.memory_space<vmem>>) offsets(%arg5 : memref<128xi32, #tpu.memory_space<vmem>>) semaphore(%arg7 : memref<!tpu.dma_semaphore, #tpu.memory_space<semaphore_mem>>)
    %dma_wait3A_99 = arith.constant 0 : i32
    %dma_wait3A_100 = arith.constant 0 : i32
    %dma_wait3A_101 = tpu.memref_slice %arg2[%dma_wait3A_99, %dma_wait3A_100] : memref<32768x16xf32, #tpu.memory_space<hbm>> -> memref<32768x16xf32, #tpu.memory_space<hbm>>
    tpu.wait_indirect_dma semaphore(%arg7 : memref<!tpu.dma_semaphore, #tpu.memory_space<semaphore_mem>>) src(%dma_wait3A_101 : memref<32768x16xf32, #tpu.memory_space<hbm>>) dst(%arg6 : memref<128x16xf32, #tpu.memory_space<vmem>>)
    %mul3A_102 = arith.constant 128 : i32
    %mul3A_103 = arith.muli %add3A_95, %mul3A_102 : i32
    "tpu.region"() ({
      %run_scoped3A = tpu.sem_alloc : memref<!tpu.dma_semaphore, #tpu.memory_space<semaphore_mem>>
      %dma_start3A_188 = arith.constant 0 : i32
      %dma_start3A_189 = tpu.memref_slice %arg4[%mul3A_103, %dma_start3A_188] : memref<32768x16xf32, #tpu.memory_space<hbm>> -> memref<128x16xf32, #tpu.memory_space<hbm>>
      %dma_start3A_190 = arith.constant 0 : i32
      %dma_start3A_191 = tpu.memref_slice %arg4[%mul3A_103, %dma_start3A_190] : memref<32768x16xf32, #tpu.memory_space<hbm>> -> memref<128x16xf32, #tpu.memory_space<hbm>>
      tpu.enqueue_dma source(%arg6 : memref<128x16xf32, #tpu.memory_space<vmem>>) target(%dma_start3A_191 : memref<128x16xf32, #tpu.memory_space<hbm>>) target_semaphore(%run_scoped3A : memref<!tpu.dma_semaphore, #tpu.memory_space<semaphore_mem>>)
      %dma_wait3A_192 = arith.constant 0 : i32
      %dma_wait3A_193 = tpu.memref_slice %arg4[%mul3A_103, %dma_wait3A_192] : memref<32768x16xf32, #tpu.memory_space<hbm>> -> memref<128x16xf32, #tpu.memory_space<hbm>>
      %dma_wait3A_194 = arith.constant 0 : i32
      %dma_wait3A_195 = tpu.memref_slice %arg4[%mul3A_103, %dma_wait3A_194] : memref<32768x16xf32, #tpu.memory_space<hbm>> -> memref<128x16xf32, #tpu.memory_space<hbm>>
      tpu.wait_dma2 semaphore(%run_scoped3A : memref<!tpu.dma_semaphore, #tpu.memory_space<semaphore_mem>>) src(%arg6 : memref<128x16xf32, #tpu.memory_space<vmem>>) dst(%dma_wait3A_195 : memref<128x16xf32, #tpu.memory_space<hbm>>)
      tpu.yield
    }) : () -> ()
    %mul3A_104 = arith.constant 16 : i32
    %mul3A_105 = arith.muli %arg1, %mul3A_104 : i32
    %add3A_106 = arith.constant 9 : i32
    %add3A_107 = arith.addi %mul3A_105, %add3A_106 : i32
    "tpu.region"() ({
      %run_scoped3A = tpu.sem_alloc : memref<!tpu.dma_semaphore, #tpu.memory_space<semaphore_mem>>
      %dma_start3A_188 = arith.constant 0 : i32
      %dma_start3A_189 = tpu.memref_slice %arg3[%add3A_107, %dma_start3A_188] : memref<256x128xi32, #tpu.memory_space<hbm>> -> memref<1x128xi32, #tpu.memory_space<hbm>>
      %dma_start3A_190 = tpu.memref_squeeze %dma_start3A_189 : memref<1x128xi32, #tpu.memory_space<hbm>> -> memref<128xi32, #tpu.memory_space<hbm>>
      %dma_start3A_191 = arith.constant 0 : i32
      %dma_start3A_192 = tpu.memref_slice %arg3[%add3A_107, %dma_start3A_191] : memref<256x128xi32, #tpu.memory_space<hbm>> -> memref<1x128xi32, #tpu.memory_space<hbm>>
      %dma_start3A_193 = tpu.memref_squeeze %dma_start3A_192 : memref<1x128xi32, #tpu.memory_space<hbm>> -> memref<128xi32, #tpu.memory_space<hbm>>
      tpu.enqueue_dma source(%dma_start3A_193 : memref<128xi32, #tpu.memory_space<hbm>>) target(%arg5 : memref<128xi32, #tpu.memory_space<vmem>>) target_semaphore(%run_scoped3A : memref<!tpu.dma_semaphore, #tpu.memory_space<semaphore_mem>>)
      %dma_wait3A_194 = arith.constant 0 : i32
      %dma_wait3A_195 = tpu.memref_slice %arg3[%add3A_107, %dma_wait3A_194] : memref<256x128xi32, #tpu.memory_space<hbm>> -> memref<1x128xi32, #tpu.memory_space<hbm>>
      %dma_wait3A_196 = tpu.memref_squeeze %dma_wait3A_195 : memref<1x128xi32, #tpu.memory_space<hbm>> -> memref<128xi32, #tpu.memory_space<hbm>>
      %dma_wait3A_197 = arith.constant 0 : i32
      %dma_wait3A_198 = tpu.memref_slice %arg3[%add3A_107, %dma_wait3A_197] : memref<256x128xi32, #tpu.memory_space<hbm>> -> memref<1x128xi32, #tpu.memory_space<hbm>>
      %dma_wait3A_199 = tpu.memref_squeeze %dma_wait3A_198 : memref<1x128xi32, #tpu.memory_space<hbm>> -> memref<128xi32, #tpu.memory_space<hbm>>
      tpu.wait_dma2 semaphore(%run_scoped3A : memref<!tpu.dma_semaphore, #tpu.memory_space<semaphore_mem>>) src(%dma_wait3A_199 : memref<128xi32, #tpu.memory_space<hbm>>) dst(%arg5 : memref<128xi32, #tpu.memory_space<vmem>>)
      tpu.yield
    }) : () -> ()
    %dma_start3A_108 = arith.constant 0 : i32
    %dma_start3A_109 = arith.constant 0 : i32
    %dma_start3A_110 = tpu.memref_slice %arg2[%dma_start3A_108, %dma_start3A_109] : memref<32768x16xf32, #tpu.memory_space<hbm>> -> memref<32768x16xf32, #tpu.memory_space<hbm>>
    tpu.enqueue_indirect_dma source(%dma_start3A_110 : memref<32768x16xf32, #tpu.memory_space<hbm>>) target(%arg6 : memref<128x16xf32, #tpu.memory_space<vmem>>) offsets(%arg5 : memref<128xi32, #tpu.memory_space<vmem>>) semaphore(%arg7 : memref<!tpu.dma_semaphore, #tpu.memory_space<semaphore_mem>>)
    %dma_wait3A_111 = arith.constant 0 : i32
    %dma_wait3A_112 = arith.constant 0 : i32
    %dma_wait3A_113 = tpu.memref_slice %arg2[%dma_wait3A_111, %dma_wait3A_112] : memref<32768x16xf32, #tpu.memory_space<hbm>> -> memref<32768x16xf32, #tpu.memory_space<hbm>>
    tpu.wait_indirect_dma semaphore(%arg7 : memref<!tpu.dma_semaphore, #tpu.memory_space<semaphore_mem>>) src(%dma_wait3A_113 : memref<32768x16xf32, #tpu.memory_space<hbm>>) dst(%arg6 : memref<128x16xf32, #tpu.memory_space<vmem>>)
    %mul3A_114 = arith.constant 128 : i32
    %mul3A_115 = arith.muli %add3A_107, %mul3A_114 : i32
    "tpu.region"() ({
      %run_scoped3A = tpu.sem_alloc : memref<!tpu.dma_semaphore, #tpu.memory_space<semaphore_mem>>
      %dma_start3A_188 = arith.constant 0 : i32
      %dma_start3A_189 = tpu.memref_slice %arg4[%mul3A_115, %dma_start3A_188] : memref<32768x16xf32, #tpu.memory_space<hbm>> -> memref<128x16xf32, #tpu.memory_space<hbm>>
      %dma_start3A_190 = arith.constant 0 : i32
      %dma_start3A_191 = tpu.memref_slice %arg4[%mul3A_115, %dma_start3A_190] : memref<32768x16xf32, #tpu.memory_space<hbm>> -> memref<128x16xf32, #tpu.memory_space<hbm>>
      tpu.enqueue_dma source(%arg6 : memref<128x16xf32, #tpu.memory_space<vmem>>) target(%dma_start3A_191 : memref<128x16xf32, #tpu.memory_space<hbm>>) target_semaphore(%run_scoped3A : memref<!tpu.dma_semaphore, #tpu.memory_space<semaphore_mem>>)
      %dma_wait3A_192 = arith.constant 0 : i32
      %dma_wait3A_193 = tpu.memref_slice %arg4[%mul3A_115, %dma_wait3A_192] : memref<32768x16xf32, #tpu.memory_space<hbm>> -> memref<128x16xf32, #tpu.memory_space<hbm>>
      %dma_wait3A_194 = arith.constant 0 : i32
      %dma_wait3A_195 = tpu.memref_slice %arg4[%mul3A_115, %dma_wait3A_194] : memref<32768x16xf32, #tpu.memory_space<hbm>> -> memref<128x16xf32, #tpu.memory_space<hbm>>
      tpu.wait_dma2 semaphore(%run_scoped3A : memref<!tpu.dma_semaphore, #tpu.memory_space<semaphore_mem>>) src(%arg6 : memref<128x16xf32, #tpu.memory_space<vmem>>) dst(%dma_wait3A_195 : memref<128x16xf32, #tpu.memory_space<hbm>>)
      tpu.yield
    }) : () -> ()
    %mul3A_116 = arith.constant 16 : i32
    %mul3A_117 = arith.muli %arg1, %mul3A_116 : i32
    %add3A_118 = arith.constant 10 : i32
    %add3A_119 = arith.addi %mul3A_117, %add3A_118 : i32
    "tpu.region"() ({
      %run_scoped3A = tpu.sem_alloc : memref<!tpu.dma_semaphore, #tpu.memory_space<semaphore_mem>>
      %dma_start3A_188 = arith.constant 0 : i32
      %dma_start3A_189 = tpu.memref_slice %arg3[%add3A_119, %dma_start3A_188] : memref<256x128xi32, #tpu.memory_space<hbm>> -> memref<1x128xi32, #tpu.memory_space<hbm>>
      %dma_start3A_190 = tpu.memref_squeeze %dma_start3A_189 : memref<1x128xi32, #tpu.memory_space<hbm>> -> memref<128xi32, #tpu.memory_space<hbm>>
      %dma_start3A_191 = arith.constant 0 : i32
      %dma_start3A_192 = tpu.memref_slice %arg3[%add3A_119, %dma_start3A_191] : memref<256x128xi32, #tpu.memory_space<hbm>> -> memref<1x128xi32, #tpu.memory_space<hbm>>
      %dma_start3A_193 = tpu.memref_squeeze %dma_start3A_192 : memref<1x128xi32, #tpu.memory_space<hbm>> -> memref<128xi32, #tpu.memory_space<hbm>>
      tpu.enqueue_dma source(%dma_start3A_193 : memref<128xi32, #tpu.memory_space<hbm>>) target(%arg5 : memref<128xi32, #tpu.memory_space<vmem>>) target_semaphore(%run_scoped3A : memref<!tpu.dma_semaphore, #tpu.memory_space<semaphore_mem>>)
      %dma_wait3A_194 = arith.constant 0 : i32
      %dma_wait3A_195 = tpu.memref_slice %arg3[%add3A_119, %dma_wait3A_194] : memref<256x128xi32, #tpu.memory_space<hbm>> -> memref<1x128xi32, #tpu.memory_space<hbm>>
      %dma_wait3A_196 = tpu.memref_squeeze %dma_wait3A_195 : memref<1x128xi32, #tpu.memory_space<hbm>> -> memref<128xi32, #tpu.memory_space<hbm>>
      %dma_wait3A_197 = arith.constant 0 : i32
      %dma_wait3A_198 = tpu.memref_slice %arg3[%add3A_119, %dma_wait3A_197] : memref<256x128xi32, #tpu.memory_space<hbm>> -> memref<1x128xi32, #tpu.memory_space<hbm>>
      %dma_wait3A_199 = tpu.memref_squeeze %dma_wait3A_198 : memref<1x128xi32, #tpu.memory_space<hbm>> -> memref<128xi32, #tpu.memory_space<hbm>>
      tpu.wait_dma2 semaphore(%run_scoped3A : memref<!tpu.dma_semaphore, #tpu.memory_space<semaphore_mem>>) src(%dma_wait3A_199 : memref<128xi32, #tpu.memory_space<hbm>>) dst(%arg5 : memref<128xi32, #tpu.memory_space<vmem>>)
      tpu.yield
    }) : () -> ()
    %dma_start3A_120 = arith.constant 0 : i32
    %dma_start3A_121 = arith.constant 0 : i32
    %dma_start3A_122 = tpu.memref_slice %arg2[%dma_start3A_120, %dma_start3A_121] : memref<32768x16xf32, #tpu.memory_space<hbm>> -> memref<32768x16xf32, #tpu.memory_space<hbm>>
    tpu.enqueue_indirect_dma source(%dma_start3A_122 : memref<32768x16xf32, #tpu.memory_space<hbm>>) target(%arg6 : memref<128x16xf32, #tpu.memory_space<vmem>>) offsets(%arg5 : memref<128xi32, #tpu.memory_space<vmem>>) semaphore(%arg7 : memref<!tpu.dma_semaphore, #tpu.memory_space<semaphore_mem>>)
    %dma_wait3A_123 = arith.constant 0 : i32
    %dma_wait3A_124 = arith.constant 0 : i32
    %dma_wait3A_125 = tpu.memref_slice %arg2[%dma_wait3A_123, %dma_wait3A_124] : memref<32768x16xf32, #tpu.memory_space<hbm>> -> memref<32768x16xf32, #tpu.memory_space<hbm>>
    tpu.wait_indirect_dma semaphore(%arg7 : memref<!tpu.dma_semaphore, #tpu.memory_space<semaphore_mem>>) src(%dma_wait3A_125 : memref<32768x16xf32, #tpu.memory_space<hbm>>) dst(%arg6 : memref<128x16xf32, #tpu.memory_space<vmem>>)
    %mul3A_126 = arith.constant 128 : i32
    %mul3A_127 = arith.muli %add3A_119, %mul3A_126 : i32
    "tpu.region"() ({
      %run_scoped3A = tpu.sem_alloc : memref<!tpu.dma_semaphore, #tpu.memory_space<semaphore_mem>>
      %dma_start3A_188 = arith.constant 0 : i32
      %dma_start3A_189 = tpu.memref_slice %arg4[%mul3A_127, %dma_start3A_188] : memref<32768x16xf32, #tpu.memory_space<hbm>> -> memref<128x16xf32, #tpu.memory_space<hbm>>
      %dma_start3A_190 = arith.constant 0 : i32
      %dma_start3A_191 = tpu.memref_slice %arg4[%mul3A_127, %dma_start3A_190] : memref<32768x16xf32, #tpu.memory_space<hbm>> -> memref<128x16xf32, #tpu.memory_space<hbm>>
      tpu.enqueue_dma source(%arg6 : memref<128x16xf32, #tpu.memory_space<vmem>>) target(%dma_start3A_191 : memref<128x16xf32, #tpu.memory_space<hbm>>) target_semaphore(%run_scoped3A : memref<!tpu.dma_semaphore, #tpu.memory_space<semaphore_mem>>)
      %dma_wait3A_192 = arith.constant 0 : i32
      %dma_wait3A_193 = tpu.memref_slice %arg4[%mul3A_127, %dma_wait3A_192] : memref<32768x16xf32, #tpu.memory_space<hbm>> -> memref<128x16xf32, #tpu.memory_space<hbm>>
      %dma_wait3A_194 = arith.constant 0 : i32
      %dma_wait3A_195 = tpu.memref_slice %arg4[%mul3A_127, %dma_wait3A_194] : memref<32768x16xf32, #tpu.memory_space<hbm>> -> memref<128x16xf32, #tpu.memory_space<hbm>>
      tpu.wait_dma2 semaphore(%run_scoped3A : memref<!tpu.dma_semaphore, #tpu.memory_space<semaphore_mem>>) src(%arg6 : memref<128x16xf32, #tpu.memory_space<vmem>>) dst(%dma_wait3A_195 : memref<128x16xf32, #tpu.memory_space<hbm>>)
      tpu.yield
    }) : () -> ()
    %mul3A_128 = arith.constant 16 : i32
    %mul3A_129 = arith.muli %arg1, %mul3A_128 : i32
    %add3A_130 = arith.constant 11 : i32
    %add3A_131 = arith.addi %mul3A_129, %add3A_130 : i32
    "tpu.region"() ({
      %run_scoped3A = tpu.sem_alloc : memref<!tpu.dma_semaphore, #tpu.memory_space<semaphore_mem>>
      %dma_start3A_188 = arith.constant 0 : i32
      %dma_start3A_189 = tpu.memref_slice %arg3[%add3A_131, %dma_start3A_188] : memref<256x128xi32, #tpu.memory_space<hbm>> -> memref<1x128xi32, #tpu.memory_space<hbm>>
      %dma_start3A_190 = tpu.memref_squeeze %dma_start3A_189 : memref<1x128xi32, #tpu.memory_space<hbm>> -> memref<128xi32, #tpu.memory_space<hbm>>
      %dma_start3A_191 = arith.constant 0 : i32
      %dma_start3A_192 = tpu.memref_slice %arg3[%add3A_131, %dma_start3A_191] : memref<256x128xi32, #tpu.memory_space<hbm>> -> memref<1x128xi32, #tpu.memory_space<hbm>>
      %dma_start3A_193 = tpu.memref_squeeze %dma_start3A_192 : memref<1x128xi32, #tpu.memory_space<hbm>> -> memref<128xi32, #tpu.memory_space<hbm>>
      tpu.enqueue_dma source(%dma_start3A_193 : memref<128xi32, #tpu.memory_space<hbm>>) target(%arg5 : memref<128xi32, #tpu.memory_space<vmem>>) target_semaphore(%run_scoped3A : memref<!tpu.dma_semaphore, #tpu.memory_space<semaphore_mem>>)
      %dma_wait3A_194 = arith.constant 0 : i32
      %dma_wait3A_195 = tpu.memref_slice %arg3[%add3A_131, %dma_wait3A_194] : memref<256x128xi32, #tpu.memory_space<hbm>> -> memref<1x128xi32, #tpu.memory_space<hbm>>
      %dma_wait3A_196 = tpu.memref_squeeze %dma_wait3A_195 : memref<1x128xi32, #tpu.memory_space<hbm>> -> memref<128xi32, #tpu.memory_space<hbm>>
      %dma_wait3A_197 = arith.constant 0 : i32
      %dma_wait3A_198 = tpu.memref_slice %arg3[%add3A_131, %dma_wait3A_197] : memref<256x128xi32, #tpu.memory_space<hbm>> -> memref<1x128xi32, #tpu.memory_space<hbm>>
      %dma_wait3A_199 = tpu.memref_squeeze %dma_wait3A_198 : memref<1x128xi32, #tpu.memory_space<hbm>> -> memref<128xi32, #tpu.memory_space<hbm>>
      tpu.wait_dma2 semaphore(%run_scoped3A : memref<!tpu.dma_semaphore, #tpu.memory_space<semaphore_mem>>) src(%dma_wait3A_199 : memref<128xi32, #tpu.memory_space<hbm>>) dst(%arg5 : memref<128xi32, #tpu.memory_space<vmem>>)
      tpu.yield
    }) : () -> ()
    %dma_start3A_132 = arith.constant 0 : i32
    %dma_start3A_133 = arith.constant 0 : i32
    %dma_start3A_134 = tpu.memref_slice %arg2[%dma_start3A_132, %dma_start3A_133] : memref<32768x16xf32, #tpu.memory_space<hbm>> -> memref<32768x16xf32, #tpu.memory_space<hbm>>
    tpu.enqueue_indirect_dma source(%dma_start3A_134 : memref<32768x16xf32, #tpu.memory_space<hbm>>) target(%arg6 : memref<128x16xf32, #tpu.memory_space<vmem>>) offsets(%arg5 : memref<128xi32, #tpu.memory_space<vmem>>) semaphore(%arg7 : memref<!tpu.dma_semaphore, #tpu.memory_space<semaphore_mem>>)
    %dma_wait3A_135 = arith.constant 0 : i32
    %dma_wait3A_136 = arith.constant 0 : i32
    %dma_wait3A_137 = tpu.memref_slice %arg2[%dma_wait3A_135, %dma_wait3A_136] : memref<32768x16xf32, #tpu.memory_space<hbm>> -> memref<32768x16xf32, #tpu.memory_space<hbm>>
    tpu.wait_indirect_dma semaphore(%arg7 : memref<!tpu.dma_semaphore, #tpu.memory_space<semaphore_mem>>) src(%dma_wait3A_137 : memref<32768x16xf32, #tpu.memory_space<hbm>>) dst(%arg6 : memref<128x16xf32, #tpu.memory_space<vmem>>)
    %mul3A_138 = arith.constant 128 : i32
    %mul3A_139 = arith.muli %add3A_131, %mul3A_138 : i32
    "tpu.region"() ({
      %run_scoped3A = tpu.sem_alloc : memref<!tpu.dma_semaphore, #tpu.memory_space<semaphore_mem>>
      %dma_start3A_188 = arith.constant 0 : i32
      %dma_start3A_189 = tpu.memref_slice %arg4[%mul3A_139, %dma_start3A_188] : memref<32768x16xf32, #tpu.memory_space<hbm>> -> memref<128x16xf32, #tpu.memory_space<hbm>>
      %dma_start3A_190 = arith.constant 0 : i32
      %dma_start3A_191 = tpu.memref_slice %arg4[%mul3A_139, %dma_start3A_190] : memref<32768x16xf32, #tpu.memory_space<hbm>> -> memref<128x16xf32, #tpu.memory_space<hbm>>
      tpu.enqueue_dma source(%arg6 : memref<128x16xf32, #tpu.memory_space<vmem>>) target(%dma_start3A_191 : memref<128x16xf32, #tpu.memory_space<hbm>>) target_semaphore(%run_scoped3A : memref<!tpu.dma_semaphore, #tpu.memory_space<semaphore_mem>>)
      %dma_wait3A_192 = arith.constant 0 : i32
      %dma_wait3A_193 = tpu.memref_slice %arg4[%mul3A_139, %dma_wait3A_192] : memref<32768x16xf32, #tpu.memory_space<hbm>> -> memref<128x16xf32, #tpu.memory_space<hbm>>
      %dma_wait3A_194 = arith.constant 0 : i32
      %dma_wait3A_195 = tpu.memref_slice %arg4[%mul3A_139, %dma_wait3A_194] : memref<32768x16xf32, #tpu.memory_space<hbm>> -> memref<128x16xf32, #tpu.memory_space<hbm>>
      tpu.wait_dma2 semaphore(%run_scoped3A : memref<!tpu.dma_semaphore, #tpu.memory_space<semaphore_mem>>) src(%arg6 : memref<128x16xf32, #tpu.memory_space<vmem>>) dst(%dma_wait3A_195 : memref<128x16xf32, #tpu.memory_space<hbm>>)
      tpu.yield
    }) : () -> ()
    %mul3A_140 = arith.constant 16 : i32
    %mul3A_141 = arith.muli %arg1, %mul3A_140 : i32
    %add3A_142 = arith.constant 12 : i32
    %add3A_143 = arith.addi %mul3A_141, %add3A_142 : i32
    "tpu.region"() ({
      %run_scoped3A = tpu.sem_alloc : memref<!tpu.dma_semaphore, #tpu.memory_space<semaphore_mem>>
      %dma_start3A_188 = arith.constant 0 : i32
      %dma_start3A_189 = tpu.memref_slice %arg3[%add3A_143, %dma_start3A_188] : memref<256x128xi32, #tpu.memory_space<hbm>> -> memref<1x128xi32, #tpu.memory_space<hbm>>
      %dma_start3A_190 = tpu.memref_squeeze %dma_start3A_189 : memref<1x128xi32, #tpu.memory_space<hbm>> -> memref<128xi32, #tpu.memory_space<hbm>>
      %dma_start3A_191 = arith.constant 0 : i32
      %dma_start3A_192 = tpu.memref_slice %arg3[%add3A_143, %dma_start3A_191] : memref<256x128xi32, #tpu.memory_space<hbm>> -> memref<1x128xi32, #tpu.memory_space<hbm>>
      %dma_start3A_193 = tpu.memref_squeeze %dma_start3A_192 : memref<1x128xi32, #tpu.memory_space<hbm>> -> memref<128xi32, #tpu.memory_space<hbm>>
      tpu.enqueue_dma source(%dma_start3A_193 : memref<128xi32, #tpu.memory_space<hbm>>) target(%arg5 : memref<128xi32, #tpu.memory_space<vmem>>) target_semaphore(%run_scoped3A : memref<!tpu.dma_semaphore, #tpu.memory_space<semaphore_mem>>)
      %dma_wait3A_194 = arith.constant 0 : i32
      %dma_wait3A_195 = tpu.memref_slice %arg3[%add3A_143, %dma_wait3A_194] : memref<256x128xi32, #tpu.memory_space<hbm>> -> memref<1x128xi32, #tpu.memory_space<hbm>>
      %dma_wait3A_196 = tpu.memref_squeeze %dma_wait3A_195 : memref<1x128xi32, #tpu.memory_space<hbm>> -> memref<128xi32, #tpu.memory_space<hbm>>
      %dma_wait3A_197 = arith.constant 0 : i32
      %dma_wait3A_198 = tpu.memref_slice %arg3[%add3A_143, %dma_wait3A_197] : memref<256x128xi32, #tpu.memory_space<hbm>> -> memref<1x128xi32, #tpu.memory_space<hbm>>
      %dma_wait3A_199 = tpu.memref_squeeze %dma_wait3A_198 : memref<1x128xi32, #tpu.memory_space<hbm>> -> memref<128xi32, #tpu.memory_space<hbm>>
      tpu.wait_dma2 semaphore(%run_scoped3A : memref<!tpu.dma_semaphore, #tpu.memory_space<semaphore_mem>>) src(%dma_wait3A_199 : memref<128xi32, #tpu.memory_space<hbm>>) dst(%arg5 : memref<128xi32, #tpu.memory_space<vmem>>)
      tpu.yield
    }) : () -> ()
    %dma_start3A_144 = arith.constant 0 : i32
    %dma_start3A_145 = arith.constant 0 : i32
    %dma_start3A_146 = tpu.memref_slice %arg2[%dma_start3A_144, %dma_start3A_145] : memref<32768x16xf32, #tpu.memory_space<hbm>> -> memref<32768x16xf32, #tpu.memory_space<hbm>>
    tpu.enqueue_indirect_dma source(%dma_start3A_146 : memref<32768x16xf32, #tpu.memory_space<hbm>>) target(%arg6 : memref<128x16xf32, #tpu.memory_space<vmem>>) offsets(%arg5 : memref<128xi32, #tpu.memory_space<vmem>>) semaphore(%arg7 : memref<!tpu.dma_semaphore, #tpu.memory_space<semaphore_mem>>)
    %dma_wait3A_147 = arith.constant 0 : i32
    %dma_wait3A_148 = arith.constant 0 : i32
    %dma_wait3A_149 = tpu.memref_slice %arg2[%dma_wait3A_147, %dma_wait3A_148] : memref<32768x16xf32, #tpu.memory_space<hbm>> -> memref<32768x16xf32, #tpu.memory_space<hbm>>
    tpu.wait_indirect_dma semaphore(%arg7 : memref<!tpu.dma_semaphore, #tpu.memory_space<semaphore_mem>>) src(%dma_wait3A_149 : memref<32768x16xf32, #tpu.memory_space<hbm>>) dst(%arg6 : memref<128x16xf32, #tpu.memory_space<vmem>>)
    %mul3A_150 = arith.constant 128 : i32
    %mul3A_151 = arith.muli %add3A_143, %mul3A_150 : i32
    "tpu.region"() ({
      %run_scoped3A = tpu.sem_alloc : memref<!tpu.dma_semaphore, #tpu.memory_space<semaphore_mem>>
      %dma_start3A_188 = arith.constant 0 : i32
      %dma_start3A_189 = tpu.memref_slice %arg4[%mul3A_151, %dma_start3A_188] : memref<32768x16xf32, #tpu.memory_space<hbm>> -> memref<128x16xf32, #tpu.memory_space<hbm>>
      %dma_start3A_190 = arith.constant 0 : i32
      %dma_start3A_191 = tpu.memref_slice %arg4[%mul3A_151, %dma_start3A_190] : memref<32768x16xf32, #tpu.memory_space<hbm>> -> memref<128x16xf32, #tpu.memory_space<hbm>>
      tpu.enqueue_dma source(%arg6 : memref<128x16xf32, #tpu.memory_space<vmem>>) target(%dma_start3A_191 : memref<128x16xf32, #tpu.memory_space<hbm>>) target_semaphore(%run_scoped3A : memref<!tpu.dma_semaphore, #tpu.memory_space<semaphore_mem>>)
      %dma_wait3A_192 = arith.constant 0 : i32
      %dma_wait3A_193 = tpu.memref_slice %arg4[%mul3A_151, %dma_wait3A_192] : memref<32768x16xf32, #tpu.memory_space<hbm>> -> memref<128x16xf32, #tpu.memory_space<hbm>>
      %dma_wait3A_194 = arith.constant 0 : i32
      %dma_wait3A_195 = tpu.memref_slice %arg4[%mul3A_151, %dma_wait3A_194] : memref<32768x16xf32, #tpu.memory_space<hbm>> -> memref<128x16xf32, #tpu.memory_space<hbm>>
      tpu.wait_dma2 semaphore(%run_scoped3A : memref<!tpu.dma_semaphore, #tpu.memory_space<semaphore_mem>>) src(%arg6 : memref<128x16xf32, #tpu.memory_space<vmem>>) dst(%dma_wait3A_195 : memref<128x16xf32, #tpu.memory_space<hbm>>)
      tpu.yield
    }) : () -> ()
    %mul3A_152 = arith.constant 16 : i32
    %mul3A_153 = arith.muli %arg1, %mul3A_152 : i32
    %add3A_154 = arith.constant 13 : i32
    %add3A_155 = arith.addi %mul3A_153, %add3A_154 : i32
    "tpu.region"() ({
      %run_scoped3A = tpu.sem_alloc : memref<!tpu.dma_semaphore, #tpu.memory_space<semaphore_mem>>
      %dma_start3A_188 = arith.constant 0 : i32
      %dma_start3A_189 = tpu.memref_slice %arg3[%add3A_155, %dma_start3A_188] : memref<256x128xi32, #tpu.memory_space<hbm>> -> memref<1x128xi32, #tpu.memory_space<hbm>>
      %dma_start3A_190 = tpu.memref_squeeze %dma_start3A_189 : memref<1x128xi32, #tpu.memory_space<hbm>> -> memref<128xi32, #tpu.memory_space<hbm>>
      %dma_start3A_191 = arith.constant 0 : i32
      %dma_start3A_192 = tpu.memref_slice %arg3[%add3A_155, %dma_start3A_191] : memref<256x128xi32, #tpu.memory_space<hbm>> -> memref<1x128xi32, #tpu.memory_space<hbm>>
      %dma_start3A_193 = tpu.memref_squeeze %dma_start3A_192 : memref<1x128xi32, #tpu.memory_space<hbm>> -> memref<128xi32, #tpu.memory_space<hbm>>
      tpu.enqueue_dma source(%dma_start3A_193 : memref<128xi32, #tpu.memory_space<hbm>>) target(%arg5 : memref<128xi32, #tpu.memory_space<vmem>>) target_semaphore(%run_scoped3A : memref<!tpu.dma_semaphore, #tpu.memory_space<semaphore_mem>>)
      %dma_wait3A_194 = arith.constant 0 : i32
      %dma_wait3A_195 = tpu.memref_slice %arg3[%add3A_155, %dma_wait3A_194] : memref<256x128xi32, #tpu.memory_space<hbm>> -> memref<1x128xi32, #tpu.memory_space<hbm>>
      %dma_wait3A_196 = tpu.memref_squeeze %dma_wait3A_195 : memref<1x128xi32, #tpu.memory_space<hbm>> -> memref<128xi32, #tpu.memory_space<hbm>>
      %dma_wait3A_197 = arith.constant 0 : i32
      %dma_wait3A_198 = tpu.memref_slice %arg3[%add3A_155, %dma_wait3A_197] : memref<256x128xi32, #tpu.memory_space<hbm>> -> memref<1x128xi32, #tpu.memory_space<hbm>>
      %dma_wait3A_199 = tpu.memref_squeeze %dma_wait3A_198 : memref<1x128xi32, #tpu.memory_space<hbm>> -> memref<128xi32, #tpu.memory_space<hbm>>
      tpu.wait_dma2 semaphore(%run_scoped3A : memref<!tpu.dma_semaphore, #tpu.memory_space<semaphore_mem>>) src(%dma_wait3A_199 : memref<128xi32, #tpu.memory_space<hbm>>) dst(%arg5 : memref<128xi32, #tpu.memory_space<vmem>>)
      tpu.yield
    }) : () -> ()
    %dma_start3A_156 = arith.constant 0 : i32
    %dma_start3A_157 = arith.constant 0 : i32
    %dma_start3A_158 = tpu.memref_slice %arg2[%dma_start3A_156, %dma_start3A_157] : memref<32768x16xf32, #tpu.memory_space<hbm>> -> memref<32768x16xf32, #tpu.memory_space<hbm>>
    tpu.enqueue_indirect_dma source(%dma_start3A_158 : memref<32768x16xf32, #tpu.memory_space<hbm>>) target(%arg6 : memref<128x16xf32, #tpu.memory_space<vmem>>) offsets(%arg5 : memref<128xi32, #tpu.memory_space<vmem>>) semaphore(%arg7 : memref<!tpu.dma_semaphore, #tpu.memory_space<semaphore_mem>>)
    %dma_wait3A_159 = arith.constant 0 : i32
    %dma_wait3A_160 = arith.constant 0 : i32
    %dma_wait3A_161 = tpu.memref_slice %arg2[%dma_wait3A_159, %dma_wait3A_160] : memref<32768x16xf32, #tpu.memory_space<hbm>> -> memref<32768x16xf32, #tpu.memory_space<hbm>>
    tpu.wait_indirect_dma semaphore(%arg7 : memref<!tpu.dma_semaphore, #tpu.memory_space<semaphore_mem>>) src(%dma_wait3A_161 : memref<32768x16xf32, #tpu.memory_space<hbm>>) dst(%arg6 : memref<128x16xf32, #tpu.memory_space<vmem>>)
    %mul3A_162 = arith.constant 128 : i32
    %mul3A_163 = arith.muli %add3A_155, %mul3A_162 : i32
    "tpu.region"() ({
      %run_scoped3A = tpu.sem_alloc : memref<!tpu.dma_semaphore, #tpu.memory_space<semaphore_mem>>
      %dma_start3A_188 = arith.constant 0 : i32
      %dma_start3A_189 = tpu.memref_slice %arg4[%mul3A_163, %dma_start3A_188] : memref<32768x16xf32, #tpu.memory_space<hbm>> -> memref<128x16xf32, #tpu.memory_space<hbm>>
      %dma_start3A_190 = arith.constant 0 : i32
      %dma_start3A_191 = tpu.memref_slice %arg4[%mul3A_163, %dma_start3A_190] : memref<32768x16xf32, #tpu.memory_space<hbm>> -> memref<128x16xf32, #tpu.memory_space<hbm>>
      tpu.enqueue_dma source(%arg6 : memref<128x16xf32, #tpu.memory_space<vmem>>) target(%dma_start3A_191 : memref<128x16xf32, #tpu.memory_space<hbm>>) target_semaphore(%run_scoped3A : memref<!tpu.dma_semaphore, #tpu.memory_space<semaphore_mem>>)
      %dma_wait3A_192 = arith.constant 0 : i32
      %dma_wait3A_193 = tpu.memref_slice %arg4[%mul3A_163, %dma_wait3A_192] : memref<32768x16xf32, #tpu.memory_space<hbm>> -> memref<128x16xf32, #tpu.memory_space<hbm>>
      %dma_wait3A_194 = arith.constant 0 : i32
      %dma_wait3A_195 = tpu.memref_slice %arg4[%mul3A_163, %dma_wait3A_194] : memref<32768x16xf32, #tpu.memory_space<hbm>> -> memref<128x16xf32, #tpu.memory_space<hbm>>
      tpu.wait_dma2 semaphore(%run_scoped3A : memref<!tpu.dma_semaphore, #tpu.memory_space<semaphore_mem>>) src(%arg6 : memref<128x16xf32, #tpu.memory_space<vmem>>) dst(%dma_wait3A_195 : memref<128x16xf32, #tpu.memory_space<hbm>>)
      tpu.yield
    }) : () -> ()
    %mul3A_164 = arith.constant 16 : i32
    %mul3A_165 = arith.muli %arg1, %mul3A_164 : i32
    %add3A_166 = arith.constant 14 : i32
    %add3A_167 = arith.addi %mul3A_165, %add3A_166 : i32
    "tpu.region"() ({
      %run_scoped3A = tpu.sem_alloc : memref<!tpu.dma_semaphore, #tpu.memory_space<semaphore_mem>>
      %dma_start3A_188 = arith.constant 0 : i32
      %dma_start3A_189 = tpu.memref_slice %arg3[%add3A_167, %dma_start3A_188] : memref<256x128xi32, #tpu.memory_space<hbm>> -> memref<1x128xi32, #tpu.memory_space<hbm>>
      %dma_start3A_190 = tpu.memref_squeeze %dma_start3A_189 : memref<1x128xi32, #tpu.memory_space<hbm>> -> memref<128xi32, #tpu.memory_space<hbm>>
      %dma_start3A_191 = arith.constant 0 : i32
      %dma_start3A_192 = tpu.memref_slice %arg3[%add3A_167, %dma_start3A_191] : memref<256x128xi32, #tpu.memory_space<hbm>> -> memref<1x128xi32, #tpu.memory_space<hbm>>
      %dma_start3A_193 = tpu.memref_squeeze %dma_start3A_192 : memref<1x128xi32, #tpu.memory_space<hbm>> -> memref<128xi32, #tpu.memory_space<hbm>>
      tpu.enqueue_dma source(%dma_start3A_193 : memref<128xi32, #tpu.memory_space<hbm>>) target(%arg5 : memref<128xi32, #tpu.memory_space<vmem>>) target_semaphore(%run_scoped3A : memref<!tpu.dma_semaphore, #tpu.memory_space<semaphore_mem>>)
      %dma_wait3A_194 = arith.constant 0 : i32
      %dma_wait3A_195 = tpu.memref_slice %arg3[%add3A_167, %dma_wait3A_194] : memref<256x128xi32, #tpu.memory_space<hbm>> -> memref<1x128xi32, #tpu.memory_space<hbm>>
      %dma_wait3A_196 = tpu.memref_squeeze %dma_wait3A_195 : memref<1x128xi32, #tpu.memory_space<hbm>> -> memref<128xi32, #tpu.memory_space<hbm>>
      %dma_wait3A_197 = arith.constant 0 : i32
      %dma_wait3A_198 = tpu.memref_slice %arg3[%add3A_167, %dma_wait3A_197] : memref<256x128xi32, #tpu.memory_space<hbm>> -> memref<1x128xi32, #tpu.memory_space<hbm>>
      %dma_wait3A_199 = tpu.memref_squeeze %dma_wait3A_198 : memref<1x128xi32, #tpu.memory_space<hbm>> -> memref<128xi32, #tpu.memory_space<hbm>>
      tpu.wait_dma2 semaphore(%run_scoped3A : memref<!tpu.dma_semaphore, #tpu.memory_space<semaphore_mem>>) src(%dma_wait3A_199 : memref<128xi32, #tpu.memory_space<hbm>>) dst(%arg5 : memref<128xi32, #tpu.memory_space<vmem>>)
      tpu.yield
    }) : () -> ()
    %dma_start3A_168 = arith.constant 0 : i32
    %dma_start3A_169 = arith.constant 0 : i32
    %dma_start3A_170 = tpu.memref_slice %arg2[%dma_start3A_168, %dma_start3A_169] : memref<32768x16xf32, #tpu.memory_space<hbm>> -> memref<32768x16xf32, #tpu.memory_space<hbm>>
    tpu.enqueue_indirect_dma source(%dma_start3A_170 : memref<32768x16xf32, #tpu.memory_space<hbm>>) target(%arg6 : memref<128x16xf32, #tpu.memory_space<vmem>>) offsets(%arg5 : memref<128xi32, #tpu.memory_space<vmem>>) semaphore(%arg7 : memref<!tpu.dma_semaphore, #tpu.memory_space<semaphore_mem>>)
    %dma_wait3A_171 = arith.constant 0 : i32
    %dma_wait3A_172 = arith.constant 0 : i32
    %dma_wait3A_173 = tpu.memref_slice %arg2[%dma_wait3A_171, %dma_wait3A_172] : memref<32768x16xf32, #tpu.memory_space<hbm>> -> memref<32768x16xf32, #tpu.memory_space<hbm>>
    tpu.wait_indirect_dma semaphore(%arg7 : memref<!tpu.dma_semaphore, #tpu.memory_space<semaphore_mem>>) src(%dma_wait3A_173 : memref<32768x16xf32, #tpu.memory_space<hbm>>) dst(%arg6 : memref<128x16xf32, #tpu.memory_space<vmem>>)
    %mul3A_174 = arith.constant 128 : i32
    %mul3A_175 = arith.muli %add3A_167, %mul3A_174 : i32
    "tpu.region"() ({
      %run_scoped3A = tpu.sem_alloc : memref<!tpu.dma_semaphore, #tpu.memory_space<semaphore_mem>>
      %dma_start3A_188 = arith.constant 0 : i32
      %dma_start3A_189 = tpu.memref_slice %arg4[%mul3A_175, %dma_start3A_188] : memref<32768x16xf32, #tpu.memory_space<hbm>> -> memref<128x16xf32, #tpu.memory_space<hbm>>
      %dma_start3A_190 = arith.constant 0 : i32
      %dma_start3A_191 = tpu.memref_slice %arg4[%mul3A_175, %dma_start3A_190] : memref<32768x16xf32, #tpu.memory_space<hbm>> -> memref<128x16xf32, #tpu.memory_space<hbm>>
      tpu.enqueue_dma source(%arg6 : memref<128x16xf32, #tpu.memory_space<vmem>>) target(%dma_start3A_191 : memref<128x16xf32, #tpu.memory_space<hbm>>) target_semaphore(%run_scoped3A : memref<!tpu.dma_semaphore, #tpu.memory_space<semaphore_mem>>)
      %dma_wait3A_192 = arith.constant 0 : i32
      %dma_wait3A_193 = tpu.memref_slice %arg4[%mul3A_175, %dma_wait3A_192] : memref<32768x16xf32, #tpu.memory_space<hbm>> -> memref<128x16xf32, #tpu.memory_space<hbm>>
      %dma_wait3A_194 = arith.constant 0 : i32
      %dma_wait3A_195 = tpu.memref_slice %arg4[%mul3A_175, %dma_wait3A_194] : memref<32768x16xf32, #tpu.memory_space<hbm>> -> memref<128x16xf32, #tpu.memory_space<hbm>>
      tpu.wait_dma2 semaphore(%run_scoped3A : memref<!tpu.dma_semaphore, #tpu.memory_space<semaphore_mem>>) src(%arg6 : memref<128x16xf32, #tpu.memory_space<vmem>>) dst(%dma_wait3A_195 : memref<128x16xf32, #tpu.memory_space<hbm>>)
      tpu.yield
    }) : () -> ()
    %mul3A_176 = arith.constant 16 : i32
    %mul3A_177 = arith.muli %arg1, %mul3A_176 : i32
    %add3A_178 = arith.constant 15 : i32
    %add3A_179 = arith.addi %mul3A_177, %add3A_178 : i32
    "tpu.region"() ({
      %run_scoped3A = tpu.sem_alloc : memref<!tpu.dma_semaphore, #tpu.memory_space<semaphore_mem>>
      %dma_start3A_188 = arith.constant 0 : i32
      %dma_start3A_189 = tpu.memref_slice %arg3[%add3A_179, %dma_start3A_188] : memref<256x128xi32, #tpu.memory_space<hbm>> -> memref<1x128xi32, #tpu.memory_space<hbm>>
      %dma_start3A_190 = tpu.memref_squeeze %dma_start3A_189 : memref<1x128xi32, #tpu.memory_space<hbm>> -> memref<128xi32, #tpu.memory_space<hbm>>
      %dma_start3A_191 = arith.constant 0 : i32
      %dma_start3A_192 = tpu.memref_slice %arg3[%add3A_179, %dma_start3A_191] : memref<256x128xi32, #tpu.memory_space<hbm>> -> memref<1x128xi32, #tpu.memory_space<hbm>>
      %dma_start3A_193 = tpu.memref_squeeze %dma_start3A_192 : memref<1x128xi32, #tpu.memory_space<hbm>> -> memref<128xi32, #tpu.memory_space<hbm>>
      tpu.enqueue_dma source(%dma_start3A_193 : memref<128xi32, #tpu.memory_space<hbm>>) target(%arg5 : memref<128xi32, #tpu.memory_space<vmem>>) target_semaphore(%run_scoped3A : memref<!tpu.dma_semaphore, #tpu.memory_space<semaphore_mem>>)
      %dma_wait3A_194 = arith.constant 0 : i32
      %dma_wait3A_195 = tpu.memref_slice %arg3[%add3A_179, %dma_wait3A_194] : memref<256x128xi32, #tpu.memory_space<hbm>> -> memref<1x128xi32, #tpu.memory_space<hbm>>
      %dma_wait3A_196 = tpu.memref_squeeze %dma_wait3A_195 : memref<1x128xi32, #tpu.memory_space<hbm>> -> memref<128xi32, #tpu.memory_space<hbm>>
      %dma_wait3A_197 = arith.constant 0 : i32
      %dma_wait3A_198 = tpu.memref_slice %arg3[%add3A_179, %dma_wait3A_197] : memref<256x128xi32, #tpu.memory_space<hbm>> -> memref<1x128xi32, #tpu.memory_space<hbm>>
      %dma_wait3A_199 = tpu.memref_squeeze %dma_wait3A_198 : memref<1x128xi32, #tpu.memory_space<hbm>> -> memref<128xi32, #tpu.memory_space<hbm>>
      tpu.wait_dma2 semaphore(%run_scoped3A : memref<!tpu.dma_semaphore, #tpu.memory_space<semaphore_mem>>) src(%dma_wait3A_199 : memref<128xi32, #tpu.memory_space<hbm>>) dst(%arg5 : memref<128xi32, #tpu.memory_space<vmem>>)
      tpu.yield
    }) : () -> ()
    %dma_start3A_180 = arith.constant 0 : i32
    %dma_start3A_181 = arith.constant 0 : i32
    %dma_start3A_182 = tpu.memref_slice %arg2[%dma_start3A_180, %dma_start3A_181] : memref<32768x16xf32, #tpu.memory_space<hbm>> -> memref<32768x16xf32, #tpu.memory_space<hbm>>
    tpu.enqueue_indirect_dma source(%dma_start3A_182 : memref<32768x16xf32, #tpu.memory_space<hbm>>) target(%arg6 : memref<128x16xf32, #tpu.memory_space<vmem>>) offsets(%arg5 : memref<128xi32, #tpu.memory_space<vmem>>) semaphore(%arg7 : memref<!tpu.dma_semaphore, #tpu.memory_space<semaphore_mem>>)
    %dma_wait3A_183 = arith.constant 0 : i32
    %dma_wait3A_184 = arith.constant 0 : i32
    %dma_wait3A_185 = tpu.memref_slice %arg2[%dma_wait3A_183, %dma_wait3A_184] : memref<32768x16xf32, #tpu.memory_space<hbm>> -> memref<32768x16xf32, #tpu.memory_space<hbm>>
    tpu.wait_indirect_dma semaphore(%arg7 : memref<!tpu.dma_semaphore, #tpu.memory_space<semaphore_mem>>) src(%dma_wait3A_185 : memref<32768x16xf32, #tpu.memory_space<hbm>>) dst(%arg6 : memref<128x16xf32, #tpu.memory_space<vmem>>)
    %mul3A_186 = arith.constant 128 : i32
    %mul3A_187 = arith.muli %add3A_179, %mul3A_186 : i32
    "tpu.region"() ({
      %run_scoped3A = tpu.sem_alloc : memref<!tpu.dma_semaphore, #tpu.memory_space<semaphore_mem>>
      %dma_start3A_188 = arith.constant 0 : i32
      %dma_start3A_189 = tpu.memref_slice %arg4[%mul3A_187, %dma_start3A_188] : memref<32768x16xf32, #tpu.memory_space<hbm>> -> memref<128x16xf32, #tpu.memory_space<hbm>>
      %dma_start3A_190 = arith.constant 0 : i32
      %dma_start3A_191 = tpu.memref_slice %arg4[%mul3A_187, %dma_start3A_190] : memref<32768x16xf32, #tpu.memory_space<hbm>> -> memref<128x16xf32, #tpu.memory_space<hbm>>
      tpu.enqueue_dma source(%arg6 : memref<128x16xf32, #tpu.memory_space<vmem>>) target(%dma_start3A_191 : memref<128x16xf32, #tpu.memory_space<hbm>>) target_semaphore(%run_scoped3A : memref<!tpu.dma_semaphore, #tpu.memory_space<semaphore_mem>>)
      %dma_wait3A_192 = arith.constant 0 : i32
      %dma_wait3A_193 = tpu.memref_slice %arg4[%mul3A_187, %dma_wait3A_192] : memref<32768x16xf32, #tpu.memory_space<hbm>> -> memref<128x16xf32, #tpu.memory_space<hbm>>
      %dma_wait3A_194 = arith.constant 0 : i32
      %dma_wait3A_195 = tpu.memref_slice %arg4[%mul3A_187, %dma_wait3A_194] : memref<32768x16xf32, #tpu.memory_space<hbm>> -> memref<128x16xf32, #tpu.memory_space<hbm>>
      tpu.wait_dma2 semaphore(%run_scoped3A : memref<!tpu.dma_semaphore, #tpu.memory_space<semaphore_mem>>) src(%arg6 : memref<128x16xf32, #tpu.memory_space<vmem>>) dst(%dma_wait3A_195 : memref<128x16xf32, #tpu.memory_space<hbm>>)
      tpu.yield
    }) : () -> ()
    return
  }
}

#map = affine_map<(d0, d1) -> (0)>
#map1 = affine_map<(d0, d1) -> (0, 0)>
module attributes {stable_mosaic.version = 14 : i64} {
  func.func @_route_body(%arg0: i32, %arg1: i32, %arg2: memref<32768xi32, #tpu.memory_space<hbm>>, %arg3: memref<32768x32xf32, #tpu.memory_space<hbm>>, %arg4: memref<32768x32xf32, #tpu.memory_space<hbm>>, %arg5: memref<256x128xi32, #tpu.memory_space<hbm>>, %arg6: memref<16x64xi32, #tpu.memory_space<hbm>>, %arg7: memref<80xi32, #tpu.memory_space<hbm>>, %arg8: memref<2048xi32, #tpu.memory_space<vmem>>, %arg9: memref<1024xi32, #tpu.memory_space<vmem>>, %arg10: memref<64xi32, #tpu.memory_space<vmem>>, %arg11: memref<16x64xi32, #tpu.memory_space<vmem>>, %arg12: memref<1024xi32, #tpu.memory_space<vmem>>, %arg13: memref<16x128xi32, #tpu.memory_space<vmem>>, %arg14: memref<2048x32xf32, #tpu.memory_space<vmem>>, %arg15: memref<80xi32, #tpu.memory_space<vmem>>, %arg16: memref<!tpu.dma_semaphore, #tpu.memory_space<semaphore_mem>>) attributes {dimension_semantics = [#tpu.dimension_semantics<core_parallel>, #tpu.dimension_semantics<subcore_parallel>], iteration_bounds = array<i64: 1, 16>, scalar_prefetch = 0 : i64, scratch_operands = 9 : i64, tpu.core_type = #tpu.core_type<sc_vector_subcore>, window_params = [{transform_indices = #map}, {transform_indices = #map1}, {transform_indices = #map1}, {transform_indices = #map1}, {transform_indices = #map1}, {transform_indices = #map}]} {
    %mul3A = arith.constant 2048 : i32
    %mul3A_0 = arith.muli %arg1, %mul3A : i32
    %broadcast_in_dim3A = arith.constant 0 : i32
    %broadcast_in_dim3A_1 = vector.broadcast %broadcast_in_dim3A : i32 to vector<16xi32>
    %iota3A = tpu.iota {dimensions = array<i32: 0>} : vector<16xi32>
    "tpu.region"() ({
      %run_scoped3A = tpu.sem_alloc : memref<!tpu.dma_semaphore, #tpu.memory_space<semaphore_mem>>
      %dma_start3A_2338 = tpu.memref_slice %arg2[%mul3A_0] : memref<32768xi32, #tpu.memory_space<hbm>> -> memref<2048xi32, #tpu.memory_space<hbm>>
      %dma_start3A_2339 = tpu.memref_slice %arg2[%mul3A_0] : memref<32768xi32, #tpu.memory_space<hbm>> -> memref<2048xi32, #tpu.memory_space<hbm>>
      tpu.enqueue_dma source(%dma_start3A_2339 : memref<2048xi32, #tpu.memory_space<hbm>>) target(%arg8 : memref<2048xi32, #tpu.memory_space<vmem>>) target_semaphore(%run_scoped3A : memref<!tpu.dma_semaphore, #tpu.memory_space<semaphore_mem>>)
      %dma_wait3A_2340 = tpu.memref_slice %arg2[%mul3A_0] : memref<32768xi32, #tpu.memory_space<hbm>> -> memref<2048xi32, #tpu.memory_space<hbm>>
      %dma_wait3A_2341 = tpu.memref_slice %arg2[%mul3A_0] : memref<32768xi32, #tpu.memory_space<hbm>> -> memref<2048xi32, #tpu.memory_space<hbm>>
      tpu.wait_dma2 semaphore(%run_scoped3A : memref<!tpu.dma_semaphore, #tpu.memory_space<semaphore_mem>>) src(%dma_wait3A_2341 : memref<2048xi32, #tpu.memory_space<hbm>>) dst(%arg8 : memref<2048xi32, #tpu.memory_space<vmem>>)
      tpu.yield
    }) : () -> ()
    %swap3A = arith.constant 0 : index
    %swap3A_2 = tpu.vector_load %arg9[%swap3A] {strides = array<i32>} : memref<1024xi32, #tpu.memory_space<vmem>>, vector<16xi32>,
    tpu.vector_store %arg9[%swap3A], %broadcast_in_dim3A_1 {strides = array<i32>} : memref<1024xi32, #tpu.memory_space<vmem>>, vector<16xi32>,
    %swap3A_3 = arith.constant 16 : index
    %swap3A_4 = tpu.vector_load %arg9[%swap3A_3] {strides = array<i32>} : memref<1024xi32, #tpu.memory_space<vmem>>, vector<16xi32>,
    tpu.vector_store %arg9[%swap3A_3], %broadcast_in_dim3A_1 {strides = array<i32>} : memref<1024xi32, #tpu.memory_space<vmem>>, vector<16xi32>,
    %swap3A_5 = arith.constant 32 : index
    %swap3A_6 = tpu.vector_load %arg9[%swap3A_5] {strides = array<i32>} : memref<1024xi32, #tpu.memory_space<vmem>>, vector<16xi32>,
    tpu.vector_store %arg9[%swap3A_5], %broadcast_in_dim3A_1 {strides = array<i32>} : memref<1024xi32, #tpu.memory_space<vmem>>, vector<16xi32>,
    %swap3A_7 = arith.constant 48 : index
    %swap3A_8 = tpu.vector_load %arg9[%swap3A_7] {strides = array<i32>} : memref<1024xi32, #tpu.memory_space<vmem>>, vector<16xi32>,
    tpu.vector_store %arg9[%swap3A_7], %broadcast_in_dim3A_1 {strides = array<i32>} : memref<1024xi32, #tpu.memory_space<vmem>>, vector<16xi32>,
    %swap3A_9 = arith.constant 64 : index
    %swap3A_10 = tpu.vector_load %arg9[%swap3A_9] {strides = array<i32>} : memref<1024xi32, #tpu.memory_space<vmem>>, vector<16xi32>,
    tpu.vector_store %arg9[%swap3A_9], %broadcast_in_dim3A_1 {strides = array<i32>} : memref<1024xi32, #tpu.memory_space<vmem>>, vector<16xi32>,
    %swap3A_11 = arith.constant 80 : index
    %swap3A_12 = tpu.vector_load %arg9[%swap3A_11] {strides = array<i32>} : memref<1024xi32, #tpu.memory_space<vmem>>, vector<16xi32>,
    tpu.vector_store %arg9[%swap3A_11], %broadcast_in_dim3A_1 {strides = array<i32>} : memref<1024xi32, #tpu.memory_space<vmem>>, vector<16xi32>,
    %swap3A_13 = arith.constant 96 : index
    %swap3A_14 = tpu.vector_load %arg9[%swap3A_13] {strides = array<i32>} : memref<1024xi32, #tpu.memory_space<vmem>>, vector<16xi32>,
    tpu.vector_store %arg9[%swap3A_13], %broadcast_in_dim3A_1 {strides = array<i32>} : memref<1024xi32, #tpu.memory_space<vmem>>, vector<16xi32>,
    %swap3A_15 = arith.constant 112 : index
    %swap3A_16 = tpu.vector_load %arg9[%swap3A_15] {strides = array<i32>} : memref<1024xi32, #tpu.memory_space<vmem>>, vector<16xi32>,
    tpu.vector_store %arg9[%swap3A_15], %broadcast_in_dim3A_1 {strides = array<i32>} : memref<1024xi32, #tpu.memory_space<vmem>>, vector<16xi32>,
    %swap3A_17 = arith.constant 128 : index
    %swap3A_18 = tpu.vector_load %arg9[%swap3A_17] {strides = array<i32>} : memref<1024xi32, #tpu.memory_space<vmem>>, vector<16xi32>,
    tpu.vector_store %arg9[%swap3A_17], %broadcast_in_dim3A_1 {strides = array<i32>} : memref<1024xi32, #tpu.memory_space<vmem>>, vector<16xi32>,
    %swap3A_19 = arith.constant 144 : index
    %swap3A_20 = tpu.vector_load %arg9[%swap3A_19] {strides = array<i32>} : memref<1024xi32, #tpu.memory_space<vmem>>, vector<16xi32>,
    tpu.vector_store %arg9[%swap3A_19], %broadcast_in_dim3A_1 {strides = array<i32>} : memref<1024xi32, #tpu.memory_space<vmem>>, vector<16xi32>,
    %swap3A_21 = arith.constant 160 : index
    %swap3A_22 = tpu.vector_load %arg9[%swap3A_21] {strides = array<i32>} : memref<1024xi32, #tpu.memory_space<vmem>>, vector<16xi32>,
    tpu.vector_store %arg9[%swap3A_21], %broadcast_in_dim3A_1 {strides = array<i32>} : memref<1024xi32, #tpu.memory_space<vmem>>, vector<16xi32>,
    %swap3A_23 = arith.constant 176 : index
    %swap3A_24 = tpu.vector_load %arg9[%swap3A_23] {strides = array<i32>} : memref<1024xi32, #tpu.memory_space<vmem>>, vector<16xi32>,
    tpu.vector_store %arg9[%swap3A_23], %broadcast_in_dim3A_1 {strides = array<i32>} : memref<1024xi32, #tpu.memory_space<vmem>>, vector<16xi32>,
    %swap3A_25 = arith.constant 192 : index
    %swap3A_26 = tpu.vector_load %arg9[%swap3A_25] {strides = array<i32>} : memref<1024xi32, #tpu.memory_space<vmem>>, vector<16xi32>,
    tpu.vector_store %arg9[%swap3A_25], %broadcast_in_dim3A_1 {strides = array<i32>} : memref<1024xi32, #tpu.memory_space<vmem>>, vector<16xi32>,
    %swap3A_27 = arith.constant 208 : index
    %swap3A_28 = tpu.vector_load %arg9[%swap3A_27] {strides = array<i32>} : memref<1024xi32, #tpu.memory_space<vmem>>, vector<16xi32>,
    tpu.vector_store %arg9[%swap3A_27], %broadcast_in_dim3A_1 {strides = array<i32>} : memref<1024xi32, #tpu.memory_space<vmem>>, vector<16xi32>,
    %swap3A_29 = arith.constant 224 : index
    %swap3A_30 = tpu.vector_load %arg9[%swap3A_29] {strides = array<i32>} : memref<1024xi32, #tpu.memory_space<vmem>>, vector<16xi32>,
    tpu.vector_store %arg9[%swap3A_29], %broadcast_in_dim3A_1 {strides = array<i32>} : memref<1024xi32, #tpu.memory_space<vmem>>, vector<16xi32>,
    %swap3A_31 = arith.constant 240 : index
    %swap3A_32 = tpu.vector_load %arg9[%swap3A_31] {strides = array<i32>} : memref<1024xi32, #tpu.memory_space<vmem>>, vector<16xi32>,
    tpu.vector_store %arg9[%swap3A_31], %broadcast_in_dim3A_1 {strides = array<i32>} : memref<1024xi32, #tpu.memory_space<vmem>>, vector<16xi32>,
    %swap3A_33 = arith.constant 256 : index
    %swap3A_34 = tpu.vector_load %arg9[%swap3A_33] {strides = array<i32>} : memref<1024xi32, #tpu.memory_space<vmem>>, vector<16xi32>,
    tpu.vector_store %arg9[%swap3A_33], %broadcast_in_dim3A_1 {strides = array<i32>} : memref<1024xi32, #tpu.memory_space<vmem>>, vector<16xi32>,
    %swap3A_35 = arith.constant 272 : index
    %swap3A_36 = tpu.vector_load %arg9[%swap3A_35] {strides = array<i32>} : memref<1024xi32, #tpu.memory_space<vmem>>, vector<16xi32>,
    tpu.vector_store %arg9[%swap3A_35], %broadcast_in_dim3A_1 {strides = array<i32>} : memref<1024xi32, #tpu.memory_space<vmem>>, vector<16xi32>,
    %swap3A_37 = arith.constant 288 : index
    %swap3A_38 = tpu.vector_load %arg9[%swap3A_37] {strides = array<i32>} : memref<1024xi32, #tpu.memory_space<vmem>>, vector<16xi32>,
    tpu.vector_store %arg9[%swap3A_37], %broadcast_in_dim3A_1 {strides = array<i32>} : memref<1024xi32, #tpu.memory_space<vmem>>, vector<16xi32>,
    %swap3A_39 = arith.constant 304 : index
    %swap3A_40 = tpu.vector_load %arg9[%swap3A_39] {strides = array<i32>} : memref<1024xi32, #tpu.memory_space<vmem>>, vector<16xi32>,
    tpu.vector_store %arg9[%swap3A_39], %broadcast_in_dim3A_1 {strides = array<i32>} : memref<1024xi32, #tpu.memory_space<vmem>>, vector<16xi32>,
    %swap3A_41 = arith.constant 320 : index
    %swap3A_42 = tpu.vector_load %arg9[%swap3A_41] {strides = array<i32>} : memref<1024xi32, #tpu.memory_space<vmem>>, vector<16xi32>,
    tpu.vector_store %arg9[%swap3A_41], %broadcast_in_dim3A_1 {strides = array<i32>} : memref<1024xi32, #tpu.memory_space<vmem>>, vector<16xi32>,
    %swap3A_43 = arith.constant 336 : index
    %swap3A_44 = tpu.vector_load %arg9[%swap3A_43] {strides = array<i32>} : memref<1024xi32, #tpu.memory_space<vmem>>, vector<16xi32>,
    tpu.vector_store %arg9[%swap3A_43], %broadcast_in_dim3A_1 {strides = array<i32>} : memref<1024xi32, #tpu.memory_space<vmem>>, vector<16xi32>,
    %swap3A_45 = arith.constant 352 : index
    %swap3A_46 = tpu.vector_load %arg9[%swap3A_45] {strides = array<i32>} : memref<1024xi32, #tpu.memory_space<vmem>>, vector<16xi32>,
    tpu.vector_store %arg9[%swap3A_45], %broadcast_in_dim3A_1 {strides = array<i32>} : memref<1024xi32, #tpu.memory_space<vmem>>, vector<16xi32>,
    %swap3A_47 = arith.constant 368 : index
    %swap3A_48 = tpu.vector_load %arg9[%swap3A_47] {strides = array<i32>} : memref<1024xi32, #tpu.memory_space<vmem>>, vector<16xi32>,
    tpu.vector_store %arg9[%swap3A_47], %broadcast_in_dim3A_1 {strides = array<i32>} : memref<1024xi32, #tpu.memory_space<vmem>>, vector<16xi32>,
    %swap3A_49 = arith.constant 384 : index
    %swap3A_50 = tpu.vector_load %arg9[%swap3A_49] {strides = array<i32>} : memref<1024xi32, #tpu.memory_space<vmem>>, vector<16xi32>,
    tpu.vector_store %arg9[%swap3A_49], %broadcast_in_dim3A_1 {strides = array<i32>} : memref<1024xi32, #tpu.memory_space<vmem>>, vector<16xi32>,
    %swap3A_51 = arith.constant 400 : index
    %swap3A_52 = tpu.vector_load %arg9[%swap3A_51] {strides = array<i32>} : memref<1024xi32, #tpu.memory_space<vmem>>, vector<16xi32>,
    tpu.vector_store %arg9[%swap3A_51], %broadcast_in_dim3A_1 {strides = array<i32>} : memref<1024xi32, #tpu.memory_space<vmem>>, vector<16xi32>,
    %swap3A_53 = arith.constant 416 : index
    %swap3A_54 = tpu.vector_load %arg9[%swap3A_53] {strides = array<i32>} : memref<1024xi32, #tpu.memory_space<vmem>>, vector<16xi32>,
    tpu.vector_store %arg9[%swap3A_53], %broadcast_in_dim3A_1 {strides = array<i32>} : memref<1024xi32, #tpu.memory_space<vmem>>, vector<16xi32>,
    %swap3A_55 = arith.constant 432 : index
    %swap3A_56 = tpu.vector_load %arg9[%swap3A_55] {strides = array<i32>} : memref<1024xi32, #tpu.memory_space<vmem>>, vector<16xi32>,
    tpu.vector_store %arg9[%swap3A_55], %broadcast_in_dim3A_1 {strides = array<i32>} : memref<1024xi32, #tpu.memory_space<vmem>>, vector<16xi32>,
    %swap3A_57 = arith.constant 448 : index
    %swap3A_58 = tpu.vector_load %arg9[%swap3A_57] {strides = array<i32>} : memref<1024xi32, #tpu.memory_space<vmem>>, vector<16xi32>,
    tpu.vector_store %arg9[%swap3A_57], %broadcast_in_dim3A_1 {strides = array<i32>} : memref<1024xi32, #tpu.memory_space<vmem>>, vector<16xi32>,
    %swap3A_59 = arith.constant 464 : index
    %swap3A_60 = tpu.vector_load %arg9[%swap3A_59] {strides = array<i32>} : memref<1024xi32, #tpu.memory_space<vmem>>, vector<16xi32>,
    tpu.vector_store %arg9[%swap3A_59], %broadcast_in_dim3A_1 {strides = array<i32>} : memref<1024xi32, #tpu.memory_space<vmem>>, vector<16xi32>,
    %swap3A_61 = arith.constant 480 : index
    %swap3A_62 = tpu.vector_load %arg9[%swap3A_61] {strides = array<i32>} : memref<1024xi32, #tpu.memory_space<vmem>>, vector<16xi32>,
    tpu.vector_store %arg9[%swap3A_61], %broadcast_in_dim3A_1 {strides = array<i32>} : memref<1024xi32, #tpu.memory_space<vmem>>, vector<16xi32>,
    %swap3A_63 = arith.constant 496 : index
    %swap3A_64 = tpu.vector_load %arg9[%swap3A_63] {strides = array<i32>} : memref<1024xi32, #tpu.memory_space<vmem>>, vector<16xi32>,
    tpu.vector_store %arg9[%swap3A_63], %broadcast_in_dim3A_1 {strides = array<i32>} : memref<1024xi32, #tpu.memory_space<vmem>>, vector<16xi32>,
    %swap3A_65 = arith.constant 512 : index
    %swap3A_66 = tpu.vector_load %arg9[%swap3A_65] {strides = array<i32>} : memref<1024xi32, #tpu.memory_space<vmem>>, vector<16xi32>,
    tpu.vector_store %arg9[%swap3A_65], %broadcast_in_dim3A_1 {strides = array<i32>} : memref<1024xi32, #tpu.memory_space<vmem>>, vector<16xi32>,
    %swap3A_67 = arith.constant 528 : index
    %swap3A_68 = tpu.vector_load %arg9[%swap3A_67] {strides = array<i32>} : memref<1024xi32, #tpu.memory_space<vmem>>, vector<16xi32>,
    tpu.vector_store %arg9[%swap3A_67], %broadcast_in_dim3A_1 {strides = array<i32>} : memref<1024xi32, #tpu.memory_space<vmem>>, vector<16xi32>,
    %swap3A_69 = arith.constant 544 : index
    %swap3A_70 = tpu.vector_load %arg9[%swap3A_69] {strides = array<i32>} : memref<1024xi32, #tpu.memory_space<vmem>>, vector<16xi32>,
    tpu.vector_store %arg9[%swap3A_69], %broadcast_in_dim3A_1 {strides = array<i32>} : memref<1024xi32, #tpu.memory_space<vmem>>, vector<16xi32>,
    %swap3A_71 = arith.constant 560 : index
    %swap3A_72 = tpu.vector_load %arg9[%swap3A_71] {strides = array<i32>} : memref<1024xi32, #tpu.memory_space<vmem>>, vector<16xi32>,
    tpu.vector_store %arg9[%swap3A_71], %broadcast_in_dim3A_1 {strides = array<i32>} : memref<1024xi32, #tpu.memory_space<vmem>>, vector<16xi32>,
    %swap3A_73 = arith.constant 576 : index
    %swap3A_74 = tpu.vector_load %arg9[%swap3A_73] {strides = array<i32>} : memref<1024xi32, #tpu.memory_space<vmem>>, vector<16xi32>,
    tpu.vector_store %arg9[%swap3A_73], %broadcast_in_dim3A_1 {strides = array<i32>} : memref<1024xi32, #tpu.memory_space<vmem>>, vector<16xi32>,
    %swap3A_75 = arith.constant 592 : index
    %swap3A_76 = tpu.vector_load %arg9[%swap3A_75] {strides = array<i32>} : memref<1024xi32, #tpu.memory_space<vmem>>, vector<16xi32>,
    tpu.vector_store %arg9[%swap3A_75], %broadcast_in_dim3A_1 {strides = array<i32>} : memref<1024xi32, #tpu.memory_space<vmem>>, vector<16xi32>,
    %swap3A_77 = arith.constant 608 : index
    %swap3A_78 = tpu.vector_load %arg9[%swap3A_77] {strides = array<i32>} : memref<1024xi32, #tpu.memory_space<vmem>>, vector<16xi32>,
    tpu.vector_store %arg9[%swap3A_77], %broadcast_in_dim3A_1 {strides = array<i32>} : memref<1024xi32, #tpu.memory_space<vmem>>, vector<16xi32>,
    %swap3A_79 = arith.constant 624 : index
    %swap3A_80 = tpu.vector_load %arg9[%swap3A_79] {strides = array<i32>} : memref<1024xi32, #tpu.memory_space<vmem>>, vector<16xi32>,
    tpu.vector_store %arg9[%swap3A_79], %broadcast_in_dim3A_1 {strides = array<i32>} : memref<1024xi32, #tpu.memory_space<vmem>>, vector<16xi32>,
    %swap3A_81 = arith.constant 640 : index
    %swap3A_82 = tpu.vector_load %arg9[%swap3A_81] {strides = array<i32>} : memref<1024xi32, #tpu.memory_space<vmem>>, vector<16xi32>,
    tpu.vector_store %arg9[%swap3A_81], %broadcast_in_dim3A_1 {strides = array<i32>} : memref<1024xi32, #tpu.memory_space<vmem>>, vector<16xi32>,
    %swap3A_83 = arith.constant 656 : index
    %swap3A_84 = tpu.vector_load %arg9[%swap3A_83] {strides = array<i32>} : memref<1024xi32, #tpu.memory_space<vmem>>, vector<16xi32>,
    tpu.vector_store %arg9[%swap3A_83], %broadcast_in_dim3A_1 {strides = array<i32>} : memref<1024xi32, #tpu.memory_space<vmem>>, vector<16xi32>,
    %swap3A_85 = arith.constant 672 : index
    %swap3A_86 = tpu.vector_load %arg9[%swap3A_85] {strides = array<i32>} : memref<1024xi32, #tpu.memory_space<vmem>>, vector<16xi32>,
    tpu.vector_store %arg9[%swap3A_85], %broadcast_in_dim3A_1 {strides = array<i32>} : memref<1024xi32, #tpu.memory_space<vmem>>, vector<16xi32>,
    %swap3A_87 = arith.constant 688 : index
    %swap3A_88 = tpu.vector_load %arg9[%swap3A_87] {strides = array<i32>} : memref<1024xi32, #tpu.memory_space<vmem>>, vector<16xi32>,
    tpu.vector_store %arg9[%swap3A_87], %broadcast_in_dim3A_1 {strides = array<i32>} : memref<1024xi32, #tpu.memory_space<vmem>>, vector<16xi32>,
    %swap3A_89 = arith.constant 704 : index
    %swap3A_90 = tpu.vector_load %arg9[%swap3A_89] {strides = array<i32>} : memref<1024xi32, #tpu.memory_space<vmem>>, vector<16xi32>,
    tpu.vector_store %arg9[%swap3A_89], %broadcast_in_dim3A_1 {strides = array<i32>} : memref<1024xi32, #tpu.memory_space<vmem>>, vector<16xi32>,
    %swap3A_91 = arith.constant 720 : index
    %swap3A_92 = tpu.vector_load %arg9[%swap3A_91] {strides = array<i32>} : memref<1024xi32, #tpu.memory_space<vmem>>, vector<16xi32>,
    tpu.vector_store %arg9[%swap3A_91], %broadcast_in_dim3A_1 {strides = array<i32>} : memref<1024xi32, #tpu.memory_space<vmem>>, vector<16xi32>,
    %swap3A_93 = arith.constant 736 : index
    %swap3A_94 = tpu.vector_load %arg9[%swap3A_93] {strides = array<i32>} : memref<1024xi32, #tpu.memory_space<vmem>>, vector<16xi32>,
    tpu.vector_store %arg9[%swap3A_93], %broadcast_in_dim3A_1 {strides = array<i32>} : memref<1024xi32, #tpu.memory_space<vmem>>, vector<16xi32>,
    %swap3A_95 = arith.constant 752 : index
    %swap3A_96 = tpu.vector_load %arg9[%swap3A_95] {strides = array<i32>} : memref<1024xi32, #tpu.memory_space<vmem>>, vector<16xi32>,
    tpu.vector_store %arg9[%swap3A_95], %broadcast_in_dim3A_1 {strides = array<i32>} : memref<1024xi32, #tpu.memory_space<vmem>>, vector<16xi32>,
    %swap3A_97 = arith.constant 768 : index
    %swap3A_98 = tpu.vector_load %arg9[%swap3A_97] {strides = array<i32>} : memref<1024xi32, #tpu.memory_space<vmem>>, vector<16xi32>,
    tpu.vector_store %arg9[%swap3A_97], %broadcast_in_dim3A_1 {strides = array<i32>} : memref<1024xi32, #tpu.memory_space<vmem>>, vector<16xi32>,
    %swap3A_99 = arith.constant 784 : index
    %swap3A_100 = tpu.vector_load %arg9[%swap3A_99] {strides = array<i32>} : memref<1024xi32, #tpu.memory_space<vmem>>, vector<16xi32>,
    tpu.vector_store %arg9[%swap3A_99], %broadcast_in_dim3A_1 {strides = array<i32>} : memref<1024xi32, #tpu.memory_space<vmem>>, vector<16xi32>,
    %swap3A_101 = arith.constant 800 : index
    %swap3A_102 = tpu.vector_load %arg9[%swap3A_101] {strides = array<i32>} : memref<1024xi32, #tpu.memory_space<vmem>>, vector<16xi32>,
    tpu.vector_store %arg9[%swap3A_101], %broadcast_in_dim3A_1 {strides = array<i32>} : memref<1024xi32, #tpu.memory_space<vmem>>, vector<16xi32>,
    %swap3A_103 = arith.constant 816 : index
    %swap3A_104 = tpu.vector_load %arg9[%swap3A_103] {strides = array<i32>} : memref<1024xi32, #tpu.memory_space<vmem>>, vector<16xi32>,
    tpu.vector_store %arg9[%swap3A_103], %broadcast_in_dim3A_1 {strides = array<i32>} : memref<1024xi32, #tpu.memory_space<vmem>>, vector<16xi32>,
    %swap3A_105 = arith.constant 832 : index
    %swap3A_106 = tpu.vector_load %arg9[%swap3A_105] {strides = array<i32>} : memref<1024xi32, #tpu.memory_space<vmem>>, vector<16xi32>,
    tpu.vector_store %arg9[%swap3A_105], %broadcast_in_dim3A_1 {strides = array<i32>} : memref<1024xi32, #tpu.memory_space<vmem>>, vector<16xi32>,
    %swap3A_107 = arith.constant 848 : index
    %swap3A_108 = tpu.vector_load %arg9[%swap3A_107] {strides = array<i32>} : memref<1024xi32, #tpu.memory_space<vmem>>, vector<16xi32>,
    tpu.vector_store %arg9[%swap3A_107], %broadcast_in_dim3A_1 {strides = array<i32>} : memref<1024xi32, #tpu.memory_space<vmem>>, vector<16xi32>,
    %swap3A_109 = arith.constant 864 : index
    %swap3A_110 = tpu.vector_load %arg9[%swap3A_109] {strides = array<i32>} : memref<1024xi32, #tpu.memory_space<vmem>>, vector<16xi32>,
    tpu.vector_store %arg9[%swap3A_109], %broadcast_in_dim3A_1 {strides = array<i32>} : memref<1024xi32, #tpu.memory_space<vmem>>, vector<16xi32>,
    %swap3A_111 = arith.constant 880 : index
    %swap3A_112 = tpu.vector_load %arg9[%swap3A_111] {strides = array<i32>} : memref<1024xi32, #tpu.memory_space<vmem>>, vector<16xi32>,
    tpu.vector_store %arg9[%swap3A_111], %broadcast_in_dim3A_1 {strides = array<i32>} : memref<1024xi32, #tpu.memory_space<vmem>>, vector<16xi32>,
    %swap3A_113 = arith.constant 896 : index
    %swap3A_114 = tpu.vector_load %arg9[%swap3A_113] {strides = array<i32>} : memref<1024xi32, #tpu.memory_space<vmem>>, vector<16xi32>,
    tpu.vector_store %arg9[%swap3A_113], %broadcast_in_dim3A_1 {strides = array<i32>} : memref<1024xi32, #tpu.memory_space<vmem>>, vector<16xi32>,
    %swap3A_115 = arith.constant 912 : index
    %swap3A_116 = tpu.vector_load %arg9[%swap3A_115] {strides = array<i32>} : memref<1024xi32, #tpu.memory_space<vmem>>, vector<16xi32>,
    tpu.vector_store %arg9[%swap3A_115], %broadcast_in_dim3A_1 {strides = array<i32>} : memref<1024xi32, #tpu.memory_space<vmem>>, vector<16xi32>,
    %swap3A_117 = arith.constant 928 : index
    %swap3A_118 = tpu.vector_load %arg9[%swap3A_117] {strides = array<i32>} : memref<1024xi32, #tpu.memory_space<vmem>>, vector<16xi32>,
    tpu.vector_store %arg9[%swap3A_117], %broadcast_in_dim3A_1 {strides = array<i32>} : memref<1024xi32, #tpu.memory_space<vmem>>, vector<16xi32>,
    %swap3A_119 = arith.constant 944 : index
    %swap3A_120 = tpu.vector_load %arg9[%swap3A_119] {strides = array<i32>} : memref<1024xi32, #tpu.memory_space<vmem>>, vector<16xi32>,
    tpu.vector_store %arg9[%swap3A_119], %broadcast_in_dim3A_1 {strides = array<i32>} : memref<1024xi32, #tpu.memory_space<vmem>>, vector<16xi32>,
    %swap3A_121 = arith.constant 960 : index
    %swap3A_122 = tpu.vector_load %arg9[%swap3A_121] {strides = array<i32>} : memref<1024xi32, #tpu.memory_space<vmem>>, vector<16xi32>,
    tpu.vector_store %arg9[%swap3A_121], %broadcast_in_dim3A_1 {strides = array<i32>} : memref<1024xi32, #tpu.memory_space<vmem>>, vector<16xi32>,
    %swap3A_123 = arith.constant 976 : index
    %swap3A_124 = tpu.vector_load %arg9[%swap3A_123] {strides = array<i32>} : memref<1024xi32, #tpu.memory_space<vmem>>, vector<16xi32>,
    tpu.vector_store %arg9[%swap3A_123], %broadcast_in_dim3A_1 {strides = array<i32>} : memref<1024xi32, #tpu.memory_space<vmem>>, vector<16xi32>,
    %swap3A_125 = arith.constant 992 : index
    %swap3A_126 = tpu.vector_load %arg9[%swap3A_125] {strides = array<i32>} : memref<1024xi32, #tpu.memory_space<vmem>>, vector<16xi32>,
    tpu.vector_store %arg9[%swap3A_125], %broadcast_in_dim3A_1 {strides = array<i32>} : memref<1024xi32, #tpu.memory_space<vmem>>, vector<16xi32>,
    %swap3A_127 = arith.constant 1008 : index
    %swap3A_128 = tpu.vector_load %arg9[%swap3A_127] {strides = array<i32>} : memref<1024xi32, #tpu.memory_space<vmem>>, vector<16xi32>,
    tpu.vector_store %arg9[%swap3A_127], %broadcast_in_dim3A_1 {strides = array<i32>} : memref<1024xi32, #tpu.memory_space<vmem>>, vector<16xi32>,
    %scan3A = arith.constant 0 : i32
    %scan3A_129 = arith.constant 0 : i32
    %scan3A_130 = arith.constant 128 : i32
    %scan3A_131 = arith.addi %scan3A_129, %scan3A_130 : i32
    %scan3A_132 = arith.constant 1 : i32
    scf.for %scan3A_2338 = %scan3A_129 to %scan3A_131 step %scan3A_132  : i32 {
      %mul3A_2339 = arith.constant 128 : i32
      %mul3A_2340 = vector.broadcast %mul3A_2339 : i32 to vector<16xi32>
      %mul3A_2341 = arith.muli %iota3A, %mul3A_2340 : vector<16xi32>
      %add3A_2342 = vector.broadcast %scan3A_2338 : i32 to vector<16xi32>
      %add3A_2343 = arith.addi %mul3A_2341, %add3A_2342 : vector<16xi32>
      %gather3A_2344 = tpu.vector_load_idx %arg8[%add3A_2343] : memref<2048xi32, #tpu.memory_space<vmem>>[vector<16xi32>], vector<16xi32>,
      %mul3A_2345 = arith.constant 16 : i32
      %mul3A_2346 = vector.broadcast %mul3A_2345 : i32 to vector<16xi32>
      %mul3A_2347 = arith.muli %gather3A_2344, %mul3A_2346 : vector<16xi32>
      %add3A_2348 = arith.addi %mul3A_2347, %iota3A : vector<16xi32>
      %gather3A_2349 = tpu.vector_load_idx %arg9[%add3A_2348] : memref<1024xi32, #tpu.memory_space<vmem>>[vector<16xi32>], vector<16xi32>,
      %add3A_2350 = arith.constant 1 : i32
      %add3A_2351 = vector.broadcast %add3A_2350 : i32 to vector<16xi32>
      %add3A_2352 = arith.addi %gather3A_2349, %add3A_2351 : vector<16xi32>
      tpu.vector_store_idx %arg9[%add3A_2348], %add3A_2352 : memref<1024xi32, #tpu.memory_space<vmem>>[vector<16xi32>], vector<16xi32>,
    }
    %scan3A_133 = arith.constant 128 : i32
    %add3A = arith.constant 0 : i32
    %add3A_134 = vector.broadcast %add3A : i32 to vector<16xi32>
    %add3A_135 = arith.addi %add3A_134, %iota3A : vector<16xi32>
    %mul3A_136 = arith.constant 16 : i32
    %mul3A_137 = vector.broadcast %mul3A_136 : i32 to vector<16xi32>
    %mul3A_138 = arith.muli %add3A_135, %mul3A_137 : vector<16xi32>
    %add3A_139 = arith.constant 0 : i32
    %add3A_140 = vector.broadcast %add3A_139 : i32 to vector<16xi32>
    %add3A_141 = arith.addi %mul3A_138, %add3A_140 : vector<16xi32>
    %gather3A = tpu.vector_load_idx %arg9[%add3A_141] : memref<1024xi32, #tpu.memory_space<vmem>>[vector<16xi32>], vector<16xi32>,
    %add3A_142 = arith.addi %broadcast_in_dim3A_1, %gather3A : vector<16xi32>
    %add3A_143 = arith.constant 1 : i32
    %add3A_144 = vector.broadcast %add3A_143 : i32 to vector<16xi32>
    %add3A_145 = arith.addi %mul3A_138, %add3A_144 : vector<16xi32>
    %gather3A_146 = tpu.vector_load_idx %arg9[%add3A_145] : memref<1024xi32, #tpu.memory_space<vmem>>[vector<16xi32>], vector<16xi32>,
    %add3A_147 = arith.addi %add3A_142, %gather3A_146 : vector<16xi32>
    %add3A_148 = arith.constant 2 : i32
    %add3A_149 = vector.broadcast %add3A_148 : i32 to vector<16xi32>
    %add3A_150 = arith.addi %mul3A_138, %add3A_149 : vector<16xi32>
    %gather3A_151 = tpu.vector_load_idx %arg9[%add3A_150] : memref<1024xi32, #tpu.memory_space<vmem>>[vector<16xi32>], vector<16xi32>,
    %add3A_152 = arith.addi %add3A_147, %gather3A_151 : vector<16xi32>
    %add3A_153 = arith.constant 3 : i32
    %add3A_154 = vector.broadcast %add3A_153 : i32 to vector<16xi32>
    %add3A_155 = arith.addi %mul3A_138, %add3A_154 : vector<16xi32>
    %gather3A_156 = tpu.vector_load_idx %arg9[%add3A_155] : memref<1024xi32, #tpu.memory_space<vmem>>[vector<16xi32>], vector<16xi32>,
    %add3A_157 = arith.addi %add3A_152, %gather3A_156 : vector<16xi32>
    %add3A_158 = arith.constant 4 : i32
    %add3A_159 = vector.broadcast %add3A_158 : i32 to vector<16xi32>
    %add3A_160 = arith.addi %mul3A_138, %add3A_159 : vector<16xi32>
    %gather3A_161 = tpu.vector_load_idx %arg9[%add3A_160] : memref<1024xi32, #tpu.memory_space<vmem>>[vector<16xi32>], vector<16xi32>,
    %add3A_162 = arith.addi %add3A_157, %gather3A_161 : vector<16xi32>
    %add3A_163 = arith.constant 5 : i32
    %add3A_164 = vector.broadcast %add3A_163 : i32 to vector<16xi32>
    %add3A_165 = arith.addi %mul3A_138, %add3A_164 : vector<16xi32>
    %gather3A_166 = tpu.vector_load_idx %arg9[%add3A_165] : memref<1024xi32, #tpu.memory_space<vmem>>[vector<16xi32>], vector<16xi32>,
    %add3A_167 = arith.addi %add3A_162, %gather3A_166 : vector<16xi32>
    %add3A_168 = arith.constant 6 : i32
    %add3A_169 = vector.broadcast %add3A_168 : i32 to vector<16xi32>
    %add3A_170 = arith.addi %mul3A_138, %add3A_169 : vector<16xi32>
    %gather3A_171 = tpu.vector_load_idx %arg9[%add3A_170] : memref<1024xi32, #tpu.memory_space<vmem>>[vector<16xi32>], vector<16xi32>,
    %add3A_172 = arith.addi %add3A_167, %gather3A_171 : vector<16xi32>
    %add3A_173 = arith.constant 7 : i32
    %add3A_174 = vector.broadcast %add3A_173 : i32 to vector<16xi32>
    %add3A_175 = arith.addi %mul3A_138, %add3A_174 : vector<16xi32>
    %gather3A_176 = tpu.vector_load_idx %arg9[%add3A_175] : memref<1024xi32, #tpu.memory_space<vmem>>[vector<16xi32>], vector<16xi32>,
    %add3A_177 = arith.addi %add3A_172, %gather3A_176 : vector<16xi32>
    %add3A_178 = arith.constant 8 : i32
    %add3A_179 = vector.broadcast %add3A_178 : i32 to vector<16xi32>
    %add3A_180 = arith.addi %mul3A_138, %add3A_179 : vector<16xi32>
    %gather3A_181 = tpu.vector_load_idx %arg9[%add3A_180] : memref<1024xi32, #tpu.memory_space<vmem>>[vector<16xi32>], vector<16xi32>,
    %add3A_182 = arith.addi %add3A_177, %gather3A_181 : vector<16xi32>
    %add3A_183 = arith.constant 9 : i32
    %add3A_184 = vector.broadcast %add3A_183 : i32 to vector<16xi32>
    %add3A_185 = arith.addi %mul3A_138, %add3A_184 : vector<16xi32>
    %gather3A_186 = tpu.vector_load_idx %arg9[%add3A_185] : memref<1024xi32, #tpu.memory_space<vmem>>[vector<16xi32>], vector<16xi32>,
    %add3A_187 = arith.addi %add3A_182, %gather3A_186 : vector<16xi32>
    %add3A_188 = arith.constant 10 : i32
    %add3A_189 = vector.broadcast %add3A_188 : i32 to vector<16xi32>
    %add3A_190 = arith.addi %mul3A_138, %add3A_189 : vector<16xi32>
    %gather3A_191 = tpu.vector_load_idx %arg9[%add3A_190] : memref<1024xi32, #tpu.memory_space<vmem>>[vector<16xi32>], vector<16xi32>,
    %add3A_192 = arith.addi %add3A_187, %gather3A_191 : vector<16xi32>
    %add3A_193 = arith.constant 11 : i32
    %add3A_194 = vector.broadcast %add3A_193 : i32 to vector<16xi32>
    %add3A_195 = arith.addi %mul3A_138, %add3A_194 : vector<16xi32>
    %gather3A_196 = tpu.vector_load_idx %arg9[%add3A_195] : memref<1024xi32, #tpu.memory_space<vmem>>[vector<16xi32>], vector<16xi32>,
    %add3A_197 = arith.addi %add3A_192, %gather3A_196 : vector<16xi32>
    %add3A_198 = arith.constant 12 : i32
    %add3A_199 = vector.broadcast %add3A_198 : i32 to vector<16xi32>
    %add3A_200 = arith.addi %mul3A_138, %add3A_199 : vector<16xi32>
    %gather3A_201 = tpu.vector_load_idx %arg9[%add3A_200] : memref<1024xi32, #tpu.memory_space<vmem>>[vector<16xi32>], vector<16xi32>,
    %add3A_202 = arith.addi %add3A_197, %gather3A_201 : vector<16xi32>
    %add3A_203 = arith.constant 13 : i32
    %add3A_204 = vector.broadcast %add3A_203 : i32 to vector<16xi32>
    %add3A_205 = arith.addi %mul3A_138, %add3A_204 : vector<16xi32>
    %gather3A_206 = tpu.vector_load_idx %arg9[%add3A_205] : memref<1024xi32, #tpu.memory_space<vmem>>[vector<16xi32>], vector<16xi32>,
    %add3A_207 = arith.addi %add3A_202, %gather3A_206 : vector<16xi32>
    %add3A_208 = arith.constant 14 : i32
    %add3A_209 = vector.broadcast %add3A_208 : i32 to vector<16xi32>
    %add3A_210 = arith.addi %mul3A_138, %add3A_209 : vector<16xi32>
    %gather3A_211 = tpu.vector_load_idx %arg9[%add3A_210] : memref<1024xi32, #tpu.memory_space<vmem>>[vector<16xi32>], vector<16xi32>,
    %add3A_212 = arith.addi %add3A_207, %gather3A_211 : vector<16xi32>
    %add3A_213 = arith.constant 15 : i32
    %add3A_214 = vector.broadcast %add3A_213 : i32 to vector<16xi32>
    %add3A_215 = arith.addi %mul3A_138, %add3A_214 : vector<16xi32>
    %gather3A_216 = tpu.vector_load_idx %arg9[%add3A_215] : memref<1024xi32, #tpu.memory_space<vmem>>[vector<16xi32>], vector<16xi32>,
    %add3A_217 = arith.addi %add3A_212, %gather3A_216 : vector<16xi32>
    %swap3A_218 = arith.constant 0 : index
    %swap3A_219 = tpu.vector_load %arg10[%swap3A_218] {strides = array<i32>} : memref<64xi32, #tpu.memory_space<vmem>>, vector<16xi32>,
    tpu.vector_store %arg10[%swap3A_218], %add3A_217 {strides = array<i32>} : memref<64xi32, #tpu.memory_space<vmem>>, vector<16xi32>,
    %add3A_220 = arith.constant 16 : i32
    %add3A_221 = vector.broadcast %add3A_220 : i32 to vector<16xi32>
    %add3A_222 = arith.addi %add3A_221, %iota3A : vector<16xi32>
    %mul3A_223 = arith.constant 16 : i32
    %mul3A_224 = vector.broadcast %mul3A_223 : i32 to vector<16xi32>
    %mul3A_225 = arith.muli %add3A_222, %mul3A_224 : vector<16xi32>
    %add3A_226 = arith.constant 0 : i32
    %add3A_227 = vector.broadcast %add3A_226 : i32 to vector<16xi32>
    %add3A_228 = arith.addi %mul3A_225, %add3A_227 : vector<16xi32>
    %gather3A_229 = tpu.vector_load_idx %arg9[%add3A_228] : memref<1024xi32, #tpu.memory_space<vmem>>[vector<16xi32>], vector<16xi32>,
    %add3A_230 = arith.addi %broadcast_in_dim3A_1, %gather3A_229 : vector<16xi32>
    %add3A_231 = arith.constant 1 : i32
    %add3A_232 = vector.broadcast %add3A_231 : i32 to vector<16xi32>
    %add3A_233 = arith.addi %mul3A_225, %add3A_232 : vector<16xi32>
    %gather3A_234 = tpu.vector_load_idx %arg9[%add3A_233] : memref<1024xi32, #tpu.memory_space<vmem>>[vector<16xi32>], vector<16xi32>,
    %add3A_235 = arith.addi %add3A_230, %gather3A_234 : vector<16xi32>
    %add3A_236 = arith.constant 2 : i32
    %add3A_237 = vector.broadcast %add3A_236 : i32 to vector<16xi32>
    %add3A_238 = arith.addi %mul3A_225, %add3A_237 : vector<16xi32>
    %gather3A_239 = tpu.vector_load_idx %arg9[%add3A_238] : memref<1024xi32, #tpu.memory_space<vmem>>[vector<16xi32>], vector<16xi32>,
    %add3A_240 = arith.addi %add3A_235, %gather3A_239 : vector<16xi32>
    %add3A_241 = arith.constant 3 : i32
    %add3A_242 = vector.broadcast %add3A_241 : i32 to vector<16xi32>
    %add3A_243 = arith.addi %mul3A_225, %add3A_242 : vector<16xi32>
    %gather3A_244 = tpu.vector_load_idx %arg9[%add3A_243] : memref<1024xi32, #tpu.memory_space<vmem>>[vector<16xi32>], vector<16xi32>,
    %add3A_245 = arith.addi %add3A_240, %gather3A_244 : vector<16xi32>
    %add3A_246 = arith.constant 4 : i32
    %add3A_247 = vector.broadcast %add3A_246 : i32 to vector<16xi32>
    %add3A_248 = arith.addi %mul3A_225, %add3A_247 : vector<16xi32>
    %gather3A_249 = tpu.vector_load_idx %arg9[%add3A_248] : memref<1024xi32, #tpu.memory_space<vmem>>[vector<16xi32>], vector<16xi32>,
    %add3A_250 = arith.addi %add3A_245, %gather3A_249 : vector<16xi32>
    %add3A_251 = arith.constant 5 : i32
    %add3A_252 = vector.broadcast %add3A_251 : i32 to vector<16xi32>
    %add3A_253 = arith.addi %mul3A_225, %add3A_252 : vector<16xi32>
    %gather3A_254 = tpu.vector_load_idx %arg9[%add3A_253] : memref<1024xi32, #tpu.memory_space<vmem>>[vector<16xi32>], vector<16xi32>,
    %add3A_255 = arith.addi %add3A_250, %gather3A_254 : vector<16xi32>
    %add3A_256 = arith.constant 6 : i32
    %add3A_257 = vector.broadcast %add3A_256 : i32 to vector<16xi32>
    %add3A_258 = arith.addi %mul3A_225, %add3A_257 : vector<16xi32>
    %gather3A_259 = tpu.vector_load_idx %arg9[%add3A_258] : memref<1024xi32, #tpu.memory_space<vmem>>[vector<16xi32>], vector<16xi32>,
    %add3A_260 = arith.addi %add3A_255, %gather3A_259 : vector<16xi32>
    %add3A_261 = arith.constant 7 : i32
    %add3A_262 = vector.broadcast %add3A_261 : i32 to vector<16xi32>
    %add3A_263 = arith.addi %mul3A_225, %add3A_262 : vector<16xi32>
    %gather3A_264 = tpu.vector_load_idx %arg9[%add3A_263] : memref<1024xi32, #tpu.memory_space<vmem>>[vector<16xi32>], vector<16xi32>,
    %add3A_265 = arith.addi %add3A_260, %gather3A_264 : vector<16xi32>
    %add3A_266 = arith.constant 8 : i32
    %add3A_267 = vector.broadcast %add3A_266 : i32 to vector<16xi32>
    %add3A_268 = arith.addi %mul3A_225, %add3A_267 : vector<16xi32>
    %gather3A_269 = tpu.vector_load_idx %arg9[%add3A_268] : memref<1024xi32, #tpu.memory_space<vmem>>[vector<16xi32>], vector<16xi32>,
    %add3A_270 = arith.addi %add3A_265, %gather3A_269 : vector<16xi32>
    %add3A_271 = arith.constant 9 : i32
    %add3A_272 = vector.broadcast %add3A_271 : i32 to vector<16xi32>
    %add3A_273 = arith.addi %mul3A_225, %add3A_272 : vector<16xi32>
    %gather3A_274 = tpu.vector_load_idx %arg9[%add3A_273] : memref<1024xi32, #tpu.memory_space<vmem>>[vector<16xi32>], vector<16xi32>,
    %add3A_275 = arith.addi %add3A_270, %gather3A_274 : vector<16xi32>
    %add3A_276 = arith.constant 10 : i32
    %add3A_277 = vector.broadcast %add3A_276 : i32 to vector<16xi32>
    %add3A_278 = arith.addi %mul3A_225, %add3A_277 : vector<16xi32>
    %gather3A_279 = tpu.vector_load_idx %arg9[%add3A_278] : memref<1024xi32, #tpu.memory_space<vmem>>[vector<16xi32>], vector<16xi32>,
    %add3A_280 = arith.addi %add3A_275, %gather3A_279 : vector<16xi32>
    %add3A_281 = arith.constant 11 : i32
    %add3A_282 = vector.broadcast %add3A_281 : i32 to vector<16xi32>
    %add3A_283 = arith.addi %mul3A_225, %add3A_282 : vector<16xi32>
    %gather3A_284 = tpu.vector_load_idx %arg9[%add3A_283] : memref<1024xi32, #tpu.memory_space<vmem>>[vector<16xi32>], vector<16xi32>,
    %add3A_285 = arith.addi %add3A_280, %gather3A_284 : vector<16xi32>
    %add3A_286 = arith.constant 12 : i32
    %add3A_287 = vector.broadcast %add3A_286 : i32 to vector<16xi32>
    %add3A_288 = arith.addi %mul3A_225, %add3A_287 : vector<16xi32>
    %gather3A_289 = tpu.vector_load_idx %arg9[%add3A_288] : memref<1024xi32, #tpu.memory_space<vmem>>[vector<16xi32>], vector<16xi32>,
    %add3A_290 = arith.addi %add3A_285, %gather3A_289 : vector<16xi32>
    %add3A_291 = arith.constant 13 : i32
    %add3A_292 = vector.broadcast %add3A_291 : i32 to vector<16xi32>
    %add3A_293 = arith.addi %mul3A_225, %add3A_292 : vector<16xi32>
    %gather3A_294 = tpu.vector_load_idx %arg9[%add3A_293] : memref<1024xi32, #tpu.memory_space<vmem>>[vector<16xi32>], vector<16xi32>,
    %add3A_295 = arith.addi %add3A_290, %gather3A_294 : vector<16xi32>
    %add3A_296 = arith.constant 14 : i32
    %add3A_297 = vector.broadcast %add3A_296 : i32 to vector<16xi32>
    %add3A_298 = arith.addi %mul3A_225, %add3A_297 : vector<16xi32>
    %gather3A_299 = tpu.vector_load_idx %arg9[%add3A_298] : memref<1024xi32, #tpu.memory_space<vmem>>[vector<16xi32>], vector<16xi32>,
    %add3A_300 = arith.addi %add3A_295, %gather3A_299 : vector<16xi32>
    %add3A_301 = arith.constant 15 : i32
    %add3A_302 = vector.broadcast %add3A_301 : i32 to vector<16xi32>
    %add3A_303 = arith.addi %mul3A_225, %add3A_302 : vector<16xi32>
    %gather3A_304 = tpu.vector_load_idx %arg9[%add3A_303] : memref<1024xi32, #tpu.memory_space<vmem>>[vector<16xi32>], vector<16xi32>,
    %add3A_305 = arith.addi %add3A_300, %gather3A_304 : vector<16xi32>
    %swap3A_306 = arith.constant 16 : index
    %swap3A_307 = tpu.vector_load %arg10[%swap3A_306] {strides = array<i32>} : memref<64xi32, #tpu.memory_space<vmem>>, vector<16xi32>,
    tpu.vector_store %arg10[%swap3A_306], %add3A_305 {strides = array<i32>} : memref<64xi32, #tpu.memory_space<vmem>>, vector<16xi32>,
    %add3A_308 = arith.constant 32 : i32
    %add3A_309 = vector.broadcast %add3A_308 : i32 to vector<16xi32>
    %add3A_310 = arith.addi %add3A_309, %iota3A : vector<16xi32>
    %mul3A_311 = arith.constant 16 : i32
    %mul3A_312 = vector.broadcast %mul3A_311 : i32 to vector<16xi32>
    %mul3A_313 = arith.muli %add3A_310, %mul3A_312 : vector<16xi32>
    %add3A_314 = arith.constant 0 : i32
    %add3A_315 = vector.broadcast %add3A_314 : i32 to vector<16xi32>
    %add3A_316 = arith.addi %mul3A_313, %add3A_315 : vector<16xi32>
    %gather3A_317 = tpu.vector_load_idx %arg9[%add3A_316] : memref<1024xi32, #tpu.memory_space<vmem>>[vector<16xi32>], vector<16xi32>,
    %add3A_318 = arith.addi %broadcast_in_dim3A_1, %gather3A_317 : vector<16xi32>
    %add3A_319 = arith.constant 1 : i32
    %add3A_320 = vector.broadcast %add3A_319 : i32 to vector<16xi32>
    %add3A_321 = arith.addi %mul3A_313, %add3A_320 : vector<16xi32>
    %gather3A_322 = tpu.vector_load_idx %arg9[%add3A_321] : memref<1024xi32, #tpu.memory_space<vmem>>[vector<16xi32>], vector<16xi32>,
    %add3A_323 = arith.addi %add3A_318, %gather3A_322 : vector<16xi32>
    %add3A_324 = arith.constant 2 : i32
    %add3A_325 = vector.broadcast %add3A_324 : i32 to vector<16xi32>
    %add3A_326 = arith.addi %mul3A_313, %add3A_325 : vector<16xi32>
    %gather3A_327 = tpu.vector_load_idx %arg9[%add3A_326] : memref<1024xi32, #tpu.memory_space<vmem>>[vector<16xi32>], vector<16xi32>,
    %add3A_328 = arith.addi %add3A_323, %gather3A_327 : vector<16xi32>
    %add3A_329 = arith.constant 3 : i32
    %add3A_330 = vector.broadcast %add3A_329 : i32 to vector<16xi32>
    %add3A_331 = arith.addi %mul3A_313, %add3A_330 : vector<16xi32>
    %gather3A_332 = tpu.vector_load_idx %arg9[%add3A_331] : memref<1024xi32, #tpu.memory_space<vmem>>[vector<16xi32>], vector<16xi32>,
    %add3A_333 = arith.addi %add3A_328, %gather3A_332 : vector<16xi32>
    %add3A_334 = arith.constant 4 : i32
    %add3A_335 = vector.broadcast %add3A_334 : i32 to vector<16xi32>
    %add3A_336 = arith.addi %mul3A_313, %add3A_335 : vector<16xi32>
    %gather3A_337 = tpu.vector_load_idx %arg9[%add3A_336] : memref<1024xi32, #tpu.memory_space<vmem>>[vector<16xi32>], vector<16xi32>,
    %add3A_338 = arith.addi %add3A_333, %gather3A_337 : vector<16xi32>
    %add3A_339 = arith.constant 5 : i32
    %add3A_340 = vector.broadcast %add3A_339 : i32 to vector<16xi32>
    %add3A_341 = arith.addi %mul3A_313, %add3A_340 : vector<16xi32>
    %gather3A_342 = tpu.vector_load_idx %arg9[%add3A_341] : memref<1024xi32, #tpu.memory_space<vmem>>[vector<16xi32>], vector<16xi32>,
    %add3A_343 = arith.addi %add3A_338, %gather3A_342 : vector<16xi32>
    %add3A_344 = arith.constant 6 : i32
    %add3A_345 = vector.broadcast %add3A_344 : i32 to vector<16xi32>
    %add3A_346 = arith.addi %mul3A_313, %add3A_345 : vector<16xi32>
    %gather3A_347 = tpu.vector_load_idx %arg9[%add3A_346] : memref<1024xi32, #tpu.memory_space<vmem>>[vector<16xi32>], vector<16xi32>,
    %add3A_348 = arith.addi %add3A_343, %gather3A_347 : vector<16xi32>
    %add3A_349 = arith.constant 7 : i32
    %add3A_350 = vector.broadcast %add3A_349 : i32 to vector<16xi32>
    %add3A_351 = arith.addi %mul3A_313, %add3A_350 : vector<16xi32>
    %gather3A_352 = tpu.vector_load_idx %arg9[%add3A_351] : memref<1024xi32, #tpu.memory_space<vmem>>[vector<16xi32>], vector<16xi32>,
    %add3A_353 = arith.addi %add3A_348, %gather3A_352 : vector<16xi32>
    %add3A_354 = arith.constant 8 : i32
    %add3A_355 = vector.broadcast %add3A_354 : i32 to vector<16xi32>
    %add3A_356 = arith.addi %mul3A_313, %add3A_355 : vector<16xi32>
    %gather3A_357 = tpu.vector_load_idx %arg9[%add3A_356] : memref<1024xi32, #tpu.memory_space<vmem>>[vector<16xi32>], vector<16xi32>,
    %add3A_358 = arith.addi %add3A_353, %gather3A_357 : vector<16xi32>
    %add3A_359 = arith.constant 9 : i32
    %add3A_360 = vector.broadcast %add3A_359 : i32 to vector<16xi32>
    %add3A_361 = arith.addi %mul3A_313, %add3A_360 : vector<16xi32>
    %gather3A_362 = tpu.vector_load_idx %arg9[%add3A_361] : memref<1024xi32, #tpu.memory_space<vmem>>[vector<16xi32>], vector<16xi32>,
    %add3A_363 = arith.addi %add3A_358, %gather3A_362 : vector<16xi32>
    %add3A_364 = arith.constant 10 : i32
    %add3A_365 = vector.broadcast %add3A_364 : i32 to vector<16xi32>
    %add3A_366 = arith.addi %mul3A_313, %add3A_365 : vector<16xi32>
    %gather3A_367 = tpu.vector_load_idx %arg9[%add3A_366] : memref<1024xi32, #tpu.memory_space<vmem>>[vector<16xi32>], vector<16xi32>,
    %add3A_368 = arith.addi %add3A_363, %gather3A_367 : vector<16xi32>
    %add3A_369 = arith.constant 11 : i32
    %add3A_370 = vector.broadcast %add3A_369 : i32 to vector<16xi32>
    %add3A_371 = arith.addi %mul3A_313, %add3A_370 : vector<16xi32>
    %gather3A_372 = tpu.vector_load_idx %arg9[%add3A_371] : memref<1024xi32, #tpu.memory_space<vmem>>[vector<16xi32>], vector<16xi32>,
    %add3A_373 = arith.addi %add3A_368, %gather3A_372 : vector<16xi32>
    %add3A_374 = arith.constant 12 : i32
    %add3A_375 = vector.broadcast %add3A_374 : i32 to vector<16xi32>
    %add3A_376 = arith.addi %mul3A_313, %add3A_375 : vector<16xi32>
    %gather3A_377 = tpu.vector_load_idx %arg9[%add3A_376] : memref<1024xi32, #tpu.memory_space<vmem>>[vector<16xi32>], vector<16xi32>,
    %add3A_378 = arith.addi %add3A_373, %gather3A_377 : vector<16xi32>
    %add3A_379 = arith.constant 13 : i32
    %add3A_380 = vector.broadcast %add3A_379 : i32 to vector<16xi32>
    %add3A_381 = arith.addi %mul3A_313, %add3A_380 : vector<16xi32>
    %gather3A_382 = tpu.vector_load_idx %arg9[%add3A_381] : memref<1024xi32, #tpu.memory_space<vmem>>[vector<16xi32>], vector<16xi32>,
    %add3A_383 = arith.addi %add3A_378, %gather3A_382 : vector<16xi32>
    %add3A_384 = arith.constant 14 : i32
    %add3A_385 = vector.broadcast %add3A_384 : i32 to vector<16xi32>
    %add3A_386 = arith.addi %mul3A_313, %add3A_385 : vector<16xi32>
    %gather3A_387 = tpu.vector_load_idx %arg9[%add3A_386] : memref<1024xi32, #tpu.memory_space<vmem>>[vector<16xi32>], vector<16xi32>,
    %add3A_388 = arith.addi %add3A_383, %gather3A_387 : vector<16xi32>
    %add3A_389 = arith.constant 15 : i32
    %add3A_390 = vector.broadcast %add3A_389 : i32 to vector<16xi32>
    %add3A_391 = arith.addi %mul3A_313, %add3A_390 : vector<16xi32>
    %gather3A_392 = tpu.vector_load_idx %arg9[%add3A_391] : memref<1024xi32, #tpu.memory_space<vmem>>[vector<16xi32>], vector<16xi32>,
    %add3A_393 = arith.addi %add3A_388, %gather3A_392 : vector<16xi32>
    %swap3A_394 = arith.constant 32 : index
    %swap3A_395 = tpu.vector_load %arg10[%swap3A_394] {strides = array<i32>} : memref<64xi32, #tpu.memory_space<vmem>>, vector<16xi32>,
    tpu.vector_store %arg10[%swap3A_394], %add3A_393 {strides = array<i32>} : memref<64xi32, #tpu.memory_space<vmem>>, vector<16xi32>,
    %add3A_396 = arith.constant 48 : i32
    %add3A_397 = vector.broadcast %add3A_396 : i32 to vector<16xi32>
    %add3A_398 = arith.addi %add3A_397, %iota3A : vector<16xi32>
    %mul3A_399 = arith.constant 16 : i32
    %mul3A_400 = vector.broadcast %mul3A_399 : i32 to vector<16xi32>
    %mul3A_401 = arith.muli %add3A_398, %mul3A_400 : vector<16xi32>
    %add3A_402 = arith.constant 0 : i32
    %add3A_403 = vector.broadcast %add3A_402 : i32 to vector<16xi32>
    %add3A_404 = arith.addi %mul3A_401, %add3A_403 : vector<16xi32>
    %gather3A_405 = tpu.vector_load_idx %arg9[%add3A_404] : memref<1024xi32, #tpu.memory_space<vmem>>[vector<16xi32>], vector<16xi32>,
    %add3A_406 = arith.addi %broadcast_in_dim3A_1, %gather3A_405 : vector<16xi32>
    %add3A_407 = arith.constant 1 : i32
    %add3A_408 = vector.broadcast %add3A_407 : i32 to vector<16xi32>
    %add3A_409 = arith.addi %mul3A_401, %add3A_408 : vector<16xi32>
    %gather3A_410 = tpu.vector_load_idx %arg9[%add3A_409] : memref<1024xi32, #tpu.memory_space<vmem>>[vector<16xi32>], vector<16xi32>,
    %add3A_411 = arith.addi %add3A_406, %gather3A_410 : vector<16xi32>
    %add3A_412 = arith.constant 2 : i32
    %add3A_413 = vector.broadcast %add3A_412 : i32 to vector<16xi32>
    %add3A_414 = arith.addi %mul3A_401, %add3A_413 : vector<16xi32>
    %gather3A_415 = tpu.vector_load_idx %arg9[%add3A_414] : memref<1024xi32, #tpu.memory_space<vmem>>[vector<16xi32>], vector<16xi32>,
    %add3A_416 = arith.addi %add3A_411, %gather3A_415 : vector<16xi32>
    %add3A_417 = arith.constant 3 : i32
    %add3A_418 = vector.broadcast %add3A_417 : i32 to vector<16xi32>
    %add3A_419 = arith.addi %mul3A_401, %add3A_418 : vector<16xi32>
    %gather3A_420 = tpu.vector_load_idx %arg9[%add3A_419] : memref<1024xi32, #tpu.memory_space<vmem>>[vector<16xi32>], vector<16xi32>,
    %add3A_421 = arith.addi %add3A_416, %gather3A_420 : vector<16xi32>
    %add3A_422 = arith.constant 4 : i32
    %add3A_423 = vector.broadcast %add3A_422 : i32 to vector<16xi32>
    %add3A_424 = arith.addi %mul3A_401, %add3A_423 : vector<16xi32>
    %gather3A_425 = tpu.vector_load_idx %arg9[%add3A_424] : memref<1024xi32, #tpu.memory_space<vmem>>[vector<16xi32>], vector<16xi32>,
    %add3A_426 = arith.addi %add3A_421, %gather3A_425 : vector<16xi32>
    %add3A_427 = arith.constant 5 : i32
    %add3A_428 = vector.broadcast %add3A_427 : i32 to vector<16xi32>
    %add3A_429 = arith.addi %mul3A_401, %add3A_428 : vector<16xi32>
    %gather3A_430 = tpu.vector_load_idx %arg9[%add3A_429] : memref<1024xi32, #tpu.memory_space<vmem>>[vector<16xi32>], vector<16xi32>,
    %add3A_431 = arith.addi %add3A_426, %gather3A_430 : vector<16xi32>
    %add3A_432 = arith.constant 6 : i32
    %add3A_433 = vector.broadcast %add3A_432 : i32 to vector<16xi32>
    %add3A_434 = arith.addi %mul3A_401, %add3A_433 : vector<16xi32>
    %gather3A_435 = tpu.vector_load_idx %arg9[%add3A_434] : memref<1024xi32, #tpu.memory_space<vmem>>[vector<16xi32>], vector<16xi32>,
    %add3A_436 = arith.addi %add3A_431, %gather3A_435 : vector<16xi32>
    %add3A_437 = arith.constant 7 : i32
    %add3A_438 = vector.broadcast %add3A_437 : i32 to vector<16xi32>
    %add3A_439 = arith.addi %mul3A_401, %add3A_438 : vector<16xi32>
    %gather3A_440 = tpu.vector_load_idx %arg9[%add3A_439] : memref<1024xi32, #tpu.memory_space<vmem>>[vector<16xi32>], vector<16xi32>,
    %add3A_441 = arith.addi %add3A_436, %gather3A_440 : vector<16xi32>
    %add3A_442 = arith.constant 8 : i32
    %add3A_443 = vector.broadcast %add3A_442 : i32 to vector<16xi32>
    %add3A_444 = arith.addi %mul3A_401, %add3A_443 : vector<16xi32>
    %gather3A_445 = tpu.vector_load_idx %arg9[%add3A_444] : memref<1024xi32, #tpu.memory_space<vmem>>[vector<16xi32>], vector<16xi32>,
    %add3A_446 = arith.addi %add3A_441, %gather3A_445 : vector<16xi32>
    %add3A_447 = arith.constant 9 : i32
    %add3A_448 = vector.broadcast %add3A_447 : i32 to vector<16xi32>
    %add3A_449 = arith.addi %mul3A_401, %add3A_448 : vector<16xi32>
    %gather3A_450 = tpu.vector_load_idx %arg9[%add3A_449] : memref<1024xi32, #tpu.memory_space<vmem>>[vector<16xi32>], vector<16xi32>,
    %add3A_451 = arith.addi %add3A_446, %gather3A_450 : vector<16xi32>
    %add3A_452 = arith.constant 10 : i32
    %add3A_453 = vector.broadcast %add3A_452 : i32 to vector<16xi32>
    %add3A_454 = arith.addi %mul3A_401, %add3A_453 : vector<16xi32>
    %gather3A_455 = tpu.vector_load_idx %arg9[%add3A_454] : memref<1024xi32, #tpu.memory_space<vmem>>[vector<16xi32>], vector<16xi32>,
    %add3A_456 = arith.addi %add3A_451, %gather3A_455 : vector<16xi32>
    %add3A_457 = arith.constant 11 : i32
    %add3A_458 = vector.broadcast %add3A_457 : i32 to vector<16xi32>
    %add3A_459 = arith.addi %mul3A_401, %add3A_458 : vector<16xi32>
    %gather3A_460 = tpu.vector_load_idx %arg9[%add3A_459] : memref<1024xi32, #tpu.memory_space<vmem>>[vector<16xi32>], vector<16xi32>,
    %add3A_461 = arith.addi %add3A_456, %gather3A_460 : vector<16xi32>
    %add3A_462 = arith.constant 12 : i32
    %add3A_463 = vector.broadcast %add3A_462 : i32 to vector<16xi32>
    %add3A_464 = arith.addi %mul3A_401, %add3A_463 : vector<16xi32>
    %gather3A_465 = tpu.vector_load_idx %arg9[%add3A_464] : memref<1024xi32, #tpu.memory_space<vmem>>[vector<16xi32>], vector<16xi32>,
    %add3A_466 = arith.addi %add3A_461, %gather3A_465 : vector<16xi32>
    %add3A_467 = arith.constant 13 : i32
    %add3A_468 = vector.broadcast %add3A_467 : i32 to vector<16xi32>
    %add3A_469 = arith.addi %mul3A_401, %add3A_468 : vector<16xi32>
    %gather3A_470 = tpu.vector_load_idx %arg9[%add3A_469] : memref<1024xi32, #tpu.memory_space<vmem>>[vector<16xi32>], vector<16xi32>,
    %add3A_471 = arith.addi %add3A_466, %gather3A_470 : vector<16xi32>
    %add3A_472 = arith.constant 14 : i32
    %add3A_473 = vector.broadcast %add3A_472 : i32 to vector<16xi32>
    %add3A_474 = arith.addi %mul3A_401, %add3A_473 : vector<16xi32>
    %gather3A_475 = tpu.vector_load_idx %arg9[%add3A_474] : memref<1024xi32, #tpu.memory_space<vmem>>[vector<16xi32>], vector<16xi32>,
    %add3A_476 = arith.addi %add3A_471, %gather3A_475 : vector<16xi32>
    %add3A_477 = arith.constant 15 : i32
    %add3A_478 = vector.broadcast %add3A_477 : i32 to vector<16xi32>
    %add3A_479 = arith.addi %mul3A_401, %add3A_478 : vector<16xi32>
    %gather3A_480 = tpu.vector_load_idx %arg9[%add3A_479] : memref<1024xi32, #tpu.memory_space<vmem>>[vector<16xi32>], vector<16xi32>,
    %add3A_481 = arith.addi %add3A_476, %gather3A_480 : vector<16xi32>
    %swap3A_482 = arith.constant 48 : index
    %swap3A_483 = tpu.vector_load %arg10[%swap3A_482] {strides = array<i32>} : memref<64xi32, #tpu.memory_space<vmem>>, vector<16xi32>,
    tpu.vector_store %arg10[%swap3A_482], %add3A_481 {strides = array<i32>} : memref<64xi32, #tpu.memory_space<vmem>>, vector<16xi32>,
    "tpu.region"() ({
      %run_scoped3A = tpu.sem_alloc : memref<!tpu.dma_semaphore, #tpu.memory_space<semaphore_mem>>
      %dma_start3A_2338 = arith.constant 0 : i32
      %dma_start3A_2339 = tpu.memref_slice %arg6[%arg1, %dma_start3A_2338] : memref<16x64xi32, #tpu.memory_space<hbm>> -> memref<1x64xi32, #tpu.memory_space<hbm>>
      %dma_start3A_2340 = tpu.memref_squeeze %dma_start3A_2339 : memref<1x64xi32, #tpu.memory_space<hbm>> -> memref<64xi32, #tpu.memory_space<hbm>>
      %dma_start3A_2341 = arith.constant 0 : i32
      %dma_start3A_2342 = tpu.memref_slice %arg6[%arg1, %dma_start3A_2341] : memref<16x64xi32, #tpu.memory_space<hbm>> -> memref<1x64xi32, #tpu.memory_space<hbm>>
      %dma_start3A_2343 = tpu.memref_squeeze %dma_start3A_2342 : memref<1x64xi32, #tpu.memory_space<hbm>> -> memref<64xi32, #tpu.memory_space<hbm>>
      tpu.enqueue_dma source(%arg10 : memref<64xi32, #tpu.memory_space<vmem>>) target(%dma_start3A_2343 : memref<64xi32, #tpu.memory_space<hbm>>) target_semaphore(%run_scoped3A : memref<!tpu.dma_semaphore, #tpu.memory_space<semaphore_mem>>)
      %dma_wait3A_2344 = arith.constant 0 : i32
      %dma_wait3A_2345 = tpu.memref_slice %arg6[%arg1, %dma_wait3A_2344] : memref<16x64xi32, #tpu.memory_space<hbm>> -> memref<1x64xi32, #tpu.memory_space<hbm>>
      %dma_wait3A_2346 = tpu.memref_squeeze %dma_wait3A_2345 : memref<1x64xi32, #tpu.memory_space<hbm>> -> memref<64xi32, #tpu.memory_space<hbm>>
      %dma_wait3A_2347 = arith.constant 0 : i32
      %dma_wait3A_2348 = tpu.memref_slice %arg6[%arg1, %dma_wait3A_2347] : memref<16x64xi32, #tpu.memory_space<hbm>> -> memref<1x64xi32, #tpu.memory_space<hbm>>
      %dma_wait3A_2349 = tpu.memref_squeeze %dma_wait3A_2348 : memref<1x64xi32, #tpu.memory_space<hbm>> -> memref<64xi32, #tpu.memory_space<hbm>>
      tpu.wait_dma2 semaphore(%run_scoped3A : memref<!tpu.dma_semaphore, #tpu.memory_space<semaphore_mem>>) src(%arg10 : memref<64xi32, #tpu.memory_space<vmem>>) dst(%dma_wait3A_2349 : memref<64xi32, #tpu.memory_space<hbm>>)
      tpu.yield
    }) : () -> ()
    %barrier3A = arith.constant 0 : index
    tpu.barrier barrier_id(%barrier3A)
    "tpu.region"() ({
      %run_scoped3A = tpu.sem_alloc : memref<!tpu.dma_semaphore, #tpu.memory_space<semaphore_mem>>
      tpu.enqueue_dma source(%arg6 : memref<16x64xi32, #tpu.memory_space<hbm>>) target(%arg11 : memref<16x64xi32, #tpu.memory_space<vmem>>) target_semaphore(%run_scoped3A : memref<!tpu.dma_semaphore, #tpu.memory_space<semaphore_mem>>)
      tpu.wait_dma2 semaphore(%run_scoped3A : memref<!tpu.dma_semaphore, #tpu.memory_space<semaphore_mem>>) src(%arg6 : memref<16x64xi32, #tpu.memory_space<hbm>>) dst(%arg11 : memref<16x64xi32, #tpu.memory_space<vmem>>)
      tpu.yield
    }) : () -> ()
    %get3A = arith.constant 0 : i32
    %get3A_484 = arith.index_cast %get3A : i32 to index
    %get3A_485 = arith.constant 0 : index
    %get3A_486 = tpu.vector_load %arg11[%get3A_484, %get3A_485] {strides = array<i32>} : memref<16x64xi32, #tpu.memory_space<vmem>>, vector<16xi32>,
    %add3A_487 = arith.addi %broadcast_in_dim3A_1, %get3A_486 : vector<16xi32>
    %broadcast_in_dim3A_488 = arith.constant 0 : i32
    %broadcast_in_dim3A_489 = vector.broadcast %broadcast_in_dim3A_488 : i32 to vector<16xi32>
    %lt3A = vector.broadcast %arg1 : i32 to vector<16xi32>
    %lt3A_490 = arith.cmpi slt, %broadcast_in_dim3A_489, %lt3A : vector<16xi32>
    %select_n3A = arith.select %lt3A_490, %get3A_486, %broadcast_in_dim3A_1 : vector<16xi1>, vector<16xi32>
    %add3A_491 = arith.addi %broadcast_in_dim3A_1, %select_n3A : vector<16xi32>
    %get3A_492 = arith.constant 1 : i32
    %get3A_493 = arith.index_cast %get3A_492 : i32 to index
    %get3A_494 = arith.constant 0 : index
    %get3A_495 = tpu.vector_load %arg11[%get3A_493, %get3A_494] {strides = array<i32>} : memref<16x64xi32, #tpu.memory_space<vmem>>, vector<16xi32>,
    %add3A_496 = arith.addi %add3A_487, %get3A_495 : vector<16xi32>
    %broadcast_in_dim3A_497 = arith.constant 1 : i32
    %broadcast_in_dim3A_498 = vector.broadcast %broadcast_in_dim3A_497 : i32 to vector<16xi32>
    %lt3A_499 = vector.broadcast %arg1 : i32 to vector<16xi32>
    %lt3A_500 = arith.cmpi slt, %broadcast_in_dim3A_498, %lt3A_499 : vector<16xi32>
    %select_n3A_501 = arith.select %lt3A_500, %get3A_495, %broadcast_in_dim3A_1 : vector<16xi1>, vector<16xi32>
    %add3A_502 = arith.addi %add3A_491, %select_n3A_501 : vector<16xi32>
    %get3A_503 = arith.constant 2 : i32
    %get3A_504 = arith.index_cast %get3A_503 : i32 to index
    %get3A_505 = arith.constant 0 : index
    %get3A_506 = tpu.vector_load %arg11[%get3A_504, %get3A_505] {strides = array<i32>} : memref<16x64xi32, #tpu.memory_space<vmem>>, vector<16xi32>,
    %add3A_507 = arith.addi %add3A_496, %get3A_506 : vector<16xi32>
    %broadcast_in_dim3A_508 = arith.constant 2 : i32
    %broadcast_in_dim3A_509 = vector.broadcast %broadcast_in_dim3A_508 : i32 to vector<16xi32>
    %lt3A_510 = vector.broadcast %arg1 : i32 to vector<16xi32>
    %lt3A_511 = arith.cmpi slt, %broadcast_in_dim3A_509, %lt3A_510 : vector<16xi32>
    %select_n3A_512 = arith.select %lt3A_511, %get3A_506, %broadcast_in_dim3A_1 : vector<16xi1>, vector<16xi32>
    %add3A_513 = arith.addi %add3A_502, %select_n3A_512 : vector<16xi32>
    %get3A_514 = arith.constant 3 : i32
    %get3A_515 = arith.index_cast %get3A_514 : i32 to index
    %get3A_516 = arith.constant 0 : index
    %get3A_517 = tpu.vector_load %arg11[%get3A_515, %get3A_516] {strides = array<i32>} : memref<16x64xi32, #tpu.memory_space<vmem>>, vector<16xi32>,
    %add3A_518 = arith.addi %add3A_507, %get3A_517 : vector<16xi32>
    %broadcast_in_dim3A_519 = arith.constant 3 : i32
    %broadcast_in_dim3A_520 = vector.broadcast %broadcast_in_dim3A_519 : i32 to vector<16xi32>
    %lt3A_521 = vector.broadcast %arg1 : i32 to vector<16xi32>
    %lt3A_522 = arith.cmpi slt, %broadcast_in_dim3A_520, %lt3A_521 : vector<16xi32>
    %select_n3A_523 = arith.select %lt3A_522, %get3A_517, %broadcast_in_dim3A_1 : vector<16xi1>, vector<16xi32>
    %add3A_524 = arith.addi %add3A_513, %select_n3A_523 : vector<16xi32>
    %get3A_525 = arith.constant 4 : i32
    %get3A_526 = arith.index_cast %get3A_525 : i32 to index
    %get3A_527 = arith.constant 0 : index
    %get3A_528 = tpu.vector_load %arg11[%get3A_526, %get3A_527] {strides = array<i32>} : memref<16x64xi32, #tpu.memory_space<vmem>>, vector<16xi32>,
    %add3A_529 = arith.addi %add3A_518, %get3A_528 : vector<16xi32>
    %broadcast_in_dim3A_530 = arith.constant 4 : i32
    %broadcast_in_dim3A_531 = vector.broadcast %broadcast_in_dim3A_530 : i32 to vector<16xi32>
    %lt3A_532 = vector.broadcast %arg1 : i32 to vector<16xi32>
    %lt3A_533 = arith.cmpi slt, %broadcast_in_dim3A_531, %lt3A_532 : vector<16xi32>
    %select_n3A_534 = arith.select %lt3A_533, %get3A_528, %broadcast_in_dim3A_1 : vector<16xi1>, vector<16xi32>
    %add3A_535 = arith.addi %add3A_524, %select_n3A_534 : vector<16xi32>
    %get3A_536 = arith.constant 5 : i32
    %get3A_537 = arith.index_cast %get3A_536 : i32 to index
    %get3A_538 = arith.constant 0 : index
    %get3A_539 = tpu.vector_load %arg11[%get3A_537, %get3A_538] {strides = array<i32>} : memref<16x64xi32, #tpu.memory_space<vmem>>, vector<16xi32>,
    %add3A_540 = arith.addi %add3A_529, %get3A_539 : vector<16xi32>
    %broadcast_in_dim3A_541 = arith.constant 5 : i32
    %broadcast_in_dim3A_542 = vector.broadcast %broadcast_in_dim3A_541 : i32 to vector<16xi32>
    %lt3A_543 = vector.broadcast %arg1 : i32 to vector<16xi32>
    %lt3A_544 = arith.cmpi slt, %broadcast_in_dim3A_542, %lt3A_543 : vector<16xi32>
    %select_n3A_545 = arith.select %lt3A_544, %get3A_539, %broadcast_in_dim3A_1 : vector<16xi1>, vector<16xi32>
    %add3A_546 = arith.addi %add3A_535, %select_n3A_545 : vector<16xi32>
    %get3A_547 = arith.constant 6 : i32
    %get3A_548 = arith.index_cast %get3A_547 : i32 to index
    %get3A_549 = arith.constant 0 : index
    %get3A_550 = tpu.vector_load %arg11[%get3A_548, %get3A_549] {strides = array<i32>} : memref<16x64xi32, #tpu.memory_space<vmem>>, vector<16xi32>,
    %add3A_551 = arith.addi %add3A_540, %get3A_550 : vector<16xi32>
    %broadcast_in_dim3A_552 = arith.constant 6 : i32
    %broadcast_in_dim3A_553 = vector.broadcast %broadcast_in_dim3A_552 : i32 to vector<16xi32>
    %lt3A_554 = vector.broadcast %arg1 : i32 to vector<16xi32>
    %lt3A_555 = arith.cmpi slt, %broadcast_in_dim3A_553, %lt3A_554 : vector<16xi32>
    %select_n3A_556 = arith.select %lt3A_555, %get3A_550, %broadcast_in_dim3A_1 : vector<16xi1>, vector<16xi32>
    %add3A_557 = arith.addi %add3A_546, %select_n3A_556 : vector<16xi32>
    %get3A_558 = arith.constant 7 : i32
    %get3A_559 = arith.index_cast %get3A_558 : i32 to index
    %get3A_560 = arith.constant 0 : index
    %get3A_561 = tpu.vector_load %arg11[%get3A_559, %get3A_560] {strides = array<i32>} : memref<16x64xi32, #tpu.memory_space<vmem>>, vector<16xi32>,
    %add3A_562 = arith.addi %add3A_551, %get3A_561 : vector<16xi32>
    %broadcast_in_dim3A_563 = arith.constant 7 : i32
    %broadcast_in_dim3A_564 = vector.broadcast %broadcast_in_dim3A_563 : i32 to vector<16xi32>
    %lt3A_565 = vector.broadcast %arg1 : i32 to vector<16xi32>
    %lt3A_566 = arith.cmpi slt, %broadcast_in_dim3A_564, %lt3A_565 : vector<16xi32>
    %select_n3A_567 = arith.select %lt3A_566, %get3A_561, %broadcast_in_dim3A_1 : vector<16xi1>, vector<16xi32>
    %add3A_568 = arith.addi %add3A_557, %select_n3A_567 : vector<16xi32>
    %get3A_569 = arith.constant 8 : i32
    %get3A_570 = arith.index_cast %get3A_569 : i32 to index
    %get3A_571 = arith.constant 0 : index
    %get3A_572 = tpu.vector_load %arg11[%get3A_570, %get3A_571] {strides = array<i32>} : memref<16x64xi32, #tpu.memory_space<vmem>>, vector<16xi32>,
    %add3A_573 = arith.addi %add3A_562, %get3A_572 : vector<16xi32>
    %broadcast_in_dim3A_574 = arith.constant 8 : i32
    %broadcast_in_dim3A_575 = vector.broadcast %broadcast_in_dim3A_574 : i32 to vector<16xi32>
    %lt3A_576 = vector.broadcast %arg1 : i32 to vector<16xi32>
    %lt3A_577 = arith.cmpi slt, %broadcast_in_dim3A_575, %lt3A_576 : vector<16xi32>
    %select_n3A_578 = arith.select %lt3A_577, %get3A_572, %broadcast_in_dim3A_1 : vector<16xi1>, vector<16xi32>
    %add3A_579 = arith.addi %add3A_568, %select_n3A_578 : vector<16xi32>
    %get3A_580 = arith.constant 9 : i32
    %get3A_581 = arith.index_cast %get3A_580 : i32 to index
    %get3A_582 = arith.constant 0 : index
    %get3A_583 = tpu.vector_load %arg11[%get3A_581, %get3A_582] {strides = array<i32>} : memref<16x64xi32, #tpu.memory_space<vmem>>, vector<16xi32>,
    %add3A_584 = arith.addi %add3A_573, %get3A_583 : vector<16xi32>
    %broadcast_in_dim3A_585 = arith.constant 9 : i32
    %broadcast_in_dim3A_586 = vector.broadcast %broadcast_in_dim3A_585 : i32 to vector<16xi32>
    %lt3A_587 = vector.broadcast %arg1 : i32 to vector<16xi32>
    %lt3A_588 = arith.cmpi slt, %broadcast_in_dim3A_586, %lt3A_587 : vector<16xi32>
    %select_n3A_589 = arith.select %lt3A_588, %get3A_583, %broadcast_in_dim3A_1 : vector<16xi1>, vector<16xi32>
    %add3A_590 = arith.addi %add3A_579, %select_n3A_589 : vector<16xi32>
    %get3A_591 = arith.constant 10 : i32
    %get3A_592 = arith.index_cast %get3A_591 : i32 to index
    %get3A_593 = arith.constant 0 : index
    %get3A_594 = tpu.vector_load %arg11[%get3A_592, %get3A_593] {strides = array<i32>} : memref<16x64xi32, #tpu.memory_space<vmem>>, vector<16xi32>,
    %add3A_595 = arith.addi %add3A_584, %get3A_594 : vector<16xi32>
    %broadcast_in_dim3A_596 = arith.constant 10 : i32
    %broadcast_in_dim3A_597 = vector.broadcast %broadcast_in_dim3A_596 : i32 to vector<16xi32>
    %lt3A_598 = vector.broadcast %arg1 : i32 to vector<16xi32>
    %lt3A_599 = arith.cmpi slt, %broadcast_in_dim3A_597, %lt3A_598 : vector<16xi32>
    %select_n3A_600 = arith.select %lt3A_599, %get3A_594, %broadcast_in_dim3A_1 : vector<16xi1>, vector<16xi32>
    %add3A_601 = arith.addi %add3A_590, %select_n3A_600 : vector<16xi32>
    %get3A_602 = arith.constant 11 : i32
    %get3A_603 = arith.index_cast %get3A_602 : i32 to index
    %get3A_604 = arith.constant 0 : index
    %get3A_605 = tpu.vector_load %arg11[%get3A_603, %get3A_604] {strides = array<i32>} : memref<16x64xi32, #tpu.memory_space<vmem>>, vector<16xi32>,
    %add3A_606 = arith.addi %add3A_595, %get3A_605 : vector<16xi32>
    %broadcast_in_dim3A_607 = arith.constant 11 : i32
    %broadcast_in_dim3A_608 = vector.broadcast %broadcast_in_dim3A_607 : i32 to vector<16xi32>
    %lt3A_609 = vector.broadcast %arg1 : i32 to vector<16xi32>
    %lt3A_610 = arith.cmpi slt, %broadcast_in_dim3A_608, %lt3A_609 : vector<16xi32>
    %select_n3A_611 = arith.select %lt3A_610, %get3A_605, %broadcast_in_dim3A_1 : vector<16xi1>, vector<16xi32>
    %add3A_612 = arith.addi %add3A_601, %select_n3A_611 : vector<16xi32>
    %get3A_613 = arith.constant 12 : i32
    %get3A_614 = arith.index_cast %get3A_613 : i32 to index
    %get3A_615 = arith.constant 0 : index
    %get3A_616 = tpu.vector_load %arg11[%get3A_614, %get3A_615] {strides = array<i32>} : memref<16x64xi32, #tpu.memory_space<vmem>>, vector<16xi32>,
    %add3A_617 = arith.addi %add3A_606, %get3A_616 : vector<16xi32>
    %broadcast_in_dim3A_618 = arith.constant 12 : i32
    %broadcast_in_dim3A_619 = vector.broadcast %broadcast_in_dim3A_618 : i32 to vector<16xi32>
    %lt3A_620 = vector.broadcast %arg1 : i32 to vector<16xi32>
    %lt3A_621 = arith.cmpi slt, %broadcast_in_dim3A_619, %lt3A_620 : vector<16xi32>
    %select_n3A_622 = arith.select %lt3A_621, %get3A_616, %broadcast_in_dim3A_1 : vector<16xi1>, vector<16xi32>
    %add3A_623 = arith.addi %add3A_612, %select_n3A_622 : vector<16xi32>
    %get3A_624 = arith.constant 13 : i32
    %get3A_625 = arith.index_cast %get3A_624 : i32 to index
    %get3A_626 = arith.constant 0 : index
    %get3A_627 = tpu.vector_load %arg11[%get3A_625, %get3A_626] {strides = array<i32>} : memref<16x64xi32, #tpu.memory_space<vmem>>, vector<16xi32>,
    %add3A_628 = arith.addi %add3A_617, %get3A_627 : vector<16xi32>
    %broadcast_in_dim3A_629 = arith.constant 13 : i32
    %broadcast_in_dim3A_630 = vector.broadcast %broadcast_in_dim3A_629 : i32 to vector<16xi32>
    %lt3A_631 = vector.broadcast %arg1 : i32 to vector<16xi32>
    %lt3A_632 = arith.cmpi slt, %broadcast_in_dim3A_630, %lt3A_631 : vector<16xi32>
    %select_n3A_633 = arith.select %lt3A_632, %get3A_627, %broadcast_in_dim3A_1 : vector<16xi1>, vector<16xi32>
    %add3A_634 = arith.addi %add3A_623, %select_n3A_633 : vector<16xi32>
    %get3A_635 = arith.constant 14 : i32
    %get3A_636 = arith.index_cast %get3A_635 : i32 to index
    %get3A_637 = arith.constant 0 : index
    %get3A_638 = tpu.vector_load %arg11[%get3A_636, %get3A_637] {strides = array<i32>} : memref<16x64xi32, #tpu.memory_space<vmem>>, vector<16xi32>,
    %add3A_639 = arith.addi %add3A_628, %get3A_638 : vector<16xi32>
    %broadcast_in_dim3A_640 = arith.constant 14 : i32
    %broadcast_in_dim3A_641 = vector.broadcast %broadcast_in_dim3A_640 : i32 to vector<16xi32>
    %lt3A_642 = vector.broadcast %arg1 : i32 to vector<16xi32>
    %lt3A_643 = arith.cmpi slt, %broadcast_in_dim3A_641, %lt3A_642 : vector<16xi32>
    %select_n3A_644 = arith.select %lt3A_643, %get3A_638, %broadcast_in_dim3A_1 : vector<16xi1>, vector<16xi32>
    %add3A_645 = arith.addi %add3A_634, %select_n3A_644 : vector<16xi32>
    %get3A_646 = arith.constant 15 : i32
    %get3A_647 = arith.index_cast %get3A_646 : i32 to index
    %get3A_648 = arith.constant 0 : index
    %get3A_649 = tpu.vector_load %arg11[%get3A_647, %get3A_648] {strides = array<i32>} : memref<16x64xi32, #tpu.memory_space<vmem>>, vector<16xi32>,
    %add3A_650 = arith.addi %add3A_639, %get3A_649 : vector<16xi32>
    %broadcast_in_dim3A_651 = arith.constant 15 : i32
    %broadcast_in_dim3A_652 = vector.broadcast %broadcast_in_dim3A_651 : i32 to vector<16xi32>
    %lt3A_653 = vector.broadcast %arg1 : i32 to vector<16xi32>
    %lt3A_654 = arith.cmpi slt, %broadcast_in_dim3A_652, %lt3A_653 : vector<16xi32>
    %select_n3A_655 = arith.select %lt3A_654, %get3A_649, %broadcast_in_dim3A_1 : vector<16xi1>, vector<16xi32>
    %add3A_656 = arith.addi %add3A_645, %select_n3A_655 : vector<16xi32>
    %broadcast_in_dim3A_657 = arith.constant true
    %broadcast_in_dim3A_658 = vector.broadcast %broadcast_in_dim3A_657 : i1 to vector<16xi1>
    %masked_cumsum3A = tpu.scan <sum>, %add3A_650 masked %broadcast_in_dim3A_658 : vector<16xi32>, vector<16xi1> -> vector<16xi32>
    %sub3A = arith.subi %masked_cumsum3A, %add3A_650 : vector<16xi32>
    %add3A_659 = arith.constant 0 : i32
    %add3A_660 = vector.broadcast %add3A_659 : i32 to vector<16xi32>
    %add3A_661 = arith.addi %sub3A, %add3A_660 : vector<16xi32>
    %swap3A_662 = arith.constant 0 : index
    %swap3A_663 = tpu.vector_load %arg15[%swap3A_662] {strides = array<i32>} : memref<80xi32, #tpu.memory_space<vmem>>, vector<16xi32>,
    tpu.vector_store %arg15[%swap3A_662], %add3A_661 {strides = array<i32>} : memref<80xi32, #tpu.memory_space<vmem>>, vector<16xi32>,
    %add3A_664 = arith.addi %add3A_661, %add3A_656 : vector<16xi32>
    %reduce_sum3A = arith.constant true
    %reduce_sum3A_665 = vector.broadcast %reduce_sum3A : i1 to vector<16xi1>
    %reduce_sum3A_666 = tpu.scan <sum>, %add3A_650 masked %reduce_sum3A_665 : vector<16xi32>, vector<16xi1> -> vector<16xi32>
    %reduce_sum3A_667 = vector.extract %reduce_sum3A_666[15] : i32 from vector<16xi32>
    %add3A_668 = arith.constant 0 : i32
    %add3A_669 = arith.addi %add3A_668, %reduce_sum3A_667 : i32
    %get3A_670 = arith.constant 0 : i32
    %get3A_671 = arith.index_cast %get3A_670 : i32 to index
    %get3A_672 = arith.constant 16 : index
    %get3A_673 = tpu.vector_load %arg11[%get3A_671, %get3A_672] {strides = array<i32>} : memref<16x64xi32, #tpu.memory_space<vmem>>, vector<16xi32>,
    %add3A_674 = arith.addi %broadcast_in_dim3A_1, %get3A_673 : vector<16xi32>
    %broadcast_in_dim3A_675 = arith.constant 0 : i32
    %broadcast_in_dim3A_676 = vector.broadcast %broadcast_in_dim3A_675 : i32 to vector<16xi32>
    %lt3A_677 = vector.broadcast %arg1 : i32 to vector<16xi32>
    %lt3A_678 = arith.cmpi slt, %broadcast_in_dim3A_676, %lt3A_677 : vector<16xi32>
    %select_n3A_679 = arith.select %lt3A_678, %get3A_673, %broadcast_in_dim3A_1 : vector<16xi1>, vector<16xi32>
    %add3A_680 = arith.addi %broadcast_in_dim3A_1, %select_n3A_679 : vector<16xi32>
    %get3A_681 = arith.constant 1 : i32
    %get3A_682 = arith.index_cast %get3A_681 : i32 to index
    %get3A_683 = arith.constant 16 : index
    %get3A_684 = tpu.vector_load %arg11[%get3A_682, %get3A_683] {strides = array<i32>} : memref<16x64xi32, #tpu.memory_space<vmem>>, vector<16xi32>,
    %add3A_685 = arith.addi %add3A_674, %get3A_684 : vector<16xi32>
    %broadcast_in_dim3A_686 = arith.constant 1 : i32
    %broadcast_in_dim3A_687 = vector.broadcast %broadcast_in_dim3A_686 : i32 to vector<16xi32>
    %lt3A_688 = vector.broadcast %arg1 : i32 to vector<16xi32>
    %lt3A_689 = arith.cmpi slt, %broadcast_in_dim3A_687, %lt3A_688 : vector<16xi32>
    %select_n3A_690 = arith.select %lt3A_689, %get3A_684, %broadcast_in_dim3A_1 : vector<16xi1>, vector<16xi32>
    %add3A_691 = arith.addi %add3A_680, %select_n3A_690 : vector<16xi32>
    %get3A_692 = arith.constant 2 : i32
    %get3A_693 = arith.index_cast %get3A_692 : i32 to index
    %get3A_694 = arith.constant 16 : index
    %get3A_695 = tpu.vector_load %arg11[%get3A_693, %get3A_694] {strides = array<i32>} : memref<16x64xi32, #tpu.memory_space<vmem>>, vector<16xi32>,
    %add3A_696 = arith.addi %add3A_685, %get3A_695 : vector<16xi32>
    %broadcast_in_dim3A_697 = arith.constant 2 : i32
    %broadcast_in_dim3A_698 = vector.broadcast %broadcast_in_dim3A_697 : i32 to vector<16xi32>
    %lt3A_699 = vector.broadcast %arg1 : i32 to vector<16xi32>
    %lt3A_700 = arith.cmpi slt, %broadcast_in_dim3A_698, %lt3A_699 : vector<16xi32>
    %select_n3A_701 = arith.select %lt3A_700, %get3A_695, %broadcast_in_dim3A_1 : vector<16xi1>, vector<16xi32>
    %add3A_702 = arith.addi %add3A_691, %select_n3A_701 : vector<16xi32>
    %get3A_703 = arith.constant 3 : i32
    %get3A_704 = arith.index_cast %get3A_703 : i32 to index
    %get3A_705 = arith.constant 16 : index
    %get3A_706 = tpu.vector_load %arg11[%get3A_704, %get3A_705] {strides = array<i32>} : memref<16x64xi32, #tpu.memory_space<vmem>>, vector<16xi32>,
    %add3A_707 = arith.addi %add3A_696, %get3A_706 : vector<16xi32>
    %broadcast_in_dim3A_708 = arith.constant 3 : i32
    %broadcast_in_dim3A_709 = vector.broadcast %broadcast_in_dim3A_708 : i32 to vector<16xi32>
    %lt3A_710 = vector.broadcast %arg1 : i32 to vector<16xi32>
    %lt3A_711 = arith.cmpi slt, %broadcast_in_dim3A_709, %lt3A_710 : vector<16xi32>
    %select_n3A_712 = arith.select %lt3A_711, %get3A_706, %broadcast_in_dim3A_1 : vector<16xi1>, vector<16xi32>
    %add3A_713 = arith.addi %add3A_702, %select_n3A_712 : vector<16xi32>
    %get3A_714 = arith.constant 4 : i32
    %get3A_715 = arith.index_cast %get3A_714 : i32 to index
    %get3A_716 = arith.constant 16 : index
    %get3A_717 = tpu.vector_load %arg11[%get3A_715, %get3A_716] {strides = array<i32>} : memref<16x64xi32, #tpu.memory_space<vmem>>, vector<16xi32>,
    %add3A_718 = arith.addi %add3A_707, %get3A_717 : vector<16xi32>
    %broadcast_in_dim3A_719 = arith.constant 4 : i32
    %broadcast_in_dim3A_720 = vector.broadcast %broadcast_in_dim3A_719 : i32 to vector<16xi32>
    %lt3A_721 = vector.broadcast %arg1 : i32 to vector<16xi32>
    %lt3A_722 = arith.cmpi slt, %broadcast_in_dim3A_720, %lt3A_721 : vector<16xi32>
    %select_n3A_723 = arith.select %lt3A_722, %get3A_717, %broadcast_in_dim3A_1 : vector<16xi1>, vector<16xi32>
    %add3A_724 = arith.addi %add3A_713, %select_n3A_723 : vector<16xi32>
    %get3A_725 = arith.constant 5 : i32
    %get3A_726 = arith.index_cast %get3A_725 : i32 to index
    %get3A_727 = arith.constant 16 : index
    %get3A_728 = tpu.vector_load %arg11[%get3A_726, %get3A_727] {strides = array<i32>} : memref<16x64xi32, #tpu.memory_space<vmem>>, vector<16xi32>,
    %add3A_729 = arith.addi %add3A_718, %get3A_728 : vector<16xi32>
    %broadcast_in_dim3A_730 = arith.constant 5 : i32
    %broadcast_in_dim3A_731 = vector.broadcast %broadcast_in_dim3A_730 : i32 to vector<16xi32>
    %lt3A_732 = vector.broadcast %arg1 : i32 to vector<16xi32>
    %lt3A_733 = arith.cmpi slt, %broadcast_in_dim3A_731, %lt3A_732 : vector<16xi32>
    %select_n3A_734 = arith.select %lt3A_733, %get3A_728, %broadcast_in_dim3A_1 : vector<16xi1>, vector<16xi32>
    %add3A_735 = arith.addi %add3A_724, %select_n3A_734 : vector<16xi32>
    %get3A_736 = arith.constant 6 : i32
    %get3A_737 = arith.index_cast %get3A_736 : i32 to index
    %get3A_738 = arith.constant 16 : index
    %get3A_739 = tpu.vector_load %arg11[%get3A_737, %get3A_738] {strides = array<i32>} : memref<16x64xi32, #tpu.memory_space<vmem>>, vector<16xi32>,
    %add3A_740 = arith.addi %add3A_729, %get3A_739 : vector<16xi32>
    %broadcast_in_dim3A_741 = arith.constant 6 : i32
    %broadcast_in_dim3A_742 = vector.broadcast %broadcast_in_dim3A_741 : i32 to vector<16xi32>
    %lt3A_743 = vector.broadcast %arg1 : i32 to vector<16xi32>
    %lt3A_744 = arith.cmpi slt, %broadcast_in_dim3A_742, %lt3A_743 : vector<16xi32>
    %select_n3A_745 = arith.select %lt3A_744, %get3A_739, %broadcast_in_dim3A_1 : vector<16xi1>, vector<16xi32>
    %add3A_746 = arith.addi %add3A_735, %select_n3A_745 : vector<16xi32>
    %get3A_747 = arith.constant 7 : i32
    %get3A_748 = arith.index_cast %get3A_747 : i32 to index
    %get3A_749 = arith.constant 16 : index
    %get3A_750 = tpu.vector_load %arg11[%get3A_748, %get3A_749] {strides = array<i32>} : memref<16x64xi32, #tpu.memory_space<vmem>>, vector<16xi32>,
    %add3A_751 = arith.addi %add3A_740, %get3A_750 : vector<16xi32>
    %broadcast_in_dim3A_752 = arith.constant 7 : i32
    %broadcast_in_dim3A_753 = vector.broadcast %broadcast_in_dim3A_752 : i32 to vector<16xi32>
    %lt3A_754 = vector.broadcast %arg1 : i32 to vector<16xi32>
    %lt3A_755 = arith.cmpi slt, %broadcast_in_dim3A_753, %lt3A_754 : vector<16xi32>
    %select_n3A_756 = arith.select %lt3A_755, %get3A_750, %broadcast_in_dim3A_1 : vector<16xi1>, vector<16xi32>
    %add3A_757 = arith.addi %add3A_746, %select_n3A_756 : vector<16xi32>
    %get3A_758 = arith.constant 8 : i32
    %get3A_759 = arith.index_cast %get3A_758 : i32 to index
    %get3A_760 = arith.constant 16 : index
    %get3A_761 = tpu.vector_load %arg11[%get3A_759, %get3A_760] {strides = array<i32>} : memref<16x64xi32, #tpu.memory_space<vmem>>, vector<16xi32>,
    %add3A_762 = arith.addi %add3A_751, %get3A_761 : vector<16xi32>
    %broadcast_in_dim3A_763 = arith.constant 8 : i32
    %broadcast_in_dim3A_764 = vector.broadcast %broadcast_in_dim3A_763 : i32 to vector<16xi32>
    %lt3A_765 = vector.broadcast %arg1 : i32 to vector<16xi32>
    %lt3A_766 = arith.cmpi slt, %broadcast_in_dim3A_764, %lt3A_765 : vector<16xi32>
    %select_n3A_767 = arith.select %lt3A_766, %get3A_761, %broadcast_in_dim3A_1 : vector<16xi1>, vector<16xi32>
    %add3A_768 = arith.addi %add3A_757, %select_n3A_767 : vector<16xi32>
    %get3A_769 = arith.constant 9 : i32
    %get3A_770 = arith.index_cast %get3A_769 : i32 to index
    %get3A_771 = arith.constant 16 : index
    %get3A_772 = tpu.vector_load %arg11[%get3A_770, %get3A_771] {strides = array<i32>} : memref<16x64xi32, #tpu.memory_space<vmem>>, vector<16xi32>,
    %add3A_773 = arith.addi %add3A_762, %get3A_772 : vector<16xi32>
    %broadcast_in_dim3A_774 = arith.constant 9 : i32
    %broadcast_in_dim3A_775 = vector.broadcast %broadcast_in_dim3A_774 : i32 to vector<16xi32>
    %lt3A_776 = vector.broadcast %arg1 : i32 to vector<16xi32>
    %lt3A_777 = arith.cmpi slt, %broadcast_in_dim3A_775, %lt3A_776 : vector<16xi32>
    %select_n3A_778 = arith.select %lt3A_777, %get3A_772, %broadcast_in_dim3A_1 : vector<16xi1>, vector<16xi32>
    %add3A_779 = arith.addi %add3A_768, %select_n3A_778 : vector<16xi32>
    %get3A_780 = arith.constant 10 : i32
    %get3A_781 = arith.index_cast %get3A_780 : i32 to index
    %get3A_782 = arith.constant 16 : index
    %get3A_783 = tpu.vector_load %arg11[%get3A_781, %get3A_782] {strides = array<i32>} : memref<16x64xi32, #tpu.memory_space<vmem>>, vector<16xi32>,
    %add3A_784 = arith.addi %add3A_773, %get3A_783 : vector<16xi32>
    %broadcast_in_dim3A_785 = arith.constant 10 : i32
    %broadcast_in_dim3A_786 = vector.broadcast %broadcast_in_dim3A_785 : i32 to vector<16xi32>
    %lt3A_787 = vector.broadcast %arg1 : i32 to vector<16xi32>
    %lt3A_788 = arith.cmpi slt, %broadcast_in_dim3A_786, %lt3A_787 : vector<16xi32>
    %select_n3A_789 = arith.select %lt3A_788, %get3A_783, %broadcast_in_dim3A_1 : vector<16xi1>, vector<16xi32>
    %add3A_790 = arith.addi %add3A_779, %select_n3A_789 : vector<16xi32>
    %get3A_791 = arith.constant 11 : i32
    %get3A_792 = arith.index_cast %get3A_791 : i32 to index
    %get3A_793 = arith.constant 16 : index
    %get3A_794 = tpu.vector_load %arg11[%get3A_792, %get3A_793] {strides = array<i32>} : memref<16x64xi32, #tpu.memory_space<vmem>>, vector<16xi32>,
    %add3A_795 = arith.addi %add3A_784, %get3A_794 : vector<16xi32>
    %broadcast_in_dim3A_796 = arith.constant 11 : i32
    %broadcast_in_dim3A_797 = vector.broadcast %broadcast_in_dim3A_796 : i32 to vector<16xi32>
    %lt3A_798 = vector.broadcast %arg1 : i32 to vector<16xi32>
    %lt3A_799 = arith.cmpi slt, %broadcast_in_dim3A_797, %lt3A_798 : vector<16xi32>
    %select_n3A_800 = arith.select %lt3A_799, %get3A_794, %broadcast_in_dim3A_1 : vector<16xi1>, vector<16xi32>
    %add3A_801 = arith.addi %add3A_790, %select_n3A_800 : vector<16xi32>
    %get3A_802 = arith.constant 12 : i32
    %get3A_803 = arith.index_cast %get3A_802 : i32 to index
    %get3A_804 = arith.constant 16 : index
    %get3A_805 = tpu.vector_load %arg11[%get3A_803, %get3A_804] {strides = array<i32>} : memref<16x64xi32, #tpu.memory_space<vmem>>, vector<16xi32>,
    %add3A_806 = arith.addi %add3A_795, %get3A_805 : vector<16xi32>
    %broadcast_in_dim3A_807 = arith.constant 12 : i32
    %broadcast_in_dim3A_808 = vector.broadcast %broadcast_in_dim3A_807 : i32 to vector<16xi32>
    %lt3A_809 = vector.broadcast %arg1 : i32 to vector<16xi32>
    %lt3A_810 = arith.cmpi slt, %broadcast_in_dim3A_808, %lt3A_809 : vector<16xi32>
    %select_n3A_811 = arith.select %lt3A_810, %get3A_805, %broadcast_in_dim3A_1 : vector<16xi1>, vector<16xi32>
    %add3A_812 = arith.addi %add3A_801, %select_n3A_811 : vector<16xi32>
    %get3A_813 = arith.constant 13 : i32
    %get3A_814 = arith.index_cast %get3A_813 : i32 to index
    %get3A_815 = arith.constant 16 : index
    %get3A_816 = tpu.vector_load %arg11[%get3A_814, %get3A_815] {strides = array<i32>} : memref<16x64xi32, #tpu.memory_space<vmem>>, vector<16xi32>,
    %add3A_817 = arith.addi %add3A_806, %get3A_816 : vector<16xi32>
    %broadcast_in_dim3A_818 = arith.constant 13 : i32
    %broadcast_in_dim3A_819 = vector.broadcast %broadcast_in_dim3A_818 : i32 to vector<16xi32>
    %lt3A_820 = vector.broadcast %arg1 : i32 to vector<16xi32>
    %lt3A_821 = arith.cmpi slt, %broadcast_in_dim3A_819, %lt3A_820 : vector<16xi32>
    %select_n3A_822 = arith.select %lt3A_821, %get3A_816, %broadcast_in_dim3A_1 : vector<16xi1>, vector<16xi32>
    %add3A_823 = arith.addi %add3A_812, %select_n3A_822 : vector<16xi32>
    %get3A_824 = arith.constant 14 : i32
    %get3A_825 = arith.index_cast %get3A_824 : i32 to index
    %get3A_826 = arith.constant 16 : index
    %get3A_827 = tpu.vector_load %arg11[%get3A_825, %get3A_826] {strides = array<i32>} : memref<16x64xi32, #tpu.memory_space<vmem>>, vector<16xi32>,
    %add3A_828 = arith.addi %add3A_817, %get3A_827 : vector<16xi32>
    %broadcast_in_dim3A_829 = arith.constant 14 : i32
    %broadcast_in_dim3A_830 = vector.broadcast %broadcast_in_dim3A_829 : i32 to vector<16xi32>
    %lt3A_831 = vector.broadcast %arg1 : i32 to vector<16xi32>
    %lt3A_832 = arith.cmpi slt, %broadcast_in_dim3A_830, %lt3A_831 : vector<16xi32>
    %select_n3A_833 = arith.select %lt3A_832, %get3A_827, %broadcast_in_dim3A_1 : vector<16xi1>, vector<16xi32>
    %add3A_834 = arith.addi %add3A_823, %select_n3A_833 : vector<16xi32>
    %get3A_835 = arith.constant 15 : i32
    %get3A_836 = arith.index_cast %get3A_835 : i32 to index
    %get3A_837 = arith.constant 16 : index
    %get3A_838 = tpu.vector_load %arg11[%get3A_836, %get3A_837] {strides = array<i32>} : memref<16x64xi32, #tpu.memory_space<vmem>>, vector<16xi32>,
    %add3A_839 = arith.addi %add3A_828, %get3A_838 : vector<16xi32>
    %broadcast_in_dim3A_840 = arith.constant 15 : i32
    %broadcast_in_dim3A_841 = vector.broadcast %broadcast_in_dim3A_840 : i32 to vector<16xi32>
    %lt3A_842 = vector.broadcast %arg1 : i32 to vector<16xi32>
    %lt3A_843 = arith.cmpi slt, %broadcast_in_dim3A_841, %lt3A_842 : vector<16xi32>
    %select_n3A_844 = arith.select %lt3A_843, %get3A_838, %broadcast_in_dim3A_1 : vector<16xi1>, vector<16xi32>
    %add3A_845 = arith.addi %add3A_834, %select_n3A_844 : vector<16xi32>
    %broadcast_in_dim3A_846 = arith.constant true
    %broadcast_in_dim3A_847 = vector.broadcast %broadcast_in_dim3A_846 : i1 to vector<16xi1>
    %masked_cumsum3A_848 = tpu.scan <sum>, %add3A_839 masked %broadcast_in_dim3A_847 : vector<16xi32>, vector<16xi1> -> vector<16xi32>
    %sub3A_849 = arith.subi %masked_cumsum3A_848, %add3A_839 : vector<16xi32>
    %add3A_850 = vector.broadcast %add3A_669 : i32 to vector<16xi32>
    %add3A_851 = arith.addi %sub3A_849, %add3A_850 : vector<16xi32>
    %swap3A_852 = arith.constant 16 : index
    %swap3A_853 = tpu.vector_load %arg15[%swap3A_852] {strides = array<i32>} : memref<80xi32, #tpu.memory_space<vmem>>, vector<16xi32>,
    tpu.vector_store %arg15[%swap3A_852], %add3A_851 {strides = array<i32>} : memref<80xi32, #tpu.memory_space<vmem>>, vector<16xi32>,
    %add3A_854 = arith.addi %add3A_851, %add3A_845 : vector<16xi32>
    %reduce_sum3A_855 = arith.constant true
    %reduce_sum3A_856 = vector.broadcast %reduce_sum3A_855 : i1 to vector<16xi1>
    %reduce_sum3A_857 = tpu.scan <sum>, %add3A_839 masked %reduce_sum3A_856 : vector<16xi32>, vector<16xi1> -> vector<16xi32>
    %reduce_sum3A_858 = vector.extract %reduce_sum3A_857[15] : i32 from vector<16xi32>
    %add3A_859 = arith.addi %add3A_669, %reduce_sum3A_858 : i32
    %get3A_860 = arith.constant 0 : i32
    %get3A_861 = arith.index_cast %get3A_860 : i32 to index
    %get3A_862 = arith.constant 32 : index
    %get3A_863 = tpu.vector_load %arg11[%get3A_861, %get3A_862] {strides = array<i32>} : memref<16x64xi32, #tpu.memory_space<vmem>>, vector<16xi32>,
    %add3A_864 = arith.addi %broadcast_in_dim3A_1, %get3A_863 : vector<16xi32>
    %broadcast_in_dim3A_865 = arith.constant 0 : i32
    %broadcast_in_dim3A_866 = vector.broadcast %broadcast_in_dim3A_865 : i32 to vector<16xi32>
    %lt3A_867 = vector.broadcast %arg1 : i32 to vector<16xi32>
    %lt3A_868 = arith.cmpi slt, %broadcast_in_dim3A_866, %lt3A_867 : vector<16xi32>
    %select_n3A_869 = arith.select %lt3A_868, %get3A_863, %broadcast_in_dim3A_1 : vector<16xi1>, vector<16xi32>
    %add3A_870 = arith.addi %broadcast_in_dim3A_1, %select_n3A_869 : vector<16xi32>
    %get3A_871 = arith.constant 1 : i32
    %get3A_872 = arith.index_cast %get3A_871 : i32 to index
    %get3A_873 = arith.constant 32 : index
    %get3A_874 = tpu.vector_load %arg11[%get3A_872, %get3A_873] {strides = array<i32>} : memref<16x64xi32, #tpu.memory_space<vmem>>, vector<16xi32>,
    %add3A_875 = arith.addi %add3A_864, %get3A_874 : vector<16xi32>
    %broadcast_in_dim3A_876 = arith.constant 1 : i32
    %broadcast_in_dim3A_877 = vector.broadcast %broadcast_in_dim3A_876 : i32 to vector<16xi32>
    %lt3A_878 = vector.broadcast %arg1 : i32 to vector<16xi32>
    %lt3A_879 = arith.cmpi slt, %broadcast_in_dim3A_877, %lt3A_878 : vector<16xi32>
    %select_n3A_880 = arith.select %lt3A_879, %get3A_874, %broadcast_in_dim3A_1 : vector<16xi1>, vector<16xi32>
    %add3A_881 = arith.addi %add3A_870, %select_n3A_880 : vector<16xi32>
    %get3A_882 = arith.constant 2 : i32
    %get3A_883 = arith.index_cast %get3A_882 : i32 to index
    %get3A_884 = arith.constant 32 : index
    %get3A_885 = tpu.vector_load %arg11[%get3A_883, %get3A_884] {strides = array<i32>} : memref<16x64xi32, #tpu.memory_space<vmem>>, vector<16xi32>,
    %add3A_886 = arith.addi %add3A_875, %get3A_885 : vector<16xi32>
    %broadcast_in_dim3A_887 = arith.constant 2 : i32
    %broadcast_in_dim3A_888 = vector.broadcast %broadcast_in_dim3A_887 : i32 to vector<16xi32>
    %lt3A_889 = vector.broadcast %arg1 : i32 to vector<16xi32>
    %lt3A_890 = arith.cmpi slt, %broadcast_in_dim3A_888, %lt3A_889 : vector<16xi32>
    %select_n3A_891 = arith.select %lt3A_890, %get3A_885, %broadcast_in_dim3A_1 : vector<16xi1>, vector<16xi32>
    %add3A_892 = arith.addi %add3A_881, %select_n3A_891 : vector<16xi32>
    %get3A_893 = arith.constant 3 : i32
    %get3A_894 = arith.index_cast %get3A_893 : i32 to index
    %get3A_895 = arith.constant 32 : index
    %get3A_896 = tpu.vector_load %arg11[%get3A_894, %get3A_895] {strides = array<i32>} : memref<16x64xi32, #tpu.memory_space<vmem>>, vector<16xi32>,
    %add3A_897 = arith.addi %add3A_886, %get3A_896 : vector<16xi32>
    %broadcast_in_dim3A_898 = arith.constant 3 : i32
    %broadcast_in_dim3A_899 = vector.broadcast %broadcast_in_dim3A_898 : i32 to vector<16xi32>
    %lt3A_900 = vector.broadcast %arg1 : i32 to vector<16xi32>
    %lt3A_901 = arith.cmpi slt, %broadcast_in_dim3A_899, %lt3A_900 : vector<16xi32>
    %select_n3A_902 = arith.select %lt3A_901, %get3A_896, %broadcast_in_dim3A_1 : vector<16xi1>, vector<16xi32>
    %add3A_903 = arith.addi %add3A_892, %select_n3A_902 : vector<16xi32>
    %get3A_904 = arith.constant 4 : i32
    %get3A_905 = arith.index_cast %get3A_904 : i32 to index
    %get3A_906 = arith.constant 32 : index
    %get3A_907 = tpu.vector_load %arg11[%get3A_905, %get3A_906] {strides = array<i32>} : memref<16x64xi32, #tpu.memory_space<vmem>>, vector<16xi32>,
    %add3A_908 = arith.addi %add3A_897, %get3A_907 : vector<16xi32>
    %broadcast_in_dim3A_909 = arith.constant 4 : i32
    %broadcast_in_dim3A_910 = vector.broadcast %broadcast_in_dim3A_909 : i32 to vector<16xi32>
    %lt3A_911 = vector.broadcast %arg1 : i32 to vector<16xi32>
    %lt3A_912 = arith.cmpi slt, %broadcast_in_dim3A_910, %lt3A_911 : vector<16xi32>
    %select_n3A_913 = arith.select %lt3A_912, %get3A_907, %broadcast_in_dim3A_1 : vector<16xi1>, vector<16xi32>
    %add3A_914 = arith.addi %add3A_903, %select_n3A_913 : vector<16xi32>
    %get3A_915 = arith.constant 5 : i32
    %get3A_916 = arith.index_cast %get3A_915 : i32 to index
    %get3A_917 = arith.constant 32 : index
    %get3A_918 = tpu.vector_load %arg11[%get3A_916, %get3A_917] {strides = array<i32>} : memref<16x64xi32, #tpu.memory_space<vmem>>, vector<16xi32>,
    %add3A_919 = arith.addi %add3A_908, %get3A_918 : vector<16xi32>
    %broadcast_in_dim3A_920 = arith.constant 5 : i32
    %broadcast_in_dim3A_921 = vector.broadcast %broadcast_in_dim3A_920 : i32 to vector<16xi32>
    %lt3A_922 = vector.broadcast %arg1 : i32 to vector<16xi32>
    %lt3A_923 = arith.cmpi slt, %broadcast_in_dim3A_921, %lt3A_922 : vector<16xi32>
    %select_n3A_924 = arith.select %lt3A_923, %get3A_918, %broadcast_in_dim3A_1 : vector<16xi1>, vector<16xi32>
    %add3A_925 = arith.addi %add3A_914, %select_n3A_924 : vector<16xi32>
    %get3A_926 = arith.constant 6 : i32
    %get3A_927 = arith.index_cast %get3A_926 : i32 to index
    %get3A_928 = arith.constant 32 : index
    %get3A_929 = tpu.vector_load %arg11[%get3A_927, %get3A_928] {strides = array<i32>} : memref<16x64xi32, #tpu.memory_space<vmem>>, vector<16xi32>,
    %add3A_930 = arith.addi %add3A_919, %get3A_929 : vector<16xi32>
    %broadcast_in_dim3A_931 = arith.constant 6 : i32
    %broadcast_in_dim3A_932 = vector.broadcast %broadcast_in_dim3A_931 : i32 to vector<16xi32>
    %lt3A_933 = vector.broadcast %arg1 : i32 to vector<16xi32>
    %lt3A_934 = arith.cmpi slt, %broadcast_in_dim3A_932, %lt3A_933 : vector<16xi32>
    %select_n3A_935 = arith.select %lt3A_934, %get3A_929, %broadcast_in_dim3A_1 : vector<16xi1>, vector<16xi32>
    %add3A_936 = arith.addi %add3A_925, %select_n3A_935 : vector<16xi32>
    %get3A_937 = arith.constant 7 : i32
    %get3A_938 = arith.index_cast %get3A_937 : i32 to index
    %get3A_939 = arith.constant 32 : index
    %get3A_940 = tpu.vector_load %arg11[%get3A_938, %get3A_939] {strides = array<i32>} : memref<16x64xi32, #tpu.memory_space<vmem>>, vector<16xi32>,
    %add3A_941 = arith.addi %add3A_930, %get3A_940 : vector<16xi32>
    %broadcast_in_dim3A_942 = arith.constant 7 : i32
    %broadcast_in_dim3A_943 = vector.broadcast %broadcast_in_dim3A_942 : i32 to vector<16xi32>
    %lt3A_944 = vector.broadcast %arg1 : i32 to vector<16xi32>
    %lt3A_945 = arith.cmpi slt, %broadcast_in_dim3A_943, %lt3A_944 : vector<16xi32>
    %select_n3A_946 = arith.select %lt3A_945, %get3A_940, %broadcast_in_dim3A_1 : vector<16xi1>, vector<16xi32>
    %add3A_947 = arith.addi %add3A_936, %select_n3A_946 : vector<16xi32>
    %get3A_948 = arith.constant 8 : i32
    %get3A_949 = arith.index_cast %get3A_948 : i32 to index
    %get3A_950 = arith.constant 32 : index
    %get3A_951 = tpu.vector_load %arg11[%get3A_949, %get3A_950] {strides = array<i32>} : memref<16x64xi32, #tpu.memory_space<vmem>>, vector<16xi32>,
    %add3A_952 = arith.addi %add3A_941, %get3A_951 : vector<16xi32>
    %broadcast_in_dim3A_953 = arith.constant 8 : i32
    %broadcast_in_dim3A_954 = vector.broadcast %broadcast_in_dim3A_953 : i32 to vector<16xi32>
    %lt3A_955 = vector.broadcast %arg1 : i32 to vector<16xi32>
    %lt3A_956 = arith.cmpi slt, %broadcast_in_dim3A_954, %lt3A_955 : vector<16xi32>
    %select_n3A_957 = arith.select %lt3A_956, %get3A_951, %broadcast_in_dim3A_1 : vector<16xi1>, vector<16xi32>
    %add3A_958 = arith.addi %add3A_947, %select_n3A_957 : vector<16xi32>
    %get3A_959 = arith.constant 9 : i32
    %get3A_960 = arith.index_cast %get3A_959 : i32 to index
    %get3A_961 = arith.constant 32 : index
    %get3A_962 = tpu.vector_load %arg11[%get3A_960, %get3A_961] {strides = array<i32>} : memref<16x64xi32, #tpu.memory_space<vmem>>, vector<16xi32>,
    %add3A_963 = arith.addi %add3A_952, %get3A_962 : vector<16xi32>
    %broadcast_in_dim3A_964 = arith.constant 9 : i32
    %broadcast_in_dim3A_965 = vector.broadcast %broadcast_in_dim3A_964 : i32 to vector<16xi32>
    %lt3A_966 = vector.broadcast %arg1 : i32 to vector<16xi32>
    %lt3A_967 = arith.cmpi slt, %broadcast_in_dim3A_965, %lt3A_966 : vector<16xi32>
    %select_n3A_968 = arith.select %lt3A_967, %get3A_962, %broadcast_in_dim3A_1 : vector<16xi1>, vector<16xi32>
    %add3A_969 = arith.addi %add3A_958, %select_n3A_968 : vector<16xi32>
    %get3A_970 = arith.constant 10 : i32
    %get3A_971 = arith.index_cast %get3A_970 : i32 to index
    %get3A_972 = arith.constant 32 : index
    %get3A_973 = tpu.vector_load %arg11[%get3A_971, %get3A_972] {strides = array<i32>} : memref<16x64xi32, #tpu.memory_space<vmem>>, vector<16xi32>,
    %add3A_974 = arith.addi %add3A_963, %get3A_973 : vector<16xi32>
    %broadcast_in_dim3A_975 = arith.constant 10 : i32
    %broadcast_in_dim3A_976 = vector.broadcast %broadcast_in_dim3A_975 : i32 to vector<16xi32>
    %lt3A_977 = vector.broadcast %arg1 : i32 to vector<16xi32>
    %lt3A_978 = arith.cmpi slt, %broadcast_in_dim3A_976, %lt3A_977 : vector<16xi32>
    %select_n3A_979 = arith.select %lt3A_978, %get3A_973, %broadcast_in_dim3A_1 : vector<16xi1>, vector<16xi32>
    %add3A_980 = arith.addi %add3A_969, %select_n3A_979 : vector<16xi32>
    %get3A_981 = arith.constant 11 : i32
    %get3A_982 = arith.index_cast %get3A_981 : i32 to index
    %get3A_983 = arith.constant 32 : index
    %get3A_984 = tpu.vector_load %arg11[%get3A_982, %get3A_983] {strides = array<i32>} : memref<16x64xi32, #tpu.memory_space<vmem>>, vector<16xi32>,
    %add3A_985 = arith.addi %add3A_974, %get3A_984 : vector<16xi32>
    %broadcast_in_dim3A_986 = arith.constant 11 : i32
    %broadcast_in_dim3A_987 = vector.broadcast %broadcast_in_dim3A_986 : i32 to vector<16xi32>
    %lt3A_988 = vector.broadcast %arg1 : i32 to vector<16xi32>
    %lt3A_989 = arith.cmpi slt, %broadcast_in_dim3A_987, %lt3A_988 : vector<16xi32>
    %select_n3A_990 = arith.select %lt3A_989, %get3A_984, %broadcast_in_dim3A_1 : vector<16xi1>, vector<16xi32>
    %add3A_991 = arith.addi %add3A_980, %select_n3A_990 : vector<16xi32>
    %get3A_992 = arith.constant 12 : i32
    %get3A_993 = arith.index_cast %get3A_992 : i32 to index
    %get3A_994 = arith.constant 32 : index
    %get3A_995 = tpu.vector_load %arg11[%get3A_993, %get3A_994] {strides = array<i32>} : memref<16x64xi32, #tpu.memory_space<vmem>>, vector<16xi32>,
    %add3A_996 = arith.addi %add3A_985, %get3A_995 : vector<16xi32>
    %broadcast_in_dim3A_997 = arith.constant 12 : i32
    %broadcast_in_dim3A_998 = vector.broadcast %broadcast_in_dim3A_997 : i32 to vector<16xi32>
    %lt3A_999 = vector.broadcast %arg1 : i32 to vector<16xi32>
    %lt3A_1000 = arith.cmpi slt, %broadcast_in_dim3A_998, %lt3A_999 : vector<16xi32>
    %select_n3A_1001 = arith.select %lt3A_1000, %get3A_995, %broadcast_in_dim3A_1 : vector<16xi1>, vector<16xi32>
    %add3A_1002 = arith.addi %add3A_991, %select_n3A_1001 : vector<16xi32>
    %get3A_1003 = arith.constant 13 : i32
    %get3A_1004 = arith.index_cast %get3A_1003 : i32 to index
    %get3A_1005 = arith.constant 32 : index
    %get3A_1006 = tpu.vector_load %arg11[%get3A_1004, %get3A_1005] {strides = array<i32>} : memref<16x64xi32, #tpu.memory_space<vmem>>, vector<16xi32>,
    %add3A_1007 = arith.addi %add3A_996, %get3A_1006 : vector<16xi32>
    %broadcast_in_dim3A_1008 = arith.constant 13 : i32
    %broadcast_in_dim3A_1009 = vector.broadcast %broadcast_in_dim3A_1008 : i32 to vector<16xi32>
    %lt3A_1010 = vector.broadcast %arg1 : i32 to vector<16xi32>
    %lt3A_1011 = arith.cmpi slt, %broadcast_in_dim3A_1009, %lt3A_1010 : vector<16xi32>
    %select_n3A_1012 = arith.select %lt3A_1011, %get3A_1006, %broadcast_in_dim3A_1 : vector<16xi1>, vector<16xi32>
    %add3A_1013 = arith.addi %add3A_1002, %select_n3A_1012 : vector<16xi32>
    %get3A_1014 = arith.constant 14 : i32
    %get3A_1015 = arith.index_cast %get3A_1014 : i32 to index
    %get3A_1016 = arith.constant 32 : index
    %get3A_1017 = tpu.vector_load %arg11[%get3A_1015, %get3A_1016] {strides = array<i32>} : memref<16x64xi32, #tpu.memory_space<vmem>>, vector<16xi32>,
    %add3A_1018 = arith.addi %add3A_1007, %get3A_1017 : vector<16xi32>
    %broadcast_in_dim3A_1019 = arith.constant 14 : i32
    %broadcast_in_dim3A_1020 = vector.broadcast %broadcast_in_dim3A_1019 : i32 to vector<16xi32>
    %lt3A_1021 = vector.broadcast %arg1 : i32 to vector<16xi32>
    %lt3A_1022 = arith.cmpi slt, %broadcast_in_dim3A_1020, %lt3A_1021 : vector<16xi32>
    %select_n3A_1023 = arith.select %lt3A_1022, %get3A_1017, %broadcast_in_dim3A_1 : vector<16xi1>, vector<16xi32>
    %add3A_1024 = arith.addi %add3A_1013, %select_n3A_1023 : vector<16xi32>
    %get3A_1025 = arith.constant 15 : i32
    %get3A_1026 = arith.index_cast %get3A_1025 : i32 to index
    %get3A_1027 = arith.constant 32 : index
    %get3A_1028 = tpu.vector_load %arg11[%get3A_1026, %get3A_1027] {strides = array<i32>} : memref<16x64xi32, #tpu.memory_space<vmem>>, vector<16xi32>,
    %add3A_1029 = arith.addi %add3A_1018, %get3A_1028 : vector<16xi32>
    %broadcast_in_dim3A_1030 = arith.constant 15 : i32
    %broadcast_in_dim3A_1031 = vector.broadcast %broadcast_in_dim3A_1030 : i32 to vector<16xi32>
    %lt3A_1032 = vector.broadcast %arg1 : i32 to vector<16xi32>
    %lt3A_1033 = arith.cmpi slt, %broadcast_in_dim3A_1031, %lt3A_1032 : vector<16xi32>
    %select_n3A_1034 = arith.select %lt3A_1033, %get3A_1028, %broadcast_in_dim3A_1 : vector<16xi1>, vector<16xi32>
    %add3A_1035 = arith.addi %add3A_1024, %select_n3A_1034 : vector<16xi32>
    %broadcast_in_dim3A_1036 = arith.constant true
    %broadcast_in_dim3A_1037 = vector.broadcast %broadcast_in_dim3A_1036 : i1 to vector<16xi1>
    %masked_cumsum3A_1038 = tpu.scan <sum>, %add3A_1029 masked %broadcast_in_dim3A_1037 : vector<16xi32>, vector<16xi1> -> vector<16xi32>
    %sub3A_1039 = arith.subi %masked_cumsum3A_1038, %add3A_1029 : vector<16xi32>
    %add3A_1040 = vector.broadcast %add3A_859 : i32 to vector<16xi32>
    %add3A_1041 = arith.addi %sub3A_1039, %add3A_1040 : vector<16xi32>
    %swap3A_1042 = arith.constant 32 : index
    %swap3A_1043 = tpu.vector_load %arg15[%swap3A_1042] {strides = array<i32>} : memref<80xi32, #tpu.memory_space<vmem>>, vector<16xi32>,
    tpu.vector_store %arg15[%swap3A_1042], %add3A_1041 {strides = array<i32>} : memref<80xi32, #tpu.memory_space<vmem>>, vector<16xi32>,
    %add3A_1044 = arith.addi %add3A_1041, %add3A_1035 : vector<16xi32>
    %reduce_sum3A_1045 = arith.constant true
    %reduce_sum3A_1046 = vector.broadcast %reduce_sum3A_1045 : i1 to vector<16xi1>
    %reduce_sum3A_1047 = tpu.scan <sum>, %add3A_1029 masked %reduce_sum3A_1046 : vector<16xi32>, vector<16xi1> -> vector<16xi32>
    %reduce_sum3A_1048 = vector.extract %reduce_sum3A_1047[15] : i32 from vector<16xi32>
    %add3A_1049 = arith.addi %add3A_859, %reduce_sum3A_1048 : i32
    %get3A_1050 = arith.constant 0 : i32
    %get3A_1051 = arith.index_cast %get3A_1050 : i32 to index
    %get3A_1052 = arith.constant 48 : index
    %get3A_1053 = tpu.vector_load %arg11[%get3A_1051, %get3A_1052] {strides = array<i32>} : memref<16x64xi32, #tpu.memory_space<vmem>>, vector<16xi32>,
    %add3A_1054 = arith.addi %broadcast_in_dim3A_1, %get3A_1053 : vector<16xi32>
    %broadcast_in_dim3A_1055 = arith.constant 0 : i32
    %broadcast_in_dim3A_1056 = vector.broadcast %broadcast_in_dim3A_1055 : i32 to vector<16xi32>
    %lt3A_1057 = vector.broadcast %arg1 : i32 to vector<16xi32>
    %lt3A_1058 = arith.cmpi slt, %broadcast_in_dim3A_1056, %lt3A_1057 : vector<16xi32>
    %select_n3A_1059 = arith.select %lt3A_1058, %get3A_1053, %broadcast_in_dim3A_1 : vector<16xi1>, vector<16xi32>
    %add3A_1060 = arith.addi %broadcast_in_dim3A_1, %select_n3A_1059 : vector<16xi32>
    %get3A_1061 = arith.constant 1 : i32
    %get3A_1062 = arith.index_cast %get3A_1061 : i32 to index
    %get3A_1063 = arith.constant 48 : index
    %get3A_1064 = tpu.vector_load %arg11[%get3A_1062, %get3A_1063] {strides = array<i32>} : memref<16x64xi32, #tpu.memory_space<vmem>>, vector<16xi32>,
    %add3A_1065 = arith.addi %add3A_1054, %get3A_1064 : vector<16xi32>
    %broadcast_in_dim3A_1066 = arith.constant 1 : i32
    %broadcast_in_dim3A_1067 = vector.broadcast %broadcast_in_dim3A_1066 : i32 to vector<16xi32>
    %lt3A_1068 = vector.broadcast %arg1 : i32 to vector<16xi32>
    %lt3A_1069 = arith.cmpi slt, %broadcast_in_dim3A_1067, %lt3A_1068 : vector<16xi32>
    %select_n3A_1070 = arith.select %lt3A_1069, %get3A_1064, %broadcast_in_dim3A_1 : vector<16xi1>, vector<16xi32>
    %add3A_1071 = arith.addi %add3A_1060, %select_n3A_1070 : vector<16xi32>
    %get3A_1072 = arith.constant 2 : i32
    %get3A_1073 = arith.index_cast %get3A_1072 : i32 to index
    %get3A_1074 = arith.constant 48 : index
    %get3A_1075 = tpu.vector_load %arg11[%get3A_1073, %get3A_1074] {strides = array<i32>} : memref<16x64xi32, #tpu.memory_space<vmem>>, vector<16xi32>,
    %add3A_1076 = arith.addi %add3A_1065, %get3A_1075 : vector<16xi32>
    %broadcast_in_dim3A_1077 = arith.constant 2 : i32
    %broadcast_in_dim3A_1078 = vector.broadcast %broadcast_in_dim3A_1077 : i32 to vector<16xi32>
    %lt3A_1079 = vector.broadcast %arg1 : i32 to vector<16xi32>
    %lt3A_1080 = arith.cmpi slt, %broadcast_in_dim3A_1078, %lt3A_1079 : vector<16xi32>
    %select_n3A_1081 = arith.select %lt3A_1080, %get3A_1075, %broadcast_in_dim3A_1 : vector<16xi1>, vector<16xi32>
    %add3A_1082 = arith.addi %add3A_1071, %select_n3A_1081 : vector<16xi32>
    %get3A_1083 = arith.constant 3 : i32
    %get3A_1084 = arith.index_cast %get3A_1083 : i32 to index
    %get3A_1085 = arith.constant 48 : index
    %get3A_1086 = tpu.vector_load %arg11[%get3A_1084, %get3A_1085] {strides = array<i32>} : memref<16x64xi32, #tpu.memory_space<vmem>>, vector<16xi32>,
    %add3A_1087 = arith.addi %add3A_1076, %get3A_1086 : vector<16xi32>
    %broadcast_in_dim3A_1088 = arith.constant 3 : i32
    %broadcast_in_dim3A_1089 = vector.broadcast %broadcast_in_dim3A_1088 : i32 to vector<16xi32>
    %lt3A_1090 = vector.broadcast %arg1 : i32 to vector<16xi32>
    %lt3A_1091 = arith.cmpi slt, %broadcast_in_dim3A_1089, %lt3A_1090 : vector<16xi32>
    %select_n3A_1092 = arith.select %lt3A_1091, %get3A_1086, %broadcast_in_dim3A_1 : vector<16xi1>, vector<16xi32>
    %add3A_1093 = arith.addi %add3A_1082, %select_n3A_1092 : vector<16xi32>
    %get3A_1094 = arith.constant 4 : i32
    %get3A_1095 = arith.index_cast %get3A_1094 : i32 to index
    %get3A_1096 = arith.constant 48 : index
    %get3A_1097 = tpu.vector_load %arg11[%get3A_1095, %get3A_1096] {strides = array<i32>} : memref<16x64xi32, #tpu.memory_space<vmem>>, vector<16xi32>,
    %add3A_1098 = arith.addi %add3A_1087, %get3A_1097 : vector<16xi32>
    %broadcast_in_dim3A_1099 = arith.constant 4 : i32
    %broadcast_in_dim3A_1100 = vector.broadcast %broadcast_in_dim3A_1099 : i32 to vector<16xi32>
    %lt3A_1101 = vector.broadcast %arg1 : i32 to vector<16xi32>
    %lt3A_1102 = arith.cmpi slt, %broadcast_in_dim3A_1100, %lt3A_1101 : vector<16xi32>
    %select_n3A_1103 = arith.select %lt3A_1102, %get3A_1097, %broadcast_in_dim3A_1 : vector<16xi1>, vector<16xi32>
    %add3A_1104 = arith.addi %add3A_1093, %select_n3A_1103 : vector<16xi32>
    %get3A_1105 = arith.constant 5 : i32
    %get3A_1106 = arith.index_cast %get3A_1105 : i32 to index
    %get3A_1107 = arith.constant 48 : index
    %get3A_1108 = tpu.vector_load %arg11[%get3A_1106, %get3A_1107] {strides = array<i32>} : memref<16x64xi32, #tpu.memory_space<vmem>>, vector<16xi32>,
    %add3A_1109 = arith.addi %add3A_1098, %get3A_1108 : vector<16xi32>
    %broadcast_in_dim3A_1110 = arith.constant 5 : i32
    %broadcast_in_dim3A_1111 = vector.broadcast %broadcast_in_dim3A_1110 : i32 to vector<16xi32>
    %lt3A_1112 = vector.broadcast %arg1 : i32 to vector<16xi32>
    %lt3A_1113 = arith.cmpi slt, %broadcast_in_dim3A_1111, %lt3A_1112 : vector<16xi32>
    %select_n3A_1114 = arith.select %lt3A_1113, %get3A_1108, %broadcast_in_dim3A_1 : vector<16xi1>, vector<16xi32>
    %add3A_1115 = arith.addi %add3A_1104, %select_n3A_1114 : vector<16xi32>
    %get3A_1116 = arith.constant 6 : i32
    %get3A_1117 = arith.index_cast %get3A_1116 : i32 to index
    %get3A_1118 = arith.constant 48 : index
    %get3A_1119 = tpu.vector_load %arg11[%get3A_1117, %get3A_1118] {strides = array<i32>} : memref<16x64xi32, #tpu.memory_space<vmem>>, vector<16xi32>,
    %add3A_1120 = arith.addi %add3A_1109, %get3A_1119 : vector<16xi32>
    %broadcast_in_dim3A_1121 = arith.constant 6 : i32
    %broadcast_in_dim3A_1122 = vector.broadcast %broadcast_in_dim3A_1121 : i32 to vector<16xi32>
    %lt3A_1123 = vector.broadcast %arg1 : i32 to vector<16xi32>
    %lt3A_1124 = arith.cmpi slt, %broadcast_in_dim3A_1122, %lt3A_1123 : vector<16xi32>
    %select_n3A_1125 = arith.select %lt3A_1124, %get3A_1119, %broadcast_in_dim3A_1 : vector<16xi1>, vector<16xi32>
    %add3A_1126 = arith.addi %add3A_1115, %select_n3A_1125 : vector<16xi32>
    %get3A_1127 = arith.constant 7 : i32
    %get3A_1128 = arith.index_cast %get3A_1127 : i32 to index
    %get3A_1129 = arith.constant 48 : index
    %get3A_1130 = tpu.vector_load %arg11[%get3A_1128, %get3A_1129] {strides = array<i32>} : memref<16x64xi32, #tpu.memory_space<vmem>>, vector<16xi32>,
    %add3A_1131 = arith.addi %add3A_1120, %get3A_1130 : vector<16xi32>
    %broadcast_in_dim3A_1132 = arith.constant 7 : i32
    %broadcast_in_dim3A_1133 = vector.broadcast %broadcast_in_dim3A_1132 : i32 to vector<16xi32>
    %lt3A_1134 = vector.broadcast %arg1 : i32 to vector<16xi32>
    %lt3A_1135 = arith.cmpi slt, %broadcast_in_dim3A_1133, %lt3A_1134 : vector<16xi32>
    %select_n3A_1136 = arith.select %lt3A_1135, %get3A_1130, %broadcast_in_dim3A_1 : vector<16xi1>, vector<16xi32>
    %add3A_1137 = arith.addi %add3A_1126, %select_n3A_1136 : vector<16xi32>
    %get3A_1138 = arith.constant 8 : i32
    %get3A_1139 = arith.index_cast %get3A_1138 : i32 to index
    %get3A_1140 = arith.constant 48 : index
    %get3A_1141 = tpu.vector_load %arg11[%get3A_1139, %get3A_1140] {strides = array<i32>} : memref<16x64xi32, #tpu.memory_space<vmem>>, vector<16xi32>,
    %add3A_1142 = arith.addi %add3A_1131, %get3A_1141 : vector<16xi32>
    %broadcast_in_dim3A_1143 = arith.constant 8 : i32
    %broadcast_in_dim3A_1144 = vector.broadcast %broadcast_in_dim3A_1143 : i32 to vector<16xi32>
    %lt3A_1145 = vector.broadcast %arg1 : i32 to vector<16xi32>
    %lt3A_1146 = arith.cmpi slt, %broadcast_in_dim3A_1144, %lt3A_1145 : vector<16xi32>
    %select_n3A_1147 = arith.select %lt3A_1146, %get3A_1141, %broadcast_in_dim3A_1 : vector<16xi1>, vector<16xi32>
    %add3A_1148 = arith.addi %add3A_1137, %select_n3A_1147 : vector<16xi32>
    %get3A_1149 = arith.constant 9 : i32
    %get3A_1150 = arith.index_cast %get3A_1149 : i32 to index
    %get3A_1151 = arith.constant 48 : index
    %get3A_1152 = tpu.vector_load %arg11[%get3A_1150, %get3A_1151] {strides = array<i32>} : memref<16x64xi32, #tpu.memory_space<vmem>>, vector<16xi32>,
    %add3A_1153 = arith.addi %add3A_1142, %get3A_1152 : vector<16xi32>
    %broadcast_in_dim3A_1154 = arith.constant 9 : i32
    %broadcast_in_dim3A_1155 = vector.broadcast %broadcast_in_dim3A_1154 : i32 to vector<16xi32>
    %lt3A_1156 = vector.broadcast %arg1 : i32 to vector<16xi32>
    %lt3A_1157 = arith.cmpi slt, %broadcast_in_dim3A_1155, %lt3A_1156 : vector<16xi32>
    %select_n3A_1158 = arith.select %lt3A_1157, %get3A_1152, %broadcast_in_dim3A_1 : vector<16xi1>, vector<16xi32>
    %add3A_1159 = arith.addi %add3A_1148, %select_n3A_1158 : vector<16xi32>
    %get3A_1160 = arith.constant 10 : i32
    %get3A_1161 = arith.index_cast %get3A_1160 : i32 to index
    %get3A_1162 = arith.constant 48 : index
    %get3A_1163 = tpu.vector_load %arg11[%get3A_1161, %get3A_1162] {strides = array<i32>} : memref<16x64xi32, #tpu.memory_space<vmem>>, vector<16xi32>,
    %add3A_1164 = arith.addi %add3A_1153, %get3A_1163 : vector<16xi32>
    %broadcast_in_dim3A_1165 = arith.constant 10 : i32
    %broadcast_in_dim3A_1166 = vector.broadcast %broadcast_in_dim3A_1165 : i32 to vector<16xi32>
    %lt3A_1167 = vector.broadcast %arg1 : i32 to vector<16xi32>
    %lt3A_1168 = arith.cmpi slt, %broadcast_in_dim3A_1166, %lt3A_1167 : vector<16xi32>
    %select_n3A_1169 = arith.select %lt3A_1168, %get3A_1163, %broadcast_in_dim3A_1 : vector<16xi1>, vector<16xi32>
    %add3A_1170 = arith.addi %add3A_1159, %select_n3A_1169 : vector<16xi32>
    %get3A_1171 = arith.constant 11 : i32
    %get3A_1172 = arith.index_cast %get3A_1171 : i32 to index
    %get3A_1173 = arith.constant 48 : index
    %get3A_1174 = tpu.vector_load %arg11[%get3A_1172, %get3A_1173] {strides = array<i32>} : memref<16x64xi32, #tpu.memory_space<vmem>>, vector<16xi32>,
    %add3A_1175 = arith.addi %add3A_1164, %get3A_1174 : vector<16xi32>
    %broadcast_in_dim3A_1176 = arith.constant 11 : i32
    %broadcast_in_dim3A_1177 = vector.broadcast %broadcast_in_dim3A_1176 : i32 to vector<16xi32>
    %lt3A_1178 = vector.broadcast %arg1 : i32 to vector<16xi32>
    %lt3A_1179 = arith.cmpi slt, %broadcast_in_dim3A_1177, %lt3A_1178 : vector<16xi32>
    %select_n3A_1180 = arith.select %lt3A_1179, %get3A_1174, %broadcast_in_dim3A_1 : vector<16xi1>, vector<16xi32>
    %add3A_1181 = arith.addi %add3A_1170, %select_n3A_1180 : vector<16xi32>
    %get3A_1182 = arith.constant 12 : i32
    %get3A_1183 = arith.index_cast %get3A_1182 : i32 to index
    %get3A_1184 = arith.constant 48 : index
    %get3A_1185 = tpu.vector_load %arg11[%get3A_1183, %get3A_1184] {strides = array<i32>} : memref<16x64xi32, #tpu.memory_space<vmem>>, vector<16xi32>,
    %add3A_1186 = arith.addi %add3A_1175, %get3A_1185 : vector<16xi32>
    %broadcast_in_dim3A_1187 = arith.constant 12 : i32
    %broadcast_in_dim3A_1188 = vector.broadcast %broadcast_in_dim3A_1187 : i32 to vector<16xi32>
    %lt3A_1189 = vector.broadcast %arg1 : i32 to vector<16xi32>
    %lt3A_1190 = arith.cmpi slt, %broadcast_in_dim3A_1188, %lt3A_1189 : vector<16xi32>
    %select_n3A_1191 = arith.select %lt3A_1190, %get3A_1185, %broadcast_in_dim3A_1 : vector<16xi1>, vector<16xi32>
    %add3A_1192 = arith.addi %add3A_1181, %select_n3A_1191 : vector<16xi32>
    %get3A_1193 = arith.constant 13 : i32
    %get3A_1194 = arith.index_cast %get3A_1193 : i32 to index
    %get3A_1195 = arith.constant 48 : index
    %get3A_1196 = tpu.vector_load %arg11[%get3A_1194, %get3A_1195] {strides = array<i32>} : memref<16x64xi32, #tpu.memory_space<vmem>>, vector<16xi32>,
    %add3A_1197 = arith.addi %add3A_1186, %get3A_1196 : vector<16xi32>
    %broadcast_in_dim3A_1198 = arith.constant 13 : i32
    %broadcast_in_dim3A_1199 = vector.broadcast %broadcast_in_dim3A_1198 : i32 to vector<16xi32>
    %lt3A_1200 = vector.broadcast %arg1 : i32 to vector<16xi32>
    %lt3A_1201 = arith.cmpi slt, %broadcast_in_dim3A_1199, %lt3A_1200 : vector<16xi32>
    %select_n3A_1202 = arith.select %lt3A_1201, %get3A_1196, %broadcast_in_dim3A_1 : vector<16xi1>, vector<16xi32>
    %add3A_1203 = arith.addi %add3A_1192, %select_n3A_1202 : vector<16xi32>
    %get3A_1204 = arith.constant 14 : i32
    %get3A_1205 = arith.index_cast %get3A_1204 : i32 to index
    %get3A_1206 = arith.constant 48 : index
    %get3A_1207 = tpu.vector_load %arg11[%get3A_1205, %get3A_1206] {strides = array<i32>} : memref<16x64xi32, #tpu.memory_space<vmem>>, vector<16xi32>,
    %add3A_1208 = arith.addi %add3A_1197, %get3A_1207 : vector<16xi32>
    %broadcast_in_dim3A_1209 = arith.constant 14 : i32
    %broadcast_in_dim3A_1210 = vector.broadcast %broadcast_in_dim3A_1209 : i32 to vector<16xi32>
    %lt3A_1211 = vector.broadcast %arg1 : i32 to vector<16xi32>
    %lt3A_1212 = arith.cmpi slt, %broadcast_in_dim3A_1210, %lt3A_1211 : vector<16xi32>
    %select_n3A_1213 = arith.select %lt3A_1212, %get3A_1207, %broadcast_in_dim3A_1 : vector<16xi1>, vector<16xi32>
    %add3A_1214 = arith.addi %add3A_1203, %select_n3A_1213 : vector<16xi32>
    %get3A_1215 = arith.constant 15 : i32
    %get3A_1216 = arith.index_cast %get3A_1215 : i32 to index
    %get3A_1217 = arith.constant 48 : index
    %get3A_1218 = tpu.vector_load %arg11[%get3A_1216, %get3A_1217] {strides = array<i32>} : memref<16x64xi32, #tpu.memory_space<vmem>>, vector<16xi32>,
    %add3A_1219 = arith.addi %add3A_1208, %get3A_1218 : vector<16xi32>
    %broadcast_in_dim3A_1220 = arith.constant 15 : i32
    %broadcast_in_dim3A_1221 = vector.broadcast %broadcast_in_dim3A_1220 : i32 to vector<16xi32>
    %lt3A_1222 = vector.broadcast %arg1 : i32 to vector<16xi32>
    %lt3A_1223 = arith.cmpi slt, %broadcast_in_dim3A_1221, %lt3A_1222 : vector<16xi32>
    %select_n3A_1224 = arith.select %lt3A_1223, %get3A_1218, %broadcast_in_dim3A_1 : vector<16xi1>, vector<16xi32>
    %add3A_1225 = arith.addi %add3A_1214, %select_n3A_1224 : vector<16xi32>
    %broadcast_in_dim3A_1226 = arith.constant true
    %broadcast_in_dim3A_1227 = vector.broadcast %broadcast_in_dim3A_1226 : i1 to vector<16xi1>
    %masked_cumsum3A_1228 = tpu.scan <sum>, %add3A_1219 masked %broadcast_in_dim3A_1227 : vector<16xi32>, vector<16xi1> -> vector<16xi32>
    %sub3A_1229 = arith.subi %masked_cumsum3A_1228, %add3A_1219 : vector<16xi32>
    %add3A_1230 = vector.broadcast %add3A_1049 : i32 to vector<16xi32>
    %add3A_1231 = arith.addi %sub3A_1229, %add3A_1230 : vector<16xi32>
    %swap3A_1232 = arith.constant 48 : index
    %swap3A_1233 = tpu.vector_load %arg15[%swap3A_1232] {strides = array<i32>} : memref<80xi32, #tpu.memory_space<vmem>>, vector<16xi32>,
    tpu.vector_store %arg15[%swap3A_1232], %add3A_1231 {strides = array<i32>} : memref<80xi32, #tpu.memory_space<vmem>>, vector<16xi32>,
    %add3A_1234 = arith.addi %add3A_1231, %add3A_1225 : vector<16xi32>
    %reduce_sum3A_1235 = arith.constant true
    %reduce_sum3A_1236 = vector.broadcast %reduce_sum3A_1235 : i1 to vector<16xi1>
    %reduce_sum3A_1237 = tpu.scan <sum>, %add3A_1219 masked %reduce_sum3A_1236 : vector<16xi32>, vector<16xi1> -> vector<16xi32>
    %reduce_sum3A_1238 = vector.extract %reduce_sum3A_1237[15] : i32 from vector<16xi32>
    %add3A_1239 = arith.addi %add3A_1049, %reduce_sum3A_1238 : i32
    %broadcast_in_dim3A_1240 = arith.constant 32768 : i32
    %broadcast_in_dim3A_1241 = vector.broadcast %broadcast_in_dim3A_1240 : i32 to vector<16xi32>
    %swap3A_1242 = arith.constant 64 : index
    %swap3A_1243 = tpu.vector_load %arg15[%swap3A_1242] {strides = array<i32>} : memref<80xi32, #tpu.memory_space<vmem>>, vector<16xi32>,
    tpu.vector_store %arg15[%swap3A_1242], %broadcast_in_dim3A_1241 {strides = array<i32>} : memref<80xi32, #tpu.memory_space<vmem>>, vector<16xi32>,
    %get3A_1244 = arith.constant 0 : index
    %get3A_1245 = tpu.vector_load %arg9[%get3A_1244] {strides = array<i32>} : memref<1024xi32, #tpu.memory_space<vmem>>, vector<16xi32>,
    %broadcast_in_dim3A_1246 = arith.constant true
    %broadcast_in_dim3A_1247 = vector.broadcast %broadcast_in_dim3A_1246 : i1 to vector<16xi1>
    %masked_cumsum3A_1248 = tpu.scan <sum>, %get3A_1245 masked %broadcast_in_dim3A_1247 : vector<16xi32>, vector<16xi1> -> vector<16xi32>
    %sub3A_1249 = arith.subi %masked_cumsum3A_1248, %get3A_1245 : vector<16xi32>
    %slice3A = vector.extract_strided_slice %add3A_664 {offsets = [0], sizes = [1], strides = [1]} : vector<16xi32> to vector<1xi32>
    %squeeze3A = vector.extract %slice3A[0] : i32 from vector<1xi32>
    %add3A_1250 = vector.broadcast %squeeze3A : i32 to vector<16xi32>
    %add3A_1251 = arith.addi %sub3A_1249, %add3A_1250 : vector<16xi32>
    %swap3A_1252 = arith.constant 0 : index
    %swap3A_1253 = tpu.vector_load %arg12[%swap3A_1252] {strides = array<i32>} : memref<1024xi32, #tpu.memory_space<vmem>>, vector<16xi32>,
    tpu.vector_store %arg12[%swap3A_1252], %add3A_1251 {strides = array<i32>} : memref<1024xi32, #tpu.memory_space<vmem>>, vector<16xi32>,
    %get3A_1254 = arith.constant 16 : index
    %get3A_1255 = tpu.vector_load %arg9[%get3A_1254] {strides = array<i32>} : memref<1024xi32, #tpu.memory_space<vmem>>, vector<16xi32>,
    %broadcast_in_dim3A_1256 = arith.constant true
    %broadcast_in_dim3A_1257 = vector.broadcast %broadcast_in_dim3A_1256 : i1 to vector<16xi1>
    %masked_cumsum3A_1258 = tpu.scan <sum>, %get3A_1255 masked %broadcast_in_dim3A_1257 : vector<16xi32>, vector<16xi1> -> vector<16xi32>
    %sub3A_1259 = arith.subi %masked_cumsum3A_1258, %get3A_1255 : vector<16xi32>
    %slice3A_1260 = vector.extract_strided_slice %add3A_664 {offsets = [1], sizes = [1], strides = [1]} : vector<16xi32> to vector<1xi32>
    %squeeze3A_1261 = vector.extract %slice3A_1260[0] : i32 from vector<1xi32>
    %add3A_1262 = vector.broadcast %squeeze3A_1261 : i32 to vector<16xi32>
    %add3A_1263 = arith.addi %sub3A_1259, %add3A_1262 : vector<16xi32>
    %swap3A_1264 = arith.constant 16 : index
    %swap3A_1265 = tpu.vector_load %arg12[%swap3A_1264] {strides = array<i32>} : memref<1024xi32, #tpu.memory_space<vmem>>, vector<16xi32>,
    tpu.vector_store %arg12[%swap3A_1264], %add3A_1263 {strides = array<i32>} : memref<1024xi32, #tpu.memory_space<vmem>>, vector<16xi32>,
    %get3A_1266 = arith.constant 32 : index
    %get3A_1267 = tpu.vector_load %arg9[%get3A_1266] {strides = array<i32>} : memref<1024xi32, #tpu.memory_space<vmem>>, vector<16xi32>,
    %broadcast_in_dim3A_1268 = arith.constant true
    %broadcast_in_dim3A_1269 = vector.broadcast %broadcast_in_dim3A_1268 : i1 to vector<16xi1>
    %masked_cumsum3A_1270 = tpu.scan <sum>, %get3A_1267 masked %broadcast_in_dim3A_1269 : vector<16xi32>, vector<16xi1> -> vector<16xi32>
    %sub3A_1271 = arith.subi %masked_cumsum3A_1270, %get3A_1267 : vector<16xi32>
    %slice3A_1272 = vector.extract_strided_slice %add3A_664 {offsets = [2], sizes = [1], strides = [1]} : vector<16xi32> to vector<1xi32>
    %squeeze3A_1273 = vector.extract %slice3A_1272[0] : i32 from vector<1xi32>
    %add3A_1274 = vector.broadcast %squeeze3A_1273 : i32 to vector<16xi32>
    %add3A_1275 = arith.addi %sub3A_1271, %add3A_1274 : vector<16xi32>
    %swap3A_1276 = arith.constant 32 : index
    %swap3A_1277 = tpu.vector_load %arg12[%swap3A_1276] {strides = array<i32>} : memref<1024xi32, #tpu.memory_space<vmem>>, vector<16xi32>,
    tpu.vector_store %arg12[%swap3A_1276], %add3A_1275 {strides = array<i32>} : memref<1024xi32, #tpu.memory_space<vmem>>, vector<16xi32>,
    %get3A_1278 = arith.constant 48 : index
    %get3A_1279 = tpu.vector_load %arg9[%get3A_1278] {strides = array<i32>} : memref<1024xi32, #tpu.memory_space<vmem>>, vector<16xi32>,
    %broadcast_in_dim3A_1280 = arith.constant true
    %broadcast_in_dim3A_1281 = vector.broadcast %broadcast_in_dim3A_1280 : i1 to vector<16xi1>
    %masked_cumsum3A_1282 = tpu.scan <sum>, %get3A_1279 masked %broadcast_in_dim3A_1281 : vector<16xi32>, vector<16xi1> -> vector<16xi32>
    %sub3A_1283 = arith.subi %masked_cumsum3A_1282, %get3A_1279 : vector<16xi32>
    %slice3A_1284 = vector.extract_strided_slice %add3A_664 {offsets = [3], sizes = [1], strides = [1]} : vector<16xi32> to vector<1xi32>
    %squeeze3A_1285 = vector.extract %slice3A_1284[0] : i32 from vector<1xi32>
    %add3A_1286 = vector.broadcast %squeeze3A_1285 : i32 to vector<16xi32>
    %add3A_1287 = arith.addi %sub3A_1283, %add3A_1286 : vector<16xi32>
    %swap3A_1288 = arith.constant 48 : index
    %swap3A_1289 = tpu.vector_load %arg12[%swap3A_1288] {strides = array<i32>} : memref<1024xi32, #tpu.memory_space<vmem>>, vector<16xi32>,
    tpu.vector_store %arg12[%swap3A_1288], %add3A_1287 {strides = array<i32>} : memref<1024xi32, #tpu.memory_space<vmem>>, vector<16xi32>,
    %get3A_1290 = arith.constant 64 : index
    %get3A_1291 = tpu.vector_load %arg9[%get3A_1290] {strides = array<i32>} : memref<1024xi32, #tpu.memory_space<vmem>>, vector<16xi32>,
    %broadcast_in_dim3A_1292 = arith.constant true
    %broadcast_in_dim3A_1293 = vector.broadcast %broadcast_in_dim3A_1292 : i1 to vector<16xi1>
    %masked_cumsum3A_1294 = tpu.scan <sum>, %get3A_1291 masked %broadcast_in_dim3A_1293 : vector<16xi32>, vector<16xi1> -> vector<16xi32>
    %sub3A_1295 = arith.subi %masked_cumsum3A_1294, %get3A_1291 : vector<16xi32>
    %slice3A_1296 = vector.extract_strided_slice %add3A_664 {offsets = [4], sizes = [1], strides = [1]} : vector<16xi32> to vector<1xi32>
    %squeeze3A_1297 = vector.extract %slice3A_1296[0] : i32 from vector<1xi32>
    %add3A_1298 = vector.broadcast %squeeze3A_1297 : i32 to vector<16xi32>
    %add3A_1299 = arith.addi %sub3A_1295, %add3A_1298 : vector<16xi32>
    %swap3A_1300 = arith.constant 64 : index
    %swap3A_1301 = tpu.vector_load %arg12[%swap3A_1300] {strides = array<i32>} : memref<1024xi32, #tpu.memory_space<vmem>>, vector<16xi32>,
    tpu.vector_store %arg12[%swap3A_1300], %add3A_1299 {strides = array<i32>} : memref<1024xi32, #tpu.memory_space<vmem>>, vector<16xi32>,
    %get3A_1302 = arith.constant 80 : index
    %get3A_1303 = tpu.vector_load %arg9[%get3A_1302] {strides = array<i32>} : memref<1024xi32, #tpu.memory_space<vmem>>, vector<16xi32>,
    %broadcast_in_dim3A_1304 = arith.constant true
    %broadcast_in_dim3A_1305 = vector.broadcast %broadcast_in_dim3A_1304 : i1 to vector<16xi1>
    %masked_cumsum3A_1306 = tpu.scan <sum>, %get3A_1303 masked %broadcast_in_dim3A_1305 : vector<16xi32>, vector<16xi1> -> vector<16xi32>
    %sub3A_1307 = arith.subi %masked_cumsum3A_1306, %get3A_1303 : vector<16xi32>
    %slice3A_1308 = vector.extract_strided_slice %add3A_664 {offsets = [5], sizes = [1], strides = [1]} : vector<16xi32> to vector<1xi32>
    %squeeze3A_1309 = vector.extract %slice3A_1308[0] : i32 from vector<1xi32>
    %add3A_1310 = vector.broadcast %squeeze3A_1309 : i32 to vector<16xi32>
    %add3A_1311 = arith.addi %sub3A_1307, %add3A_1310 : vector<16xi32>
    %swap3A_1312 = arith.constant 80 : index
    %swap3A_1313 = tpu.vector_load %arg12[%swap3A_1312] {strides = array<i32>} : memref<1024xi32, #tpu.memory_space<vmem>>, vector<16xi32>,
    tpu.vector_store %arg12[%swap3A_1312], %add3A_1311 {strides = array<i32>} : memref<1024xi32, #tpu.memory_space<vmem>>, vector<16xi32>,
    %get3A_1314 = arith.constant 96 : index
    %get3A_1315 = tpu.vector_load %arg9[%get3A_1314] {strides = array<i32>} : memref<1024xi32, #tpu.memory_space<vmem>>, vector<16xi32>,
    %broadcast_in_dim3A_1316 = arith.constant true
    %broadcast_in_dim3A_1317 = vector.broadcast %broadcast_in_dim3A_1316 : i1 to vector<16xi1>
    %masked_cumsum3A_1318 = tpu.scan <sum>, %get3A_1315 masked %broadcast_in_dim3A_1317 : vector<16xi32>, vector<16xi1> -> vector<16xi32>
    %sub3A_1319 = arith.subi %masked_cumsum3A_1318, %get3A_1315 : vector<16xi32>
    %slice3A_1320 = vector.extract_strided_slice %add3A_664 {offsets = [6], sizes = [1], strides = [1]} : vector<16xi32> to vector<1xi32>
    %squeeze3A_1321 = vector.extract %slice3A_1320[0] : i32 from vector<1xi32>
    %add3A_1322 = vector.broadcast %squeeze3A_1321 : i32 to vector<16xi32>
    %add3A_1323 = arith.addi %sub3A_1319, %add3A_1322 : vector<16xi32>
    %swap3A_1324 = arith.constant 96 : index
    %swap3A_1325 = tpu.vector_load %arg12[%swap3A_1324] {strides = array<i32>} : memref<1024xi32, #tpu.memory_space<vmem>>, vector<16xi32>,
    tpu.vector_store %arg12[%swap3A_1324], %add3A_1323 {strides = array<i32>} : memref<1024xi32, #tpu.memory_space<vmem>>, vector<16xi32>,
    %get3A_1326 = arith.constant 112 : index
    %get3A_1327 = tpu.vector_load %arg9[%get3A_1326] {strides = array<i32>} : memref<1024xi32, #tpu.memory_space<vmem>>, vector<16xi32>,
    %broadcast_in_dim3A_1328 = arith.constant true
    %broadcast_in_dim3A_1329 = vector.broadcast %broadcast_in_dim3A_1328 : i1 to vector<16xi1>
    %masked_cumsum3A_1330 = tpu.scan <sum>, %get3A_1327 masked %broadcast_in_dim3A_1329 : vector<16xi32>, vector<16xi1> -> vector<16xi32>
    %sub3A_1331 = arith.subi %masked_cumsum3A_1330, %get3A_1327 : vector<16xi32>
    %slice3A_1332 = vector.extract_strided_slice %add3A_664 {offsets = [7], sizes = [1], strides = [1]} : vector<16xi32> to vector<1xi32>
    %squeeze3A_1333 = vector.extract %slice3A_1332[0] : i32 from vector<1xi32>
    %add3A_1334 = vector.broadcast %squeeze3A_1333 : i32 to vector<16xi32>
    %add3A_1335 = arith.addi %sub3A_1331, %add3A_1334 : vector<16xi32>
    %swap3A_1336 = arith.constant 112 : index
    %swap3A_1337 = tpu.vector_load %arg12[%swap3A_1336] {strides = array<i32>} : memref<1024xi32, #tpu.memory_space<vmem>>, vector<16xi32>,
    tpu.vector_store %arg12[%swap3A_1336], %add3A_1335 {strides = array<i32>} : memref<1024xi32, #tpu.memory_space<vmem>>, vector<16xi32>,
    %get3A_1338 = arith.constant 128 : index
    %get3A_1339 = tpu.vector_load %arg9[%get3A_1338] {strides = array<i32>} : memref<1024xi32, #tpu.memory_space<vmem>>, vector<16xi32>,
    %broadcast_in_dim3A_1340 = arith.constant true
    %broadcast_in_dim3A_1341 = vector.broadcast %broadcast_in_dim3A_1340 : i1 to vector<16xi1>
    %masked_cumsum3A_1342 = tpu.scan <sum>, %get3A_1339 masked %broadcast_in_dim3A_1341 : vector<16xi32>, vector<16xi1> -> vector<16xi32>
    %sub3A_1343 = arith.subi %masked_cumsum3A_1342, %get3A_1339 : vector<16xi32>
    %slice3A_1344 = vector.extract_strided_slice %add3A_664 {offsets = [8], sizes = [1], strides = [1]} : vector<16xi32> to vector<1xi32>
    %squeeze3A_1345 = vector.extract %slice3A_1344[0] : i32 from vector<1xi32>
    %add3A_1346 = vector.broadcast %squeeze3A_1345 : i32 to vector<16xi32>
    %add3A_1347 = arith.addi %sub3A_1343, %add3A_1346 : vector<16xi32>
    %swap3A_1348 = arith.constant 128 : index
    %swap3A_1349 = tpu.vector_load %arg12[%swap3A_1348] {strides = array<i32>} : memref<1024xi32, #tpu.memory_space<vmem>>, vector<16xi32>,
    tpu.vector_store %arg12[%swap3A_1348], %add3A_1347 {strides = array<i32>} : memref<1024xi32, #tpu.memory_space<vmem>>, vector<16xi32>,
    %get3A_1350 = arith.constant 144 : index
    %get3A_1351 = tpu.vector_load %arg9[%get3A_1350] {strides = array<i32>} : memref<1024xi32, #tpu.memory_space<vmem>>, vector<16xi32>,
    %broadcast_in_dim3A_1352 = arith.constant true
    %broadcast_in_dim3A_1353 = vector.broadcast %broadcast_in_dim3A_1352 : i1 to vector<16xi1>
    %masked_cumsum3A_1354 = tpu.scan <sum>, %get3A_1351 masked %broadcast_in_dim3A_1353 : vector<16xi32>, vector<16xi1> -> vector<16xi32>
    %sub3A_1355 = arith.subi %masked_cumsum3A_1354, %get3A_1351 : vector<16xi32>
    %slice3A_1356 = vector.extract_strided_slice %add3A_664 {offsets = [9], sizes = [1], strides = [1]} : vector<16xi32> to vector<1xi32>
    %squeeze3A_1357 = vector.extract %slice3A_1356[0] : i32 from vector<1xi32>
    %add3A_1358 = vector.broadcast %squeeze3A_1357 : i32 to vector<16xi32>
    %add3A_1359 = arith.addi %sub3A_1355, %add3A_1358 : vector<16xi32>
    %swap3A_1360 = arith.constant 144 : index
    %swap3A_1361 = tpu.vector_load %arg12[%swap3A_1360] {strides = array<i32>} : memref<1024xi32, #tpu.memory_space<vmem>>, vector<16xi32>,
    tpu.vector_store %arg12[%swap3A_1360], %add3A_1359 {strides = array<i32>} : memref<1024xi32, #tpu.memory_space<vmem>>, vector<16xi32>,
    %get3A_1362 = arith.constant 160 : index
    %get3A_1363 = tpu.vector_load %arg9[%get3A_1362] {strides = array<i32>} : memref<1024xi32, #tpu.memory_space<vmem>>, vector<16xi32>,
    %broadcast_in_dim3A_1364 = arith.constant true
    %broadcast_in_dim3A_1365 = vector.broadcast %broadcast_in_dim3A_1364 : i1 to vector<16xi1>
    %masked_cumsum3A_1366 = tpu.scan <sum>, %get3A_1363 masked %broadcast_in_dim3A_1365 : vector<16xi32>, vector<16xi1> -> vector<16xi32>
    %sub3A_1367 = arith.subi %masked_cumsum3A_1366, %get3A_1363 : vector<16xi32>
    %slice3A_1368 = vector.extract_strided_slice %add3A_664 {offsets = [10], sizes = [1], strides = [1]} : vector<16xi32> to vector<1xi32>
    %squeeze3A_1369 = vector.extract %slice3A_1368[0] : i32 from vector<1xi32>
    %add3A_1370 = vector.broadcast %squeeze3A_1369 : i32 to vector<16xi32>
    %add3A_1371 = arith.addi %sub3A_1367, %add3A_1370 : vector<16xi32>
    %swap3A_1372 = arith.constant 160 : index
    %swap3A_1373 = tpu.vector_load %arg12[%swap3A_1372] {strides = array<i32>} : memref<1024xi32, #tpu.memory_space<vmem>>, vector<16xi32>,
    tpu.vector_store %arg12[%swap3A_1372], %add3A_1371 {strides = array<i32>} : memref<1024xi32, #tpu.memory_space<vmem>>, vector<16xi32>,
    %get3A_1374 = arith.constant 176 : index
    %get3A_1375 = tpu.vector_load %arg9[%get3A_1374] {strides = array<i32>} : memref<1024xi32, #tpu.memory_space<vmem>>, vector<16xi32>,
    %broadcast_in_dim3A_1376 = arith.constant true
    %broadcast_in_dim3A_1377 = vector.broadcast %broadcast_in_dim3A_1376 : i1 to vector<16xi1>
    %masked_cumsum3A_1378 = tpu.scan <sum>, %get3A_1375 masked %broadcast_in_dim3A_1377 : vector<16xi32>, vector<16xi1> -> vector<16xi32>
    %sub3A_1379 = arith.subi %masked_cumsum3A_1378, %get3A_1375 : vector<16xi32>
    %slice3A_1380 = vector.extract_strided_slice %add3A_664 {offsets = [11], sizes = [1], strides = [1]} : vector<16xi32> to vector<1xi32>
    %squeeze3A_1381 = vector.extract %slice3A_1380[0] : i32 from vector<1xi32>
    %add3A_1382 = vector.broadcast %squeeze3A_1381 : i32 to vector<16xi32>
    %add3A_1383 = arith.addi %sub3A_1379, %add3A_1382 : vector<16xi32>
    %swap3A_1384 = arith.constant 176 : index
    %swap3A_1385 = tpu.vector_load %arg12[%swap3A_1384] {strides = array<i32>} : memref<1024xi32, #tpu.memory_space<vmem>>, vector<16xi32>,
    tpu.vector_store %arg12[%swap3A_1384], %add3A_1383 {strides = array<i32>} : memref<1024xi32, #tpu.memory_space<vmem>>, vector<16xi32>,
    %get3A_1386 = arith.constant 192 : index
    %get3A_1387 = tpu.vector_load %arg9[%get3A_1386] {strides = array<i32>} : memref<1024xi32, #tpu.memory_space<vmem>>, vector<16xi32>,
    %broadcast_in_dim3A_1388 = arith.constant true
    %broadcast_in_dim3A_1389 = vector.broadcast %broadcast_in_dim3A_1388 : i1 to vector<16xi1>
    %masked_cumsum3A_1390 = tpu.scan <sum>, %get3A_1387 masked %broadcast_in_dim3A_1389 : vector<16xi32>, vector<16xi1> -> vector<16xi32>
    %sub3A_1391 = arith.subi %masked_cumsum3A_1390, %get3A_1387 : vector<16xi32>
    %slice3A_1392 = vector.extract_strided_slice %add3A_664 {offsets = [12], sizes = [1], strides = [1]} : vector<16xi32> to vector<1xi32>
    %squeeze3A_1393 = vector.extract %slice3A_1392[0] : i32 from vector<1xi32>
    %add3A_1394 = vector.broadcast %squeeze3A_1393 : i32 to vector<16xi32>
    %add3A_1395 = arith.addi %sub3A_1391, %add3A_1394 : vector<16xi32>
    %swap3A_1396 = arith.constant 192 : index
    %swap3A_1397 = tpu.vector_load %arg12[%swap3A_1396] {strides = array<i32>} : memref<1024xi32, #tpu.memory_space<vmem>>, vector<16xi32>,
    tpu.vector_store %arg12[%swap3A_1396], %add3A_1395 {strides = array<i32>} : memref<1024xi32, #tpu.memory_space<vmem>>, vector<16xi32>,
    %get3A_1398 = arith.constant 208 : index
    %get3A_1399 = tpu.vector_load %arg9[%get3A_1398] {strides = array<i32>} : memref<1024xi32, #tpu.memory_space<vmem>>, vector<16xi32>,
    %broadcast_in_dim3A_1400 = arith.constant true
    %broadcast_in_dim3A_1401 = vector.broadcast %broadcast_in_dim3A_1400 : i1 to vector<16xi1>
    %masked_cumsum3A_1402 = tpu.scan <sum>, %get3A_1399 masked %broadcast_in_dim3A_1401 : vector<16xi32>, vector<16xi1> -> vector<16xi32>
    %sub3A_1403 = arith.subi %masked_cumsum3A_1402, %get3A_1399 : vector<16xi32>
    %slice3A_1404 = vector.extract_strided_slice %add3A_664 {offsets = [13], sizes = [1], strides = [1]} : vector<16xi32> to vector<1xi32>
    %squeeze3A_1405 = vector.extract %slice3A_1404[0] : i32 from vector<1xi32>
    %add3A_1406 = vector.broadcast %squeeze3A_1405 : i32 to vector<16xi32>
    %add3A_1407 = arith.addi %sub3A_1403, %add3A_1406 : vector<16xi32>
    %swap3A_1408 = arith.constant 208 : index
    %swap3A_1409 = tpu.vector_load %arg12[%swap3A_1408] {strides = array<i32>} : memref<1024xi32, #tpu.memory_space<vmem>>, vector<16xi32>,
    tpu.vector_store %arg12[%swap3A_1408], %add3A_1407 {strides = array<i32>} : memref<1024xi32, #tpu.memory_space<vmem>>, vector<16xi32>,
    %get3A_1410 = arith.constant 224 : index
    %get3A_1411 = tpu.vector_load %arg9[%get3A_1410] {strides = array<i32>} : memref<1024xi32, #tpu.memory_space<vmem>>, vector<16xi32>,
    %broadcast_in_dim3A_1412 = arith.constant true
    %broadcast_in_dim3A_1413 = vector.broadcast %broadcast_in_dim3A_1412 : i1 to vector<16xi1>
    %masked_cumsum3A_1414 = tpu.scan <sum>, %get3A_1411 masked %broadcast_in_dim3A_1413 : vector<16xi32>, vector<16xi1> -> vector<16xi32>
    %sub3A_1415 = arith.subi %masked_cumsum3A_1414, %get3A_1411 : vector<16xi32>
    %slice3A_1416 = vector.extract_strided_slice %add3A_664 {offsets = [14], sizes = [1], strides = [1]} : vector<16xi32> to vector<1xi32>
    %squeeze3A_1417 = vector.extract %slice3A_1416[0] : i32 from vector<1xi32>
    %add3A_1418 = vector.broadcast %squeeze3A_1417 : i32 to vector<16xi32>
    %add3A_1419 = arith.addi %sub3A_1415, %add3A_1418 : vector<16xi32>
    %swap3A_1420 = arith.constant 224 : index
    %swap3A_1421 = tpu.vector_load %arg12[%swap3A_1420] {strides = array<i32>} : memref<1024xi32, #tpu.memory_space<vmem>>, vector<16xi32>,
    tpu.vector_store %arg12[%swap3A_1420], %add3A_1419 {strides = array<i32>} : memref<1024xi32, #tpu.memory_space<vmem>>, vector<16xi32>,
    %get3A_1422 = arith.constant 240 : index
    %get3A_1423 = tpu.vector_load %arg9[%get3A_1422] {strides = array<i32>} : memref<1024xi32, #tpu.memory_space<vmem>>, vector<16xi32>,
    %broadcast_in_dim3A_1424 = arith.constant true
    %broadcast_in_dim3A_1425 = vector.broadcast %broadcast_in_dim3A_1424 : i1 to vector<16xi1>
    %masked_cumsum3A_1426 = tpu.scan <sum>, %get3A_1423 masked %broadcast_in_dim3A_1425 : vector<16xi32>, vector<16xi1> -> vector<16xi32>
    %sub3A_1427 = arith.subi %masked_cumsum3A_1426, %get3A_1423 : vector<16xi32>
    %slice3A_1428 = vector.extract_strided_slice %add3A_664 {offsets = [15], sizes = [1], strides = [1]} : vector<16xi32> to vector<1xi32>
    %squeeze3A_1429 = vector.extract %slice3A_1428[0] : i32 from vector<1xi32>
    %add3A_1430 = vector.broadcast %squeeze3A_1429 : i32 to vector<16xi32>
    %add3A_1431 = arith.addi %sub3A_1427, %add3A_1430 : vector<16xi32>
    %swap3A_1432 = arith.constant 240 : index
    %swap3A_1433 = tpu.vector_load %arg12[%swap3A_1432] {strides = array<i32>} : memref<1024xi32, #tpu.memory_space<vmem>>, vector<16xi32>,
    tpu.vector_store %arg12[%swap3A_1432], %add3A_1431 {strides = array<i32>} : memref<1024xi32, #tpu.memory_space<vmem>>, vector<16xi32>,
    %get3A_1434 = arith.constant 256 : index
    %get3A_1435 = tpu.vector_load %arg9[%get3A_1434] {strides = array<i32>} : memref<1024xi32, #tpu.memory_space<vmem>>, vector<16xi32>,
    %broadcast_in_dim3A_1436 = arith.constant true
    %broadcast_in_dim3A_1437 = vector.broadcast %broadcast_in_dim3A_1436 : i1 to vector<16xi1>
    %masked_cumsum3A_1438 = tpu.scan <sum>, %get3A_1435 masked %broadcast_in_dim3A_1437 : vector<16xi32>, vector<16xi1> -> vector<16xi32>
    %sub3A_1439 = arith.subi %masked_cumsum3A_1438, %get3A_1435 : vector<16xi32>
    %slice3A_1440 = vector.extract_strided_slice %add3A_854 {offsets = [0], sizes = [1], strides = [1]} : vector<16xi32> to vector<1xi32>
    %squeeze3A_1441 = vector.extract %slice3A_1440[0] : i32 from vector<1xi32>
    %add3A_1442 = vector.broadcast %squeeze3A_1441 : i32 to vector<16xi32>
    %add3A_1443 = arith.addi %sub3A_1439, %add3A_1442 : vector<16xi32>
    %swap3A_1444 = arith.constant 256 : index
    %swap3A_1445 = tpu.vector_load %arg12[%swap3A_1444] {strides = array<i32>} : memref<1024xi32, #tpu.memory_space<vmem>>, vector<16xi32>,
    tpu.vector_store %arg12[%swap3A_1444], %add3A_1443 {strides = array<i32>} : memref<1024xi32, #tpu.memory_space<vmem>>, vector<16xi32>,
    %get3A_1446 = arith.constant 272 : index
    %get3A_1447 = tpu.vector_load %arg9[%get3A_1446] {strides = array<i32>} : memref<1024xi32, #tpu.memory_space<vmem>>, vector<16xi32>,
    %broadcast_in_dim3A_1448 = arith.constant true
    %broadcast_in_dim3A_1449 = vector.broadcast %broadcast_in_dim3A_1448 : i1 to vector<16xi1>
    %masked_cumsum3A_1450 = tpu.scan <sum>, %get3A_1447 masked %broadcast_in_dim3A_1449 : vector<16xi32>, vector<16xi1> -> vector<16xi32>
    %sub3A_1451 = arith.subi %masked_cumsum3A_1450, %get3A_1447 : vector<16xi32>
    %slice3A_1452 = vector.extract_strided_slice %add3A_854 {offsets = [1], sizes = [1], strides = [1]} : vector<16xi32> to vector<1xi32>
    %squeeze3A_1453 = vector.extract %slice3A_1452[0] : i32 from vector<1xi32>
    %add3A_1454 = vector.broadcast %squeeze3A_1453 : i32 to vector<16xi32>
    %add3A_1455 = arith.addi %sub3A_1451, %add3A_1454 : vector<16xi32>
    %swap3A_1456 = arith.constant 272 : index
    %swap3A_1457 = tpu.vector_load %arg12[%swap3A_1456] {strides = array<i32>} : memref<1024xi32, #tpu.memory_space<vmem>>, vector<16xi32>,
    tpu.vector_store %arg12[%swap3A_1456], %add3A_1455 {strides = array<i32>} : memref<1024xi32, #tpu.memory_space<vmem>>, vector<16xi32>,
    %get3A_1458 = arith.constant 288 : index
    %get3A_1459 = tpu.vector_load %arg9[%get3A_1458] {strides = array<i32>} : memref<1024xi32, #tpu.memory_space<vmem>>, vector<16xi32>,
    %broadcast_in_dim3A_1460 = arith.constant true
    %broadcast_in_dim3A_1461 = vector.broadcast %broadcast_in_dim3A_1460 : i1 to vector<16xi1>
    %masked_cumsum3A_1462 = tpu.scan <sum>, %get3A_1459 masked %broadcast_in_dim3A_1461 : vector<16xi32>, vector<16xi1> -> vector<16xi32>
    %sub3A_1463 = arith.subi %masked_cumsum3A_1462, %get3A_1459 : vector<16xi32>
    %slice3A_1464 = vector.extract_strided_slice %add3A_854 {offsets = [2], sizes = [1], strides = [1]} : vector<16xi32> to vector<1xi32>
    %squeeze3A_1465 = vector.extract %slice3A_1464[0] : i32 from vector<1xi32>
    %add3A_1466 = vector.broadcast %squeeze3A_1465 : i32 to vector<16xi32>
    %add3A_1467 = arith.addi %sub3A_1463, %add3A_1466 : vector<16xi32>
    %swap3A_1468 = arith.constant 288 : index
    %swap3A_1469 = tpu.vector_load %arg12[%swap3A_1468] {strides = array<i32>} : memref<1024xi32, #tpu.memory_space<vmem>>, vector<16xi32>,
    tpu.vector_store %arg12[%swap3A_1468], %add3A_1467 {strides = array<i32>} : memref<1024xi32, #tpu.memory_space<vmem>>, vector<16xi32>,
    %get3A_1470 = arith.constant 304 : index
    %get3A_1471 = tpu.vector_load %arg9[%get3A_1470] {strides = array<i32>} : memref<1024xi32, #tpu.memory_space<vmem>>, vector<16xi32>,
    %broadcast_in_dim3A_1472 = arith.constant true
    %broadcast_in_dim3A_1473 = vector.broadcast %broadcast_in_dim3A_1472 : i1 to vector<16xi1>
    %masked_cumsum3A_1474 = tpu.scan <sum>, %get3A_1471 masked %broadcast_in_dim3A_1473 : vector<16xi32>, vector<16xi1> -> vector<16xi32>
    %sub3A_1475 = arith.subi %masked_cumsum3A_1474, %get3A_1471 : vector<16xi32>
    %slice3A_1476 = vector.extract_strided_slice %add3A_854 {offsets = [3], sizes = [1], strides = [1]} : vector<16xi32> to vector<1xi32>
    %squeeze3A_1477 = vector.extract %slice3A_1476[0] : i32 from vector<1xi32>
    %add3A_1478 = vector.broadcast %squeeze3A_1477 : i32 to vector<16xi32>
    %add3A_1479 = arith.addi %sub3A_1475, %add3A_1478 : vector<16xi32>
    %swap3A_1480 = arith.constant 304 : index
    %swap3A_1481 = tpu.vector_load %arg12[%swap3A_1480] {strides = array<i32>} : memref<1024xi32, #tpu.memory_space<vmem>>, vector<16xi32>,
    tpu.vector_store %arg12[%swap3A_1480], %add3A_1479 {strides = array<i32>} : memref<1024xi32, #tpu.memory_space<vmem>>, vector<16xi32>,
    %get3A_1482 = arith.constant 320 : index
    %get3A_1483 = tpu.vector_load %arg9[%get3A_1482] {strides = array<i32>} : memref<1024xi32, #tpu.memory_space<vmem>>, vector<16xi32>,
    %broadcast_in_dim3A_1484 = arith.constant true
    %broadcast_in_dim3A_1485 = vector.broadcast %broadcast_in_dim3A_1484 : i1 to vector<16xi1>
    %masked_cumsum3A_1486 = tpu.scan <sum>, %get3A_1483 masked %broadcast_in_dim3A_1485 : vector<16xi32>, vector<16xi1> -> vector<16xi32>
    %sub3A_1487 = arith.subi %masked_cumsum3A_1486, %get3A_1483 : vector<16xi32>
    %slice3A_1488 = vector.extract_strided_slice %add3A_854 {offsets = [4], sizes = [1], strides = [1]} : vector<16xi32> to vector<1xi32>
    %squeeze3A_1489 = vector.extract %slice3A_1488[0] : i32 from vector<1xi32>
    %add3A_1490 = vector.broadcast %squeeze3A_1489 : i32 to vector<16xi32>
    %add3A_1491 = arith.addi %sub3A_1487, %add3A_1490 : vector<16xi32>
    %swap3A_1492 = arith.constant 320 : index
    %swap3A_1493 = tpu.vector_load %arg12[%swap3A_1492] {strides = array<i32>} : memref<1024xi32, #tpu.memory_space<vmem>>, vector<16xi32>,
    tpu.vector_store %arg12[%swap3A_1492], %add3A_1491 {strides = array<i32>} : memref<1024xi32, #tpu.memory_space<vmem>>, vector<16xi32>,
    %get3A_1494 = arith.constant 336 : index
    %get3A_1495 = tpu.vector_load %arg9[%get3A_1494] {strides = array<i32>} : memref<1024xi32, #tpu.memory_space<vmem>>, vector<16xi32>,
    %broadcast_in_dim3A_1496 = arith.constant true
    %broadcast_in_dim3A_1497 = vector.broadcast %broadcast_in_dim3A_1496 : i1 to vector<16xi1>
    %masked_cumsum3A_1498 = tpu.scan <sum>, %get3A_1495 masked %broadcast_in_dim3A_1497 : vector<16xi32>, vector<16xi1> -> vector<16xi32>
    %sub3A_1499 = arith.subi %masked_cumsum3A_1498, %get3A_1495 : vector<16xi32>
    %slice3A_1500 = vector.extract_strided_slice %add3A_854 {offsets = [5], sizes = [1], strides = [1]} : vector<16xi32> to vector<1xi32>
    %squeeze3A_1501 = vector.extract %slice3A_1500[0] : i32 from vector<1xi32>
    %add3A_1502 = vector.broadcast %squeeze3A_1501 : i32 to vector<16xi32>
    %add3A_1503 = arith.addi %sub3A_1499, %add3A_1502 : vector<16xi32>
    %swap3A_1504 = arith.constant 336 : index
    %swap3A_1505 = tpu.vector_load %arg12[%swap3A_1504] {strides = array<i32>} : memref<1024xi32, #tpu.memory_space<vmem>>, vector<16xi32>,
    tpu.vector_store %arg12[%swap3A_1504], %add3A_1503 {strides = array<i32>} : memref<1024xi32, #tpu.memory_space<vmem>>, vector<16xi32>,
    %get3A_1506 = arith.constant 352 : index
    %get3A_1507 = tpu.vector_load %arg9[%get3A_1506] {strides = array<i32>} : memref<1024xi32, #tpu.memory_space<vmem>>, vector<16xi32>,
    %broadcast_in_dim3A_1508 = arith.constant true
    %broadcast_in_dim3A_1509 = vector.broadcast %broadcast_in_dim3A_1508 : i1 to vector<16xi1>
    %masked_cumsum3A_1510 = tpu.scan <sum>, %get3A_1507 masked %broadcast_in_dim3A_1509 : vector<16xi32>, vector<16xi1> -> vector<16xi32>
    %sub3A_1511 = arith.subi %masked_cumsum3A_1510, %get3A_1507 : vector<16xi32>
    %slice3A_1512 = vector.extract_strided_slice %add3A_854 {offsets = [6], sizes = [1], strides = [1]} : vector<16xi32> to vector<1xi32>
    %squeeze3A_1513 = vector.extract %slice3A_1512[0] : i32 from vector<1xi32>
    %add3A_1514 = vector.broadcast %squeeze3A_1513 : i32 to vector<16xi32>
    %add3A_1515 = arith.addi %sub3A_1511, %add3A_1514 : vector<16xi32>
    %swap3A_1516 = arith.constant 352 : index
    %swap3A_1517 = tpu.vector_load %arg12[%swap3A_1516] {strides = array<i32>} : memref<1024xi32, #tpu.memory_space<vmem>>, vector<16xi32>,
    tpu.vector_store %arg12[%swap3A_1516], %add3A_1515 {strides = array<i32>} : memref<1024xi32, #tpu.memory_space<vmem>>, vector<16xi32>,
    %get3A_1518 = arith.constant 368 : index
    %get3A_1519 = tpu.vector_load %arg9[%get3A_1518] {strides = array<i32>} : memref<1024xi32, #tpu.memory_space<vmem>>, vector<16xi32>,
    %broadcast_in_dim3A_1520 = arith.constant true
    %broadcast_in_dim3A_1521 = vector.broadcast %broadcast_in_dim3A_1520 : i1 to vector<16xi1>
    %masked_cumsum3A_1522 = tpu.scan <sum>, %get3A_1519 masked %broadcast_in_dim3A_1521 : vector<16xi32>, vector<16xi1> -> vector<16xi32>
    %sub3A_1523 = arith.subi %masked_cumsum3A_1522, %get3A_1519 : vector<16xi32>
    %slice3A_1524 = vector.extract_strided_slice %add3A_854 {offsets = [7], sizes = [1], strides = [1]} : vector<16xi32> to vector<1xi32>
    %squeeze3A_1525 = vector.extract %slice3A_1524[0] : i32 from vector<1xi32>
    %add3A_1526 = vector.broadcast %squeeze3A_1525 : i32 to vector<16xi32>
    %add3A_1527 = arith.addi %sub3A_1523, %add3A_1526 : vector<16xi32>
    %swap3A_1528 = arith.constant 368 : index
    %swap3A_1529 = tpu.vector_load %arg12[%swap3A_1528] {strides = array<i32>} : memref<1024xi32, #tpu.memory_space<vmem>>, vector<16xi32>,
    tpu.vector_store %arg12[%swap3A_1528], %add3A_1527 {strides = array<i32>} : memref<1024xi32, #tpu.memory_space<vmem>>, vector<16xi32>,
    %get3A_1530 = arith.constant 384 : index
    %get3A_1531 = tpu.vector_load %arg9[%get3A_1530] {strides = array<i32>} : memref<1024xi32, #tpu.memory_space<vmem>>, vector<16xi32>,
    %broadcast_in_dim3A_1532 = arith.constant true
    %broadcast_in_dim3A_1533 = vector.broadcast %broadcast_in_dim3A_1532 : i1 to vector<16xi1>
    %masked_cumsum3A_1534 = tpu.scan <sum>, %get3A_1531 masked %broadcast_in_dim3A_1533 : vector<16xi32>, vector<16xi1> -> vector<16xi32>
    %sub3A_1535 = arith.subi %masked_cumsum3A_1534, %get3A_1531 : vector<16xi32>
    %slice3A_1536 = vector.extract_strided_slice %add3A_854 {offsets = [8], sizes = [1], strides = [1]} : vector<16xi32> to vector<1xi32>
    %squeeze3A_1537 = vector.extract %slice3A_1536[0] : i32 from vector<1xi32>
    %add3A_1538 = vector.broadcast %squeeze3A_1537 : i32 to vector<16xi32>
    %add3A_1539 = arith.addi %sub3A_1535, %add3A_1538 : vector<16xi32>
    %swap3A_1540 = arith.constant 384 : index
    %swap3A_1541 = tpu.vector_load %arg12[%swap3A_1540] {strides = array<i32>} : memref<1024xi32, #tpu.memory_space<vmem>>, vector<16xi32>,
    tpu.vector_store %arg12[%swap3A_1540], %add3A_1539 {strides = array<i32>} : memref<1024xi32, #tpu.memory_space<vmem>>, vector<16xi32>,
    %get3A_1542 = arith.constant 400 : index
    %get3A_1543 = tpu.vector_load %arg9[%get3A_1542] {strides = array<i32>} : memref<1024xi32, #tpu.memory_space<vmem>>, vector<16xi32>,
    %broadcast_in_dim3A_1544 = arith.constant true
    %broadcast_in_dim3A_1545 = vector.broadcast %broadcast_in_dim3A_1544 : i1 to vector<16xi1>
    %masked_cumsum3A_1546 = tpu.scan <sum>, %get3A_1543 masked %broadcast_in_dim3A_1545 : vector<16xi32>, vector<16xi1> -> vector<16xi32>
    %sub3A_1547 = arith.subi %masked_cumsum3A_1546, %get3A_1543 : vector<16xi32>
    %slice3A_1548 = vector.extract_strided_slice %add3A_854 {offsets = [9], sizes = [1], strides = [1]} : vector<16xi32> to vector<1xi32>
    %squeeze3A_1549 = vector.extract %slice3A_1548[0] : i32 from vector<1xi32>
    %add3A_1550 = vector.broadcast %squeeze3A_1549 : i32 to vector<16xi32>
    %add3A_1551 = arith.addi %sub3A_1547, %add3A_1550 : vector<16xi32>
    %swap3A_1552 = arith.constant 400 : index
    %swap3A_1553 = tpu.vector_load %arg12[%swap3A_1552] {strides = array<i32>} : memref<1024xi32, #tpu.memory_space<vmem>>, vector<16xi32>,
    tpu.vector_store %arg12[%swap3A_1552], %add3A_1551 {strides = array<i32>} : memref<1024xi32, #tpu.memory_space<vmem>>, vector<16xi32>,
    %get3A_1554 = arith.constant 416 : index
    %get3A_1555 = tpu.vector_load %arg9[%get3A_1554] {strides = array<i32>} : memref<1024xi32, #tpu.memory_space<vmem>>, vector<16xi32>,
    %broadcast_in_dim3A_1556 = arith.constant true
    %broadcast_in_dim3A_1557 = vector.broadcast %broadcast_in_dim3A_1556 : i1 to vector<16xi1>
    %masked_cumsum3A_1558 = tpu.scan <sum>, %get3A_1555 masked %broadcast_in_dim3A_1557 : vector<16xi32>, vector<16xi1> -> vector<16xi32>
    %sub3A_1559 = arith.subi %masked_cumsum3A_1558, %get3A_1555 : vector<16xi32>
    %slice3A_1560 = vector.extract_strided_slice %add3A_854 {offsets = [10], sizes = [1], strides = [1]} : vector<16xi32> to vector<1xi32>
    %squeeze3A_1561 = vector.extract %slice3A_1560[0] : i32 from vector<1xi32>
    %add3A_1562 = vector.broadcast %squeeze3A_1561 : i32 to vector<16xi32>
    %add3A_1563 = arith.addi %sub3A_1559, %add3A_1562 : vector<16xi32>
    %swap3A_1564 = arith.constant 416 : index
    %swap3A_1565 = tpu.vector_load %arg12[%swap3A_1564] {strides = array<i32>} : memref<1024xi32, #tpu.memory_space<vmem>>, vector<16xi32>,
    tpu.vector_store %arg12[%swap3A_1564], %add3A_1563 {strides = array<i32>} : memref<1024xi32, #tpu.memory_space<vmem>>, vector<16xi32>,
    %get3A_1566 = arith.constant 432 : index
    %get3A_1567 = tpu.vector_load %arg9[%get3A_1566] {strides = array<i32>} : memref<1024xi32, #tpu.memory_space<vmem>>, vector<16xi32>,
    %broadcast_in_dim3A_1568 = arith.constant true
    %broadcast_in_dim3A_1569 = vector.broadcast %broadcast_in_dim3A_1568 : i1 to vector<16xi1>
    %masked_cumsum3A_1570 = tpu.scan <sum>, %get3A_1567 masked %broadcast_in_dim3A_1569 : vector<16xi32>, vector<16xi1> -> vector<16xi32>
    %sub3A_1571 = arith.subi %masked_cumsum3A_1570, %get3A_1567 : vector<16xi32>
    %slice3A_1572 = vector.extract_strided_slice %add3A_854 {offsets = [11], sizes = [1], strides = [1]} : vector<16xi32> to vector<1xi32>
    %squeeze3A_1573 = vector.extract %slice3A_1572[0] : i32 from vector<1xi32>
    %add3A_1574 = vector.broadcast %squeeze3A_1573 : i32 to vector<16xi32>
    %add3A_1575 = arith.addi %sub3A_1571, %add3A_1574 : vector<16xi32>
    %swap3A_1576 = arith.constant 432 : index
    %swap3A_1577 = tpu.vector_load %arg12[%swap3A_1576] {strides = array<i32>} : memref<1024xi32, #tpu.memory_space<vmem>>, vector<16xi32>,
    tpu.vector_store %arg12[%swap3A_1576], %add3A_1575 {strides = array<i32>} : memref<1024xi32, #tpu.memory_space<vmem>>, vector<16xi32>,
    %get3A_1578 = arith.constant 448 : index
    %get3A_1579 = tpu.vector_load %arg9[%get3A_1578] {strides = array<i32>} : memref<1024xi32, #tpu.memory_space<vmem>>, vector<16xi32>,
    %broadcast_in_dim3A_1580 = arith.constant true
    %broadcast_in_dim3A_1581 = vector.broadcast %broadcast_in_dim3A_1580 : i1 to vector<16xi1>
    %masked_cumsum3A_1582 = tpu.scan <sum>, %get3A_1579 masked %broadcast_in_dim3A_1581 : vector<16xi32>, vector<16xi1> -> vector<16xi32>
    %sub3A_1583 = arith.subi %masked_cumsum3A_1582, %get3A_1579 : vector<16xi32>
    %slice3A_1584 = vector.extract_strided_slice %add3A_854 {offsets = [12], sizes = [1], strides = [1]} : vector<16xi32> to vector<1xi32>
    %squeeze3A_1585 = vector.extract %slice3A_1584[0] : i32 from vector<1xi32>
    %add3A_1586 = vector.broadcast %squeeze3A_1585 : i32 to vector<16xi32>
    %add3A_1587 = arith.addi %sub3A_1583, %add3A_1586 : vector<16xi32>
    %swap3A_1588 = arith.constant 448 : index
    %swap3A_1589 = tpu.vector_load %arg12[%swap3A_1588] {strides = array<i32>} : memref<1024xi32, #tpu.memory_space<vmem>>, vector<16xi32>,
    tpu.vector_store %arg12[%swap3A_1588], %add3A_1587 {strides = array<i32>} : memref<1024xi32, #tpu.memory_space<vmem>>, vector<16xi32>,
    %get3A_1590 = arith.constant 464 : index
    %get3A_1591 = tpu.vector_load %arg9[%get3A_1590] {strides = array<i32>} : memref<1024xi32, #tpu.memory_space<vmem>>, vector<16xi32>,
    %broadcast_in_dim3A_1592 = arith.constant true
    %broadcast_in_dim3A_1593 = vector.broadcast %broadcast_in_dim3A_1592 : i1 to vector<16xi1>
    %masked_cumsum3A_1594 = tpu.scan <sum>, %get3A_1591 masked %broadcast_in_dim3A_1593 : vector<16xi32>, vector<16xi1> -> vector<16xi32>
    %sub3A_1595 = arith.subi %masked_cumsum3A_1594, %get3A_1591 : vector<16xi32>
    %slice3A_1596 = vector.extract_strided_slice %add3A_854 {offsets = [13], sizes = [1], strides = [1]} : vector<16xi32> to vector<1xi32>
    %squeeze3A_1597 = vector.extract %slice3A_1596[0] : i32 from vector<1xi32>
    %add3A_1598 = vector.broadcast %squeeze3A_1597 : i32 to vector<16xi32>
    %add3A_1599 = arith.addi %sub3A_1595, %add3A_1598 : vector<16xi32>
    %swap3A_1600 = arith.constant 464 : index
    %swap3A_1601 = tpu.vector_load %arg12[%swap3A_1600] {strides = array<i32>} : memref<1024xi32, #tpu.memory_space<vmem>>, vector<16xi32>,
    tpu.vector_store %arg12[%swap3A_1600], %add3A_1599 {strides = array<i32>} : memref<1024xi32, #tpu.memory_space<vmem>>, vector<16xi32>,
    %get3A_1602 = arith.constant 480 : index
    %get3A_1603 = tpu.vector_load %arg9[%get3A_1602] {strides = array<i32>} : memref<1024xi32, #tpu.memory_space<vmem>>, vector<16xi32>,
    %broadcast_in_dim3A_1604 = arith.constant true
    %broadcast_in_dim3A_1605 = vector.broadcast %broadcast_in_dim3A_1604 : i1 to vector<16xi1>
    %masked_cumsum3A_1606 = tpu.scan <sum>, %get3A_1603 masked %broadcast_in_dim3A_1605 : vector<16xi32>, vector<16xi1> -> vector<16xi32>
    %sub3A_1607 = arith.subi %masked_cumsum3A_1606, %get3A_1603 : vector<16xi32>
    %slice3A_1608 = vector.extract_strided_slice %add3A_854 {offsets = [14], sizes = [1], strides = [1]} : vector<16xi32> to vector<1xi32>
    %squeeze3A_1609 = vector.extract %slice3A_1608[0] : i32 from vector<1xi32>
    %add3A_1610 = vector.broadcast %squeeze3A_1609 : i32 to vector<16xi32>
    %add3A_1611 = arith.addi %sub3A_1607, %add3A_1610 : vector<16xi32>
    %swap3A_1612 = arith.constant 480 : index
    %swap3A_1613 = tpu.vector_load %arg12[%swap3A_1612] {strides = array<i32>} : memref<1024xi32, #tpu.memory_space<vmem>>, vector<16xi32>,
    tpu.vector_store %arg12[%swap3A_1612], %add3A_1611 {strides = array<i32>} : memref<1024xi32, #tpu.memory_space<vmem>>, vector<16xi32>,
    %get3A_1614 = arith.constant 496 : index
    %get3A_1615 = tpu.vector_load %arg9[%get3A_1614] {strides = array<i32>} : memref<1024xi32, #tpu.memory_space<vmem>>, vector<16xi32>,
    %broadcast_in_dim3A_1616 = arith.constant true
    %broadcast_in_dim3A_1617 = vector.broadcast %broadcast_in_dim3A_1616 : i1 to vector<16xi1>
    %masked_cumsum3A_1618 = tpu.scan <sum>, %get3A_1615 masked %broadcast_in_dim3A_1617 : vector<16xi32>, vector<16xi1> -> vector<16xi32>
    %sub3A_1619 = arith.subi %masked_cumsum3A_1618, %get3A_1615 : vector<16xi32>
    %slice3A_1620 = vector.extract_strided_slice %add3A_854 {offsets = [15], sizes = [1], strides = [1]} : vector<16xi32> to vector<1xi32>
    %squeeze3A_1621 = vector.extract %slice3A_1620[0] : i32 from vector<1xi32>
    %add3A_1622 = vector.broadcast %squeeze3A_1621 : i32 to vector<16xi32>
    %add3A_1623 = arith.addi %sub3A_1619, %add3A_1622 : vector<16xi32>
    %swap3A_1624 = arith.constant 496 : index
    %swap3A_1625 = tpu.vector_load %arg12[%swap3A_1624] {strides = array<i32>} : memref<1024xi32, #tpu.memory_space<vmem>>, vector<16xi32>,
    tpu.vector_store %arg12[%swap3A_1624], %add3A_1623 {strides = array<i32>} : memref<1024xi32, #tpu.memory_space<vmem>>, vector<16xi32>,
    %get3A_1626 = arith.constant 512 : index
    %get3A_1627 = tpu.vector_load %arg9[%get3A_1626] {strides = array<i32>} : memref<1024xi32, #tpu.memory_space<vmem>>, vector<16xi32>,
    %broadcast_in_dim3A_1628 = arith.constant true
    %broadcast_in_dim3A_1629 = vector.broadcast %broadcast_in_dim3A_1628 : i1 to vector<16xi1>
    %masked_cumsum3A_1630 = tpu.scan <sum>, %get3A_1627 masked %broadcast_in_dim3A_1629 : vector<16xi32>, vector<16xi1> -> vector<16xi32>
    %sub3A_1631 = arith.subi %masked_cumsum3A_1630, %get3A_1627 : vector<16xi32>
    %slice3A_1632 = vector.extract_strided_slice %add3A_1044 {offsets = [0], sizes = [1], strides = [1]} : vector<16xi32> to vector<1xi32>
    %squeeze3A_1633 = vector.extract %slice3A_1632[0] : i32 from vector<1xi32>
    %add3A_1634 = vector.broadcast %squeeze3A_1633 : i32 to vector<16xi32>
    %add3A_1635 = arith.addi %sub3A_1631, %add3A_1634 : vector<16xi32>
    %swap3A_1636 = arith.constant 512 : index
    %swap3A_1637 = tpu.vector_load %arg12[%swap3A_1636] {strides = array<i32>} : memref<1024xi32, #tpu.memory_space<vmem>>, vector<16xi32>,
    tpu.vector_store %arg12[%swap3A_1636], %add3A_1635 {strides = array<i32>} : memref<1024xi32, #tpu.memory_space<vmem>>, vector<16xi32>,
    %get3A_1638 = arith.constant 528 : index
    %get3A_1639 = tpu.vector_load %arg9[%get3A_1638] {strides = array<i32>} : memref<1024xi32, #tpu.memory_space<vmem>>, vector<16xi32>,
    %broadcast_in_dim3A_1640 = arith.constant true
    %broadcast_in_dim3A_1641 = vector.broadcast %broadcast_in_dim3A_1640 : i1 to vector<16xi1>
    %masked_cumsum3A_1642 = tpu.scan <sum>, %get3A_1639 masked %broadcast_in_dim3A_1641 : vector<16xi32>, vector<16xi1> -> vector<16xi32>
    %sub3A_1643 = arith.subi %masked_cumsum3A_1642, %get3A_1639 : vector<16xi32>
    %slice3A_1644 = vector.extract_strided_slice %add3A_1044 {offsets = [1], sizes = [1], strides = [1]} : vector<16xi32> to vector<1xi32>
    %squeeze3A_1645 = vector.extract %slice3A_1644[0] : i32 from vector<1xi32>
    %add3A_1646 = vector.broadcast %squeeze3A_1645 : i32 to vector<16xi32>
    %add3A_1647 = arith.addi %sub3A_1643, %add3A_1646 : vector<16xi32>
    %swap3A_1648 = arith.constant 528 : index
    %swap3A_1649 = tpu.vector_load %arg12[%swap3A_1648] {strides = array<i32>} : memref<1024xi32, #tpu.memory_space<vmem>>, vector<16xi32>,
    tpu.vector_store %arg12[%swap3A_1648], %add3A_1647 {strides = array<i32>} : memref<1024xi32, #tpu.memory_space<vmem>>, vector<16xi32>,
    %get3A_1650 = arith.constant 544 : index
    %get3A_1651 = tpu.vector_load %arg9[%get3A_1650] {strides = array<i32>} : memref<1024xi32, #tpu.memory_space<vmem>>, vector<16xi32>,
    %broadcast_in_dim3A_1652 = arith.constant true
    %broadcast_in_dim3A_1653 = vector.broadcast %broadcast_in_dim3A_1652 : i1 to vector<16xi1>
    %masked_cumsum3A_1654 = tpu.scan <sum>, %get3A_1651 masked %broadcast_in_dim3A_1653 : vector<16xi32>, vector<16xi1> -> vector<16xi32>
    %sub3A_1655 = arith.subi %masked_cumsum3A_1654, %get3A_1651 : vector<16xi32>
    %slice3A_1656 = vector.extract_strided_slice %add3A_1044 {offsets = [2], sizes = [1], strides = [1]} : vector<16xi32> to vector<1xi32>
    %squeeze3A_1657 = vector.extract %slice3A_1656[0] : i32 from vector<1xi32>
    %add3A_1658 = vector.broadcast %squeeze3A_1657 : i32 to vector<16xi32>
    %add3A_1659 = arith.addi %sub3A_1655, %add3A_1658 : vector<16xi32>
    %swap3A_1660 = arith.constant 544 : index
    %swap3A_1661 = tpu.vector_load %arg12[%swap3A_1660] {strides = array<i32>} : memref<1024xi32, #tpu.memory_space<vmem>>, vector<16xi32>,
    tpu.vector_store %arg12[%swap3A_1660], %add3A_1659 {strides = array<i32>} : memref<1024xi32, #tpu.memory_space<vmem>>, vector<16xi32>,
    %get3A_1662 = arith.constant 560 : index
    %get3A_1663 = tpu.vector_load %arg9[%get3A_1662] {strides = array<i32>} : memref<1024xi32, #tpu.memory_space<vmem>>, vector<16xi32>,
    %broadcast_in_dim3A_1664 = arith.constant true
    %broadcast_in_dim3A_1665 = vector.broadcast %broadcast_in_dim3A_1664 : i1 to vector<16xi1>
    %masked_cumsum3A_1666 = tpu.scan <sum>, %get3A_1663 masked %broadcast_in_dim3A_1665 : vector<16xi32>, vector<16xi1> -> vector<16xi32>
    %sub3A_1667 = arith.subi %masked_cumsum3A_1666, %get3A_1663 : vector<16xi32>
    %slice3A_1668 = vector.extract_strided_slice %add3A_1044 {offsets = [3], sizes = [1], strides = [1]} : vector<16xi32> to vector<1xi32>
    %squeeze3A_1669 = vector.extract %slice3A_1668[0] : i32 from vector<1xi32>
    %add3A_1670 = vector.broadcast %squeeze3A_1669 : i32 to vector<16xi32>
    %add3A_1671 = arith.addi %sub3A_1667, %add3A_1670 : vector<16xi32>
    %swap3A_1672 = arith.constant 560 : index
    %swap3A_1673 = tpu.vector_load %arg12[%swap3A_1672] {strides = array<i32>} : memref<1024xi32, #tpu.memory_space<vmem>>, vector<16xi32>,
    tpu.vector_store %arg12[%swap3A_1672], %add3A_1671 {strides = array<i32>} : memref<1024xi32, #tpu.memory_space<vmem>>, vector<16xi32>,
    %get3A_1674 = arith.constant 576 : index
    %get3A_1675 = tpu.vector_load %arg9[%get3A_1674] {strides = array<i32>} : memref<1024xi32, #tpu.memory_space<vmem>>, vector<16xi32>,
    %broadcast_in_dim3A_1676 = arith.constant true
    %broadcast_in_dim3A_1677 = vector.broadcast %broadcast_in_dim3A_1676 : i1 to vector<16xi1>
    %masked_cumsum3A_1678 = tpu.scan <sum>, %get3A_1675 masked %broadcast_in_dim3A_1677 : vector<16xi32>, vector<16xi1> -> vector<16xi32>
    %sub3A_1679 = arith.subi %masked_cumsum3A_1678, %get3A_1675 : vector<16xi32>
    %slice3A_1680 = vector.extract_strided_slice %add3A_1044 {offsets = [4], sizes = [1], strides = [1]} : vector<16xi32> to vector<1xi32>
    %squeeze3A_1681 = vector.extract %slice3A_1680[0] : i32 from vector<1xi32>
    %add3A_1682 = vector.broadcast %squeeze3A_1681 : i32 to vector<16xi32>
    %add3A_1683 = arith.addi %sub3A_1679, %add3A_1682 : vector<16xi32>
    %swap3A_1684 = arith.constant 576 : index
    %swap3A_1685 = tpu.vector_load %arg12[%swap3A_1684] {strides = array<i32>} : memref<1024xi32, #tpu.memory_space<vmem>>, vector<16xi32>,
    tpu.vector_store %arg12[%swap3A_1684], %add3A_1683 {strides = array<i32>} : memref<1024xi32, #tpu.memory_space<vmem>>, vector<16xi32>,
    %get3A_1686 = arith.constant 592 : index
    %get3A_1687 = tpu.vector_load %arg9[%get3A_1686] {strides = array<i32>} : memref<1024xi32, #tpu.memory_space<vmem>>, vector<16xi32>,
    %broadcast_in_dim3A_1688 = arith.constant true
    %broadcast_in_dim3A_1689 = vector.broadcast %broadcast_in_dim3A_1688 : i1 to vector<16xi1>
    %masked_cumsum3A_1690 = tpu.scan <sum>, %get3A_1687 masked %broadcast_in_dim3A_1689 : vector<16xi32>, vector<16xi1> -> vector<16xi32>
    %sub3A_1691 = arith.subi %masked_cumsum3A_1690, %get3A_1687 : vector<16xi32>
    %slice3A_1692 = vector.extract_strided_slice %add3A_1044 {offsets = [5], sizes = [1], strides = [1]} : vector<16xi32> to vector<1xi32>
    %squeeze3A_1693 = vector.extract %slice3A_1692[0] : i32 from vector<1xi32>
    %add3A_1694 = vector.broadcast %squeeze3A_1693 : i32 to vector<16xi32>
    %add3A_1695 = arith.addi %sub3A_1691, %add3A_1694 : vector<16xi32>
    %swap3A_1696 = arith.constant 592 : index
    %swap3A_1697 = tpu.vector_load %arg12[%swap3A_1696] {strides = array<i32>} : memref<1024xi32, #tpu.memory_space<vmem>>, vector<16xi32>,
    tpu.vector_store %arg12[%swap3A_1696], %add3A_1695 {strides = array<i32>} : memref<1024xi32, #tpu.memory_space<vmem>>, vector<16xi32>,
    %get3A_1698 = arith.constant 608 : index
    %get3A_1699 = tpu.vector_load %arg9[%get3A_1698] {strides = array<i32>} : memref<1024xi32, #tpu.memory_space<vmem>>, vector<16xi32>,
    %broadcast_in_dim3A_1700 = arith.constant true
    %broadcast_in_dim3A_1701 = vector.broadcast %broadcast_in_dim3A_1700 : i1 to vector<16xi1>
    %masked_cumsum3A_1702 = tpu.scan <sum>, %get3A_1699 masked %broadcast_in_dim3A_1701 : vector<16xi32>, vector<16xi1> -> vector<16xi32>
    %sub3A_1703 = arith.subi %masked_cumsum3A_1702, %get3A_1699 : vector<16xi32>
    %slice3A_1704 = vector.extract_strided_slice %add3A_1044 {offsets = [6], sizes = [1], strides = [1]} : vector<16xi32> to vector<1xi32>
    %squeeze3A_1705 = vector.extract %slice3A_1704[0] : i32 from vector<1xi32>
    %add3A_1706 = vector.broadcast %squeeze3A_1705 : i32 to vector<16xi32>
    %add3A_1707 = arith.addi %sub3A_1703, %add3A_1706 : vector<16xi32>
    %swap3A_1708 = arith.constant 608 : index
    %swap3A_1709 = tpu.vector_load %arg12[%swap3A_1708] {strides = array<i32>} : memref<1024xi32, #tpu.memory_space<vmem>>, vector<16xi32>,
    tpu.vector_store %arg12[%swap3A_1708], %add3A_1707 {strides = array<i32>} : memref<1024xi32, #tpu.memory_space<vmem>>, vector<16xi32>,
    %get3A_1710 = arith.constant 624 : index
    %get3A_1711 = tpu.vector_load %arg9[%get3A_1710] {strides = array<i32>} : memref<1024xi32, #tpu.memory_space<vmem>>, vector<16xi32>,
    %broadcast_in_dim3A_1712 = arith.constant true
    %broadcast_in_dim3A_1713 = vector.broadcast %broadcast_in_dim3A_1712 : i1 to vector<16xi1>
    %masked_cumsum3A_1714 = tpu.scan <sum>, %get3A_1711 masked %broadcast_in_dim3A_1713 : vector<16xi32>, vector<16xi1> -> vector<16xi32>
    %sub3A_1715 = arith.subi %masked_cumsum3A_1714, %get3A_1711 : vector<16xi32>
    %slice3A_1716 = vector.extract_strided_slice %add3A_1044 {offsets = [7], sizes = [1], strides = [1]} : vector<16xi32> to vector<1xi32>
    %squeeze3A_1717 = vector.extract %slice3A_1716[0] : i32 from vector<1xi32>
    %add3A_1718 = vector.broadcast %squeeze3A_1717 : i32 to vector<16xi32>
    %add3A_1719 = arith.addi %sub3A_1715, %add3A_1718 : vector<16xi32>
    %swap3A_1720 = arith.constant 624 : index
    %swap3A_1721 = tpu.vector_load %arg12[%swap3A_1720] {strides = array<i32>} : memref<1024xi32, #tpu.memory_space<vmem>>, vector<16xi32>,
    tpu.vector_store %arg12[%swap3A_1720], %add3A_1719 {strides = array<i32>} : memref<1024xi32, #tpu.memory_space<vmem>>, vector<16xi32>,
    %get3A_1722 = arith.constant 640 : index
    %get3A_1723 = tpu.vector_load %arg9[%get3A_1722] {strides = array<i32>} : memref<1024xi32, #tpu.memory_space<vmem>>, vector<16xi32>,
    %broadcast_in_dim3A_1724 = arith.constant true
    %broadcast_in_dim3A_1725 = vector.broadcast %broadcast_in_dim3A_1724 : i1 to vector<16xi1>
    %masked_cumsum3A_1726 = tpu.scan <sum>, %get3A_1723 masked %broadcast_in_dim3A_1725 : vector<16xi32>, vector<16xi1> -> vector<16xi32>
    %sub3A_1727 = arith.subi %masked_cumsum3A_1726, %get3A_1723 : vector<16xi32>
    %slice3A_1728 = vector.extract_strided_slice %add3A_1044 {offsets = [8], sizes = [1], strides = [1]} : vector<16xi32> to vector<1xi32>
    %squeeze3A_1729 = vector.extract %slice3A_1728[0] : i32 from vector<1xi32>
    %add3A_1730 = vector.broadcast %squeeze3A_1729 : i32 to vector<16xi32>
    %add3A_1731 = arith.addi %sub3A_1727, %add3A_1730 : vector<16xi32>
    %swap3A_1732 = arith.constant 640 : index
    %swap3A_1733 = tpu.vector_load %arg12[%swap3A_1732] {strides = array<i32>} : memref<1024xi32, #tpu.memory_space<vmem>>, vector<16xi32>,
    tpu.vector_store %arg12[%swap3A_1732], %add3A_1731 {strides = array<i32>} : memref<1024xi32, #tpu.memory_space<vmem>>, vector<16xi32>,
    %get3A_1734 = arith.constant 656 : index
    %get3A_1735 = tpu.vector_load %arg9[%get3A_1734] {strides = array<i32>} : memref<1024xi32, #tpu.memory_space<vmem>>, vector<16xi32>,
    %broadcast_in_dim3A_1736 = arith.constant true
    %broadcast_in_dim3A_1737 = vector.broadcast %broadcast_in_dim3A_1736 : i1 to vector<16xi1>
    %masked_cumsum3A_1738 = tpu.scan <sum>, %get3A_1735 masked %broadcast_in_dim3A_1737 : vector<16xi32>, vector<16xi1> -> vector<16xi32>
    %sub3A_1739 = arith.subi %masked_cumsum3A_1738, %get3A_1735 : vector<16xi32>
    %slice3A_1740 = vector.extract_strided_slice %add3A_1044 {offsets = [9], sizes = [1], strides = [1]} : vector<16xi32> to vector<1xi32>
    %squeeze3A_1741 = vector.extract %slice3A_1740[0] : i32 from vector<1xi32>
    %add3A_1742 = vector.broadcast %squeeze3A_1741 : i32 to vector<16xi32>
    %add3A_1743 = arith.addi %sub3A_1739, %add3A_1742 : vector<16xi32>
    %swap3A_1744 = arith.constant 656 : index
    %swap3A_1745 = tpu.vector_load %arg12[%swap3A_1744] {strides = array<i32>} : memref<1024xi32, #tpu.memory_space<vmem>>, vector<16xi32>,
    tpu.vector_store %arg12[%swap3A_1744], %add3A_1743 {strides = array<i32>} : memref<1024xi32, #tpu.memory_space<vmem>>, vector<16xi32>,
    %get3A_1746 = arith.constant 672 : index
    %get3A_1747 = tpu.vector_load %arg9[%get3A_1746] {strides = array<i32>} : memref<1024xi32, #tpu.memory_space<vmem>>, vector<16xi32>,
    %broadcast_in_dim3A_1748 = arith.constant true
    %broadcast_in_dim3A_1749 = vector.broadcast %broadcast_in_dim3A_1748 : i1 to vector<16xi1>
    %masked_cumsum3A_1750 = tpu.scan <sum>, %get3A_1747 masked %broadcast_in_dim3A_1749 : vector<16xi32>, vector<16xi1> -> vector<16xi32>
    %sub3A_1751 = arith.subi %masked_cumsum3A_1750, %get3A_1747 : vector<16xi32>
    %slice3A_1752 = vector.extract_strided_slice %add3A_1044 {offsets = [10], sizes = [1], strides = [1]} : vector<16xi32> to vector<1xi32>
    %squeeze3A_1753 = vector.extract %slice3A_1752[0] : i32 from vector<1xi32>
    %add3A_1754 = vector.broadcast %squeeze3A_1753 : i32 to vector<16xi32>
    %add3A_1755 = arith.addi %sub3A_1751, %add3A_1754 : vector<16xi32>
    %swap3A_1756 = arith.constant 672 : index
    %swap3A_1757 = tpu.vector_load %arg12[%swap3A_1756] {strides = array<i32>} : memref<1024xi32, #tpu.memory_space<vmem>>, vector<16xi32>,
    tpu.vector_store %arg12[%swap3A_1756], %add3A_1755 {strides = array<i32>} : memref<1024xi32, #tpu.memory_space<vmem>>, vector<16xi32>,
    %get3A_1758 = arith.constant 688 : index
    %get3A_1759 = tpu.vector_load %arg9[%get3A_1758] {strides = array<i32>} : memref<1024xi32, #tpu.memory_space<vmem>>, vector<16xi32>,
    %broadcast_in_dim3A_1760 = arith.constant true
    %broadcast_in_dim3A_1761 = vector.broadcast %broadcast_in_dim3A_1760 : i1 to vector<16xi1>
    %masked_cumsum3A_1762 = tpu.scan <sum>, %get3A_1759 masked %broadcast_in_dim3A_1761 : vector<16xi32>, vector<16xi1> -> vector<16xi32>
    %sub3A_1763 = arith.subi %masked_cumsum3A_1762, %get3A_1759 : vector<16xi32>
    %slice3A_1764 = vector.extract_strided_slice %add3A_1044 {offsets = [11], sizes = [1], strides = [1]} : vector<16xi32> to vector<1xi32>
    %squeeze3A_1765 = vector.extract %slice3A_1764[0] : i32 from vector<1xi32>
    %add3A_1766 = vector.broadcast %squeeze3A_1765 : i32 to vector<16xi32>
    %add3A_1767 = arith.addi %sub3A_1763, %add3A_1766 : vector<16xi32>
    %swap3A_1768 = arith.constant 688 : index
    %swap3A_1769 = tpu.vector_load %arg12[%swap3A_1768] {strides = array<i32>} : memref<1024xi32, #tpu.memory_space<vmem>>, vector<16xi32>,
    tpu.vector_store %arg12[%swap3A_1768], %add3A_1767 {strides = array<i32>} : memref<1024xi32, #tpu.memory_space<vmem>>, vector<16xi32>,
    %get3A_1770 = arith.constant 704 : index
    %get3A_1771 = tpu.vector_load %arg9[%get3A_1770] {strides = array<i32>} : memref<1024xi32, #tpu.memory_space<vmem>>, vector<16xi32>,
    %broadcast_in_dim3A_1772 = arith.constant true
    %broadcast_in_dim3A_1773 = vector.broadcast %broadcast_in_dim3A_1772 : i1 to vector<16xi1>
    %masked_cumsum3A_1774 = tpu.scan <sum>, %get3A_1771 masked %broadcast_in_dim3A_1773 : vector<16xi32>, vector<16xi1> -> vector<16xi32>
    %sub3A_1775 = arith.subi %masked_cumsum3A_1774, %get3A_1771 : vector<16xi32>
    %slice3A_1776 = vector.extract_strided_slice %add3A_1044 {offsets = [12], sizes = [1], strides = [1]} : vector<16xi32> to vector<1xi32>
    %squeeze3A_1777 = vector.extract %slice3A_1776[0] : i32 from vector<1xi32>
    %add3A_1778 = vector.broadcast %squeeze3A_1777 : i32 to vector<16xi32>
    %add3A_1779 = arith.addi %sub3A_1775, %add3A_1778 : vector<16xi32>
    %swap3A_1780 = arith.constant 704 : index
    %swap3A_1781 = tpu.vector_load %arg12[%swap3A_1780] {strides = array<i32>} : memref<1024xi32, #tpu.memory_space<vmem>>, vector<16xi32>,
    tpu.vector_store %arg12[%swap3A_1780], %add3A_1779 {strides = array<i32>} : memref<1024xi32, #tpu.memory_space<vmem>>, vector<16xi32>,
    %get3A_1782 = arith.constant 720 : index
    %get3A_1783 = tpu.vector_load %arg9[%get3A_1782] {strides = array<i32>} : memref<1024xi32, #tpu.memory_space<vmem>>, vector<16xi32>,
    %broadcast_in_dim3A_1784 = arith.constant true
    %broadcast_in_dim3A_1785 = vector.broadcast %broadcast_in_dim3A_1784 : i1 to vector<16xi1>
    %masked_cumsum3A_1786 = tpu.scan <sum>, %get3A_1783 masked %broadcast_in_dim3A_1785 : vector<16xi32>, vector<16xi1> -> vector<16xi32>
    %sub3A_1787 = arith.subi %masked_cumsum3A_1786, %get3A_1783 : vector<16xi32>
    %slice3A_1788 = vector.extract_strided_slice %add3A_1044 {offsets = [13], sizes = [1], strides = [1]} : vector<16xi32> to vector<1xi32>
    %squeeze3A_1789 = vector.extract %slice3A_1788[0] : i32 from vector<1xi32>
    %add3A_1790 = vector.broadcast %squeeze3A_1789 : i32 to vector<16xi32>
    %add3A_1791 = arith.addi %sub3A_1787, %add3A_1790 : vector<16xi32>
    %swap3A_1792 = arith.constant 720 : index
    %swap3A_1793 = tpu.vector_load %arg12[%swap3A_1792] {strides = array<i32>} : memref<1024xi32, #tpu.memory_space<vmem>>, vector<16xi32>,
    tpu.vector_store %arg12[%swap3A_1792], %add3A_1791 {strides = array<i32>} : memref<1024xi32, #tpu.memory_space<vmem>>, vector<16xi32>,
    %get3A_1794 = arith.constant 736 : index
    %get3A_1795 = tpu.vector_load %arg9[%get3A_1794] {strides = array<i32>} : memref<1024xi32, #tpu.memory_space<vmem>>, vector<16xi32>,
    %broadcast_in_dim3A_1796 = arith.constant true
    %broadcast_in_dim3A_1797 = vector.broadcast %broadcast_in_dim3A_1796 : i1 to vector<16xi1>
    %masked_cumsum3A_1798 = tpu.scan <sum>, %get3A_1795 masked %broadcast_in_dim3A_1797 : vector<16xi32>, vector<16xi1> -> vector<16xi32>
    %sub3A_1799 = arith.subi %masked_cumsum3A_1798, %get3A_1795 : vector<16xi32>
    %slice3A_1800 = vector.extract_strided_slice %add3A_1044 {offsets = [14], sizes = [1], strides = [1]} : vector<16xi32> to vector<1xi32>
    %squeeze3A_1801 = vector.extract %slice3A_1800[0] : i32 from vector<1xi32>
    %add3A_1802 = vector.broadcast %squeeze3A_1801 : i32 to vector<16xi32>
    %add3A_1803 = arith.addi %sub3A_1799, %add3A_1802 : vector<16xi32>
    %swap3A_1804 = arith.constant 736 : index
    %swap3A_1805 = tpu.vector_load %arg12[%swap3A_1804] {strides = array<i32>} : memref<1024xi32, #tpu.memory_space<vmem>>, vector<16xi32>,
    tpu.vector_store %arg12[%swap3A_1804], %add3A_1803 {strides = array<i32>} : memref<1024xi32, #tpu.memory_space<vmem>>, vector<16xi32>,
    %get3A_1806 = arith.constant 752 : index
    %get3A_1807 = tpu.vector_load %arg9[%get3A_1806] {strides = array<i32>} : memref<1024xi32, #tpu.memory_space<vmem>>, vector<16xi32>,
    %broadcast_in_dim3A_1808 = arith.constant true
    %broadcast_in_dim3A_1809 = vector.broadcast %broadcast_in_dim3A_1808 : i1 to vector<16xi1>
    %masked_cumsum3A_1810 = tpu.scan <sum>, %get3A_1807 masked %broadcast_in_dim3A_1809 : vector<16xi32>, vector<16xi1> -> vector<16xi32>
    %sub3A_1811 = arith.subi %masked_cumsum3A_1810, %get3A_1807 : vector<16xi32>
    %slice3A_1812 = vector.extract_strided_slice %add3A_1044 {offsets = [15], sizes = [1], strides = [1]} : vector<16xi32> to vector<1xi32>
    %squeeze3A_1813 = vector.extract %slice3A_1812[0] : i32 from vector<1xi32>
    %add3A_1814 = vector.broadcast %squeeze3A_1813 : i32 to vector<16xi32>
    %add3A_1815 = arith.addi %sub3A_1811, %add3A_1814 : vector<16xi32>
    %swap3A_1816 = arith.constant 752 : index
    %swap3A_1817 = tpu.vector_load %arg12[%swap3A_1816] {strides = array<i32>} : memref<1024xi32, #tpu.memory_space<vmem>>, vector<16xi32>,
    tpu.vector_store %arg12[%swap3A_1816], %add3A_1815 {strides = array<i32>} : memref<1024xi32, #tpu.memory_space<vmem>>, vector<16xi32>,
    %get3A_1818 = arith.constant 768 : index
    %get3A_1819 = tpu.vector_load %arg9[%get3A_1818] {strides = array<i32>} : memref<1024xi32, #tpu.memory_space<vmem>>, vector<16xi32>,
    %broadcast_in_dim3A_1820 = arith.constant true
    %broadcast_in_dim3A_1821 = vector.broadcast %broadcast_in_dim3A_1820 : i1 to vector<16xi1>
    %masked_cumsum3A_1822 = tpu.scan <sum>, %get3A_1819 masked %broadcast_in_dim3A_1821 : vector<16xi32>, vector<16xi1> -> vector<16xi32>
    %sub3A_1823 = arith.subi %masked_cumsum3A_1822, %get3A_1819 : vector<16xi32>
    %slice3A_1824 = vector.extract_strided_slice %add3A_1234 {offsets = [0], sizes = [1], strides = [1]} : vector<16xi32> to vector<1xi32>
    %squeeze3A_1825 = vector.extract %slice3A_1824[0] : i32 from vector<1xi32>
    %add3A_1826 = vector.broadcast %squeeze3A_1825 : i32 to vector<16xi32>
    %add3A_1827 = arith.addi %sub3A_1823, %add3A_1826 : vector<16xi32>
    %swap3A_1828 = arith.constant 768 : index
    %swap3A_1829 = tpu.vector_load %arg12[%swap3A_1828] {strides = array<i32>} : memref<1024xi32, #tpu.memory_space<vmem>>, vector<16xi32>,
    tpu.vector_store %arg12[%swap3A_1828], %add3A_1827 {strides = array<i32>} : memref<1024xi32, #tpu.memory_space<vmem>>, vector<16xi32>,
    %get3A_1830 = arith.constant 784 : index
    %get3A_1831 = tpu.vector_load %arg9[%get3A_1830] {strides = array<i32>} : memref<1024xi32, #tpu.memory_space<vmem>>, vector<16xi32>,
    %broadcast_in_dim3A_1832 = arith.constant true
    %broadcast_in_dim3A_1833 = vector.broadcast %broadcast_in_dim3A_1832 : i1 to vector<16xi1>
    %masked_cumsum3A_1834 = tpu.scan <sum>, %get3A_1831 masked %broadcast_in_dim3A_1833 : vector<16xi32>, vector<16xi1> -> vector<16xi32>
    %sub3A_1835 = arith.subi %masked_cumsum3A_1834, %get3A_1831 : vector<16xi32>
    %slice3A_1836 = vector.extract_strided_slice %add3A_1234 {offsets = [1], sizes = [1], strides = [1]} : vector<16xi32> to vector<1xi32>
    %squeeze3A_1837 = vector.extract %slice3A_1836[0] : i32 from vector<1xi32>
    %add3A_1838 = vector.broadcast %squeeze3A_1837 : i32 to vector<16xi32>
    %add3A_1839 = arith.addi %sub3A_1835, %add3A_1838 : vector<16xi32>
    %swap3A_1840 = arith.constant 784 : index
    %swap3A_1841 = tpu.vector_load %arg12[%swap3A_1840] {strides = array<i32>} : memref<1024xi32, #tpu.memory_space<vmem>>, vector<16xi32>,
    tpu.vector_store %arg12[%swap3A_1840], %add3A_1839 {strides = array<i32>} : memref<1024xi32, #tpu.memory_space<vmem>>, vector<16xi32>,
    %get3A_1842 = arith.constant 800 : index
    %get3A_1843 = tpu.vector_load %arg9[%get3A_1842] {strides = array<i32>} : memref<1024xi32, #tpu.memory_space<vmem>>, vector<16xi32>,
    %broadcast_in_dim3A_1844 = arith.constant true
    %broadcast_in_dim3A_1845 = vector.broadcast %broadcast_in_dim3A_1844 : i1 to vector<16xi1>
    %masked_cumsum3A_1846 = tpu.scan <sum>, %get3A_1843 masked %broadcast_in_dim3A_1845 : vector<16xi32>, vector<16xi1> -> vector<16xi32>
    %sub3A_1847 = arith.subi %masked_cumsum3A_1846, %get3A_1843 : vector<16xi32>
    %slice3A_1848 = vector.extract_strided_slice %add3A_1234 {offsets = [2], sizes = [1], strides = [1]} : vector<16xi32> to vector<1xi32>
    %squeeze3A_1849 = vector.extract %slice3A_1848[0] : i32 from vector<1xi32>
    %add3A_1850 = vector.broadcast %squeeze3A_1849 : i32 to vector<16xi32>
    %add3A_1851 = arith.addi %sub3A_1847, %add3A_1850 : vector<16xi32>
    %swap3A_1852 = arith.constant 800 : index
    %swap3A_1853 = tpu.vector_load %arg12[%swap3A_1852] {strides = array<i32>} : memref<1024xi32, #tpu.memory_space<vmem>>, vector<16xi32>,
    tpu.vector_store %arg12[%swap3A_1852], %add3A_1851 {strides = array<i32>} : memref<1024xi32, #tpu.memory_space<vmem>>, vector<16xi32>,
    %get3A_1854 = arith.constant 816 : index
    %get3A_1855 = tpu.vector_load %arg9[%get3A_1854] {strides = array<i32>} : memref<1024xi32, #tpu.memory_space<vmem>>, vector<16xi32>,
    %broadcast_in_dim3A_1856 = arith.constant true
    %broadcast_in_dim3A_1857 = vector.broadcast %broadcast_in_dim3A_1856 : i1 to vector<16xi1>
    %masked_cumsum3A_1858 = tpu.scan <sum>, %get3A_1855 masked %broadcast_in_dim3A_1857 : vector<16xi32>, vector<16xi1> -> vector<16xi32>
    %sub3A_1859 = arith.subi %masked_cumsum3A_1858, %get3A_1855 : vector<16xi32>
    %slice3A_1860 = vector.extract_strided_slice %add3A_1234 {offsets = [3], sizes = [1], strides = [1]} : vector<16xi32> to vector<1xi32>
    %squeeze3A_1861 = vector.extract %slice3A_1860[0] : i32 from vector<1xi32>
    %add3A_1862 = vector.broadcast %squeeze3A_1861 : i32 to vector<16xi32>
    %add3A_1863 = arith.addi %sub3A_1859, %add3A_1862 : vector<16xi32>
    %swap3A_1864 = arith.constant 816 : index
    %swap3A_1865 = tpu.vector_load %arg12[%swap3A_1864] {strides = array<i32>} : memref<1024xi32, #tpu.memory_space<vmem>>, vector<16xi32>,
    tpu.vector_store %arg12[%swap3A_1864], %add3A_1863 {strides = array<i32>} : memref<1024xi32, #tpu.memory_space<vmem>>, vector<16xi32>,
    %get3A_1866 = arith.constant 832 : index
    %get3A_1867 = tpu.vector_load %arg9[%get3A_1866] {strides = array<i32>} : memref<1024xi32, #tpu.memory_space<vmem>>, vector<16xi32>,
    %broadcast_in_dim3A_1868 = arith.constant true
    %broadcast_in_dim3A_1869 = vector.broadcast %broadcast_in_dim3A_1868 : i1 to vector<16xi1>
    %masked_cumsum3A_1870 = tpu.scan <sum>, %get3A_1867 masked %broadcast_in_dim3A_1869 : vector<16xi32>, vector<16xi1> -> vector<16xi32>
    %sub3A_1871 = arith.subi %masked_cumsum3A_1870, %get3A_1867 : vector<16xi32>
    %slice3A_1872 = vector.extract_strided_slice %add3A_1234 {offsets = [4], sizes = [1], strides = [1]} : vector<16xi32> to vector<1xi32>
    %squeeze3A_1873 = vector.extract %slice3A_1872[0] : i32 from vector<1xi32>
    %add3A_1874 = vector.broadcast %squeeze3A_1873 : i32 to vector<16xi32>
    %add3A_1875 = arith.addi %sub3A_1871, %add3A_1874 : vector<16xi32>
    %swap3A_1876 = arith.constant 832 : index
    %swap3A_1877 = tpu.vector_load %arg12[%swap3A_1876] {strides = array<i32>} : memref<1024xi32, #tpu.memory_space<vmem>>, vector<16xi32>,
    tpu.vector_store %arg12[%swap3A_1876], %add3A_1875 {strides = array<i32>} : memref<1024xi32, #tpu.memory_space<vmem>>, vector<16xi32>,
    %get3A_1878 = arith.constant 848 : index
    %get3A_1879 = tpu.vector_load %arg9[%get3A_1878] {strides = array<i32>} : memref<1024xi32, #tpu.memory_space<vmem>>, vector<16xi32>,
    %broadcast_in_dim3A_1880 = arith.constant true
    %broadcast_in_dim3A_1881 = vector.broadcast %broadcast_in_dim3A_1880 : i1 to vector<16xi1>
    %masked_cumsum3A_1882 = tpu.scan <sum>, %get3A_1879 masked %broadcast_in_dim3A_1881 : vector<16xi32>, vector<16xi1> -> vector<16xi32>
    %sub3A_1883 = arith.subi %masked_cumsum3A_1882, %get3A_1879 : vector<16xi32>
    %slice3A_1884 = vector.extract_strided_slice %add3A_1234 {offsets = [5], sizes = [1], strides = [1]} : vector<16xi32> to vector<1xi32>
    %squeeze3A_1885 = vector.extract %slice3A_1884[0] : i32 from vector<1xi32>
    %add3A_1886 = vector.broadcast %squeeze3A_1885 : i32 to vector<16xi32>
    %add3A_1887 = arith.addi %sub3A_1883, %add3A_1886 : vector<16xi32>
    %swap3A_1888 = arith.constant 848 : index
    %swap3A_1889 = tpu.vector_load %arg12[%swap3A_1888] {strides = array<i32>} : memref<1024xi32, #tpu.memory_space<vmem>>, vector<16xi32>,
    tpu.vector_store %arg12[%swap3A_1888], %add3A_1887 {strides = array<i32>} : memref<1024xi32, #tpu.memory_space<vmem>>, vector<16xi32>,
    %get3A_1890 = arith.constant 864 : index
    %get3A_1891 = tpu.vector_load %arg9[%get3A_1890] {strides = array<i32>} : memref<1024xi32, #tpu.memory_space<vmem>>, vector<16xi32>,
    %broadcast_in_dim3A_1892 = arith.constant true
    %broadcast_in_dim3A_1893 = vector.broadcast %broadcast_in_dim3A_1892 : i1 to vector<16xi1>
    %masked_cumsum3A_1894 = tpu.scan <sum>, %get3A_1891 masked %broadcast_in_dim3A_1893 : vector<16xi32>, vector<16xi1> -> vector<16xi32>
    %sub3A_1895 = arith.subi %masked_cumsum3A_1894, %get3A_1891 : vector<16xi32>
    %slice3A_1896 = vector.extract_strided_slice %add3A_1234 {offsets = [6], sizes = [1], strides = [1]} : vector<16xi32> to vector<1xi32>
    %squeeze3A_1897 = vector.extract %slice3A_1896[0] : i32 from vector<1xi32>
    %add3A_1898 = vector.broadcast %squeeze3A_1897 : i32 to vector<16xi32>
    %add3A_1899 = arith.addi %sub3A_1895, %add3A_1898 : vector<16xi32>
    %swap3A_1900 = arith.constant 864 : index
    %swap3A_1901 = tpu.vector_load %arg12[%swap3A_1900] {strides = array<i32>} : memref<1024xi32, #tpu.memory_space<vmem>>, vector<16xi32>,
    tpu.vector_store %arg12[%swap3A_1900], %add3A_1899 {strides = array<i32>} : memref<1024xi32, #tpu.memory_space<vmem>>, vector<16xi32>,
    %get3A_1902 = arith.constant 880 : index
    %get3A_1903 = tpu.vector_load %arg9[%get3A_1902] {strides = array<i32>} : memref<1024xi32, #tpu.memory_space<vmem>>, vector<16xi32>,
    %broadcast_in_dim3A_1904 = arith.constant true
    %broadcast_in_dim3A_1905 = vector.broadcast %broadcast_in_dim3A_1904 : i1 to vector<16xi1>
    %masked_cumsum3A_1906 = tpu.scan <sum>, %get3A_1903 masked %broadcast_in_dim3A_1905 : vector<16xi32>, vector<16xi1> -> vector<16xi32>
    %sub3A_1907 = arith.subi %masked_cumsum3A_1906, %get3A_1903 : vector<16xi32>
    %slice3A_1908 = vector.extract_strided_slice %add3A_1234 {offsets = [7], sizes = [1], strides = [1]} : vector<16xi32> to vector<1xi32>
    %squeeze3A_1909 = vector.extract %slice3A_1908[0] : i32 from vector<1xi32>
    %add3A_1910 = vector.broadcast %squeeze3A_1909 : i32 to vector<16xi32>
    %add3A_1911 = arith.addi %sub3A_1907, %add3A_1910 : vector<16xi32>
    %swap3A_1912 = arith.constant 880 : index
    %swap3A_1913 = tpu.vector_load %arg12[%swap3A_1912] {strides = array<i32>} : memref<1024xi32, #tpu.memory_space<vmem>>, vector<16xi32>,
    tpu.vector_store %arg12[%swap3A_1912], %add3A_1911 {strides = array<i32>} : memref<1024xi32, #tpu.memory_space<vmem>>, vector<16xi32>,
    %get3A_1914 = arith.constant 896 : index
    %get3A_1915 = tpu.vector_load %arg9[%get3A_1914] {strides = array<i32>} : memref<1024xi32, #tpu.memory_space<vmem>>, vector<16xi32>,
    %broadcast_in_dim3A_1916 = arith.constant true
    %broadcast_in_dim3A_1917 = vector.broadcast %broadcast_in_dim3A_1916 : i1 to vector<16xi1>
    %masked_cumsum3A_1918 = tpu.scan <sum>, %get3A_1915 masked %broadcast_in_dim3A_1917 : vector<16xi32>, vector<16xi1> -> vector<16xi32>
    %sub3A_1919 = arith.subi %masked_cumsum3A_1918, %get3A_1915 : vector<16xi32>
    %slice3A_1920 = vector.extract_strided_slice %add3A_1234 {offsets = [8], sizes = [1], strides = [1]} : vector<16xi32> to vector<1xi32>
    %squeeze3A_1921 = vector.extract %slice3A_1920[0] : i32 from vector<1xi32>
    %add3A_1922 = vector.broadcast %squeeze3A_1921 : i32 to vector<16xi32>
    %add3A_1923 = arith.addi %sub3A_1919, %add3A_1922 : vector<16xi32>
    %swap3A_1924 = arith.constant 896 : index
    %swap3A_1925 = tpu.vector_load %arg12[%swap3A_1924] {strides = array<i32>} : memref<1024xi32, #tpu.memory_space<vmem>>, vector<16xi32>,
    tpu.vector_store %arg12[%swap3A_1924], %add3A_1923 {strides = array<i32>} : memref<1024xi32, #tpu.memory_space<vmem>>, vector<16xi32>,
    %get3A_1926 = arith.constant 912 : index
    %get3A_1927 = tpu.vector_load %arg9[%get3A_1926] {strides = array<i32>} : memref<1024xi32, #tpu.memory_space<vmem>>, vector<16xi32>,
    %broadcast_in_dim3A_1928 = arith.constant true
    %broadcast_in_dim3A_1929 = vector.broadcast %broadcast_in_dim3A_1928 : i1 to vector<16xi1>
    %masked_cumsum3A_1930 = tpu.scan <sum>, %get3A_1927 masked %broadcast_in_dim3A_1929 : vector<16xi32>, vector<16xi1> -> vector<16xi32>
    %sub3A_1931 = arith.subi %masked_cumsum3A_1930, %get3A_1927 : vector<16xi32>
    %slice3A_1932 = vector.extract_strided_slice %add3A_1234 {offsets = [9], sizes = [1], strides = [1]} : vector<16xi32> to vector<1xi32>
    %squeeze3A_1933 = vector.extract %slice3A_1932[0] : i32 from vector<1xi32>
    %add3A_1934 = vector.broadcast %squeeze3A_1933 : i32 to vector<16xi32>
    %add3A_1935 = arith.addi %sub3A_1931, %add3A_1934 : vector<16xi32>
    %swap3A_1936 = arith.constant 912 : index
    %swap3A_1937 = tpu.vector_load %arg12[%swap3A_1936] {strides = array<i32>} : memref<1024xi32, #tpu.memory_space<vmem>>, vector<16xi32>,
    tpu.vector_store %arg12[%swap3A_1936], %add3A_1935 {strides = array<i32>} : memref<1024xi32, #tpu.memory_space<vmem>>, vector<16xi32>,
    %get3A_1938 = arith.constant 928 : index
    %get3A_1939 = tpu.vector_load %arg9[%get3A_1938] {strides = array<i32>} : memref<1024xi32, #tpu.memory_space<vmem>>, vector<16xi32>,
    %broadcast_in_dim3A_1940 = arith.constant true
    %broadcast_in_dim3A_1941 = vector.broadcast %broadcast_in_dim3A_1940 : i1 to vector<16xi1>
    %masked_cumsum3A_1942 = tpu.scan <sum>, %get3A_1939 masked %broadcast_in_dim3A_1941 : vector<16xi32>, vector<16xi1> -> vector<16xi32>
    %sub3A_1943 = arith.subi %masked_cumsum3A_1942, %get3A_1939 : vector<16xi32>
    %slice3A_1944 = vector.extract_strided_slice %add3A_1234 {offsets = [10], sizes = [1], strides = [1]} : vector<16xi32> to vector<1xi32>
    %squeeze3A_1945 = vector.extract %slice3A_1944[0] : i32 from vector<1xi32>
    %add3A_1946 = vector.broadcast %squeeze3A_1945 : i32 to vector<16xi32>
    %add3A_1947 = arith.addi %sub3A_1943, %add3A_1946 : vector<16xi32>
    %swap3A_1948 = arith.constant 928 : index
    %swap3A_1949 = tpu.vector_load %arg12[%swap3A_1948] {strides = array<i32>} : memref<1024xi32, #tpu.memory_space<vmem>>, vector<16xi32>,
    tpu.vector_store %arg12[%swap3A_1948], %add3A_1947 {strides = array<i32>} : memref<1024xi32, #tpu.memory_space<vmem>>, vector<16xi32>,
    %get3A_1950 = arith.constant 944 : index
    %get3A_1951 = tpu.vector_load %arg9[%get3A_1950] {strides = array<i32>} : memref<1024xi32, #tpu.memory_space<vmem>>, vector<16xi32>,
    %broadcast_in_dim3A_1952 = arith.constant true
    %broadcast_in_dim3A_1953 = vector.broadcast %broadcast_in_dim3A_1952 : i1 to vector<16xi1>
    %masked_cumsum3A_1954 = tpu.scan <sum>, %get3A_1951 masked %broadcast_in_dim3A_1953 : vector<16xi32>, vector<16xi1> -> vector<16xi32>
    %sub3A_1955 = arith.subi %masked_cumsum3A_1954, %get3A_1951 : vector<16xi32>
    %slice3A_1956 = vector.extract_strided_slice %add3A_1234 {offsets = [11], sizes = [1], strides = [1]} : vector<16xi32> to vector<1xi32>
    %squeeze3A_1957 = vector.extract %slice3A_1956[0] : i32 from vector<1xi32>
    %add3A_1958 = vector.broadcast %squeeze3A_1957 : i32 to vector<16xi32>
    %add3A_1959 = arith.addi %sub3A_1955, %add3A_1958 : vector<16xi32>
    %swap3A_1960 = arith.constant 944 : index
    %swap3A_1961 = tpu.vector_load %arg12[%swap3A_1960] {strides = array<i32>} : memref<1024xi32, #tpu.memory_space<vmem>>, vector<16xi32>,
    tpu.vector_store %arg12[%swap3A_1960], %add3A_1959 {strides = array<i32>} : memref<1024xi32, #tpu.memory_space<vmem>>, vector<16xi32>,
    %get3A_1962 = arith.constant 960 : index
    %get3A_1963 = tpu.vector_load %arg9[%get3A_1962] {strides = array<i32>} : memref<1024xi32, #tpu.memory_space<vmem>>, vector<16xi32>,
    %broadcast_in_dim3A_1964 = arith.constant true
    %broadcast_in_dim3A_1965 = vector.broadcast %broadcast_in_dim3A_1964 : i1 to vector<16xi1>
    %masked_cumsum3A_1966 = tpu.scan <sum>, %get3A_1963 masked %broadcast_in_dim3A_1965 : vector<16xi32>, vector<16xi1> -> vector<16xi32>
    %sub3A_1967 = arith.subi %masked_cumsum3A_1966, %get3A_1963 : vector<16xi32>
    %slice3A_1968 = vector.extract_strided_slice %add3A_1234 {offsets = [12], sizes = [1], strides = [1]} : vector<16xi32> to vector<1xi32>
    %squeeze3A_1969 = vector.extract %slice3A_1968[0] : i32 from vector<1xi32>
    %add3A_1970 = vector.broadcast %squeeze3A_1969 : i32 to vector<16xi32>
    %add3A_1971 = arith.addi %sub3A_1967, %add3A_1970 : vector<16xi32>
    %swap3A_1972 = arith.constant 960 : index
    %swap3A_1973 = tpu.vector_load %arg12[%swap3A_1972] {strides = array<i32>} : memref<1024xi32, #tpu.memory_space<vmem>>, vector<16xi32>,
    tpu.vector_store %arg12[%swap3A_1972], %add3A_1971 {strides = array<i32>} : memref<1024xi32, #tpu.memory_space<vmem>>, vector<16xi32>,
    %get3A_1974 = arith.constant 976 : index
    %get3A_1975 = tpu.vector_load %arg9[%get3A_1974] {strides = array<i32>} : memref<1024xi32, #tpu.memory_space<vmem>>, vector<16xi32>,
    %broadcast_in_dim3A_1976 = arith.constant true
    %broadcast_in_dim3A_1977 = vector.broadcast %broadcast_in_dim3A_1976 : i1 to vector<16xi1>
    %masked_cumsum3A_1978 = tpu.scan <sum>, %get3A_1975 masked %broadcast_in_dim3A_1977 : vector<16xi32>, vector<16xi1> -> vector<16xi32>
    %sub3A_1979 = arith.subi %masked_cumsum3A_1978, %get3A_1975 : vector<16xi32>
    %slice3A_1980 = vector.extract_strided_slice %add3A_1234 {offsets = [13], sizes = [1], strides = [1]} : vector<16xi32> to vector<1xi32>
    %squeeze3A_1981 = vector.extract %slice3A_1980[0] : i32 from vector<1xi32>
    %add3A_1982 = vector.broadcast %squeeze3A_1981 : i32 to vector<16xi32>
    %add3A_1983 = arith.addi %sub3A_1979, %add3A_1982 : vector<16xi32>
    %swap3A_1984 = arith.constant 976 : index
    %swap3A_1985 = tpu.vector_load %arg12[%swap3A_1984] {strides = array<i32>} : memref<1024xi32, #tpu.memory_space<vmem>>, vector<16xi32>,
    tpu.vector_store %arg12[%swap3A_1984], %add3A_1983 {strides = array<i32>} : memref<1024xi32, #tpu.memory_space<vmem>>, vector<16xi32>,
    %get3A_1986 = arith.constant 992 : index
    %get3A_1987 = tpu.vector_load %arg9[%get3A_1986] {strides = array<i32>} : memref<1024xi32, #tpu.memory_space<vmem>>, vector<16xi32>,
    %broadcast_in_dim3A_1988 = arith.constant true
    %broadcast_in_dim3A_1989 = vector.broadcast %broadcast_in_dim3A_1988 : i1 to vector<16xi1>
    %masked_cumsum3A_1990 = tpu.scan <sum>, %get3A_1987 masked %broadcast_in_dim3A_1989 : vector<16xi32>, vector<16xi1> -> vector<16xi32>
    %sub3A_1991 = arith.subi %masked_cumsum3A_1990, %get3A_1987 : vector<16xi32>
    %slice3A_1992 = vector.extract_strided_slice %add3A_1234 {offsets = [14], sizes = [1], strides = [1]} : vector<16xi32> to vector<1xi32>
    %squeeze3A_1993 = vector.extract %slice3A_1992[0] : i32 from vector<1xi32>
    %add3A_1994 = vector.broadcast %squeeze3A_1993 : i32 to vector<16xi32>
    %add3A_1995 = arith.addi %sub3A_1991, %add3A_1994 : vector<16xi32>
    %swap3A_1996 = arith.constant 992 : index
    %swap3A_1997 = tpu.vector_load %arg12[%swap3A_1996] {strides = array<i32>} : memref<1024xi32, #tpu.memory_space<vmem>>, vector<16xi32>,
    tpu.vector_store %arg12[%swap3A_1996], %add3A_1995 {strides = array<i32>} : memref<1024xi32, #tpu.memory_space<vmem>>, vector<16xi32>,
    %get3A_1998 = arith.constant 1008 : index
    %get3A_1999 = tpu.vector_load %arg9[%get3A_1998] {strides = array<i32>} : memref<1024xi32, #tpu.memory_space<vmem>>, vector<16xi32>,
    %broadcast_in_dim3A_2000 = arith.constant true
    %broadcast_in_dim3A_2001 = vector.broadcast %broadcast_in_dim3A_2000 : i1 to vector<16xi1>
    %masked_cumsum3A_2002 = tpu.scan <sum>, %get3A_1999 masked %broadcast_in_dim3A_2001 : vector<16xi32>, vector<16xi1> -> vector<16xi32>
    %sub3A_2003 = arith.subi %masked_cumsum3A_2002, %get3A_1999 : vector<16xi32>
    %slice3A_2004 = vector.extract_strided_slice %add3A_1234 {offsets = [15], sizes = [1], strides = [1]} : vector<16xi32> to vector<1xi32>
    %squeeze3A_2005 = vector.extract %slice3A_2004[0] : i32 from vector<1xi32>
    %add3A_2006 = vector.broadcast %squeeze3A_2005 : i32 to vector<16xi32>
    %add3A_2007 = arith.addi %sub3A_2003, %add3A_2006 : vector<16xi32>
    %swap3A_2008 = arith.constant 1008 : index
    %swap3A_2009 = tpu.vector_load %arg12[%swap3A_2008] {strides = array<i32>} : memref<1024xi32, #tpu.memory_space<vmem>>, vector<16xi32>,
    tpu.vector_store %arg12[%swap3A_2008], %add3A_2007 {strides = array<i32>} : memref<1024xi32, #tpu.memory_space<vmem>>, vector<16xi32>,
    %scan3A_2010 = arith.constant 0 : i32
    %scan3A_2011 = arith.constant 0 : i32
    %scan3A_2012 = arith.constant 128 : i32
    %scan3A_2013 = arith.addi %scan3A_2011, %scan3A_2012 : i32
    %scan3A_2014 = arith.constant 1 : i32
    scf.for %scan3A_2338 = %scan3A_2011 to %scan3A_2013 step %scan3A_2014  : i32 {
      %mul3A_2339 = arith.constant 128 : i32
      %mul3A_2340 = vector.broadcast %mul3A_2339 : i32 to vector<16xi32>
      %mul3A_2341 = arith.muli %iota3A, %mul3A_2340 : vector<16xi32>
      %add3A_2342 = vector.broadcast %scan3A_2338 : i32 to vector<16xi32>
      %add3A_2343 = arith.addi %mul3A_2341, %add3A_2342 : vector<16xi32>
      %gather3A_2344 = tpu.vector_load_idx %arg8[%add3A_2343] : memref<2048xi32, #tpu.memory_space<vmem>>[vector<16xi32>], vector<16xi32>,
      %mul3A_2345 = arith.constant 16 : i32
      %mul3A_2346 = vector.broadcast %mul3A_2345 : i32 to vector<16xi32>
      %mul3A_2347 = arith.muli %gather3A_2344, %mul3A_2346 : vector<16xi32>
      %add3A_2348 = arith.addi %mul3A_2347, %iota3A : vector<16xi32>
      %gather3A_2349 = tpu.vector_load_idx %arg12[%add3A_2348] : memref<1024xi32, #tpu.memory_space<vmem>>[vector<16xi32>], vector<16xi32>,
      %add3A_2350 = arith.constant 1 : i32
      %add3A_2351 = vector.broadcast %add3A_2350 : i32 to vector<16xi32>
      %add3A_2352 = arith.addi %gather3A_2349, %add3A_2351 : vector<16xi32>
      tpu.vector_store_idx %arg12[%add3A_2348], %add3A_2352 : memref<1024xi32, #tpu.memory_space<vmem>>[vector<16xi32>], vector<16xi32>,
      %broadcast_in_dim3A_2353 = vector.broadcast %scan3A_2338 : i32 to vector<16xi32>
      tpu.vector_store_idx %arg13[%iota3A, %broadcast_in_dim3A_2353], %gather3A_2349 : memref<16x128xi32, #tpu.memory_space<vmem>>[vector<16xi32>, vector<16xi32>], vector<16xi32>,
    }
    %scan3A_2015 = arith.constant 128 : i32
    %mul3A_2016 = arith.constant 16 : i32
    %mul3A_2017 = arith.muli %arg1, %mul3A_2016 : i32
    "tpu.region"() ({
      %run_scoped3A = tpu.sem_alloc : memref<!tpu.dma_semaphore, #tpu.memory_space<semaphore_mem>>
      %dma_start3A_2338 = arith.constant 0 : i32
      %dma_start3A_2339 = tpu.memref_slice %arg5[%mul3A_2017, %dma_start3A_2338] : memref<256x128xi32, #tpu.memory_space<hbm>> -> memref<16x128xi32, #tpu.memory_space<hbm>>
      %dma_start3A_2340 = arith.constant 0 : i32
      %dma_start3A_2341 = tpu.memref_slice %arg5[%mul3A_2017, %dma_start3A_2340] : memref<256x128xi32, #tpu.memory_space<hbm>> -> memref<16x128xi32, #tpu.memory_space<hbm>>
      tpu.enqueue_dma source(%arg13 : memref<16x128xi32, #tpu.memory_space<vmem>>) target(%dma_start3A_2341 : memref<16x128xi32, #tpu.memory_space<hbm>>) target_semaphore(%run_scoped3A : memref<!tpu.dma_semaphore, #tpu.memory_space<semaphore_mem>>)
      %dma_wait3A_2342 = arith.constant 0 : i32
      %dma_wait3A_2343 = tpu.memref_slice %arg5[%mul3A_2017, %dma_wait3A_2342] : memref<256x128xi32, #tpu.memory_space<hbm>> -> memref<16x128xi32, #tpu.memory_space<hbm>>
      %dma_wait3A_2344 = arith.constant 0 : i32
      %dma_wait3A_2345 = tpu.memref_slice %arg5[%mul3A_2017, %dma_wait3A_2344] : memref<256x128xi32, #tpu.memory_space<hbm>> -> memref<16x128xi32, #tpu.memory_space<hbm>>
      tpu.wait_dma2 semaphore(%run_scoped3A : memref<!tpu.dma_semaphore, #tpu.memory_space<semaphore_mem>>) src(%arg13 : memref<16x128xi32, #tpu.memory_space<vmem>>) dst(%dma_wait3A_2345 : memref<16x128xi32, #tpu.memory_space<hbm>>)
      tpu.yield
    }) : () -> ()
    "tpu.region"() ({
      %run_scoped3A = tpu.sem_alloc : memref<!tpu.dma_semaphore, #tpu.memory_space<semaphore_mem>>
      %dma_start3A_2338 = arith.constant 0 : i32
      %dma_start3A_2339 = tpu.memref_slice %arg3[%mul3A_0, %dma_start3A_2338] : memref<32768x32xf32, #tpu.memory_space<hbm>> -> memref<2048x32xf32, #tpu.memory_space<hbm>>
      %dma_start3A_2340 = arith.constant 0 : i32
      %dma_start3A_2341 = tpu.memref_slice %arg3[%mul3A_0, %dma_start3A_2340] : memref<32768x32xf32, #tpu.memory_space<hbm>> -> memref<2048x32xf32, #tpu.memory_space<hbm>>
      tpu.enqueue_dma source(%dma_start3A_2341 : memref<2048x32xf32, #tpu.memory_space<hbm>>) target(%arg14 : memref<2048x32xf32, #tpu.memory_space<vmem>>) target_semaphore(%run_scoped3A : memref<!tpu.dma_semaphore, #tpu.memory_space<semaphore_mem>>)
      %dma_wait3A_2342 = arith.constant 0 : i32
      %dma_wait3A_2343 = tpu.memref_slice %arg3[%mul3A_0, %dma_wait3A_2342] : memref<32768x32xf32, #tpu.memory_space<hbm>> -> memref<2048x32xf32, #tpu.memory_space<hbm>>
      %dma_wait3A_2344 = arith.constant 0 : i32
      %dma_wait3A_2345 = tpu.memref_slice %arg3[%mul3A_0, %dma_wait3A_2344] : memref<32768x32xf32, #tpu.memory_space<hbm>> -> memref<2048x32xf32, #tpu.memory_space<hbm>>
      tpu.wait_dma2 semaphore(%run_scoped3A : memref<!tpu.dma_semaphore, #tpu.memory_space<semaphore_mem>>) src(%dma_wait3A_2345 : memref<2048x32xf32, #tpu.memory_space<hbm>>) dst(%arg14 : memref<2048x32xf32, #tpu.memory_space<vmem>>)
      tpu.yield
    }) : () -> ()
    %dma_start3A = arith.constant 0 : i32
    %dma_start3A_2018 = arith.constant 0 : i32
    %dma_start3A_2019 = arith.constant 0 : i32
    %dma_start3A_2020 = tpu.memref_slice %arg14[%dma_start3A_2018, %dma_start3A_2019] : memref<2048x32xf32, #tpu.memory_space<vmem>> -> memref<128x32xf32, #tpu.memory_space<vmem>>
    %dma_start3A_2021 = arith.constant 0 : i32
    %dma_start3A_2022 = tpu.memref_slice %arg13[%dma_start3A, %dma_start3A_2021] : memref<16x128xi32, #tpu.memory_space<vmem>> -> memref<1x128xi32, #tpu.memory_space<vmem>>
    %dma_start3A_2023 = tpu.memref_squeeze %dma_start3A_2022 : memref<1x128xi32, #tpu.memory_space<vmem>> -> memref<128xi32, #tpu.memory_space<vmem>>
    %dma_start3A_2024 = arith.constant 0 : i32
    %dma_start3A_2025 = arith.constant 0 : i32
    %dma_start3A_2026 = tpu.memref_slice %arg4[%dma_start3A_2024, %dma_start3A_2025] : memref<32768x32xf32, #tpu.memory_space<hbm>> -> memref<32768x32xf32, #tpu.memory_space<hbm>>
    tpu.enqueue_indirect_dma source(%dma_start3A_2020 : memref<128x32xf32, #tpu.memory_space<vmem>>) target(%dma_start3A_2026 : memref<32768x32xf32, #tpu.memory_space<hbm>>) offsets(%dma_start3A_2023 : memref<128xi32, #tpu.memory_space<vmem>>) semaphore(%arg16 : memref<!tpu.dma_semaphore, #tpu.memory_space<semaphore_mem>>)
    %dma_wait3A = arith.constant 0 : i32
    %dma_wait3A_2027 = arith.constant 0 : i32
    %dma_wait3A_2028 = arith.constant 0 : i32
    %dma_wait3A_2029 = tpu.memref_slice %arg14[%dma_wait3A_2027, %dma_wait3A_2028] : memref<2048x32xf32, #tpu.memory_space<vmem>> -> memref<128x32xf32, #tpu.memory_space<vmem>>
    %dma_wait3A_2030 = arith.constant 0 : i32
    %dma_wait3A_2031 = tpu.memref_slice %arg13[%dma_wait3A, %dma_wait3A_2030] : memref<16x128xi32, #tpu.memory_space<vmem>> -> memref<1x128xi32, #tpu.memory_space<vmem>>
    %dma_wait3A_2032 = tpu.memref_squeeze %dma_wait3A_2031 : memref<1x128xi32, #tpu.memory_space<vmem>> -> memref<128xi32, #tpu.memory_space<vmem>>
    %dma_wait3A_2033 = arith.constant 0 : i32
    %dma_wait3A_2034 = arith.constant 0 : i32
    %dma_wait3A_2035 = tpu.memref_slice %arg4[%dma_wait3A_2033, %dma_wait3A_2034] : memref<32768x32xf32, #tpu.memory_space<hbm>> -> memref<32768x32xf32, #tpu.memory_space<hbm>>
    tpu.wait_indirect_dma semaphore(%arg16 : memref<!tpu.dma_semaphore, #tpu.memory_space<semaphore_mem>>) src(%dma_wait3A_2029 : memref<128x32xf32, #tpu.memory_space<vmem>>) dst(%dma_wait3A_2035 : memref<32768x32xf32, #tpu.memory_space<hbm>>)
    %dma_start3A_2036 = arith.constant 1 : i32
    %dma_start3A_2037 = arith.constant 128 : i32
    %dma_start3A_2038 = arith.constant 0 : i32
    %dma_start3A_2039 = tpu.memref_slice %arg14[%dma_start3A_2037, %dma_start3A_2038] : memref<2048x32xf32, #tpu.memory_space<vmem>> -> memref<128x32xf32, #tpu.memory_space<vmem>>
    %dma_start3A_2040 = arith.constant 0 : i32
    %dma_start3A_2041 = tpu.memref_slice %arg13[%dma_start3A_2036, %dma_start3A_2040] : memref<16x128xi32, #tpu.memory_space<vmem>> -> memref<1x128xi32, #tpu.memory_space<vmem>>
    %dma_start3A_2042 = tpu.memref_squeeze %dma_start3A_2041 : memref<1x128xi32, #tpu.memory_space<vmem>> -> memref<128xi32, #tpu.memory_space<vmem>>
    %dma_start3A_2043 = arith.constant 0 : i32
    %dma_start3A_2044 = arith.constant 0 : i32
    %dma_start3A_2045 = tpu.memref_slice %arg4[%dma_start3A_2043, %dma_start3A_2044] : memref<32768x32xf32, #tpu.memory_space<hbm>> -> memref<32768x32xf32, #tpu.memory_space<hbm>>
    tpu.enqueue_indirect_dma source(%dma_start3A_2039 : memref<128x32xf32, #tpu.memory_space<vmem>>) target(%dma_start3A_2045 : memref<32768x32xf32, #tpu.memory_space<hbm>>) offsets(%dma_start3A_2042 : memref<128xi32, #tpu.memory_space<vmem>>) semaphore(%arg16 : memref<!tpu.dma_semaphore, #tpu.memory_space<semaphore_mem>>)
    %dma_wait3A_2046 = arith.constant 1 : i32
    %dma_wait3A_2047 = arith.constant 128 : i32
    %dma_wait3A_2048 = arith.constant 0 : i32
    %dma_wait3A_2049 = tpu.memref_slice %arg14[%dma_wait3A_2047, %dma_wait3A_2048] : memref<2048x32xf32, #tpu.memory_space<vmem>> -> memref<128x32xf32, #tpu.memory_space<vmem>>
    %dma_wait3A_2050 = arith.constant 0 : i32
    %dma_wait3A_2051 = tpu.memref_slice %arg13[%dma_wait3A_2046, %dma_wait3A_2050] : memref<16x128xi32, #tpu.memory_space<vmem>> -> memref<1x128xi32, #tpu.memory_space<vmem>>
    %dma_wait3A_2052 = tpu.memref_squeeze %dma_wait3A_2051 : memref<1x128xi32, #tpu.memory_space<vmem>> -> memref<128xi32, #tpu.memory_space<vmem>>
    %dma_wait3A_2053 = arith.constant 0 : i32
    %dma_wait3A_2054 = arith.constant 0 : i32
    %dma_wait3A_2055 = tpu.memref_slice %arg4[%dma_wait3A_2053, %dma_wait3A_2054] : memref<32768x32xf32, #tpu.memory_space<hbm>> -> memref<32768x32xf32, #tpu.memory_space<hbm>>
    tpu.wait_indirect_dma semaphore(%arg16 : memref<!tpu.dma_semaphore, #tpu.memory_space<semaphore_mem>>) src(%dma_wait3A_2049 : memref<128x32xf32, #tpu.memory_space<vmem>>) dst(%dma_wait3A_2055 : memref<32768x32xf32, #tpu.memory_space<hbm>>)
    %dma_start3A_2056 = arith.constant 2 : i32
    %dma_start3A_2057 = arith.constant 256 : i32
    %dma_start3A_2058 = arith.constant 0 : i32
    %dma_start3A_2059 = tpu.memref_slice %arg14[%dma_start3A_2057, %dma_start3A_2058] : memref<2048x32xf32, #tpu.memory_space<vmem>> -> memref<128x32xf32, #tpu.memory_space<vmem>>
    %dma_start3A_2060 = arith.constant 0 : i32
    %dma_start3A_2061 = tpu.memref_slice %arg13[%dma_start3A_2056, %dma_start3A_2060] : memref<16x128xi32, #tpu.memory_space<vmem>> -> memref<1x128xi32, #tpu.memory_space<vmem>>
    %dma_start3A_2062 = tpu.memref_squeeze %dma_start3A_2061 : memref<1x128xi32, #tpu.memory_space<vmem>> -> memref<128xi32, #tpu.memory_space<vmem>>
    %dma_start3A_2063 = arith.constant 0 : i32
    %dma_start3A_2064 = arith.constant 0 : i32
    %dma_start3A_2065 = tpu.memref_slice %arg4[%dma_start3A_2063, %dma_start3A_2064] : memref<32768x32xf32, #tpu.memory_space<hbm>> -> memref<32768x32xf32, #tpu.memory_space<hbm>>
    tpu.enqueue_indirect_dma source(%dma_start3A_2059 : memref<128x32xf32, #tpu.memory_space<vmem>>) target(%dma_start3A_2065 : memref<32768x32xf32, #tpu.memory_space<hbm>>) offsets(%dma_start3A_2062 : memref<128xi32, #tpu.memory_space<vmem>>) semaphore(%arg16 : memref<!tpu.dma_semaphore, #tpu.memory_space<semaphore_mem>>)
    %dma_wait3A_2066 = arith.constant 2 : i32
    %dma_wait3A_2067 = arith.constant 256 : i32
    %dma_wait3A_2068 = arith.constant 0 : i32
    %dma_wait3A_2069 = tpu.memref_slice %arg14[%dma_wait3A_2067, %dma_wait3A_2068] : memref<2048x32xf32, #tpu.memory_space<vmem>> -> memref<128x32xf32, #tpu.memory_space<vmem>>
    %dma_wait3A_2070 = arith.constant 0 : i32
    %dma_wait3A_2071 = tpu.memref_slice %arg13[%dma_wait3A_2066, %dma_wait3A_2070] : memref<16x128xi32, #tpu.memory_space<vmem>> -> memref<1x128xi32, #tpu.memory_space<vmem>>
    %dma_wait3A_2072 = tpu.memref_squeeze %dma_wait3A_2071 : memref<1x128xi32, #tpu.memory_space<vmem>> -> memref<128xi32, #tpu.memory_space<vmem>>
    %dma_wait3A_2073 = arith.constant 0 : i32
    %dma_wait3A_2074 = arith.constant 0 : i32
    %dma_wait3A_2075 = tpu.memref_slice %arg4[%dma_wait3A_2073, %dma_wait3A_2074] : memref<32768x32xf32, #tpu.memory_space<hbm>> -> memref<32768x32xf32, #tpu.memory_space<hbm>>
    tpu.wait_indirect_dma semaphore(%arg16 : memref<!tpu.dma_semaphore, #tpu.memory_space<semaphore_mem>>) src(%dma_wait3A_2069 : memref<128x32xf32, #tpu.memory_space<vmem>>) dst(%dma_wait3A_2075 : memref<32768x32xf32, #tpu.memory_space<hbm>>)
    %dma_start3A_2076 = arith.constant 3 : i32
    %dma_start3A_2077 = arith.constant 384 : i32
    %dma_start3A_2078 = arith.constant 0 : i32
    %dma_start3A_2079 = tpu.memref_slice %arg14[%dma_start3A_2077, %dma_start3A_2078] : memref<2048x32xf32, #tpu.memory_space<vmem>> -> memref<128x32xf32, #tpu.memory_space<vmem>>
    %dma_start3A_2080 = arith.constant 0 : i32
    %dma_start3A_2081 = tpu.memref_slice %arg13[%dma_start3A_2076, %dma_start3A_2080] : memref<16x128xi32, #tpu.memory_space<vmem>> -> memref<1x128xi32, #tpu.memory_space<vmem>>
    %dma_start3A_2082 = tpu.memref_squeeze %dma_start3A_2081 : memref<1x128xi32, #tpu.memory_space<vmem>> -> memref<128xi32, #tpu.memory_space<vmem>>
    %dma_start3A_2083 = arith.constant 0 : i32
    %dma_start3A_2084 = arith.constant 0 : i32
    %dma_start3A_2085 = tpu.memref_slice %arg4[%dma_start3A_2083, %dma_start3A_2084] : memref<32768x32xf32, #tpu.memory_space<hbm>> -> memref<32768x32xf32, #tpu.memory_space<hbm>>
    tpu.enqueue_indirect_dma source(%dma_start3A_2079 : memref<128x32xf32, #tpu.memory_space<vmem>>) target(%dma_start3A_2085 : memref<32768x32xf32, #tpu.memory_space<hbm>>) offsets(%dma_start3A_2082 : memref<128xi32, #tpu.memory_space<vmem>>) semaphore(%arg16 : memref<!tpu.dma_semaphore, #tpu.memory_space<semaphore_mem>>)
    %dma_wait3A_2086 = arith.constant 3 : i32
    %dma_wait3A_2087 = arith.constant 384 : i32
    %dma_wait3A_2088 = arith.constant 0 : i32
    %dma_wait3A_2089 = tpu.memref_slice %arg14[%dma_wait3A_2087, %dma_wait3A_2088] : memref<2048x32xf32, #tpu.memory_space<vmem>> -> memref<128x32xf32, #tpu.memory_space<vmem>>
    %dma_wait3A_2090 = arith.constant 0 : i32
    %dma_wait3A_2091 = tpu.memref_slice %arg13[%dma_wait3A_2086, %dma_wait3A_2090] : memref<16x128xi32, #tpu.memory_space<vmem>> -> memref<1x128xi32, #tpu.memory_space<vmem>>
    %dma_wait3A_2092 = tpu.memref_squeeze %dma_wait3A_2091 : memref<1x128xi32, #tpu.memory_space<vmem>> -> memref<128xi32, #tpu.memory_space<vmem>>
    %dma_wait3A_2093 = arith.constant 0 : i32
    %dma_wait3A_2094 = arith.constant 0 : i32
    %dma_wait3A_2095 = tpu.memref_slice %arg4[%dma_wait3A_2093, %dma_wait3A_2094] : memref<32768x32xf32, #tpu.memory_space<hbm>> -> memref<32768x32xf32, #tpu.memory_space<hbm>>
    tpu.wait_indirect_dma semaphore(%arg16 : memref<!tpu.dma_semaphore, #tpu.memory_space<semaphore_mem>>) src(%dma_wait3A_2089 : memref<128x32xf32, #tpu.memory_space<vmem>>) dst(%dma_wait3A_2095 : memref<32768x32xf32, #tpu.memory_space<hbm>>)
    %dma_start3A_2096 = arith.constant 4 : i32
    %dma_start3A_2097 = arith.constant 512 : i32
    %dma_start3A_2098 = arith.constant 0 : i32
    %dma_start3A_2099 = tpu.memref_slice %arg14[%dma_start3A_2097, %dma_start3A_2098] : memref<2048x32xf32, #tpu.memory_space<vmem>> -> memref<128x32xf32, #tpu.memory_space<vmem>>
    %dma_start3A_2100 = arith.constant 0 : i32
    %dma_start3A_2101 = tpu.memref_slice %arg13[%dma_start3A_2096, %dma_start3A_2100] : memref<16x128xi32, #tpu.memory_space<vmem>> -> memref<1x128xi32, #tpu.memory_space<vmem>>
    %dma_start3A_2102 = tpu.memref_squeeze %dma_start3A_2101 : memref<1x128xi32, #tpu.memory_space<vmem>> -> memref<128xi32, #tpu.memory_space<vmem>>
    %dma_start3A_2103 = arith.constant 0 : i32
    %dma_start3A_2104 = arith.constant 0 : i32
    %dma_start3A_2105 = tpu.memref_slice %arg4[%dma_start3A_2103, %dma_start3A_2104] : memref<32768x32xf32, #tpu.memory_space<hbm>> -> memref<32768x32xf32, #tpu.memory_space<hbm>>
    tpu.enqueue_indirect_dma source(%dma_start3A_2099 : memref<128x32xf32, #tpu.memory_space<vmem>>) target(%dma_start3A_2105 : memref<32768x32xf32, #tpu.memory_space<hbm>>) offsets(%dma_start3A_2102 : memref<128xi32, #tpu.memory_space<vmem>>) semaphore(%arg16 : memref<!tpu.dma_semaphore, #tpu.memory_space<semaphore_mem>>)
    %dma_wait3A_2106 = arith.constant 4 : i32
    %dma_wait3A_2107 = arith.constant 512 : i32
    %dma_wait3A_2108 = arith.constant 0 : i32
    %dma_wait3A_2109 = tpu.memref_slice %arg14[%dma_wait3A_2107, %dma_wait3A_2108] : memref<2048x32xf32, #tpu.memory_space<vmem>> -> memref<128x32xf32, #tpu.memory_space<vmem>>
    %dma_wait3A_2110 = arith.constant 0 : i32
    %dma_wait3A_2111 = tpu.memref_slice %arg13[%dma_wait3A_2106, %dma_wait3A_2110] : memref<16x128xi32, #tpu.memory_space<vmem>> -> memref<1x128xi32, #tpu.memory_space<vmem>>
    %dma_wait3A_2112 = tpu.memref_squeeze %dma_wait3A_2111 : memref<1x128xi32, #tpu.memory_space<vmem>> -> memref<128xi32, #tpu.memory_space<vmem>>
    %dma_wait3A_2113 = arith.constant 0 : i32
    %dma_wait3A_2114 = arith.constant 0 : i32
    %dma_wait3A_2115 = tpu.memref_slice %arg4[%dma_wait3A_2113, %dma_wait3A_2114] : memref<32768x32xf32, #tpu.memory_space<hbm>> -> memref<32768x32xf32, #tpu.memory_space<hbm>>
    tpu.wait_indirect_dma semaphore(%arg16 : memref<!tpu.dma_semaphore, #tpu.memory_space<semaphore_mem>>) src(%dma_wait3A_2109 : memref<128x32xf32, #tpu.memory_space<vmem>>) dst(%dma_wait3A_2115 : memref<32768x32xf32, #tpu.memory_space<hbm>>)
    %dma_start3A_2116 = arith.constant 5 : i32
    %dma_start3A_2117 = arith.constant 640 : i32
    %dma_start3A_2118 = arith.constant 0 : i32
    %dma_start3A_2119 = tpu.memref_slice %arg14[%dma_start3A_2117, %dma_start3A_2118] : memref<2048x32xf32, #tpu.memory_space<vmem>> -> memref<128x32xf32, #tpu.memory_space<vmem>>
    %dma_start3A_2120 = arith.constant 0 : i32
    %dma_start3A_2121 = tpu.memref_slice %arg13[%dma_start3A_2116, %dma_start3A_2120] : memref<16x128xi32, #tpu.memory_space<vmem>> -> memref<1x128xi32, #tpu.memory_space<vmem>>
    %dma_start3A_2122 = tpu.memref_squeeze %dma_start3A_2121 : memref<1x128xi32, #tpu.memory_space<vmem>> -> memref<128xi32, #tpu.memory_space<vmem>>
    %dma_start3A_2123 = arith.constant 0 : i32
    %dma_start3A_2124 = arith.constant 0 : i32
    %dma_start3A_2125 = tpu.memref_slice %arg4[%dma_start3A_2123, %dma_start3A_2124] : memref<32768x32xf32, #tpu.memory_space<hbm>> -> memref<32768x32xf32, #tpu.memory_space<hbm>>
    tpu.enqueue_indirect_dma source(%dma_start3A_2119 : memref<128x32xf32, #tpu.memory_space<vmem>>) target(%dma_start3A_2125 : memref<32768x32xf32, #tpu.memory_space<hbm>>) offsets(%dma_start3A_2122 : memref<128xi32, #tpu.memory_space<vmem>>) semaphore(%arg16 : memref<!tpu.dma_semaphore, #tpu.memory_space<semaphore_mem>>)
    %dma_wait3A_2126 = arith.constant 5 : i32
    %dma_wait3A_2127 = arith.constant 640 : i32
    %dma_wait3A_2128 = arith.constant 0 : i32
    %dma_wait3A_2129 = tpu.memref_slice %arg14[%dma_wait3A_2127, %dma_wait3A_2128] : memref<2048x32xf32, #tpu.memory_space<vmem>> -> memref<128x32xf32, #tpu.memory_space<vmem>>
    %dma_wait3A_2130 = arith.constant 0 : i32
    %dma_wait3A_2131 = tpu.memref_slice %arg13[%dma_wait3A_2126, %dma_wait3A_2130] : memref<16x128xi32, #tpu.memory_space<vmem>> -> memref<1x128xi32, #tpu.memory_space<vmem>>
    %dma_wait3A_2132 = tpu.memref_squeeze %dma_wait3A_2131 : memref<1x128xi32, #tpu.memory_space<vmem>> -> memref<128xi32, #tpu.memory_space<vmem>>
    %dma_wait3A_2133 = arith.constant 0 : i32
    %dma_wait3A_2134 = arith.constant 0 : i32
    %dma_wait3A_2135 = tpu.memref_slice %arg4[%dma_wait3A_2133, %dma_wait3A_2134] : memref<32768x32xf32, #tpu.memory_space<hbm>> -> memref<32768x32xf32, #tpu.memory_space<hbm>>
    tpu.wait_indirect_dma semaphore(%arg16 : memref<!tpu.dma_semaphore, #tpu.memory_space<semaphore_mem>>) src(%dma_wait3A_2129 : memref<128x32xf32, #tpu.memory_space<vmem>>) dst(%dma_wait3A_2135 : memref<32768x32xf32, #tpu.memory_space<hbm>>)
    %dma_start3A_2136 = arith.constant 6 : i32
    %dma_start3A_2137 = arith.constant 768 : i32
    %dma_start3A_2138 = arith.constant 0 : i32
    %dma_start3A_2139 = tpu.memref_slice %arg14[%dma_start3A_2137, %dma_start3A_2138] : memref<2048x32xf32, #tpu.memory_space<vmem>> -> memref<128x32xf32, #tpu.memory_space<vmem>>
    %dma_start3A_2140 = arith.constant 0 : i32
    %dma_start3A_2141 = tpu.memref_slice %arg13[%dma_start3A_2136, %dma_start3A_2140] : memref<16x128xi32, #tpu.memory_space<vmem>> -> memref<1x128xi32, #tpu.memory_space<vmem>>
    %dma_start3A_2142 = tpu.memref_squeeze %dma_start3A_2141 : memref<1x128xi32, #tpu.memory_space<vmem>> -> memref<128xi32, #tpu.memory_space<vmem>>
    %dma_start3A_2143 = arith.constant 0 : i32
    %dma_start3A_2144 = arith.constant 0 : i32
    %dma_start3A_2145 = tpu.memref_slice %arg4[%dma_start3A_2143, %dma_start3A_2144] : memref<32768x32xf32, #tpu.memory_space<hbm>> -> memref<32768x32xf32, #tpu.memory_space<hbm>>
    tpu.enqueue_indirect_dma source(%dma_start3A_2139 : memref<128x32xf32, #tpu.memory_space<vmem>>) target(%dma_start3A_2145 : memref<32768x32xf32, #tpu.memory_space<hbm>>) offsets(%dma_start3A_2142 : memref<128xi32, #tpu.memory_space<vmem>>) semaphore(%arg16 : memref<!tpu.dma_semaphore, #tpu.memory_space<semaphore_mem>>)
    %dma_wait3A_2146 = arith.constant 6 : i32
    %dma_wait3A_2147 = arith.constant 768 : i32
    %dma_wait3A_2148 = arith.constant 0 : i32
    %dma_wait3A_2149 = tpu.memref_slice %arg14[%dma_wait3A_2147, %dma_wait3A_2148] : memref<2048x32xf32, #tpu.memory_space<vmem>> -> memref<128x32xf32, #tpu.memory_space<vmem>>
    %dma_wait3A_2150 = arith.constant 0 : i32
    %dma_wait3A_2151 = tpu.memref_slice %arg13[%dma_wait3A_2146, %dma_wait3A_2150] : memref<16x128xi32, #tpu.memory_space<vmem>> -> memref<1x128xi32, #tpu.memory_space<vmem>>
    %dma_wait3A_2152 = tpu.memref_squeeze %dma_wait3A_2151 : memref<1x128xi32, #tpu.memory_space<vmem>> -> memref<128xi32, #tpu.memory_space<vmem>>
    %dma_wait3A_2153 = arith.constant 0 : i32
    %dma_wait3A_2154 = arith.constant 0 : i32
    %dma_wait3A_2155 = tpu.memref_slice %arg4[%dma_wait3A_2153, %dma_wait3A_2154] : memref<32768x32xf32, #tpu.memory_space<hbm>> -> memref<32768x32xf32, #tpu.memory_space<hbm>>
    tpu.wait_indirect_dma semaphore(%arg16 : memref<!tpu.dma_semaphore, #tpu.memory_space<semaphore_mem>>) src(%dma_wait3A_2149 : memref<128x32xf32, #tpu.memory_space<vmem>>) dst(%dma_wait3A_2155 : memref<32768x32xf32, #tpu.memory_space<hbm>>)
    %dma_start3A_2156 = arith.constant 7 : i32
    %dma_start3A_2157 = arith.constant 896 : i32
    %dma_start3A_2158 = arith.constant 0 : i32
    %dma_start3A_2159 = tpu.memref_slice %arg14[%dma_start3A_2157, %dma_start3A_2158] : memref<2048x32xf32, #tpu.memory_space<vmem>> -> memref<128x32xf32, #tpu.memory_space<vmem>>
    %dma_start3A_2160 = arith.constant 0 : i32
    %dma_start3A_2161 = tpu.memref_slice %arg13[%dma_start3A_2156, %dma_start3A_2160] : memref<16x128xi32, #tpu.memory_space<vmem>> -> memref<1x128xi32, #tpu.memory_space<vmem>>
    %dma_start3A_2162 = tpu.memref_squeeze %dma_start3A_2161 : memref<1x128xi32, #tpu.memory_space<vmem>> -> memref<128xi32, #tpu.memory_space<vmem>>
    %dma_start3A_2163 = arith.constant 0 : i32
    %dma_start3A_2164 = arith.constant 0 : i32
    %dma_start3A_2165 = tpu.memref_slice %arg4[%dma_start3A_2163, %dma_start3A_2164] : memref<32768x32xf32, #tpu.memory_space<hbm>> -> memref<32768x32xf32, #tpu.memory_space<hbm>>
    tpu.enqueue_indirect_dma source(%dma_start3A_2159 : memref<128x32xf32, #tpu.memory_space<vmem>>) target(%dma_start3A_2165 : memref<32768x32xf32, #tpu.memory_space<hbm>>) offsets(%dma_start3A_2162 : memref<128xi32, #tpu.memory_space<vmem>>) semaphore(%arg16 : memref<!tpu.dma_semaphore, #tpu.memory_space<semaphore_mem>>)
    %dma_wait3A_2166 = arith.constant 7 : i32
    %dma_wait3A_2167 = arith.constant 896 : i32
    %dma_wait3A_2168 = arith.constant 0 : i32
    %dma_wait3A_2169 = tpu.memref_slice %arg14[%dma_wait3A_2167, %dma_wait3A_2168] : memref<2048x32xf32, #tpu.memory_space<vmem>> -> memref<128x32xf32, #tpu.memory_space<vmem>>
    %dma_wait3A_2170 = arith.constant 0 : i32
    %dma_wait3A_2171 = tpu.memref_slice %arg13[%dma_wait3A_2166, %dma_wait3A_2170] : memref<16x128xi32, #tpu.memory_space<vmem>> -> memref<1x128xi32, #tpu.memory_space<vmem>>
    %dma_wait3A_2172 = tpu.memref_squeeze %dma_wait3A_2171 : memref<1x128xi32, #tpu.memory_space<vmem>> -> memref<128xi32, #tpu.memory_space<vmem>>
    %dma_wait3A_2173 = arith.constant 0 : i32
    %dma_wait3A_2174 = arith.constant 0 : i32
    %dma_wait3A_2175 = tpu.memref_slice %arg4[%dma_wait3A_2173, %dma_wait3A_2174] : memref<32768x32xf32, #tpu.memory_space<hbm>> -> memref<32768x32xf32, #tpu.memory_space<hbm>>
    tpu.wait_indirect_dma semaphore(%arg16 : memref<!tpu.dma_semaphore, #tpu.memory_space<semaphore_mem>>) src(%dma_wait3A_2169 : memref<128x32xf32, #tpu.memory_space<vmem>>) dst(%dma_wait3A_2175 : memref<32768x32xf32, #tpu.memory_space<hbm>>)
    %dma_start3A_2176 = arith.constant 8 : i32
    %dma_start3A_2177 = arith.constant 1024 : i32
    %dma_start3A_2178 = arith.constant 0 : i32
    %dma_start3A_2179 = tpu.memref_slice %arg14[%dma_start3A_2177, %dma_start3A_2178] : memref<2048x32xf32, #tpu.memory_space<vmem>> -> memref<128x32xf32, #tpu.memory_space<vmem>>
    %dma_start3A_2180 = arith.constant 0 : i32
    %dma_start3A_2181 = tpu.memref_slice %arg13[%dma_start3A_2176, %dma_start3A_2180] : memref<16x128xi32, #tpu.memory_space<vmem>> -> memref<1x128xi32, #tpu.memory_space<vmem>>
    %dma_start3A_2182 = tpu.memref_squeeze %dma_start3A_2181 : memref<1x128xi32, #tpu.memory_space<vmem>> -> memref<128xi32, #tpu.memory_space<vmem>>
    %dma_start3A_2183 = arith.constant 0 : i32
    %dma_start3A_2184 = arith.constant 0 : i32
    %dma_start3A_2185 = tpu.memref_slice %arg4[%dma_start3A_2183, %dma_start3A_2184] : memref<32768x32xf32, #tpu.memory_space<hbm>> -> memref<32768x32xf32, #tpu.memory_space<hbm>>
    tpu.enqueue_indirect_dma source(%dma_start3A_2179 : memref<128x32xf32, #tpu.memory_space<vmem>>) target(%dma_start3A_2185 : memref<32768x32xf32, #tpu.memory_space<hbm>>) offsets(%dma_start3A_2182 : memref<128xi32, #tpu.memory_space<vmem>>) semaphore(%arg16 : memref<!tpu.dma_semaphore, #tpu.memory_space<semaphore_mem>>)
    %dma_wait3A_2186 = arith.constant 8 : i32
    %dma_wait3A_2187 = arith.constant 1024 : i32
    %dma_wait3A_2188 = arith.constant 0 : i32
    %dma_wait3A_2189 = tpu.memref_slice %arg14[%dma_wait3A_2187, %dma_wait3A_2188] : memref<2048x32xf32, #tpu.memory_space<vmem>> -> memref<128x32xf32, #tpu.memory_space<vmem>>
    %dma_wait3A_2190 = arith.constant 0 : i32
    %dma_wait3A_2191 = tpu.memref_slice %arg13[%dma_wait3A_2186, %dma_wait3A_2190] : memref<16x128xi32, #tpu.memory_space<vmem>> -> memref<1x128xi32, #tpu.memory_space<vmem>>
    %dma_wait3A_2192 = tpu.memref_squeeze %dma_wait3A_2191 : memref<1x128xi32, #tpu.memory_space<vmem>> -> memref<128xi32, #tpu.memory_space<vmem>>
    %dma_wait3A_2193 = arith.constant 0 : i32
    %dma_wait3A_2194 = arith.constant 0 : i32
    %dma_wait3A_2195 = tpu.memref_slice %arg4[%dma_wait3A_2193, %dma_wait3A_2194] : memref<32768x32xf32, #tpu.memory_space<hbm>> -> memref<32768x32xf32, #tpu.memory_space<hbm>>
    tpu.wait_indirect_dma semaphore(%arg16 : memref<!tpu.dma_semaphore, #tpu.memory_space<semaphore_mem>>) src(%dma_wait3A_2189 : memref<128x32xf32, #tpu.memory_space<vmem>>) dst(%dma_wait3A_2195 : memref<32768x32xf32, #tpu.memory_space<hbm>>)
    %dma_start3A_2196 = arith.constant 9 : i32
    %dma_start3A_2197 = arith.constant 1152 : i32
    %dma_start3A_2198 = arith.constant 0 : i32
    %dma_start3A_2199 = tpu.memref_slice %arg14[%dma_start3A_2197, %dma_start3A_2198] : memref<2048x32xf32, #tpu.memory_space<vmem>> -> memref<128x32xf32, #tpu.memory_space<vmem>>
    %dma_start3A_2200 = arith.constant 0 : i32
    %dma_start3A_2201 = tpu.memref_slice %arg13[%dma_start3A_2196, %dma_start3A_2200] : memref<16x128xi32, #tpu.memory_space<vmem>> -> memref<1x128xi32, #tpu.memory_space<vmem>>
    %dma_start3A_2202 = tpu.memref_squeeze %dma_start3A_2201 : memref<1x128xi32, #tpu.memory_space<vmem>> -> memref<128xi32, #tpu.memory_space<vmem>>
    %dma_start3A_2203 = arith.constant 0 : i32
    %dma_start3A_2204 = arith.constant 0 : i32
    %dma_start3A_2205 = tpu.memref_slice %arg4[%dma_start3A_2203, %dma_start3A_2204] : memref<32768x32xf32, #tpu.memory_space<hbm>> -> memref<32768x32xf32, #tpu.memory_space<hbm>>
    tpu.enqueue_indirect_dma source(%dma_start3A_2199 : memref<128x32xf32, #tpu.memory_space<vmem>>) target(%dma_start3A_2205 : memref<32768x32xf32, #tpu.memory_space<hbm>>) offsets(%dma_start3A_2202 : memref<128xi32, #tpu.memory_space<vmem>>) semaphore(%arg16 : memref<!tpu.dma_semaphore, #tpu.memory_space<semaphore_mem>>)
    %dma_wait3A_2206 = arith.constant 9 : i32
    %dma_wait3A_2207 = arith.constant 1152 : i32
    %dma_wait3A_2208 = arith.constant 0 : i32
    %dma_wait3A_2209 = tpu.memref_slice %arg14[%dma_wait3A_2207, %dma_wait3A_2208] : memref<2048x32xf32, #tpu.memory_space<vmem>> -> memref<128x32xf32, #tpu.memory_space<vmem>>
    %dma_wait3A_2210 = arith.constant 0 : i32
    %dma_wait3A_2211 = tpu.memref_slice %arg13[%dma_wait3A_2206, %dma_wait3A_2210] : memref<16x128xi32, #tpu.memory_space<vmem>> -> memref<1x128xi32, #tpu.memory_space<vmem>>
    %dma_wait3A_2212 = tpu.memref_squeeze %dma_wait3A_2211 : memref<1x128xi32, #tpu.memory_space<vmem>> -> memref<128xi32, #tpu.memory_space<vmem>>
    %dma_wait3A_2213 = arith.constant 0 : i32
    %dma_wait3A_2214 = arith.constant 0 : i32
    %dma_wait3A_2215 = tpu.memref_slice %arg4[%dma_wait3A_2213, %dma_wait3A_2214] : memref<32768x32xf32, #tpu.memory_space<hbm>> -> memref<32768x32xf32, #tpu.memory_space<hbm>>
    tpu.wait_indirect_dma semaphore(%arg16 : memref<!tpu.dma_semaphore, #tpu.memory_space<semaphore_mem>>) src(%dma_wait3A_2209 : memref<128x32xf32, #tpu.memory_space<vmem>>) dst(%dma_wait3A_2215 : memref<32768x32xf32, #tpu.memory_space<hbm>>)
    %dma_start3A_2216 = arith.constant 10 : i32
    %dma_start3A_2217 = arith.constant 1280 : i32
    %dma_start3A_2218 = arith.constant 0 : i32
    %dma_start3A_2219 = tpu.memref_slice %arg14[%dma_start3A_2217, %dma_start3A_2218] : memref<2048x32xf32, #tpu.memory_space<vmem>> -> memref<128x32xf32, #tpu.memory_space<vmem>>
    %dma_start3A_2220 = arith.constant 0 : i32
    %dma_start3A_2221 = tpu.memref_slice %arg13[%dma_start3A_2216, %dma_start3A_2220] : memref<16x128xi32, #tpu.memory_space<vmem>> -> memref<1x128xi32, #tpu.memory_space<vmem>>
    %dma_start3A_2222 = tpu.memref_squeeze %dma_start3A_2221 : memref<1x128xi32, #tpu.memory_space<vmem>> -> memref<128xi32, #tpu.memory_space<vmem>>
    %dma_start3A_2223 = arith.constant 0 : i32
    %dma_start3A_2224 = arith.constant 0 : i32
    %dma_start3A_2225 = tpu.memref_slice %arg4[%dma_start3A_2223, %dma_start3A_2224] : memref<32768x32xf32, #tpu.memory_space<hbm>> -> memref<32768x32xf32, #tpu.memory_space<hbm>>
    tpu.enqueue_indirect_dma source(%dma_start3A_2219 : memref<128x32xf32, #tpu.memory_space<vmem>>) target(%dma_start3A_2225 : memref<32768x32xf32, #tpu.memory_space<hbm>>) offsets(%dma_start3A_2222 : memref<128xi32, #tpu.memory_space<vmem>>) semaphore(%arg16 : memref<!tpu.dma_semaphore, #tpu.memory_space<semaphore_mem>>)
    %dma_wait3A_2226 = arith.constant 10 : i32
    %dma_wait3A_2227 = arith.constant 1280 : i32
    %dma_wait3A_2228 = arith.constant 0 : i32
    %dma_wait3A_2229 = tpu.memref_slice %arg14[%dma_wait3A_2227, %dma_wait3A_2228] : memref<2048x32xf32, #tpu.memory_space<vmem>> -> memref<128x32xf32, #tpu.memory_space<vmem>>
    %dma_wait3A_2230 = arith.constant 0 : i32
    %dma_wait3A_2231 = tpu.memref_slice %arg13[%dma_wait3A_2226, %dma_wait3A_2230] : memref<16x128xi32, #tpu.memory_space<vmem>> -> memref<1x128xi32, #tpu.memory_space<vmem>>
    %dma_wait3A_2232 = tpu.memref_squeeze %dma_wait3A_2231 : memref<1x128xi32, #tpu.memory_space<vmem>> -> memref<128xi32, #tpu.memory_space<vmem>>
    %dma_wait3A_2233 = arith.constant 0 : i32
    %dma_wait3A_2234 = arith.constant 0 : i32
    %dma_wait3A_2235 = tpu.memref_slice %arg4[%dma_wait3A_2233, %dma_wait3A_2234] : memref<32768x32xf32, #tpu.memory_space<hbm>> -> memref<32768x32xf32, #tpu.memory_space<hbm>>
    tpu.wait_indirect_dma semaphore(%arg16 : memref<!tpu.dma_semaphore, #tpu.memory_space<semaphore_mem>>) src(%dma_wait3A_2229 : memref<128x32xf32, #tpu.memory_space<vmem>>) dst(%dma_wait3A_2235 : memref<32768x32xf32, #tpu.memory_space<hbm>>)
    %dma_start3A_2236 = arith.constant 11 : i32
    %dma_start3A_2237 = arith.constant 1408 : i32
    %dma_start3A_2238 = arith.constant 0 : i32
    %dma_start3A_2239 = tpu.memref_slice %arg14[%dma_start3A_2237, %dma_start3A_2238] : memref<2048x32xf32, #tpu.memory_space<vmem>> -> memref<128x32xf32, #tpu.memory_space<vmem>>
    %dma_start3A_2240 = arith.constant 0 : i32
    %dma_start3A_2241 = tpu.memref_slice %arg13[%dma_start3A_2236, %dma_start3A_2240] : memref<16x128xi32, #tpu.memory_space<vmem>> -> memref<1x128xi32, #tpu.memory_space<vmem>>
    %dma_start3A_2242 = tpu.memref_squeeze %dma_start3A_2241 : memref<1x128xi32, #tpu.memory_space<vmem>> -> memref<128xi32, #tpu.memory_space<vmem>>
    %dma_start3A_2243 = arith.constant 0 : i32
    %dma_start3A_2244 = arith.constant 0 : i32
    %dma_start3A_2245 = tpu.memref_slice %arg4[%dma_start3A_2243, %dma_start3A_2244] : memref<32768x32xf32, #tpu.memory_space<hbm>> -> memref<32768x32xf32, #tpu.memory_space<hbm>>
    tpu.enqueue_indirect_dma source(%dma_start3A_2239 : memref<128x32xf32, #tpu.memory_space<vmem>>) target(%dma_start3A_2245 : memref<32768x32xf32, #tpu.memory_space<hbm>>) offsets(%dma_start3A_2242 : memref<128xi32, #tpu.memory_space<vmem>>) semaphore(%arg16 : memref<!tpu.dma_semaphore, #tpu.memory_space<semaphore_mem>>)
    %dma_wait3A_2246 = arith.constant 11 : i32
    %dma_wait3A_2247 = arith.constant 1408 : i32
    %dma_wait3A_2248 = arith.constant 0 : i32
    %dma_wait3A_2249 = tpu.memref_slice %arg14[%dma_wait3A_2247, %dma_wait3A_2248] : memref<2048x32xf32, #tpu.memory_space<vmem>> -> memref<128x32xf32, #tpu.memory_space<vmem>>
    %dma_wait3A_2250 = arith.constant 0 : i32
    %dma_wait3A_2251 = tpu.memref_slice %arg13[%dma_wait3A_2246, %dma_wait3A_2250] : memref<16x128xi32, #tpu.memory_space<vmem>> -> memref<1x128xi32, #tpu.memory_space<vmem>>
    %dma_wait3A_2252 = tpu.memref_squeeze %dma_wait3A_2251 : memref<1x128xi32, #tpu.memory_space<vmem>> -> memref<128xi32, #tpu.memory_space<vmem>>
    %dma_wait3A_2253 = arith.constant 0 : i32
    %dma_wait3A_2254 = arith.constant 0 : i32
    %dma_wait3A_2255 = tpu.memref_slice %arg4[%dma_wait3A_2253, %dma_wait3A_2254] : memref<32768x32xf32, #tpu.memory_space<hbm>> -> memref<32768x32xf32, #tpu.memory_space<hbm>>
    tpu.wait_indirect_dma semaphore(%arg16 : memref<!tpu.dma_semaphore, #tpu.memory_space<semaphore_mem>>) src(%dma_wait3A_2249 : memref<128x32xf32, #tpu.memory_space<vmem>>) dst(%dma_wait3A_2255 : memref<32768x32xf32, #tpu.memory_space<hbm>>)
    %dma_start3A_2256 = arith.constant 12 : i32
    %dma_start3A_2257 = arith.constant 1536 : i32
    %dma_start3A_2258 = arith.constant 0 : i32
    %dma_start3A_2259 = tpu.memref_slice %arg14[%dma_start3A_2257, %dma_start3A_2258] : memref<2048x32xf32, #tpu.memory_space<vmem>> -> memref<128x32xf32, #tpu.memory_space<vmem>>
    %dma_start3A_2260 = arith.constant 0 : i32
    %dma_start3A_2261 = tpu.memref_slice %arg13[%dma_start3A_2256, %dma_start3A_2260] : memref<16x128xi32, #tpu.memory_space<vmem>> -> memref<1x128xi32, #tpu.memory_space<vmem>>
    %dma_start3A_2262 = tpu.memref_squeeze %dma_start3A_2261 : memref<1x128xi32, #tpu.memory_space<vmem>> -> memref<128xi32, #tpu.memory_space<vmem>>
    %dma_start3A_2263 = arith.constant 0 : i32
    %dma_start3A_2264 = arith.constant 0 : i32
    %dma_start3A_2265 = tpu.memref_slice %arg4[%dma_start3A_2263, %dma_start3A_2264] : memref<32768x32xf32, #tpu.memory_space<hbm>> -> memref<32768x32xf32, #tpu.memory_space<hbm>>
    tpu.enqueue_indirect_dma source(%dma_start3A_2259 : memref<128x32xf32, #tpu.memory_space<vmem>>) target(%dma_start3A_2265 : memref<32768x32xf32, #tpu.memory_space<hbm>>) offsets(%dma_start3A_2262 : memref<128xi32, #tpu.memory_space<vmem>>) semaphore(%arg16 : memref<!tpu.dma_semaphore, #tpu.memory_space<semaphore_mem>>)
    %dma_wait3A_2266 = arith.constant 12 : i32
    %dma_wait3A_2267 = arith.constant 1536 : i32
    %dma_wait3A_2268 = arith.constant 0 : i32
    %dma_wait3A_2269 = tpu.memref_slice %arg14[%dma_wait3A_2267, %dma_wait3A_2268] : memref<2048x32xf32, #tpu.memory_space<vmem>> -> memref<128x32xf32, #tpu.memory_space<vmem>>
    %dma_wait3A_2270 = arith.constant 0 : i32
    %dma_wait3A_2271 = tpu.memref_slice %arg13[%dma_wait3A_2266, %dma_wait3A_2270] : memref<16x128xi32, #tpu.memory_space<vmem>> -> memref<1x128xi32, #tpu.memory_space<vmem>>
    %dma_wait3A_2272 = tpu.memref_squeeze %dma_wait3A_2271 : memref<1x128xi32, #tpu.memory_space<vmem>> -> memref<128xi32, #tpu.memory_space<vmem>>
    %dma_wait3A_2273 = arith.constant 0 : i32
    %dma_wait3A_2274 = arith.constant 0 : i32
    %dma_wait3A_2275 = tpu.memref_slice %arg4[%dma_wait3A_2273, %dma_wait3A_2274] : memref<32768x32xf32, #tpu.memory_space<hbm>> -> memref<32768x32xf32, #tpu.memory_space<hbm>>
    tpu.wait_indirect_dma semaphore(%arg16 : memref<!tpu.dma_semaphore, #tpu.memory_space<semaphore_mem>>) src(%dma_wait3A_2269 : memref<128x32xf32, #tpu.memory_space<vmem>>) dst(%dma_wait3A_2275 : memref<32768x32xf32, #tpu.memory_space<hbm>>)
    %dma_start3A_2276 = arith.constant 13 : i32
    %dma_start3A_2277 = arith.constant 1664 : i32
    %dma_start3A_2278 = arith.constant 0 : i32
    %dma_start3A_2279 = tpu.memref_slice %arg14[%dma_start3A_2277, %dma_start3A_2278] : memref<2048x32xf32, #tpu.memory_space<vmem>> -> memref<128x32xf32, #tpu.memory_space<vmem>>
    %dma_start3A_2280 = arith.constant 0 : i32
    %dma_start3A_2281 = tpu.memref_slice %arg13[%dma_start3A_2276, %dma_start3A_2280] : memref<16x128xi32, #tpu.memory_space<vmem>> -> memref<1x128xi32, #tpu.memory_space<vmem>>
    %dma_start3A_2282 = tpu.memref_squeeze %dma_start3A_2281 : memref<1x128xi32, #tpu.memory_space<vmem>> -> memref<128xi32, #tpu.memory_space<vmem>>
    %dma_start3A_2283 = arith.constant 0 : i32
    %dma_start3A_2284 = arith.constant 0 : i32
    %dma_start3A_2285 = tpu.memref_slice %arg4[%dma_start3A_2283, %dma_start3A_2284] : memref<32768x32xf32, #tpu.memory_space<hbm>> -> memref<32768x32xf32, #tpu.memory_space<hbm>>
    tpu.enqueue_indirect_dma source(%dma_start3A_2279 : memref<128x32xf32, #tpu.memory_space<vmem>>) target(%dma_start3A_2285 : memref<32768x32xf32, #tpu.memory_space<hbm>>) offsets(%dma_start3A_2282 : memref<128xi32, #tpu.memory_space<vmem>>) semaphore(%arg16 : memref<!tpu.dma_semaphore, #tpu.memory_space<semaphore_mem>>)
    %dma_wait3A_2286 = arith.constant 13 : i32
    %dma_wait3A_2287 = arith.constant 1664 : i32
    %dma_wait3A_2288 = arith.constant 0 : i32
    %dma_wait3A_2289 = tpu.memref_slice %arg14[%dma_wait3A_2287, %dma_wait3A_2288] : memref<2048x32xf32, #tpu.memory_space<vmem>> -> memref<128x32xf32, #tpu.memory_space<vmem>>
    %dma_wait3A_2290 = arith.constant 0 : i32
    %dma_wait3A_2291 = tpu.memref_slice %arg13[%dma_wait3A_2286, %dma_wait3A_2290] : memref<16x128xi32, #tpu.memory_space<vmem>> -> memref<1x128xi32, #tpu.memory_space<vmem>>
    %dma_wait3A_2292 = tpu.memref_squeeze %dma_wait3A_2291 : memref<1x128xi32, #tpu.memory_space<vmem>> -> memref<128xi32, #tpu.memory_space<vmem>>
    %dma_wait3A_2293 = arith.constant 0 : i32
    %dma_wait3A_2294 = arith.constant 0 : i32
    %dma_wait3A_2295 = tpu.memref_slice %arg4[%dma_wait3A_2293, %dma_wait3A_2294] : memref<32768x32xf32, #tpu.memory_space<hbm>> -> memref<32768x32xf32, #tpu.memory_space<hbm>>
    tpu.wait_indirect_dma semaphore(%arg16 : memref<!tpu.dma_semaphore, #tpu.memory_space<semaphore_mem>>) src(%dma_wait3A_2289 : memref<128x32xf32, #tpu.memory_space<vmem>>) dst(%dma_wait3A_2295 : memref<32768x32xf32, #tpu.memory_space<hbm>>)
    %dma_start3A_2296 = arith.constant 14 : i32
    %dma_start3A_2297 = arith.constant 1792 : i32
    %dma_start3A_2298 = arith.constant 0 : i32
    %dma_start3A_2299 = tpu.memref_slice %arg14[%dma_start3A_2297, %dma_start3A_2298] : memref<2048x32xf32, #tpu.memory_space<vmem>> -> memref<128x32xf32, #tpu.memory_space<vmem>>
    %dma_start3A_2300 = arith.constant 0 : i32
    %dma_start3A_2301 = tpu.memref_slice %arg13[%dma_start3A_2296, %dma_start3A_2300] : memref<16x128xi32, #tpu.memory_space<vmem>> -> memref<1x128xi32, #tpu.memory_space<vmem>>
    %dma_start3A_2302 = tpu.memref_squeeze %dma_start3A_2301 : memref<1x128xi32, #tpu.memory_space<vmem>> -> memref<128xi32, #tpu.memory_space<vmem>>
    %dma_start3A_2303 = arith.constant 0 : i32
    %dma_start3A_2304 = arith.constant 0 : i32
    %dma_start3A_2305 = tpu.memref_slice %arg4[%dma_start3A_2303, %dma_start3A_2304] : memref<32768x32xf32, #tpu.memory_space<hbm>> -> memref<32768x32xf32, #tpu.memory_space<hbm>>
    tpu.enqueue_indirect_dma source(%dma_start3A_2299 : memref<128x32xf32, #tpu.memory_space<vmem>>) target(%dma_start3A_2305 : memref<32768x32xf32, #tpu.memory_space<hbm>>) offsets(%dma_start3A_2302 : memref<128xi32, #tpu.memory_space<vmem>>) semaphore(%arg16 : memref<!tpu.dma_semaphore, #tpu.memory_space<semaphore_mem>>)
    %dma_wait3A_2306 = arith.constant 14 : i32
    %dma_wait3A_2307 = arith.constant 1792 : i32
    %dma_wait3A_2308 = arith.constant 0 : i32
    %dma_wait3A_2309 = tpu.memref_slice %arg14[%dma_wait3A_2307, %dma_wait3A_2308] : memref<2048x32xf32, #tpu.memory_space<vmem>> -> memref<128x32xf32, #tpu.memory_space<vmem>>
    %dma_wait3A_2310 = arith.constant 0 : i32
    %dma_wait3A_2311 = tpu.memref_slice %arg13[%dma_wait3A_2306, %dma_wait3A_2310] : memref<16x128xi32, #tpu.memory_space<vmem>> -> memref<1x128xi32, #tpu.memory_space<vmem>>
    %dma_wait3A_2312 = tpu.memref_squeeze %dma_wait3A_2311 : memref<1x128xi32, #tpu.memory_space<vmem>> -> memref<128xi32, #tpu.memory_space<vmem>>
    %dma_wait3A_2313 = arith.constant 0 : i32
    %dma_wait3A_2314 = arith.constant 0 : i32
    %dma_wait3A_2315 = tpu.memref_slice %arg4[%dma_wait3A_2313, %dma_wait3A_2314] : memref<32768x32xf32, #tpu.memory_space<hbm>> -> memref<32768x32xf32, #tpu.memory_space<hbm>>
    tpu.wait_indirect_dma semaphore(%arg16 : memref<!tpu.dma_semaphore, #tpu.memory_space<semaphore_mem>>) src(%dma_wait3A_2309 : memref<128x32xf32, #tpu.memory_space<vmem>>) dst(%dma_wait3A_2315 : memref<32768x32xf32, #tpu.memory_space<hbm>>)
    %dma_start3A_2316 = arith.constant 15 : i32
    %dma_start3A_2317 = arith.constant 1920 : i32
    %dma_start3A_2318 = arith.constant 0 : i32
    %dma_start3A_2319 = tpu.memref_slice %arg14[%dma_start3A_2317, %dma_start3A_2318] : memref<2048x32xf32, #tpu.memory_space<vmem>> -> memref<128x32xf32, #tpu.memory_space<vmem>>
    %dma_start3A_2320 = arith.constant 0 : i32
    %dma_start3A_2321 = tpu.memref_slice %arg13[%dma_start3A_2316, %dma_start3A_2320] : memref<16x128xi32, #tpu.memory_space<vmem>> -> memref<1x128xi32, #tpu.memory_space<vmem>>
    %dma_start3A_2322 = tpu.memref_squeeze %dma_start3A_2321 : memref<1x128xi32, #tpu.memory_space<vmem>> -> memref<128xi32, #tpu.memory_space<vmem>>
    %dma_start3A_2323 = arith.constant 0 : i32
    %dma_start3A_2324 = arith.constant 0 : i32
    %dma_start3A_2325 = tpu.memref_slice %arg4[%dma_start3A_2323, %dma_start3A_2324] : memref<32768x32xf32, #tpu.memory_space<hbm>> -> memref<32768x32xf32, #tpu.memory_space<hbm>>
    tpu.enqueue_indirect_dma source(%dma_start3A_2319 : memref<128x32xf32, #tpu.memory_space<vmem>>) target(%dma_start3A_2325 : memref<32768x32xf32, #tpu.memory_space<hbm>>) offsets(%dma_start3A_2322 : memref<128xi32, #tpu.memory_space<vmem>>) semaphore(%arg16 : memref<!tpu.dma_semaphore, #tpu.memory_space<semaphore_mem>>)
    %dma_wait3A_2326 = arith.constant 15 : i32
    %dma_wait3A_2327 = arith.constant 1920 : i32
    %dma_wait3A_2328 = arith.constant 0 : i32
    %dma_wait3A_2329 = tpu.memref_slice %arg14[%dma_wait3A_2327, %dma_wait3A_2328] : memref<2048x32xf32, #tpu.memory_space<vmem>> -> memref<128x32xf32, #tpu.memory_space<vmem>>
    %dma_wait3A_2330 = arith.constant 0 : i32
    %dma_wait3A_2331 = tpu.memref_slice %arg13[%dma_wait3A_2326, %dma_wait3A_2330] : memref<16x128xi32, #tpu.memory_space<vmem>> -> memref<1x128xi32, #tpu.memory_space<vmem>>
    %dma_wait3A_2332 = tpu.memref_squeeze %dma_wait3A_2331 : memref<1x128xi32, #tpu.memory_space<vmem>> -> memref<128xi32, #tpu.memory_space<vmem>>
    %dma_wait3A_2333 = arith.constant 0 : i32
    %dma_wait3A_2334 = arith.constant 0 : i32
    %dma_wait3A_2335 = tpu.memref_slice %arg4[%dma_wait3A_2333, %dma_wait3A_2334] : memref<32768x32xf32, #tpu.memory_space<hbm>> -> memref<32768x32xf32, #tpu.memory_space<hbm>>
    tpu.wait_indirect_dma semaphore(%arg16 : memref<!tpu.dma_semaphore, #tpu.memory_space<semaphore_mem>>) src(%dma_wait3A_2329 : memref<128x32xf32, #tpu.memory_space<vmem>>) dst(%dma_wait3A_2335 : memref<32768x32xf32, #tpu.memory_space<hbm>>)
    %eq3A = arith.constant 0 : i32
    %eq3A_2336 = arith.cmpi eq, %arg1, %eq3A : i32
    %convert_element_type3A = arith.extui %eq3A_2336 : i1 to i32
    %cond3A = arith.constant 0 : i32
    %cond3A_2337 = arith.cmpi ne, %convert_element_type3A, %cond3A : i32
    scf.if %cond3A_2337 {
      "tpu.region"() ({
        %run_scoped3A = tpu.sem_alloc : memref<!tpu.dma_semaphore, #tpu.memory_space<semaphore_mem>>
        tpu.enqueue_dma source(%arg15 : memref<80xi32, #tpu.memory_space<vmem>>) target(%arg7 : memref<80xi32, #tpu.memory_space<hbm>>) target_semaphore(%run_scoped3A : memref<!tpu.dma_semaphore, #tpu.memory_space<semaphore_mem>>)
        tpu.wait_dma2 semaphore(%run_scoped3A : memref<!tpu.dma_semaphore, #tpu.memory_space<semaphore_mem>>) src(%arg15 : memref<80xi32, #tpu.memory_space<vmem>>) dst(%arg7 : memref<80xi32, #tpu.memory_space<hbm>>)
        tpu.yield
      }) : () -> ()
    } else {
    }
    return
  }
}

module attributes {stable_mosaic.version = 14 : i64} {
  func.func @_pairs_body(%arg0: memref<80xi32, #tpu.memory_space<smem>>, %arg1: memref<128xi32, #tpu.memory_space<smem>>, %arg2: memref<128xi32, #tpu.memory_space<smem>>, %arg3: memref<128xi32, #tpu.memory_space<smem>>, %arg4: memref<128xi32, #tpu.memory_space<smem>>) attributes {dimension_semantics = [], scalar_prefetch = 0 : i64, scratch_operands = 0 : i64, tpu.core_type = #tpu.core_type<tc>} {
    %scan3A = arith.constant 0 : i32
    %scan3A_0 = arith.constant 128 : i32
    %scan3A_1 = arith.addi %scan3A, %scan3A_0 : i32
    %scan3A_2 = arith.constant 1 : i32
    scf.for %scan3A_11 = %scan3A to %scan3A_1 step %scan3A_2  : i32 {
      %swap3A = arith.constant 63 : i32
      %swap3A_12 = arith.index_cast %scan3A_11 : i32 to index
      %swap3A_13 = memref.load %arg1[%swap3A_12] : memref<128xi32, #tpu.memory_space<smem>>
      memref.store %swap3A, %arg1[%swap3A_12] : memref<128xi32, #tpu.memory_space<smem>>
      %swap3A_14 = arith.constant 63 : i32
      %swap3A_15 = arith.index_cast %scan3A_11 : i32 to index
      %swap3A_16 = memref.load %arg2[%swap3A_15] : memref<128xi32, #tpu.memory_space<smem>>
      memref.store %swap3A_14, %arg2[%swap3A_15] : memref<128xi32, #tpu.memory_space<smem>>
      %swap3A_17 = arith.constant 0 : i32
      %swap3A_18 = arith.index_cast %scan3A_11 : i32 to index
      %swap3A_19 = memref.load %arg3[%swap3A_18] : memref<128xi32, #tpu.memory_space<smem>>
      memref.store %swap3A_17, %arg3[%swap3A_18] : memref<128xi32, #tpu.memory_space<smem>>
      %swap3A_20 = arith.constant 0 : i32
      %swap3A_21 = arith.index_cast %scan3A_11 : i32 to index
      %swap3A_22 = memref.load %arg4[%swap3A_21] : memref<128xi32, #tpu.memory_space<smem>>
      memref.store %swap3A_20, %arg4[%swap3A_21] : memref<128xi32, #tpu.memory_space<smem>>
    }
    %scan3A_3 = arith.constant 128 : i32
    %scan3A_4 = arith.constant 0 : i32
    %scan3A_5 = arith.constant 0 : i32
    %scan3A_6 = arith.constant 64 : i32
    %scan3A_7 = arith.addi %scan3A_5, %scan3A_6 : i32
    %scan3A_8 = arith.constant 1 : i32
    %scan3A_9 = scf.for %scan3A_11 = %scan3A_5 to %scan3A_7 step %scan3A_8 iter_args(%scan3A_12 = %scan3A_4) -> (i32)  : i32 {
      %get3A = arith.index_cast %scan3A_11 : i32 to index
      %get3A_13 = memref.load %arg0[%get3A] : memref<80xi32, #tpu.memory_space<smem>>
      %add3A = arith.constant 1 : i32
      %add3A_14 = arith.addi %scan3A_11, %add3A : i32
      %get3A_15 = arith.index_cast %add3A_14 : i32 to index
      %get3A_16 = memref.load %arg0[%get3A_15] : memref<80xi32, #tpu.memory_space<smem>>
      %gt3A = arith.cmpi sgt, %get3A_16, %get3A_13 : i32
      %convert_element_type3A = arith.extui %gt3A : i1 to i32
      %cond3A = arith.constant 0 : i32
      %cond3A_17 = arith.cmpi ne, %convert_element_type3A, %cond3A : i32
      %cond3A_18 = scf.if %cond3A_17 -> (i32) {
        %sub3A = arith.constant 1 : i32
        %sub3A_19 = arith.subi %get3A_16, %sub3A : i32
        %jit3A = arith.constant 512 : i32
        %div3A = arith.divsi %sub3A_19, %jit3A : i32
        %sign3A = arith.constant 0 : i32
        %sign3A_20 = arith.cmpi sgt, %sub3A_19, %sign3A : i32
        %sign3A_21 = arith.extui %sign3A_20 : i1 to i32
        %sign3A_22 = arith.constant 0 : i32
        %sign3A_23 = arith.cmpi slt, %sub3A_19, %sign3A_22 : i32
        %sign3A_24 = arith.extui %sign3A_23 : i1 to i32
        %sign3A_25 = arith.subi %sign3A_21, %sign3A_24 : i32
        %sign3A_26 = arith.constant 0 : i32
        %sign3A_27 = arith.cmpi sgt, %jit3A, %sign3A_26 : i32
        %sign3A_28 = arith.extui %sign3A_27 : i1 to i32
        %sign3A_29 = arith.constant 0 : i32
        %sign3A_30 = arith.cmpi slt, %jit3A, %sign3A_29 : i32
        %sign3A_31 = arith.extui %sign3A_30 : i1 to i32
        %sign3A_32 = arith.subi %sign3A_28, %sign3A_31 : i32
        %ne3A = arith.cmpi ne, %sign3A_25, %sign3A_32 : i32
        %rem3A = arith.remsi %sub3A_19, %jit3A : i32
        %ne3A_33 = arith.constant 0 : i32
        %ne3A_34 = arith.cmpi ne, %rem3A, %ne3A_33 : i32
        %and3A = arith.andi %ne3A, %ne3A_34 : i1
        %sub3A_35 = arith.constant 1 : i32
        %sub3A_36 = arith.subi %div3A, %sub3A_35 : i32
        %select_n3A = arith.select %and3A, %sub3A_36, %div3A : i32
        %jit3A_37 = arith.constant 512 : i32
        %div3A_38 = arith.divsi %get3A_13, %jit3A_37 : i32
        %sign3A_39 = arith.constant 0 : i32
        %sign3A_40 = arith.cmpi sgt, %get3A_13, %sign3A_39 : i32
        %sign3A_41 = arith.extui %sign3A_40 : i1 to i32
        %sign3A_42 = arith.constant 0 : i32
        %sign3A_43 = arith.cmpi slt, %get3A_13, %sign3A_42 : i32
        %sign3A_44 = arith.extui %sign3A_43 : i1 to i32
        %sign3A_45 = arith.subi %sign3A_41, %sign3A_44 : i32
        %sign3A_46 = arith.constant 0 : i32
        %sign3A_47 = arith.cmpi sgt, %jit3A_37, %sign3A_46 : i32
        %sign3A_48 = arith.extui %sign3A_47 : i1 to i32
        %sign3A_49 = arith.constant 0 : i32
        %sign3A_50 = arith.cmpi slt, %jit3A_37, %sign3A_49 : i32
        %sign3A_51 = arith.extui %sign3A_50 : i1 to i32
        %sign3A_52 = arith.subi %sign3A_48, %sign3A_51 : i32
        %ne3A_53 = arith.cmpi ne, %sign3A_45, %sign3A_52 : i32
        %rem3A_54 = arith.remsi %get3A_13, %jit3A_37 : i32
        %ne3A_55 = arith.constant 0 : i32
        %ne3A_56 = arith.cmpi ne, %rem3A_54, %ne3A_55 : i32
        %and3A_57 = arith.andi %ne3A_53, %ne3A_56 : i1
        %sub3A_58 = arith.constant 1 : i32
        %sub3A_59 = arith.subi %div3A_38, %sub3A_58 : i32
        %select_n3A_60 = arith.select %and3A_57, %sub3A_59, %div3A_38 : i32
        %while3A:2 = scf.while (%while3A_61 = %select_n3A_60, %while3A_62 = %scan3A_12) : (i32, i32) -> (i32, i32) {
          %le3A = arith.cmpi sle, %while3A_61, %select_n3A : i32
          scf.condition(%le3A) %while3A_61, %while3A_62 : i32, i32
        } do {
        ^bb0(%while3A_61: i32, %while3A_62: i32):
          %swap3A = arith.index_cast %while3A_62 : i32 to index
          %swap3A_63 = memref.load %arg1[%swap3A] : memref<128xi32, #tpu.memory_space<smem>>
          memref.store %while3A_61, %arg1[%swap3A] : memref<128xi32, #tpu.memory_space<smem>>
          %swap3A_64 = arith.index_cast %while3A_62 : i32 to index
          %swap3A_65 = memref.load %arg2[%swap3A_64] : memref<128xi32, #tpu.memory_space<smem>>
          memref.store %scan3A_11, %arg2[%swap3A_64] : memref<128xi32, #tpu.memory_space<smem>>
          %swap3A_66 = arith.index_cast %while3A_62 : i32 to index
          %swap3A_67 = memref.load %arg3[%swap3A_66] : memref<128xi32, #tpu.memory_space<smem>>
          memref.store %get3A_13, %arg3[%swap3A_66] : memref<128xi32, #tpu.memory_space<smem>>
          %swap3A_68 = arith.index_cast %while3A_62 : i32 to index
          %swap3A_69 = memref.load %arg4[%swap3A_68] : memref<128xi32, #tpu.memory_space<smem>>
          memref.store %get3A_16, %arg4[%swap3A_68] : memref<128xi32, #tpu.memory_space<smem>>
          %add3A_70 = arith.constant 1 : i32
          %add3A_71 = arith.addi %while3A_61, %add3A_70 : i32
          %add3A_72 = arith.constant 1 : i32
          %add3A_73 = arith.addi %while3A_62, %add3A_72 : i32
          scf.yield %add3A_71, %add3A_73 : i32, i32
        }
        scf.yield %while3A#1 : i32
      } else {
        scf.yield %scan3A_12 : i32
      }
      scf.yield %cond3A_18 : i32
    }
    %scan3A_10 = arith.constant 64 : i32
    return
  }
}

module attributes {stable_mosaic.version = 14 : i64} {
  func.func @_mlp_body(%arg0: i32, %arg1: memref<128xi32, #tpu.memory_space<smem>>, %arg2: memref<128xi32, #tpu.memory_space<smem>>, %arg3: memref<128xi32, #tpu.memory_space<smem>>, %arg4: memref<128xi32, #tpu.memory_space<smem>>, %arg5: memref<512x32xf32, #tpu.memory_space<vmem>>, %arg6: memref<1x32xf32, #tpu.memory_space<vmem>>, %arg7: memref<1x256x32xf32, #tpu.memory_space<vmem>>, %arg8: memref<1x256x32xf32, #tpu.memory_space<vmem>>, %arg9: memref<1x256x32xf32, #tpu.memory_space<vmem>>, %arg10: memref<1x256x256xf32, #tpu.memory_space<vmem>>, %arg11: memref<1x256x256xf32, #tpu.memory_space<vmem>>, %arg12: memref<1x256x256xf32, #tpu.memory_space<vmem>>, %arg13: memref<1x16x256xf32, #tpu.memory_space<vmem>>, %arg14: memref<1x8x256xf32, #tpu.memory_space<vmem>>, %arg15: memref<1x2x16xf32, #tpu.memory_space<vmem>>, %arg16: memref<512x16xf32, #tpu.memory_space<vmem>>, %arg17: memref<512x32xf32, #tpu.memory_space<vmem>>, %arg18: memref<512x32xf32, #tpu.memory_space<vmem>>, %arg19: memref<32x256xf32, #tpu.memory_space<vmem>>, %arg20: memref<32x256xf32, #tpu.memory_space<vmem>>, %arg21: memref<32x256xf32, #tpu.memory_space<vmem>>, %arg22: memref<256x256xf32, #tpu.memory_space<vmem>>, %arg23: memref<256x256xf32, #tpu.memory_space<vmem>>, %arg24: memref<256x256xf32, #tpu.memory_space<vmem>>, %arg25: memref<256x16xf32, #tpu.memory_space<vmem>>) attributes {dimension_semantics = [#tpu.dimension_semantics<arbitrary>], iteration_bounds = array<i64: 128>, scalar_prefetch = 4 : i64, scratch_operands = 9 : i64, tpu.core_type = #tpu.core_type<tc>, window_params = [{transform_indices = @transform_0, window_bounds = array<i64: 512, 32>}, {pipeline_mode = #tpu.pipeline_mode<synchronous>, transform_indices = @transform_1, window_bounds = array<i64: 1, 32>}, {transform_indices = @transform_2, window_bounds = array<i64: 1, 256, 32>}, {transform_indices = @transform_3, window_bounds = array<i64: 1, 256, 32>}, {transform_indices = @transform_4, window_bounds = array<i64: 1, 256, 32>}, {transform_indices = @transform_5, window_bounds = array<i64: 1, 256, 256>}, {transform_indices = @transform_6, window_bounds = array<i64: 1, 256, 256>}, {transform_indices = @transform_7, window_bounds = array<i64: 1, 256, 256>}, {transform_indices = @transform_8, window_bounds = array<i64: 1, 16, 256>}, {transform_indices = @transform_9, window_bounds = array<i64: 1, 8, 256>}, {transform_indices = @transform_10, window_bounds = array<i64: 1, 2, 16>}, {transform_indices = @transform_11, window_bounds = array<i64: 512, 16>}]} {
    %get3A = arith.index_cast %arg0 : i32 to index
    %get3A_0 = memref.load %arg3[%get3A] : memref<128xi32, #tpu.memory_space<smem>>
    %get3A_1 = arith.index_cast %arg0 : i32 to index
    %get3A_2 = memref.load %arg4[%get3A_1] : memref<128xi32, #tpu.memory_space<smem>>
    %get3A_3 = arith.index_cast %arg0 : i32 to index
    %get3A_4 = memref.load %arg1[%get3A_3] : memref<128xi32, #tpu.memory_space<smem>>
    %sub3A = arith.constant 1 : i32
    %sub3A_5 = arith.subi %arg0, %sub3A : i32
    %max3A = arith.constant 0 : i32
    %max3A_6 = arith.maxsi %sub3A_5, %max3A : i32
    %eq3A = arith.constant 0 : i32
    %eq3A_7 = arith.cmpi eq, %arg0, %eq3A : i32
    %get3A_8 = arith.index_cast %arg0 : i32 to index
    %get3A_9 = memref.load %arg2[%get3A_8] : memref<128xi32, #tpu.memory_space<smem>>
    %get3A_10 = arith.index_cast %max3A_6 : i32 to index
    %get3A_11 = memref.load %arg2[%get3A_10] : memref<128xi32, #tpu.memory_space<smem>>
    %ne3A = arith.cmpi ne, %get3A_9, %get3A_11 : i32
    %or3A = arith.ori %eq3A_7, %ne3A : i1
    %eq3A_12 = arith.constant 0 : i32
    %eq3A_13 = arith.cmpi eq, %arg0, %eq3A_12 : i32
    %get3A_14 = arith.index_cast %arg0 : i32 to index
    %get3A_15 = memref.load %arg1[%get3A_14] : memref<128xi32, #tpu.memory_space<smem>>
    %get3A_16 = arith.index_cast %max3A_6 : i32 to index
    %get3A_17 = memref.load %arg1[%get3A_16] : memref<128xi32, #tpu.memory_space<smem>>
    %ne3A_18 = arith.cmpi ne, %get3A_15, %get3A_17 : i32
    %or3A_19 = arith.ori %eq3A_13, %ne3A_18 : i1
    %gt3A = arith.cmpi sgt, %get3A_2, %get3A_0 : i32
    %and3A = arith.andi %gt3A, %or3A_19 : i1
    %convert_element_type3A = arith.extui %and3A : i1 to i32
    %cond3A = arith.constant 0 : i32
    %cond3A_20 = arith.cmpi ne, %convert_element_type3A, %cond3A : i32
    scf.if %cond3A_20 {
      %get3A_30 = arith.constant 0 : index
      %get3A_31 = arith.constant 0 : index
      %get3A_32 = vector.load %arg5[%get3A_30, %get3A_31] : memref<512x32xf32, #tpu.memory_space<vmem>>, vector<512x32xf32>
      %get3A_33 = arith.constant 0 : index
      %get3A_34 = arith.constant 0 : index
      %get3A_35 = vector.load %arg6[%get3A_33, %get3A_34] : memref<1x32xf32, #tpu.memory_space<vmem>>, vector<1x32xf32>
      %mul3A = vector.broadcast %get3A_35 : vector<1x32xf32> to vector<512x32xf32>
      %mul3A_36 = arith.mulf %get3A_32, %mul3A : vector<512x32xf32>
      %sin3A = math.sin %mul3A_36 : vector<512x32xf32>
      %swap3A = arith.constant 0 : index
      %swap3A_37 = arith.constant 0 : index
      %swap3A_38 = vector.load %arg17[%swap3A, %swap3A_37] : memref<512x32xf32, #tpu.memory_space<vmem>>, vector<512x32xf32>
      tpu.vector_store %arg17[%swap3A, %swap3A_37], %sin3A {strides = array<i32>} : memref<512x32xf32, #tpu.memory_space<vmem>>, vector<512x32xf32>,
      %cos3A = math.cos %mul3A_36 : vector<512x32xf32>
      %swap3A_39 = arith.constant 0 : index
      %swap3A_40 = arith.constant 0 : index
      %swap3A_41 = vector.load %arg18[%swap3A_39, %swap3A_40] : memref<512x32xf32, #tpu.memory_space<vmem>>, vector<512x32xf32>
      tpu.vector_store %arg18[%swap3A_39, %swap3A_40], %cos3A {strides = array<i32>} : memref<512x32xf32, #tpu.memory_space<vmem>>, vector<512x32xf32>,
    } else {
    }
    %gt3A_21 = arith.cmpi sgt, %get3A_2, %get3A_0 : i32
    %and3A_22 = arith.andi %gt3A_21, %or3A : i1
    %convert_element_type3A_23 = arith.extui %and3A_22 : i1 to i32
    %cond3A_24 = arith.constant 0 : i32
    %cond3A_25 = arith.cmpi ne, %convert_element_type3A_23, %cond3A_24 : i32
    scf.if %cond3A_25 {
      %get3A_30 = arith.constant 0 : index
      %get3A_31 = arith.constant 0 : index
      %get3A_32 = arith.constant 0 : index
      %get3A_33 = vector.load %arg14[%get3A_30, %get3A_31, %get3A_32] : memref<1x8x256xf32, #tpu.memory_space<vmem>>, vector<1x8x256xf32>
      %get3A_34 = vector.shape_cast %get3A_33 : vector<1x8x256xf32> to vector<8x256xf32>
      %get3A_35 = arith.constant 0 : index
      %get3A_36 = arith.constant 0 : index
      %get3A_37 = arith.constant 0 : index
      %get3A_38 = vector.load %arg7[%get3A_35, %get3A_36, %get3A_37] : memref<1x256x32xf32, #tpu.memory_space<vmem>>, vector<1x256x32xf32>
      %get3A_39 = vector.shape_cast %get3A_38 : vector<1x256x32xf32> to vector<256x32xf32>
      %get3A_40 = arith.constant 0 : index
      %get3A_41 = arith.constant 0 : index
      %get3A_42 = arith.constant 0 : index
      %get3A_43 = vector.load %arg8[%get3A_40, %get3A_41, %get3A_42] : memref<1x256x32xf32, #tpu.memory_space<vmem>>, vector<1x256x32xf32>
      %get3A_44 = vector.shape_cast %get3A_43 : vector<1x256x32xf32> to vector<256x32xf32>
      %get3A_45 = arith.constant 0 : index
      %get3A_46 = arith.constant 0 : index
      %get3A_47 = arith.constant 0 : index
      %get3A_48 = vector.load %arg9[%get3A_45, %get3A_46, %get3A_47] : memref<1x256x32xf32, #tpu.memory_space<vmem>>, vector<1x256x32xf32>
      %get3A_49 = vector.shape_cast %get3A_48 : vector<1x256x32xf32> to vector<256x32xf32>
      %slice3A = vector.extract_strided_slice %get3A_34 {offsets = [0, 0], sizes = [1, 256], strides = [1, 1]} : vector<8x256xf32> to vector<1x256xf32>
      %transpose3A = tpu.transpose %slice3A, [1, 0] : vector<1x256xf32> -> vector<256x1xf32>
      %mul3A = arith.mulf %get3A_39, %get3A_39 : vector<256x32xf32>
      %reduce_sum3A = arith.constant dense<0.000000e+00> : vector<256xf32>
      %reduce_sum3A_50 = vector.multi_reduction <add>, %mul3A, %reduce_sum3A [1] : vector<256x32xf32> to vector<256xf32>
      %broadcast_in_dim3A = vector.shape_cast %reduce_sum3A_50 : vector<256xf32> to vector<256x1xf32>
      %mul3A_51 = arith.mulf %get3A_44, %get3A_44 : vector<256x32xf32>
      %reduce_sum3A_52 = arith.constant dense<0.000000e+00> : vector<256xf32>
      %reduce_sum3A_53 = vector.multi_reduction <add>, %mul3A_51, %reduce_sum3A_52 [1] : vector<256x32xf32> to vector<256xf32>
      %broadcast_in_dim3A_54 = vector.shape_cast %reduce_sum3A_53 : vector<256xf32> to vector<256x1xf32>
      %add3A = arith.addf %broadcast_in_dim3A, %broadcast_in_dim3A_54 : vector<256x1xf32>
      %mul3A_55 = arith.mulf %get3A_49, %get3A_49 : vector<256x32xf32>
      %reduce_sum3A_56 = arith.constant dense<0.000000e+00> : vector<256xf32>
      %reduce_sum3A_57 = vector.multi_reduction <add>, %mul3A_55, %reduce_sum3A_56 [1] : vector<256x32xf32> to vector<256xf32>
      %broadcast_in_dim3A_58 = vector.shape_cast %reduce_sum3A_57 : vector<256xf32> to vector<256x1xf32>
      %add3A_59 = arith.addf %add3A, %broadcast_in_dim3A_58 : vector<256x1xf32>
      %rsqrt3A = math.rsqrt %add3A_59 : vector<256x1xf32>
      %mul3A_60 = arith.mulf %transpose3A, %rsqrt3A : vector<256x1xf32>
      %mul3A_61 = vector.broadcast %mul3A_60 : vector<256x1xf32> to vector<256x32xf32>
      %mul3A_62 = arith.mulf %get3A_39, %mul3A_61 : vector<256x32xf32>
      %transpose3A_63 = tpu.transpose %mul3A_62, [1, 0] : vector<256x32xf32> -> vector<32x256xf32>
      %swap3A = arith.constant 0 : index
      %swap3A_64 = arith.constant 0 : index
      %swap3A_65 = vector.load %arg19[%swap3A, %swap3A_64] : memref<32x256xf32, #tpu.memory_space<vmem>>, vector<32x256xf32>
      tpu.vector_store %arg19[%swap3A, %swap3A_64], %transpose3A_63 {strides = array<i32>} : memref<32x256xf32, #tpu.memory_space<vmem>>, vector<32x256xf32>,
      %mul3A_66 = vector.broadcast %mul3A_60 : vector<256x1xf32> to vector<256x32xf32>
      %mul3A_67 = arith.mulf %get3A_44, %mul3A_66 : vector<256x32xf32>
      %transpose3A_68 = tpu.transpose %mul3A_67, [1, 0] : vector<256x32xf32> -> vector<32x256xf32>
      %swap3A_69 = arith.constant 0 : index
      %swap3A_70 = arith.constant 0 : index
      %swap3A_71 = vector.load %arg20[%swap3A_69, %swap3A_70] : memref<32x256xf32, #tpu.memory_space<vmem>>, vector<32x256xf32>
      tpu.vector_store %arg20[%swap3A_69, %swap3A_70], %transpose3A_68 {strides = array<i32>} : memref<32x256xf32, #tpu.memory_space<vmem>>, vector<32x256xf32>,
      %mul3A_72 = vector.broadcast %mul3A_60 : vector<256x1xf32> to vector<256x32xf32>
      %mul3A_73 = arith.mulf %get3A_49, %mul3A_72 : vector<256x32xf32>
      %transpose3A_74 = tpu.transpose %mul3A_73, [1, 0] : vector<256x32xf32> -> vector<32x256xf32>
      %swap3A_75 = arith.constant 0 : index
      %swap3A_76 = arith.constant 0 : index
      %swap3A_77 = vector.load %arg21[%swap3A_75, %swap3A_76] : memref<32x256xf32, #tpu.memory_space<vmem>>, vector<32x256xf32>
      tpu.vector_store %arg21[%swap3A_75, %swap3A_76], %transpose3A_74 {strides = array<i32>} : memref<32x256xf32, #tpu.memory_space<vmem>>, vector<32x256xf32>,
      %slice3A_78 = vector.extract_strided_slice %get3A_34 {offsets = [2, 0], sizes = [1, 256], strides = [1, 1]} : vector<8x256xf32> to vector<1x256xf32>
      %slice3A_79 = vector.extract_strided_slice %get3A_34 {offsets = [4, 0], sizes = [1, 256], strides = [1, 1]} : vector<8x256xf32> to vector<1x256xf32>
      %slice3A_80 = vector.extract_strided_slice %get3A_34 {offsets = [6, 0], sizes = [1, 256], strides = [1, 1]} : vector<8x256xf32> to vector<1x256xf32>
      %get3A_81 = arith.constant 0 : index
      %get3A_82 = arith.constant 0 : index
      %get3A_83 = arith.constant 0 : index
      %get3A_84 = vector.load %arg10[%get3A_81, %get3A_82, %get3A_83] : memref<1x256x256xf32, #tpu.memory_space<vmem>>, vector<1x256x256xf32>
      %get3A_85 = vector.shape_cast %get3A_84 : vector<1x256x256xf32> to vector<256x256xf32>
      %transpose3A_86 = tpu.transpose %slice3A_78, [1, 0] : vector<1x256xf32> -> vector<256x1xf32>
      %mul3A_87 = arith.mulf %get3A_85, %get3A_85 : vector<256x256xf32>
      %reduce_sum3A_88 = arith.constant dense<0.000000e+00> : vector<256xf32>
      %reduce_sum3A_89 = vector.multi_reduction <add>, %mul3A_87, %reduce_sum3A_88 [1] : vector<256x256xf32> to vector<256xf32>
      %broadcast_in_dim3A_90 = vector.shape_cast %reduce_sum3A_89 : vector<256xf32> to vector<256x1xf32>
      %rsqrt3A_91 = math.rsqrt %broadcast_in_dim3A_90 : vector<256x1xf32>
      %mul3A_92 = arith.mulf %transpose3A_86, %rsqrt3A_91 : vector<256x1xf32>
      %mul3A_93 = vector.broadcast %mul3A_92 : vector<256x1xf32> to vector<256x256xf32>
      %mul3A_94 = arith.mulf %get3A_85, %mul3A_93 : vector<256x256xf32>
      %transpose3A_95 = tpu.transpose %mul3A_94, [1, 0] : vector<256x256xf32> -> vector<256x256xf32>
      %swap3A_96 = arith.constant 0 : index
      %swap3A_97 = arith.constant 0 : index
      %swap3A_98 = vector.load %arg22[%swap3A_96, %swap3A_97] : memref<256x256xf32, #tpu.memory_space<vmem>>, vector<256x256xf32>
      tpu.vector_store %arg22[%swap3A_96, %swap3A_97], %transpose3A_95 {strides = array<i32>} : memref<256x256xf32, #tpu.memory_space<vmem>>, vector<256x256xf32>,
      %get3A_99 = arith.constant 0 : index
      %get3A_100 = arith.constant 0 : index
      %get3A_101 = arith.constant 0 : index
      %get3A_102 = vector.load %arg11[%get3A_99, %get3A_100, %get3A_101] : memref<1x256x256xf32, #tpu.memory_space<vmem>>, vector<1x256x256xf32>
      %get3A_103 = vector.shape_cast %get3A_102 : vector<1x256x256xf32> to vector<256x256xf32>
      %transpose3A_104 = tpu.transpose %slice3A_79, [1, 0] : vector<1x256xf32> -> vector<256x1xf32>
      %mul3A_105 = arith.mulf %get3A_103, %get3A_103 : vector<256x256xf32>
      %reduce_sum3A_106 = arith.constant dense<0.000000e+00> : vector<256xf32>
      %reduce_sum3A_107 = vector.multi_reduction <add>, %mul3A_105, %reduce_sum3A_106 [1] : vector<256x256xf32> to vector<256xf32>
      %broadcast_in_dim3A_108 = vector.shape_cast %reduce_sum3A_107 : vector<256xf32> to vector<256x1xf32>
      %rsqrt3A_109 = math.rsqrt %broadcast_in_dim3A_108 : vector<256x1xf32>
      %mul3A_110 = arith.mulf %transpose3A_104, %rsqrt3A_109 : vector<256x1xf32>
      %mul3A_111 = vector.broadcast %mul3A_110 : vector<256x1xf32> to vector<256x256xf32>
      %mul3A_112 = arith.mulf %get3A_103, %mul3A_111 : vector<256x256xf32>
      %transpose3A_113 = tpu.transpose %mul3A_112, [1, 0] : vector<256x256xf32> -> vector<256x256xf32>
      %swap3A_114 = arith.constant 0 : index
      %swap3A_115 = arith.constant 0 : index
      %swap3A_116 = vector.load %arg23[%swap3A_114, %swap3A_115] : memref<256x256xf32, #tpu.memory_space<vmem>>, vector<256x256xf32>
      tpu.vector_store %arg23[%swap3A_114, %swap3A_115], %transpose3A_113 {strides = array<i32>} : memref<256x256xf32, #tpu.memory_space<vmem>>, vector<256x256xf32>,
      %get3A_117 = arith.constant 0 : index
      %get3A_118 = arith.constant 0 : index
      %get3A_119 = arith.constant 0 : index
      %get3A_120 = vector.load %arg12[%get3A_117, %get3A_118, %get3A_119] : memref<1x256x256xf32, #tpu.memory_space<vmem>>, vector<1x256x256xf32>
      %get3A_121 = vector.shape_cast %get3A_120 : vector<1x256x256xf32> to vector<256x256xf32>
      %transpose3A_122 = tpu.transpose %slice3A_80, [1, 0] : vector<1x256xf32> -> vector<256x1xf32>
      %mul3A_123 = arith.mulf %get3A_121, %get3A_121 : vector<256x256xf32>
      %reduce_sum3A_124 = arith.constant dense<0.000000e+00> : vector<256xf32>
      %reduce_sum3A_125 = vector.multi_reduction <add>, %mul3A_123, %reduce_sum3A_124 [1] : vector<256x256xf32> to vector<256xf32>
      %broadcast_in_dim3A_126 = vector.shape_cast %reduce_sum3A_125 : vector<256xf32> to vector<256x1xf32>
      %rsqrt3A_127 = math.rsqrt %broadcast_in_dim3A_126 : vector<256x1xf32>
      %mul3A_128 = arith.mulf %transpose3A_122, %rsqrt3A_127 : vector<256x1xf32>
      %mul3A_129 = vector.broadcast %mul3A_128 : vector<256x1xf32> to vector<256x256xf32>
      %mul3A_130 = arith.mulf %get3A_121, %mul3A_129 : vector<256x256xf32>
      %transpose3A_131 = tpu.transpose %mul3A_130, [1, 0] : vector<256x256xf32> -> vector<256x256xf32>
      %swap3A_132 = arith.constant 0 : index
      %swap3A_133 = arith.constant 0 : index
      %swap3A_134 = vector.load %arg24[%swap3A_132, %swap3A_133] : memref<256x256xf32, #tpu.memory_space<vmem>>, vector<256x256xf32>
      tpu.vector_store %arg24[%swap3A_132, %swap3A_133], %transpose3A_131 {strides = array<i32>} : memref<256x256xf32, #tpu.memory_space<vmem>>, vector<256x256xf32>,
      %get3A_135 = arith.constant 0 : index
      %get3A_136 = arith.constant 0 : index
      %get3A_137 = arith.constant 0 : index
      %get3A_138 = vector.load %arg13[%get3A_135, %get3A_136, %get3A_137] : memref<1x16x256xf32, #tpu.memory_space<vmem>>, vector<1x16x256xf32>
      %get3A_139 = vector.shape_cast %get3A_138 : vector<1x16x256xf32> to vector<16x256xf32>
      %get3A_140 = arith.constant 0 : index
      %get3A_141 = arith.constant 0 : index
      %get3A_142 = arith.constant 0 : index
      %get3A_143 = vector.load %arg15[%get3A_140, %get3A_141, %get3A_142] : memref<1x2x16xf32, #tpu.memory_space<vmem>>, vector<1x2x16xf32>
      %get3A_144 = vector.shape_cast %get3A_143 : vector<1x2x16xf32> to vector<2x16xf32>
      %slice3A_145 = vector.extract_strided_slice %get3A_144 {offsets = [0, 0], sizes = [1, 16], strides = [1, 1]} : vector<2x16xf32> to vector<1x16xf32>
      %transpose3A_146 = tpu.transpose %slice3A_145, [1, 0] : vector<1x16xf32> -> vector<16x1xf32>
      %mul3A_147 = arith.mulf %get3A_139, %get3A_139 : vector<16x256xf32>
      %reduce_sum3A_148 = arith.constant dense<0.000000e+00> : vector<16xf32>
      %reduce_sum3A_149 = vector.multi_reduction <add>, %mul3A_147, %reduce_sum3A_148 [1] : vector<16x256xf32> to vector<16xf32>
      %broadcast_in_dim3A_150 = vector.shape_cast %reduce_sum3A_149 : vector<16xf32> to vector<16x1xf32>
      %rsqrt3A_151 = math.rsqrt %broadcast_in_dim3A_150 : vector<16x1xf32>
      %mul3A_152 = arith.mulf %transpose3A_146, %rsqrt3A_151 : vector<16x1xf32>
      %mul3A_153 = vector.broadcast %mul3A_152 : vector<16x1xf32> to vector<16x256xf32>
      %mul3A_154 = arith.mulf %get3A_139, %mul3A_153 : vector<16x256xf32>
      %transpose3A_155 = tpu.transpose %mul3A_154, [1, 0] : vector<16x256xf32> -> vector<256x16xf32>
      %swap3A_156 = arith.constant 0 : index
      %swap3A_157 = arith.constant 0 : index
      %swap3A_158 = vector.load %arg25[%swap3A_156, %swap3A_157] : memref<256x16xf32, #tpu.memory_space<vmem>>, vector<256x16xf32>
      tpu.vector_store %arg25[%swap3A_156, %swap3A_157], %transpose3A_155 {strides = array<i32>} : memref<256x16xf32, #tpu.memory_space<vmem>>, vector<256x16xf32>,
    } else {
    }
    %gt3A_26 = arith.cmpi sgt, %get3A_2, %get3A_0 : i32
    %convert_element_type3A_27 = arith.extui %gt3A_26 : i1 to i32
    %cond3A_28 = arith.constant 0 : i32
    %cond3A_29 = arith.cmpi ne, %convert_element_type3A_27, %cond3A_28 : i32
    scf.if %cond3A_29 {
      %get3A_30 = arith.constant 0 : index
      %get3A_31 = arith.constant 0 : index
      %get3A_32 = arith.constant 0 : index
      %get3A_33 = vector.load %arg14[%get3A_30, %get3A_31, %get3A_32] : memref<1x8x256xf32, #tpu.memory_space<vmem>>, vector<1x8x256xf32>
      %get3A_34 = vector.shape_cast %get3A_33 : vector<1x8x256xf32> to vector<8x256xf32>
      %get3A_35 = arith.constant 0 : index
      %get3A_36 = arith.constant 0 : index
      %get3A_37 = vector.load %arg5[%get3A_35, %get3A_36] : memref<512x32xf32, #tpu.memory_space<vmem>>, vector<512x32xf32>
      %get3A_38 = arith.constant 0 : index
      %get3A_39 = arith.constant 0 : index
      %get3A_40 = vector.load %arg19[%get3A_38, %get3A_39] : memref<32x256xf32, #tpu.memory_space<vmem>>, vector<32x256xf32>
      %dot_general3A = arith.constant dense<0.000000e+00> : vector<512x256xf32>
      %dot_general3A_41 = tpu.matmul %get3A_37, %get3A_40, %dot_general3A {dimension_numbers = #tpu.dot_dimension_numbers<[1], [0], [0], [1], [0, 0, 1, 1], [], []>, transpose_lhs_hint = false} : vector<512x32xf32>, vector<32x256xf32>, vector<512x256xf32> -> vector<512x256xf32>
      %get3A_42 = arith.constant 0 : index
      %get3A_43 = arith.constant 0 : index
      %get3A_44 = vector.load %arg17[%get3A_42, %get3A_43] : memref<512x32xf32, #tpu.memory_space<vmem>>, vector<512x32xf32>
      %get3A_45 = arith.constant 0 : index
      %get3A_46 = arith.constant 0 : index
      %get3A_47 = vector.load %arg20[%get3A_45, %get3A_46] : memref<32x256xf32, #tpu.memory_space<vmem>>, vector<32x256xf32>
      %dot_general3A_48 = arith.constant dense<0.000000e+00> : vector<512x256xf32>
      %dot_general3A_49 = tpu.matmul %get3A_44, %get3A_47, %dot_general3A_48 {dimension_numbers = #tpu.dot_dimension_numbers<[1], [0], [0], [1], [0, 0, 1, 1], [], []>, transpose_lhs_hint = false} : vector<512x32xf32>, vector<32x256xf32>, vector<512x256xf32> -> vector<512x256xf32>
      %add3A = arith.addf %dot_general3A_41, %dot_general3A_49 : vector<512x256xf32>
      %get3A_50 = arith.constant 0 : index
      %get3A_51 = arith.constant 0 : index
      %get3A_52 = vector.load %arg18[%get3A_50, %get3A_51] : memref<512x32xf32, #tpu.memory_space<vmem>>, vector<512x32xf32>
      %get3A_53 = arith.constant 0 : index
      %get3A_54 = arith.constant 0 : index
      %get3A_55 = vector.load %arg21[%get3A_53, %get3A_54] : memref<32x256xf32, #tpu.memory_space<vmem>>, vector<32x256xf32>
      %dot_general3A_56 = arith.constant dense<0.000000e+00> : vector<512x256xf32>
      %dot_general3A_57 = tpu.matmul %get3A_52, %get3A_55, %dot_general3A_56 {dimension_numbers = #tpu.dot_dimension_numbers<[1], [0], [0], [1], [0, 0, 1, 1], [], []>, transpose_lhs_hint = false} : vector<512x32xf32>, vector<32x256xf32>, vector<512x256xf32> -> vector<512x256xf32>
      %add3A_58 = arith.addf %add3A, %dot_general3A_57 : vector<512x256xf32>
      %slice3A = vector.extract_strided_slice %get3A_34 {offsets = [1, 0], sizes = [1, 256], strides = [1, 1]} : vector<8x256xf32> to vector<1x256xf32>
      %add3A_59 = vector.broadcast %slice3A : vector<1x256xf32> to vector<512x256xf32>
      %add3A_60 = arith.addf %add3A_58, %add3A_59 : vector<512x256xf32>
      %max3A_61 = arith.constant 0.000000e+00 : f32
      %max3A_62 = vector.broadcast %max3A_61 : f32 to vector<512x256xf32>
      %max3A_63 = arith.maximumf %add3A_60, %max3A_62 : vector<512x256xf32>
      %get3A_64 = arith.constant 0 : index
      %get3A_65 = arith.constant 0 : index
      %get3A_66 = vector.load %arg22[%get3A_64, %get3A_65] : memref<256x256xf32, #tpu.memory_space<vmem>>, vector<256x256xf32>
      %dot_general3A_67 = arith.constant dense<0.000000e+00> : vector<512x256xf32>
      %dot_general3A_68 = tpu.matmul %max3A_63, %get3A_66, %dot_general3A_67 {dimension_numbers = #tpu.dot_dimension_numbers<[1], [0], [0], [1], [0, 0, 1, 1], [], []>, transpose_lhs_hint = false} : vector<512x256xf32>, vector<256x256xf32>, vector<512x256xf32> -> vector<512x256xf32>
      %slice3A_69 = vector.extract_strided_slice %get3A_34 {offsets = [3, 0], sizes = [1, 256], strides = [1, 1]} : vector<8x256xf32> to vector<1x256xf32>
      %add3A_70 = vector.broadcast %slice3A_69 : vector<1x256xf32> to vector<512x256xf32>
      %add3A_71 = arith.addf %dot_general3A_68, %add3A_70 : vector<512x256xf32>
      %max3A_72 = arith.constant 0.000000e+00 : f32
      %max3A_73 = vector.broadcast %max3A_72 : f32 to vector<512x256xf32>
      %max3A_74 = arith.maximumf %add3A_71, %max3A_73 : vector<512x256xf32>
      %get3A_75 = arith.constant 0 : index
      %get3A_76 = arith.constant 0 : index
      %get3A_77 = vector.load %arg23[%get3A_75, %get3A_76] : memref<256x256xf32, #tpu.memory_space<vmem>>, vector<256x256xf32>
      %dot_general3A_78 = arith.constant dense<0.000000e+00> : vector<512x256xf32>
      %dot_general3A_79 = tpu.matmul %max3A_74, %get3A_77, %dot_general3A_78 {dimension_numbers = #tpu.dot_dimension_numbers<[1], [0], [0], [1], [0, 0, 1, 1], [], []>, transpose_lhs_hint = false} : vector<512x256xf32>, vector<256x256xf32>, vector<512x256xf32> -> vector<512x256xf32>
      %slice3A_80 = vector.extract_strided_slice %get3A_34 {offsets = [5, 0], sizes = [1, 256], strides = [1, 1]} : vector<8x256xf32> to vector<1x256xf32>
      %add3A_81 = vector.broadcast %slice3A_80 : vector<1x256xf32> to vector<512x256xf32>
      %add3A_82 = arith.addf %dot_general3A_79, %add3A_81 : vector<512x256xf32>
      %max3A_83 = arith.constant 0.000000e+00 : f32
      %max3A_84 = vector.broadcast %max3A_83 : f32 to vector<512x256xf32>
      %max3A_85 = arith.maximumf %add3A_82, %max3A_84 : vector<512x256xf32>
      %get3A_86 = arith.constant 0 : index
      %get3A_87 = arith.constant 0 : index
      %get3A_88 = vector.load %arg24[%get3A_86, %get3A_87] : memref<256x256xf32, #tpu.memory_space<vmem>>, vector<256x256xf32>
      %dot_general3A_89 = arith.constant dense<0.000000e+00> : vector<512x256xf32>
      %dot_general3A_90 = tpu.matmul %max3A_85, %get3A_88, %dot_general3A_89 {dimension_numbers = #tpu.dot_dimension_numbers<[1], [0], [0], [1], [0, 0, 1, 1], [], []>, transpose_lhs_hint = false} : vector<512x256xf32>, vector<256x256xf32>, vector<512x256xf32> -> vector<512x256xf32>
      %slice3A_91 = vector.extract_strided_slice %get3A_34 {offsets = [7, 0], sizes = [1, 256], strides = [1, 1]} : vector<8x256xf32> to vector<1x256xf32>
      %add3A_92 = vector.broadcast %slice3A_91 : vector<1x256xf32> to vector<512x256xf32>
      %add3A_93 = arith.addf %dot_general3A_90, %add3A_92 : vector<512x256xf32>
      %max3A_94 = arith.constant 0.000000e+00 : f32
      %max3A_95 = vector.broadcast %max3A_94 : f32 to vector<512x256xf32>
      %max3A_96 = arith.maximumf %add3A_93, %max3A_95 : vector<512x256xf32>
      %get3A_97 = arith.constant 0 : index
      %get3A_98 = arith.constant 0 : index
      %get3A_99 = vector.load %arg25[%get3A_97, %get3A_98] : memref<256x16xf32, #tpu.memory_space<vmem>>, vector<256x16xf32>
      %dot_general3A_100 = arith.constant dense<0.000000e+00> : vector<512x16xf32>
      %dot_general3A_101 = tpu.matmul %max3A_96, %get3A_99, %dot_general3A_100 {dimension_numbers = #tpu.dot_dimension_numbers<[1], [0], [0], [1], [0, 0, 1, 1], [], []>, transpose_lhs_hint = false} : vector<512x256xf32>, vector<256x16xf32>, vector<512x16xf32> -> vector<512x16xf32>
      %get3A_102 = arith.constant 0 : index
      %get3A_103 = arith.constant 0 : index
      %get3A_104 = arith.constant 0 : index
      %get3A_105 = vector.load %arg15[%get3A_102, %get3A_103, %get3A_104] : memref<1x2x16xf32, #tpu.memory_space<vmem>>, vector<1x2x16xf32>
      %get3A_106 = vector.shape_cast %get3A_105 : vector<1x2x16xf32> to vector<2x16xf32>
      %slice3A_107 = vector.extract_strided_slice %get3A_106 {offsets = [1, 0], sizes = [1, 16], strides = [1, 1]} : vector<2x16xf32> to vector<1x16xf32>
      %add3A_108 = vector.broadcast %slice3A_107 : vector<1x16xf32> to vector<512x16xf32>
      %add3A_109 = arith.addf %dot_general3A_101, %add3A_108 : vector<512x16xf32>
      %tanh3A = math.tanh %add3A_109 : vector<512x16xf32>
      %mul3A = arith.constant 512 : i32
      %mul3A_110 = arith.muli %get3A_4, %mul3A : i32
      %iota3A = tpu.iota {dimensions = array<i32: 0>} : vector<512x1xi32>
      %add3A_111 = vector.broadcast %mul3A_110 : i32 to vector<512x1xi32>
      %add3A_112 = arith.addi %add3A_111, %iota3A : vector<512x1xi32>
      %ge3A = vector.broadcast %get3A_0 : i32 to vector<512x1xi32>
      %ge3A_113 = arith.cmpi sge, %add3A_112, %ge3A : vector<512x1xi32>
      %lt3A = vector.broadcast %get3A_2 : i32 to vector<512x1xi32>
      %lt3A_114 = arith.cmpi slt, %add3A_112, %lt3A : vector<512x1xi32>
      %and3A_115 = arith.andi %ge3A_113, %lt3A_114 : vector<512x1xi1>
      %get3A_116 = arith.constant 0 : index
      %get3A_117 = arith.constant 0 : index
      %get3A_118 = vector.load %arg16[%get3A_116, %get3A_117] : memref<512x16xf32, #tpu.memory_space<vmem>>, vector<512x16xf32>
      %broadcast_in_dim3A = vector.shape_cast %and3A_115 : vector<512x1xi1> to vector<512x1xi1>
      %broadcast_in_dim3A_119 = vector.broadcast %broadcast_in_dim3A : vector<512x1xi1> to vector<512x16xi1>
      %select_n3A = arith.select %broadcast_in_dim3A_119, %tanh3A, %get3A_118 : vector<512x16xi1>, vector<512x16xf32>
      %swap3A = arith.constant 0 : index
      %swap3A_120 = arith.constant 0 : index
      %swap3A_121 = vector.load %arg16[%swap3A, %swap3A_120] : memref<512x16xf32, #tpu.memory_space<vmem>>, vector<512x16xf32>
      tpu.vector_store %arg16[%swap3A, %swap3A_120], %select_n3A {strides = array<i32>} : memref<512x16xf32, #tpu.memory_space<vmem>>, vector<512x16xf32>,
    } else {
    }
    return
  }
  func.func @transform_0(%arg0: i32, %arg1: memref<128xi32, #tpu.memory_space<smem>>, %arg2: memref<128xi32, #tpu.memory_space<smem>>, %arg3: memref<128xi32, #tpu.memory_space<smem>>, %arg4: memref<128xi32, #tpu.memory_space<smem>>) -> (i32, i32) {
    %get3A = arith.index_cast %arg0 : i32 to index
    %get3A_0 = memref.load %arg1[%get3A] : memref<128xi32, #tpu.memory_space<smem>>
    %c0_i32 = arith.constant 0 : i32
    %c0_i32_1 = arith.constant 0 : i32
    return %get3A_0, %c0_i32 : i32, i32
  }
  func.func @transform_1(%arg0: i32, %arg1: memref<128xi32, #tpu.memory_space<smem>>, %arg2: memref<128xi32, #tpu.memory_space<smem>>, %arg3: memref<128xi32, #tpu.memory_space<smem>>, %arg4: memref<128xi32, #tpu.memory_space<smem>>) -> (i32, i32) {
    %c0_i32 = arith.constant 0 : i32
    %c0_i32_0 = arith.constant 0 : i32
    %c0_i32_1 = arith.constant 0 : i32
    return %c0_i32, %c0_i32_0 : i32, i32
  }
  func.func @transform_2(%arg0: i32, %arg1: memref<128xi32, #tpu.memory_space<smem>>, %arg2: memref<128xi32, #tpu.memory_space<smem>>, %arg3: memref<128xi32, #tpu.memory_space<smem>>, %arg4: memref<128xi32, #tpu.memory_space<smem>>) -> (i32, i32, i32) {
    %get3A = arith.index_cast %arg0 : i32 to index
    %get3A_0 = memref.load %arg2[%get3A] : memref<128xi32, #tpu.memory_space<smem>>
    %c0_i32 = arith.constant 0 : i32
    %c0_i32_1 = arith.constant 0 : i32
    %c0_i32_2 = arith.constant 0 : i32
    return %get3A_0, %c0_i32, %c0_i32_1 : i32, i32, i32
  }
  func.func @transform_3(%arg0: i32, %arg1: memref<128xi32, #tpu.memory_space<smem>>, %arg2: memref<128xi32, #tpu.memory_space<smem>>, %arg3: memref<128xi32, #tpu.memory_space<smem>>, %arg4: memref<128xi32, #tpu.memory_space<smem>>) -> (i32, i32, i32) {
    %get3A = arith.index_cast %arg0 : i32 to index
    %get3A_0 = memref.load %arg2[%get3A] : memref<128xi32, #tpu.memory_space<smem>>
    %c0_i32 = arith.constant 0 : i32
    %c0_i32_1 = arith.constant 0 : i32
    %c0_i32_2 = arith.constant 0 : i32
    return %get3A_0, %c0_i32, %c0_i32_1 : i32, i32, i32
  }
  func.func @transform_4(%arg0: i32, %arg1: memref<128xi32, #tpu.memory_space<smem>>, %arg2: memref<128xi32, #tpu.memory_space<smem>>, %arg3: memref<128xi32, #tpu.memory_space<smem>>, %arg4: memref<128xi32, #tpu.memory_space<smem>>) -> (i32, i32, i32) {
    %get3A = arith.index_cast %arg0 : i32 to index
    %get3A_0 = memref.load %arg2[%get3A] : memref<128xi32, #tpu.memory_space<smem>>
    %c0_i32 = arith.constant 0 : i32
    %c0_i32_1 = arith.constant 0 : i32
    %c0_i32_2 = arith.constant 0 : i32
    return %get3A_0, %c0_i32, %c0_i32_1 : i32, i32, i32
  }
  func.func @transform_5(%arg0: i32, %arg1: memref<128xi32, #tpu.memory_space<smem>>, %arg2: memref<128xi32, #tpu.memory_space<smem>>, %arg3: memref<128xi32, #tpu.memory_space<smem>>, %arg4: memref<128xi32, #tpu.memory_space<smem>>) -> (i32, i32, i32) {
    %get3A = arith.index_cast %arg0 : i32 to index
    %get3A_0 = memref.load %arg2[%get3A] : memref<128xi32, #tpu.memory_space<smem>>
    %c0_i32 = arith.constant 0 : i32
    %c0_i32_1 = arith.constant 0 : i32
    %c0_i32_2 = arith.constant 0 : i32
    return %get3A_0, %c0_i32, %c0_i32_1 : i32, i32, i32
  }
  func.func @transform_6(%arg0: i32, %arg1: memref<128xi32, #tpu.memory_space<smem>>, %arg2: memref<128xi32, #tpu.memory_space<smem>>, %arg3: memref<128xi32, #tpu.memory_space<smem>>, %arg4: memref<128xi32, #tpu.memory_space<smem>>) -> (i32, i32, i32) {
    %get3A = arith.index_cast %arg0 : i32 to index
    %get3A_0 = memref.load %arg2[%get3A] : memref<128xi32, #tpu.memory_space<smem>>
    %c0_i32 = arith.constant 0 : i32
    %c0_i32_1 = arith.constant 0 : i32
    %c0_i32_2 = arith.constant 0 : i32
    return %get3A_0, %c0_i32, %c0_i32_1 : i32, i32, i32
  }
  func.func @transform_7(%arg0: i32, %arg1: memref<128xi32, #tpu.memory_space<smem>>, %arg2: memref<128xi32, #tpu.memory_space<smem>>, %arg3: memref<128xi32, #tpu.memory_space<smem>>, %arg4: memref<128xi32, #tpu.memory_space<smem>>) -> (i32, i32, i32) {
    %get3A = arith.index_cast %arg0 : i32 to index
    %get3A_0 = memref.load %arg2[%get3A] : memref<128xi32, #tpu.memory_space<smem>>
    %c0_i32 = arith.constant 0 : i32
    %c0_i32_1 = arith.constant 0 : i32
    %c0_i32_2 = arith.constant 0 : i32
    return %get3A_0, %c0_i32, %c0_i32_1 : i32, i32, i32
  }
  func.func @transform_8(%arg0: i32, %arg1: memref<128xi32, #tpu.memory_space<smem>>, %arg2: memref<128xi32, #tpu.memory_space<smem>>, %arg3: memref<128xi32, #tpu.memory_space<smem>>, %arg4: memref<128xi32, #tpu.memory_space<smem>>) -> (i32, i32, i32) {
    %get3A = arith.index_cast %arg0 : i32 to index
    %get3A_0 = memref.load %arg2[%get3A] : memref<128xi32, #tpu.memory_space<smem>>
    %c0_i32 = arith.constant 0 : i32
    %c0_i32_1 = arith.constant 0 : i32
    %c0_i32_2 = arith.constant 0 : i32
    return %get3A_0, %c0_i32, %c0_i32_1 : i32, i32, i32
  }
  func.func @transform_9(%arg0: i32, %arg1: memref<128xi32, #tpu.memory_space<smem>>, %arg2: memref<128xi32, #tpu.memory_space<smem>>, %arg3: memref<128xi32, #tpu.memory_space<smem>>, %arg4: memref<128xi32, #tpu.memory_space<smem>>) -> (i32, i32, i32) {
    %get3A = arith.index_cast %arg0 : i32 to index
    %get3A_0 = memref.load %arg2[%get3A] : memref<128xi32, #tpu.memory_space<smem>>
    %c0_i32 = arith.constant 0 : i32
    %c0_i32_1 = arith.constant 0 : i32
    %c0_i32_2 = arith.constant 0 : i32
    return %get3A_0, %c0_i32, %c0_i32_1 : i32, i32, i32
  }
  func.func @transform_10(%arg0: i32, %arg1: memref<128xi32, #tpu.memory_space<smem>>, %arg2: memref<128xi32, #tpu.memory_space<smem>>, %arg3: memref<128xi32, #tpu.memory_space<smem>>, %arg4: memref<128xi32, #tpu.memory_space<smem>>) -> (i32, i32, i32) {
    %get3A = arith.index_cast %arg0 : i32 to index
    %get3A_0 = memref.load %arg2[%get3A] : memref<128xi32, #tpu.memory_space<smem>>
    %c0_i32 = arith.constant 0 : i32
    %c0_i32_1 = arith.constant 0 : i32
    %c0_i32_2 = arith.constant 0 : i32
    return %get3A_0, %c0_i32, %c0_i32_1 : i32, i32, i32
  }
  func.func @transform_11(%arg0: i32, %arg1: memref<128xi32, #tpu.memory_space<smem>>, %arg2: memref<128xi32, #tpu.memory_space<smem>>, %arg3: memref<128xi32, #tpu.memory_space<smem>>, %arg4: memref<128xi32, #tpu.memory_space<smem>>) -> (i32, i32) {
    %get3A = arith.index_cast %arg0 : i32 to index
    %get3A_0 = memref.load %arg1[%get3A] : memref<128xi32, #tpu.memory_space<smem>>
    %c0_i32 = arith.constant 0 : i32
    %c0_i32_1 = arith.constant 0 : i32
    return %get3A_0, %c0_i32 : i32, i32
  }
}

</mosaic_0001>

<sc_bundles>
// kernel: kernel.6.cloned.1.call-start
scs
__scs_entry_jumppad:
0x0: {  	(pc) =	sbr.rel $0x88, $3  }
0x1: {  	(tag) =	ssettag $0x0;
	lr =	simm.s32 $0x1  }
0x2: {  	[smem:$0x3F90] =	sst lr;
	_ =	strace $0xD0000000  }
0x3: {  	_ = 	snop  }
0x4: {  	_ = 	snop  }
0x5: {  	_ = 	snop  }
0x6: {  	_ = 	snop  }
0x7: {  	_ = 	snop  }
__scs_overlays_trampoline_lowered:
0x8: {  	[smem:$0x3F9F] =	sst s0  }
0x9: {  	[smem:$0x3FA0] =	sst s1  }
0xa: {  	[smem:$0x3FA1] =	sst s2  }
0xb: {  	[smem:$0x3FA2] =	sst s3  }
0xc: {  	[smem:$0x3FA3] =	sst s4  }
0xd: {  	[smem:$0x3FA4] =	sst s5  }
0xe: {  	[smem:$0x3FA5] =	sst s6  }
0xf: {  	[smem:$0x3FA6] =	sst s7  }
0x10: {  	[smem:$0x3FA7] =	sst s8  }
0x11: {  	[smem:$0x3FA8] =	sst s9;
	s0 =	simm.s32 @!p0 $0x0  }
0x12: {  	s1 =	sld [smem:$0x3F8E];
	s0 =	simm.s32 @p0 $0x1  }
0x13: {  	[smem:$0x3FA9] =	sst s0;
	s0 =	simm.s32 @!p1 $0x0  }
0x14: {  	s2 =	sld [smem:$0x3F8D];
	s0 =	simm.s32 @p1 $0x1  }
0x15: {  	[smem:$0x3FAA] =	sst s0;
	s0 =	simm.s32 @!p2 $0x0  }
0x16: {  	s3 =	sld [smem:$0x3FDB];
	s0 =	simm.s32 @p2 $0x1  }
0x17: {  	s4 =	simm.s32 $0x1BF5;
	[smem:$0x3FAC] =	sst s0  }
0x18: {  	s0 =	sld [smem:$0x3F8F];
	_ =	swait.ge [sflag:s4], $0x0  }
0x19: {  	s7 =	sld [smem:$0x3F90]  }
0x1a: {  	s8 =	sadd.s32 $0xFFFFE003, lr  }
0x1b: {  	s9 =	sadd.s32 $0xFFFFFEF7, lr;
	s5 =	simm.s32 $0xFFFFFFFF;
	p2 =	slt.u32 s8, $0xFFFFF086  }
0x1c: {  	p1 =	slt.u32 s9, $0xF7A;
	s5 =	simm.s32 @!p2 $0x0  }
0x1d: {  	s5 =	simm.s32 @p1 $0x1;
	p0 =	seq.s32 s7, s2  }
0x1e: {  	s7 =	smul.u32 @!p0 $0xF7A, s2;
	p2 =	seq.s32 @!p0 s5, $0x0  }
0x1f: {  	s9 =	smul.u32 $0xF7A, s1;
	s8 =	simm.s32 @!p0 $0x1BF5;
	p2 =	por !p2, p0  }
0x20: {  	[sflag:s8] =	ssyncset.s32 @!p0 $0xFFFFF086;
	s6 =	sadd.s32 @!p0 s3, s7;
	s7 =	simm.s32 @!p0 $0x108  }
0x21: {  	s3 =	sadd.s32 s3, s9;
	s6 =	sadd.s32 @!p0 $0x88, s6;
	s7 =	simm.s32 @p2 $0x1082  }
0x22: {  	[simem:s7], [sflag:s8] =	dma.local @!p0 [hbm:s6], $0xF7A  }
0x23: {  	s9 =	sor.u32 $0xD0000000, s2;
	s6 =	simm.s32 $0x108;
	_ =	swait.ge @!p0 [sflag:s8], $0x0  }
0x24: {  	s3 =	sadd.s32 $0x88, s3;
	s6 =	simm.s32 @!p1 $0x1082;
	[sflag:s4] =	ssyncset.s32 $0xFFFFF086  }
0x25: {  	[simem:s6], [sflag:s4] =	dma.local [hbm:s3], $0xF7A  }
0x26: {  	[smem:$0x3F90] =	sst s1;
	(tag) =	ssettag s2;
	_ =	strace s9  }
0x27: {  	s1 =	sld [smem:$0x3FA0]  }
0x28: {  	s2 =	sld [smem:$0x3FA1]  }
0x29: {  	s4 =	sld [smem:$0x3FA3]  }
0x2a: {  	p0 =	seq.s32 s5, $0x0;
	s5 =	sld [smem:$0x3FA4]  }
0x2b: {  	s6 =	sld [smem:$0x3FA5]  }
0x2c: {  	s7 =	sld [smem:$0x3FA6]  }
0x2d: {  	s3 =	simm.s32 $0x108;
	s8 =	sld [smem:$0x3FA7]  }
0x2e: {  	s3 =	simm.s32 @!p0 $0x1082;
	s9 =	sld [smem:$0x3FA8]  }
0x2f: {  	lr =	sadd.s32 s0, s3;
	s0 =	sld [smem:$0x3F9F]  }
0x30: {  	s3 =	sld [smem:$0x3FA2]  }
0x31: {  	[smem:$0x3FAB] =	sst s10  }
0x32: {  	s10 =	sld [smem:$0x3FA9];
	_ =	sdelay $0x3  }
0x33: {  	p0 =	seq.s32 s10, $0x1;
	s10 =	sld [smem:$0x3FAB];
	_ =	sdelay $0x3  }
0x34: {  	[smem:$0x3FAB] =	sst s10  }
0x35: {  	s10 =	sld [smem:$0x3FAA];
	_ =	sdelay $0x3  }
0x36: {  	p1 =	seq.s32 s10, $0x1;
	s10 =	sld [smem:$0x3FAB];
	_ =	sdelay $0x3  }
0x37: {  	[smem:$0x3FAB] =	sst s10  }
0x38: {  	s10 =	sld [smem:$0x3FAC]  }
0x39: {  	_ = 	snop;
	(pc) =	sbr.ind lr, $3  }
0x3a: {  	_ = 	snop  }
0x3b: {  	_ = 	snop  }
0x3c: {  	p2 =	seq.s32 s10, $0x1;
	s10 =	sld [smem:$0x3FAB]  }
0x3d: {  	_ =	shalt  }
0x3e: {  	_ =	shalt  }
0x3f: {  	_ =	shalt  }
0x40: {  	_ =	shalt  }
0x41: {  	_ =	shalt  }
0x42: {  	_ =	shalt  }
0x43: {  	_ =	shalt  }
0x44: {  	_ =	shalt  }
0x45: {  	_ =	shalt  }
0x46: {  	_ =	shalt  }
0x47: {  	_ =	shalt  }
0x48: {  	_ =	shalt  }
0x49: {  	_ =	shalt  }
0x4a: {  	_ =	shalt  }
0x4b: {  	_ =	shalt  }
0x4c: {  	_ =	shalt  }
0x4d: {  	_ =	shalt  }
0x4e: {  	_ =	shalt  }
0x4f: {  	_ =	shalt  }
0x50: {  	_ =	shalt  }
0x51: {  	_ =	shalt  }
0x52: {  	_ =	shalt  }
0x53: {  	_ =	shalt  }
0x54: {  	_ =	shalt  }
0x55: {  	_ =	shalt  }
0x56: {  	_ =	shalt  }
0x57: {  	_ =	shalt  }
0x58: {  	_ =	shalt  }
0x59: {  	_ =	shalt  }
0x5a: {  	_ =	shalt  }
0x5b: {  	_ =	shalt  }
0x5c: {  	_ =	shalt  }
0x5d: {  	_ =	shalt  }
0x5e: {  	_ =	shalt  }
0x5f: {  	_ =	shalt  }
0x60: {  	_ =	shalt  }
0x61: {  	_ =	shalt  }
0x62: {  	_ =	shalt  }
0x63: {  	_ =	shalt  }
0x64: {  	_ =	shalt  }
0x65: {  	_ =	shalt  }
0x66: {  	_ =	shalt  }
0x67: {  	_ =	shalt  }
0x68: {  	_ =	shalt  }
0x69: {  	_ =	shalt  }
0x6a: {  	_ =	shalt  }
0x6b: {  	_ =	shalt  }
0x6c: {  	_ =	shalt  }
0x6d: {  	_ =	shalt  }
0x6e: {  	_ =	shalt  }
0x6f: {  	_ =	shalt  }
0x70: {  	_ =	shalt  }
0x71: {  	_ =	shalt  }
0x72: {  	_ =	shalt  }
0x73: {  	_ =	shalt  }
0x74: {  	_ =	shalt  }
0x75: {  	_ =	shalt  }
0x76: {  	_ =	shalt  }
0x77: {  	_ =	shalt  }
0x78: {  	_ =	shalt  }
0x79: {  	_ =	shalt  }
0x7a: {  	_ =	shalt  }
0x7b: {  	_ =	shalt  }
0x7c: {  	_ =	shalt  }
0x7d: {  	_ =	shalt  }
0x7e: {  	_ =	shalt  }
0x7f: {  	_ =	shalt  }
0x80: {  	_ =	shalt  }
0x81: {  	_ =	shalt  }
0x82: {  	_ =	shalt  }
0x83: {  	_ =	shalt  }
0x84: {  	_ =	shalt  }
0x85: {  	_ =	shalt  }
0x86: {  	_ =	shalt  }
0x87: {  	_ =	shalt  }
.Lfunc_end0:
.L_simem_size_0:
called_computation_lowered:
.L_overlay_start_0:
0x88: {  	s0 =	sld [smem:$0x3FD9]  }
0x89: {  	s1 =	sld [smem:$0x3FFE];
	_ =	sdelay $0x3  }
0x8a: {  	s0 =	sadd.s32 s1, s0  }
0x8b: {  	[smem:$0x3FB7] =	sst s0  }
0x8c: {  	_ = 	snop  }
0x8d: {  	s0 =	sld [smem:$0x3FC8]  }
0x8e: {  	s16 =	sld [smem:$0x3FD0];
	(tm) =	ssettm $0x1  }
0x8f: {  	s2 =	sld [smem:$0x3FFB];
	_ =	sdelay $0x3  }
0x90: {  	_ =	strace s2  }
0x91: {  	s2 =	sld [smem:$0x3FFC];
	_ =	sdelay $0x3  }
0x92: {  	_ =	strace s2  }
0x93: {  	s2 =	sld [smem:$0x3FFD];
	_ =	sdelay $0x3  }
0x94: {  	_ =	strace s2  }
0x95: {  	_ =	strace $0x8FFFFFFF  }
0x96: {  	s17 =	sld [smem:$0x3FDB];
	_ =	sdelay $0x1  }
0x97: {  	s3 =	simm.s32 $_scs_section_size  }
0x98: {  	s4 =	simm.s32 $_size__tile_overlayer_lowered;
	s5 =	simm.s32 $_tile_overlayer_lowered  }
0x99: {  	s20 =	simm.s32 $0x1BFF;
	s19 =	sshll.u32 s5, $0x1;
	s2 =	sadd.s32 s3, s17  }
0x9a: {  	s6 =	simm.s32 $0x0;
	s18 =	sshll.u32 s4, $0x1;
	s4 =	sadd.s32 s19, s2  }
0x9b: {  	[timem:s6], [sflag:s20] =	dma.local [hbm:s4], s18  }
0x9c: {  	_ =	swait.ge [sflag:s20], s18  }
0x9d: {  	s3 =	ssub.s32 $0x0, s18;
	[sflag:s20] =	ssyncset.done $0x0  }
0x9e: {  	[sflag:s20] =	ssyncadd.s32 s3;
	_ =	sdelay $0x1  }
0x9f: {  	s21 =	simm.s32 $0x1B8B  }
0xa0: {  	_ =	swait.ge [sflag:s21], $0x1  }
0xa1: {  	[sflag:s21] =	ssyncset.done $0x0  }
0xa2: {  	s23 =	simm.s32 $0x1B8E;
	s22 =	sld [smem:$0x3FFE];
	[sflag:s21] =	ssyncadd.s32 $0xFFFFFFFF  }
0xa3: {  	s24 =	simm.s32 $execute0_lowered;
	[smem:$0x3FD2] =	sst s23  }
0xa4: {  	s4 =	sshll.u32 s24, $0x1;
	_ =	strace $0x80000046;
	[dreg:$0x1] =	wrdreg $0xFFFFFFFF  }
0xa5: {  	s25 =	simm.s32 $_size_execute0_lowered;
	s2 =	sadd.s32 s2, s4;
	[dreg:$0x0] =	wrdreg $0x0  }
0xa6: {  	s4 =	sshll.u32 s25, $0x1;
	[dreg:$0x2] =	wrdreg s2  }
0xa7: {  	[dreg:$0x3] =	wrdreg s4  }
0xa8: {  	[dreg:$0x4] =	wrdreg $0xC0  }
0xa9: {  	_ =	task [dreg:s6], $0x5FFFF  }
0xaa: {  	[dreg:$0x1] =	wrdreg $0xFFFFFFFF  }
0xab: {  	[dreg:$0x0] =	wrdreg $0x60  }
0xac: {  	[dreg:$0x2] =	wrdreg s0  }
0xad: {  	[dreg:$0x3] =	wrdreg s22  }
0xae: {  	[dreg:$0x4] =	wrdreg s16  }
0xaf: {  	[dreg:$0x5] =	wrdreg $0x9  }
0xb0: {  	_ =	task.clear_ibuf [dreg:s6], $0x6FFFF;
	_ =	strace $0x90000046  }
0xb1: {  	s26 =	simm.s32 $0x9;
	_ =	strace $0x80000048  }
0xb2: {  	_ =	swait.ge [sflag:s26], $0x1  }
0xb3: {  	[sflag:s26] =	ssyncadd.s32 $0xFFFFFFFF  }
0xb4: {  	_ =	strace $0x90000048  }
0xb5: {  	_ =	sfence  }
0xb6: {  	s28 =	sld [smem:$0x0];
	_ =	sdelay $0x1  }
0xb7: {  	s29 =	srdreg.scid  }
0xb8: {  	s30 =	sshll.u32 s29, $0xD;
	s31 =	sshrl.u32 s29, $0x2  }
0xb9: {  	s1 =	sand.u32 $0x1, s29;
	s2 =	sand.u32 $0x4000, s30;
	s0 =	sadd.s32 s31, s28  }
0xba: {  	s1 =	sor.u32 s2, s1;
	s0 =	sshll.u32 s0, $0x11  }
0xbb: {  	s0 =	sor.u32 s0, s1  }
0xbc: {  	s0 =	sadd.s32 $0x8F2B, s0  }
0xbd: {  	[sflag:s0] =	ssyncadd.remote.s32 $0x1  }
0xbe: {  	_ =	sfence.sel $0xFFFF  }
0xbf: {  	[dreg:$0x0] =	wrdreg $0xFFFFFFFF;
	(pc) =	sbr.abs _section_cstart, $3  }
0xc0: {  	[dreg:$0x1] =	wrdreg $0xFFFFFFFF  }
0xc1: {  	_ =	task.clear_ibuf [dreg:s6], $0x2FFFF;
	_ =	strace $0x9FFFFFFF  }
0xc2: {  	(tm) =	ssettm $0x7FFFFFFF  }
0xc3: {  	_ =	shalt  }
tec
execute0_lowered:
.L_overlay_start_1:
0x0: {  	(tag) =	ssettag $0x1  }
0x1: {  	s3 =	rddreg [dreg:$0x0]  }
0x2: {  	s2 =	rddreg [dreg:$0x1]  }
0x3: {  	s4 =	rddreg [dreg:$0x2]  }
0x4: {  	s0 =	rddreg [dreg:$0x3];
	s7 =	simm.s32 $0x0;
	s1 =	stileid.u32  }
0x5: {  	[smem:$0x7FF] =	sst s7;
	s5 =	sshll.u32 s1, $0x8  }
0x6: {  	s31 =	simm.s32 $0x2;
	_ =	strace $0x80000047;
	s3 =	sadd.s32 s3, s5  }
0x7: {  	[tilespmem:s7], [sflag:$0x2] =	stream.linear.gather [hbm4b:s3+s7], $0x800, $0x38;
	[tilespmem:$0x11C90] =	vst v63  }
0x8: {  	_ =	swait.ge [sflag:s31], $0x800  }
0x9: {  	[sflag:s31] =	ssyncset.done $0x0  }
0xa: {  	v2 =	vimm.s32 $0x0;
	[sflag:s31] =	ssyncadd.s32 $0xFFFFF800  }
0xb: {  	[tilespmem:$0x800] =	vst v2  }
0xc: {  	[tilespmem:$0x810] =	vst v2  }
0xd: {  	[tilespmem:$0x820] =	vst v2  }
0xe: {  	[tilespmem:$0x830] =	vst v2  }
0xf: {  	[tilespmem:$0x840] =	vst v2  }
0x10: {  	[tilespmem:$0x850] =	vst v2  }
0x11: {  	[tilespmem:$0x860] =	vst v2  }
0x12: {  	[tilespmem:$0x870] =	vst v2  }
0x13: {  	[tilespmem:$0x880] =	vst v2  }
0x14: {  	[tilespmem:$0x890] =	vst v2  }
0x15: {  	[tilespmem:$0x8A0] =	vst v2  }
0x16: {  	[tilespmem:$0x8B0] =	vst v2  }
0x17: {  	[tilespmem:$0x8C0] =	vst v2  }
0x18: {  	[tilespmem:$0x8D0] =	vst v2  }
0x19: {  	[tilespmem:$0x8E0] =	vst v2  }
0x1a: {  	[tilespmem:$0x8F0] =	vst v2  }
0x1b: {  	[tilespmem:$0x900] =	vst v2  }
0x1c: {  	[tilespmem:$0x910] =	vst v2  }
0x1d: {  	[tilespmem:$0x920] =	vst v2  }
0x1e: {  	[tilespmem:$0x930] =	vst v2  }
0x1f: {  	[tilespmem:$0x940] =	vst v2  }
0x20: {  	[tilespmem:$0x950] =	vst v2  }
0x21: {  	[tilespmem:$0x960] =	vst v2  }
0x22: {  	[tilespmem:$0x970] =	vst v2  }
0x23: {  	[tilespmem:$0x980] =	vst v2  }
0x24: {  	[tilespmem:$0x990] =	vst v2  }
0x25: {  	[tilespmem:$0x9A0] =	vst v2  }
0x26: {  	[tilespmem:$0x9B0] =	vst v2  }
0x27: {  	[tilespmem:$0x9C0] =	vst v2  }
0x28: {  	[tilespmem:$0x9D0] =	vst v2  }
0x29: {  	[tilespmem:$0x9E0] =	vst v2  }
0x2a: {  	[tilespmem:$0x9F0] =	vst v2  }
0x2b: {  	[tilespmem:$0xA00] =	vst v2  }
0x2c: {  	[tilespmem:$0xA10] =	vst v2  }
0x2d: {  	[tilespmem:$0xA20] =	vst v2  }
0x2e: {  	[tilespmem:$0xA30] =	vst v2  }
0x2f: {  	[tilespmem:$0xA40] =	vst v2  }
0x30: {  	[tilespmem:$0xA50] =	vst v2  }
0x31: {  	[tilespmem:$0xA60] =	vst v2  }
0x32: {  	[tilespmem:$0xA70] =	vst v2  }
0x33: {  	[tilespmem:$0xA80] =	vst v2  }
0x34: {  	[tilespmem:$0xA90] =	vst v2  }
0x35: {  	[tilespmem:$0xAA0] =	vst v2  }
0x36: {  	[tilespmem:$0xAB0] =	vst v2  }
0x37: {  	[tilespmem:$0xAC0] =	vst v2  }
0x38: {  	[tilespmem:$0xAD0] =	vst v2  }
0x39: {  	[tilespmem:$0xAE0] =	vst v2  }
0x3a: {  	[tilespmem:$0xAF0] =	vst v2  }
0x3b: {  	[tilespmem:$0xB00] =	vst v2  }
0x3c: {  	[tilespmem:$0xB10] =	vst v2  }
0x3d: {  	[tilespmem:$0xB20] =	vst v2  }
0x3e: {  	[tilespmem:$0xB30] =	vst v2  }
0x3f: {  	[tilespmem:$0xB40] =	vst v2  }
0x40: {  	[tilespmem:$0xB50] =	vst v2  }
0x41: {  	[tilespmem:$0xB60] =	vst v2  }
0x42: {  	[tilespmem:$0xB70] =	vst v2  }
0x43: {  	v0 =	vlaneseq.u32;
	[tilespmem:$0xB80] =	vst v2  }
0x44: {  	v1 =	vmul.u32 $0x80, v0;
	[tilespmem:$0xB90] =	vst v2  }
0x45: {  	[tilespmem:$0xBA0] =	vst v2  }
0x46: {  	v3 =	vor.u32 s7, v1;
	[tilespmem:$0xBB0] =	vst v2  }
0x47: {  	[tilespmem:$0xBC0] =	vst v2  }
0x48: {  	[tilespmem:$0xBD0] =	vst v2  }
0x49: {  	[tilespmem:$0xBE0] =	vst v2  }
0x4a: {  	[tilespmem:$0xBF0] =	vst v2  }
0x4b: {  	v2 =	vld.idx.msk [tilespmem:v3+s7+$0x0], $0xffff;
	_ =	sdelay $0x4  }
0x4c: {  	v2 =	vshll.u32 v2, $0x4  }
0x4d: {  	v2 =	vor.u32 v0, v2;
	_ =	sdelay $0x3  }
0x4e: {  	s9 =	simm.s32 $0x800  }
0x4f: {  	v4 =	vld.idx.msk [tilespmem:v2+s9+$0x0], $0xffff  }
0x50: {  	s10 =	simm.s32 $0x1;
	s6 =	sadd.s32 $0x83600, s2;
	s8 =	sadd.s32 $0x3600, s2  }
0x51: {  	s3 =	sadd.s32 $0x3A00, s2;
	s2 =	sadd.s32 $0x3800, s2;
	v3 =	vor.u32 s10, v1;
	s10 =	simm.s32 $0x2  }
.LBB2_1:
0x52: {  	p0 =	sne.s32 s10, $0x7F;
	_ =	sdelay $0x1  }
0x53: {  	v4 =	vadd.s32 $0x1, v4  }
0x54: {  	[tilespmem:v2+s9+$0x0] =	vst.idx.msk $0xffff, v4  }
0x55: {  	v2 =	vld.idx.msk [tilespmem:v3+s7+$0x0], $0xffff;
	_ =	sdelay $0x5  }
0x56: {  	v2 =	vshll.u32 v2, $0x4  }
0x57: {  	v2 =	vor.u32 v0, v2;
	_ =	sdelay $0x3  }
.Ltmp0:
0x58: {  	(pc) =	sbr.rel @p0 .LBB2_1-.Ltmp0, $2  }
0x59: {  	v4 =	vld.idx.msk [tilespmem:v2+s9+$0x0], $0xffff;
	_ =	sdelay $0x2  }
0x5a: {  	v3 =	vor.u32 s10, v1;
	s10 =	sadd.s32 $0x1, s10  }
0x5b: {  	_ =	sdelay $0x2  }
0x5c: {  	v1 =	vadd.s32 $0x1, v4  }
0x5d: {  	[tilespmem:v2+s9+$0x0] =	vst.idx.msk $0xffff, v1  }
0x5e: {  	v1 =	vld.idx.msk [tilespmem:v3+s7+$0x0], $0xffff;
	_ =	sdelay $0x4  }
0x5f: {  	v1 =	vshll.u32 v1, $0x4  }
0x60: {  	v2 =	vor.u32 v0, v1;
	_ =	sdelay $0x4  }
0x61: {  	v0 =	vlaneseq.u32;
	v3 =	vld.idx.msk [tilespmem:v2+s9+$0x0], $0xffff  }
0x62: {  	v1 =	vmul.u32 $0x10, v0;
	_ =	sdelay $0x1  }
0x63: {  	v4 =	vor.u32 $0x1, v1  }
0x64: {  	v5 =	vor.u32 $0x2, v1  }
0x65: {  	v6 =	vor.u32 $0x3, v1;
	v3 =	vadd.s32 $0x1, v3  }
0x66: {  	s23 =	simm.s32 $0x800;
	[tilespmem:v2+s9+$0x0] =	vst.idx.msk $0xffff, v3;
	v2 =	vor.u32 $0x4, v1  }
0x67: {  	v7 =	vor.u32 $0x5, v1;
	v3 =	vld.idx.msk [tilespmem:v1+s23+$0x0], $0xffff  }
0x68: {  	v8 =	vor.u32 $0x6, v1;
	v4 =	vld.idx.msk [tilespmem:v4+s23+$0x0], $0xffff  }
0x69: {  	v9 =	vor.u32 $0x7, v1;
	v5 =	vld.idx.msk [tilespmem:v5+s23+$0x0], $0xffff  }
0x6a: {  	v10 =	vor.u32 $0x8, v1;
	v6 =	vld.idx.msk [tilespmem:v6+s23+$0x0], $0xffff  }
0x6b: {  	v11 =	vor.u32 $0x9, v1;
	v2 =	vld.idx.msk [tilespmem:v2+s23+$0x0], $0xffff  }
0x6c: {  	v12 =	vor.u32 $0xA, v1;
	v7 =	vld.idx.msk [tilespmem:v7+s23+$0x0], $0xffff  }
0x6d: {  	v22 =	vor.u32 $0xB, v1;
	v3 =	vadd.s32 v3, v4;
	v4 =	vld.idx.msk [tilespmem:v8+s23+$0x0], $0xffff  }
0x6e: {  	v23 =	vor.u32 $0xC, v1;
	v3 =	vadd.s32 v5, v3;
	v5 =	vld.idx.msk [tilespmem:v9+s23+$0x0], $0xffff  }
0x6f: {  	v24 =	vor.u32 $0xD, v1;
	v3 =	vadd.s32 v6, v3;
	v6 =	vld.idx.msk [tilespmem:v10+s23+$0x0], $0xffff  }
0x70: {  	v25 =	vor.u32 $0xE, v1;
	v2 =	vadd.s32 v2, v3;
	v3 =	vld.idx.msk [tilespmem:v11+s23+$0x0], $0xffff  }
0x71: {  	v26 =	vor.u32 $0xF, v1;
	v2 =	vadd.s32 v7, v2;
	v7 =	vld.idx.msk [tilespmem:v12+s23+$0x0], $0xffff  }
0x72: {  	v2 =	vadd.s32 v4, v2;
	v4 =	vld.idx.msk [tilespmem:v22+s23+$0x0], $0xffff  }
0x73: {  	v2 =	vadd.s32 v5, v2;
	v5 =	vld.idx.msk [tilespmem:v23+s23+$0x0], $0xffff  }
0x74: {  	v2 =	vadd.s32 v6, v2;
	v6 =	vld.idx.msk [tilespmem:v24+s23+$0x0], $0xffff  }
0x75: {  	v2 =	vadd.s32 v3, v2;
	v3 =	vld.idx.msk [tilespmem:v25+s23+$0x0], $0xffff  }
0x76: {  	v2 =	vadd.s32 v7, v2;
	v7 =	vld.idx.msk [tilespmem:v26+s23+$0x0], $0xffff  }
0x77: {  	v2 =	vadd.s32 v4, v2  }
0x78: {  	v4 =	vor.u32 $0x100, v1;
	v2 =	vadd.s32 v5, v2  }
0x79: {  	v5 =	vor.u32 $0x101, v1;
	v2 =	vadd.s32 v6, v2  }
0x7a: {  	v2 =	vadd.s32 v3, v2;
	v3 =	vor.u32 $0x102, v1  }
0x7b: {  	v6 =	vor.u32 $0x103, v1;
	v2 =	vadd.s32 v7, v2  }
0x7c: {  	[tilespmem:$0xC00] =	vst v2;
	v2 =	vor.u32 $0x104, v1  }
0x7d: {  	v7 =	vor.u32 $0x105, v1;
	v4 =	vld.idx.msk [tilespmem:v4+s23+$0x0], $0xffff  }
0x7e: {  	v27 =	vor.u32 $0x106, v1;
	v5 =	vld.idx.msk [tilespmem:v5+s23+$0x0], $0xffff  }
0x7f: {  	v28 =	vor.u32 $0x107, v1;
	v3 =	vld.idx.msk [tilespmem:v3+s23+$0x0], $0xffff  }
0x80: {  	v29 =	vor.u32 $0x108, v1;
	v6 =	vld.idx.msk [tilespmem:v6+s23+$0x0], $0xffff  }
0x81: {  	v30 =	vor.u32 $0x109, v1;
	v2 =	vld.idx.msk [tilespmem:v2+s23+$0x0], $0xffff  }
0x82: {  	v31 =	vor.u32 $0x10A, v1;
	v7 =	vld.idx.msk [tilespmem:v7+s23+$0x0], $0xffff  }
0x83: {  	v32 =	vor.u32 $0x10B, v1;
	v4 =	vadd.s32 v4, v5;
	v5 =	vld.idx.msk [tilespmem:v27+s23+$0x0], $0xffff  }
0x84: {  	v33 =	vor.u32 $0x10C, v1;
	v3 =	vadd.s32 v3, v4;
	v4 =	vld.idx.msk [tilespmem:v28+s23+$0x0], $0xffff  }
0x85: {  	v34 =	vor.u32 $0x10D, v1;
	v3 =	vadd.s32 v6, v3;
	v6 =	vld.idx.msk [tilespmem:v29+s23+$0x0], $0xffff  }
0x86: {  	v35 =	vor.u32 $0x10E, v1;
	v2 =	vadd.s32 v2, v3;
	v3 =	vld.idx.msk [tilespmem:v30+s23+$0x0], $0xffff  }
0x87: {  	v36 =	vor.u32 $0x10F, v1;
	v2 =	vadd.s32 v7, v2;
	v7 =	vld.idx.msk [tilespmem:v31+s23+$0x0], $0xffff  }
0x88: {  	v2 =	vadd.s32 v5, v2;
	v5 =	vld.idx.msk [tilespmem:v32+s23+$0x0], $0xffff  }
0x89: {  	v2 =	vadd.s32 v4, v2;
	v4 =	vld.idx.msk [tilespmem:v33+s23+$0x0], $0xffff  }
0x8a: {  	v2 =	vadd.s32 v6, v2;
	v6 =	vld.idx.msk [tilespmem:v34+s23+$0x0], $0xffff  }
0x8b: {  	v2 =	vadd.s32 v3, v2;
	v3 =	vld.idx.msk [tilespmem:v35+s23+$0x0], $0xffff  }
0x8c: {  	v2 =	vadd.s32 v7, v2;
	v7 =	vld.idx.msk [tilespmem:v36+s23+$0x0], $0xffff  }
0x8d: {  	v2 =	vadd.s32 v5, v2  }
0x8e: {  	v2 =	vadd.s32 v4, v2;
	v4 =	vor.u32 $0x200, v1  }
0x8f: {  	v5 =	vor.u32 $0x201, v1;
	v2 =	vadd.s32 v6, v2  }
0x90: {  	v2 =	vadd.s32 v3, v2;
	v3 =	vor.u32 $0x202, v1  }
0x91: {  	v6 =	vor.u32 $0x203, v1;
	v2 =	vadd.s32 v7, v2  }
0x92: {  	[tilespmem:$0xC10] =	vst v2;
	v2 =	vor.u32 $0x204, v1  }
0x93: {  	v7 =	vor.u32 $0x205, v1;
	v4 =	vld.idx.msk [tilespmem:v4+s23+$0x0], $0xffff  }
0x94: {  	v37 =	vor.u32 $0x206, v1;
	v5 =	vld.idx.msk [tilespmem:v5+s23+$0x0], $0xffff  }
0x95: {  	v38 =	vor.u32 $0x207, v1;
	v3 =	vld.idx.msk [tilespmem:v3+s23+$0x0], $0xffff  }
0x96: {  	v39 =	vor.u32 $0x208, v1;
	v6 =	vld.idx.msk [tilespmem:v6+s23+$0x0], $0xffff  }
0x97: {  	v40 =	vor.u32 $0x209, v1;
	v2 =	vld.idx.msk [tilespmem:v2+s23+$0x0], $0xffff  }
0x98: {  	v41 =	vor.u32 $0x20A, v1;
	v7 =	vld.idx.msk [tilespmem:v7+s23+$0x0], $0xffff  }
0x99: {  	v42 =	vor.u32 $0x20B, v1;
	v4 =	vadd.s32 v4, v5;
	v5 =	vld.idx.msk [tilespmem:v37+s23+$0x0], $0xffff  }
0x9a: {  	v43 =	vor.u32 $0x20C, v1;
	v3 =	vadd.s32 v3, v4;
	v4 =	vld.idx.msk [tilespmem:v38+s23+$0x0], $0xffff  }
0x9b: {  	v44 =	vor.u32 $0x20D, v1;
	v3 =	vadd.s32 v6, v3;
	v6 =	vld.idx.msk [tilespmem:v39+s23+$0x0], $0xffff  }
0x9c: {  	v45 =	vor.u32 $0x20E, v1;
	v2 =	vadd.s32 v2, v3;
	v3 =	vld.idx.msk [tilespmem:v40+s23+$0x0], $0xffff  }
0x9d: {  	v46 =	vor.u32 $0x20F, v1;
	v2 =	vadd.s32 v7, v2;
	v7 =	vld.idx.msk [tilespmem:v41+s23+$0x0], $0xffff  }
0x9e: {  	v2 =	vadd.s32 v5, v2;
	v5 =	vld.idx.msk [tilespmem:v42+s23+$0x0], $0xffff  }
0x9f: {  	v2 =	vadd.s32 v4, v2;
	v4 =	vld.idx.msk [tilespmem:v43+s23+$0x0], $0xffff  }
0xa0: {  	v2 =	vadd.s32 v6, v2;
	v6 =	vld.idx.msk [tilespmem:v44+s23+$0x0], $0xffff  }
0xa1: {  	v2 =	vadd.s32 v3, v2;
	v3 =	vld.idx.msk [tilespmem:v45+s23+$0x0], $0xffff  }
0xa2: {  	v2 =	vadd.s32 v7, v2;
	v7 =	vld.idx.msk [tilespmem:v46+s23+$0x0], $0xffff  }
0xa3: {  	v2 =	vadd.s32 v5, v2  }
0xa4: {  	v2 =	vadd.s32 v4, v2;
	v4 =	vor.u32 $0x300, v1  }
0xa5: {  	v5 =	vor.u32 $0x301, v1;
	v2 =	vadd.s32 v6, v2  }
0xa6: {  	v2 =	vadd.s32 v3, v2;
	v3 =	vor.u32 $0x302, v1  }
0xa7: {  	v6 =	vor.u32 $0x303, v1;
	v2 =	vadd.s32 v7, v2  }
0xa8: {  	[tilespmem:$0xC20] =	vst v2;
	v2 =	vor.u32 $0x304, v1  }
0xa9: {  	v7 =	vor.u32 $0x305, v1;
	v4 =	vld.idx.msk [tilespmem:v4+s23+$0x0], $0xffff  }
0xaa: {  	v47 =	vor.u32 $0x306, v1;
	v5 =	vld.idx.msk [tilespmem:v5+s23+$0x0], $0xffff  }
0xab: {  	v48 =	vor.u32 $0x307, v1;
	v3 =	vld.idx.msk [tilespmem:v3+s23+$0x0], $0xffff  }
0xac: {  	v49 =	vor.u32 $0x308, v1;
	v6 =	vld.idx.msk [tilespmem:v6+s23+$0x0], $0xffff  }
0xad: {  	v50 =	vor.u32 $0x309, v1;
	v2 =	vld.idx.msk [tilespmem:v2+s23+$0x0], $0xffff  }
0xae: {  	v51 =	vor.u32 $0x30A, v1;
	v7 =	vld.idx.msk [tilespmem:v7+s23+$0x0], $0xffff  }
0xaf: {  	v52 =	vor.u32 $0x30B, v1;
	v4 =	vadd.s32 v4, v5;
	v5 =	vld.idx.msk [tilespmem:v47+s23+$0x0], $0xffff  }
0xb0: {  	v53 =	vor.u32 $0x30C, v1;
	v3 =	vadd.s32 v3, v4;
	v4 =	vld.idx.msk [tilespmem:v48+s23+$0x0], $0xffff  }
0xb1: {  	v54 =	vor.u32 $0x30D, v1;
	v3 =	vadd.s32 v6, v3;
	v6 =	vld.idx.msk [tilespmem:v49+s23+$0x0], $0xffff  }
0xb2: {  	v55 =	vor.u32 $0x30E, v1;
	v2 =	vadd.s32 v2, v3;
	v3 =	vld.idx.msk [tilespmem:v50+s23+$0x0], $0xffff  }
0xb3: {  	v1 =	vor.u32 $0x30F, v1;
	v2 =	vadd.s32 v7, v2;
	v7 =	vld.idx.msk [tilespmem:v51+s23+$0x0], $0xffff  }
0xb4: {  	v2 =	vadd.s32 v5, v2;
	v5 =	vld.idx.msk [tilespmem:v52+s23+$0x0], $0xffff  }
0xb5: {  	v2 =	vadd.s32 v4, v2;
	v4 =	vld.idx.msk [tilespmem:v53+s23+$0x0], $0xffff  }
0xb6: {  	v2 =	vadd.s32 v6, v2;
	v6 =	vld.idx.msk [tilespmem:v54+s23+$0x0], $0xffff  }
0xb7: {  	v2 =	vadd.s32 v3, v2;
	v3 =	vld.idx.msk [tilespmem:v55+s23+$0x0], $0xffff  }
0xb8: {  	v1 =	vld.idx.msk [tilespmem:v1+s23+$0x0], $0xffff;
	v2 =	vadd.s32 v7, v2  }
0xb9: {  	v2 =	vadd.s32 v5, v2  }
0xba: {  	v2 =	vadd.s32 v4, v2  }
0xbb: {  	v2 =	vadd.s32 v6, v2  }
0xbc: {  	v2 =	vadd.s32 v3, v2  }
0xbd: {  	s24 =	sshll.u32 s1, $0x3;
	s10 =	simm.s32 $0xC00;
	v1 =	vadd.s32 v1, v2  }
0xbe: {  	s26 =	simm.s32 $0x2;
	s25 =	sadd.s32 s8, s24;
	s7 =	simm.s32 $0x0;
	[tilespmem:$0xC30] =	vst v1  }
0xbf: {  	[hbm4b:s25+s7] =	stream.linear.scatter [tilespmem:s10], [sflag:$0x2], $0x40, $0x38;
	[tilespmem:$0x11C90] =	vst v63  }
0xc0: {  	_ =	swait.ge [sflag:s26], $0x40  }
0xc1: {  	[sflag:s26] =	ssyncset.done $0x0  }
0xc2: {  	[sflag:s26] =	ssyncadd.s32 $0xFFFFFFC0  }
0xc3: {  	s28 =	simm.s32 $0xC40;
	[bflag:$0x0] =	sbarrier.arrive $0xFFFF  }
0xc4: {  	[tilespmem:s28], [sflag:$0x2] =	stream.linear.gather [hbm4b:s8+s7], $0x400, $0x38;
	[tilespmem:$0x11C90] =	vst v63  }
0xc5: {  	_ =	swait.ge [sflag:s26], $0x400  }
0xc6: {  	[sflag:s26] =	ssyncset.done $0x0  }
0xc7: {  	[sflag:s26] =	ssyncadd.s32 $0xFFFFFC00  }
0xc8: {  	v1 =	vld [tilespmem:$0xC40]  }
0xc9: {  	v2 =	vld [tilespmem:$0xC80]  }
0xca: {  	v3 =	vld [tilespmem:$0xCC0]  }
0xcb: {  	v4 =	vld [tilespmem:$0xD00]  }
0xcc: {  	v5 =	vld [tilespmem:$0xD40]  }
0xcd: {  	v6 =	vld [tilespmem:$0xD80]  }
0xce: {  	v7 =	vld [tilespmem:$0xDC0]  }
0xcf: {  	v56 =	vld [tilespmem:$0xE00]  }
0xd0: {  	v57 =	vld [tilespmem:$0xE40]  }
0xd1: {  	v58 =	vld [tilespmem:$0xE80]  }
0xd2: {  	v59 =	vld [tilespmem:$0xEC0]  }
0xd3: {  	v60 =	vld [tilespmem:$0xF00]  }
0xd4: {  	v13 =	vld [tilespmem:$0xF40]  }
0xd5: {  	v16 =	vld [tilespmem:$0xF80]  }
0xd6: {  	v17 =	vld [tilespmem:$0xFC0]  }
0xd7: {  	v19 =	vld [tilespmem:$0x1000]  }
0xd8: {  	v20 =	vld [tilespmem:$0xC50]  }
0xd9: {  	v21 =	vld [tilespmem:$0xC90]  }
0xda: {  	v23 =	vld [tilespmem:$0xCD0]  }
0xdb: {  	v25 =	vld [tilespmem:$0xD10]  }
0xdc: {  	v31 =	vld [tilespmem:$0xD50]  }
0xdd: {  	v14 =	vmov s1;
	v32 =	vld [tilespmem:$0xD90]  }
0xde: {  	vm14 =	veq.s32 v14, $0x0;
	vm13 =	vgt.u32 v14, $0x1;
	v33 =	vld [tilespmem:$0xDD0]  }
0xdf: {  	vm12 =	vgt.u32 v14, $0x2;
	vm11 =	vgt.u32 v14, $0x3;
	vm10 =	vgt.u32 v14, $0x4;
	v34 =	vld [tilespmem:$0xE10]  }
0xe0: {  	vm9 =	vgt.u32 v14, $0x5;
	vm8 =	vgt.u32 v14, $0x6;
	vm7 =	vgt.u32 v14, $0x7;
	v35 =	vld [tilespmem:$0xE50]  }
0xe1: {  	vm6 =	vgt.u32 v14, $0x8;
	vm5 =	vgt.u32 v14, $0x9;
	vm4 =	vgt.u32 v14, $0xA;
	v36 =	vld [tilespmem:$0xE90]  }
0xe2: {  	vm3 =	vgt.u32 v14, $0xB;
	vm2 =	vgt.u32 v14, $0xC;
	vm1 =	vgt.u32 v14, $0xD;
	v37 =	vld [tilespmem:$0xED0]  }
0xe3: {  	vm0 =	veq.s32 v14, $0xF;
	v38 =	vld [tilespmem:$0xF10];
	v61 =	vsel vm14, $0x0, v1;
	v15 =	vnsel vm13, $0x0, v2  }
0xe4: {  	v39 =	vld [tilespmem:$0xF50];
	v1 =	vadd.s32 v1, v2;
	v62 =	vnsel vm12, $0x0, v3;
	v2 =	vadd.s32 v61, v15  }
0xe5: {  	v40 =	vld [tilespmem:$0xF90];
	v1 =	vadd.s32 v3, v1;
	v3 =	vnsel vm11, $0x0, v4;
	v2 =	vadd.s32 v62, v2  }
0xe6: {  	v41 =	vld [tilespmem:$0xFD0];
	v1 =	vadd.s32 v4, v1;
	v2 =	vadd.s32 v3, v2;
	v3 =	vnsel vm10, $0x0, v5  }
0xe7: {  	v42 =	vld [tilespmem:$0x1010];
	v1 =	vadd.s32 v5, v1;
	v2 =	vadd.s32 v3, v2;
	v3 =	vnsel vm9, $0x0, v6  }
0xe8: {  	v43 =	vld [tilespmem:$0xC60];
	v1 =	vadd.s32 v6, v1;
	v2 =	vadd.s32 v3, v2;
	v3 =	vnsel vm8, $0x0, v7  }
0xe9: {  	v44 =	vld [tilespmem:$0xCA0];
	v1 =	vadd.s32 v7, v1;
	v2 =	vadd.s32 v3, v2;
	v3 =	vnsel vm7, $0x0, v56  }
0xea: {  	v63 =	vld [tilespmem:$0xCE0];
	v1 =	vadd.s32 v56, v1;
	v2 =	vadd.s32 v3, v2;
	v3 =	vnsel vm6, $0x0, v57  }
0xeb: {  	v30 =	vld [tilespmem:$0xD20];
	v1 =	vadd.s32 v57, v1;
	v2 =	vadd.s32 v3, v2;
	v3 =	vnsel vm5, $0x0, v58  }
0xec: {  	v29 =	vld [tilespmem:$0xD60];
	v1 =	vadd.s32 v58, v1;
	v2 =	vadd.s32 v3, v2;
	v3 =	vnsel vm4, $0x0, v59  }
0xed: {  	v27 =	vld [tilespmem:$0xDE0];
	v1 =	vadd.s32 v59, v1;
	v2 =	vadd.s32 v3, v2;
	v3 =	vnsel vm3, $0x0, v60  }
0xee: {  	v28 =	vld [tilespmem:$0xE20];
	v1 =	vadd.s32 v60, v1;
	v2 =	vadd.s32 v3, v2;
	v3 =	vnsel vm2, $0x0, v13  }
0xef: {  	v26 =	vld [tilespmem:$0xE60];
	v1 =	vadd.s32 v13, v1;
	v2 =	vadd.s32 v3, v2;
	v3 =	vnsel vm1, $0x0, v16  }
0xf0: {  	v18 =	vld [tilespmem:$0xEA0];
	v1 =	vadd.s32 v16, v1;
	v2 =	vadd.s32 v3, v2;
	v3 =	vnsel vm0, $0x0, v17  }
0xf1: {  	v24 =	vld [tilespmem:$0xEE0];
	v1 =	vadd.s32 v17, v1;
	v45 =	vadd.s32 v3, v2  }
0xf2: {  	v22 =	vld [tilespmem:$0xF20];
	v46 =	vadd.s32 v19, v1;
	v1 =	vsel vm14, $0x0, v20;
	v2 =	vnsel vm13, $0x0, v21  }
0xf3: {  	v48 =	vld [tilespmem:$0x1020];
	v49 =	vnsel vm1, $0x0, v40;
	v1 =	vadd.s32 v1, v2;
	v2 =	vnsel vm12, $0x0, v23  }
0xf4: {  	v12 =	vld [tilespmem:$0xD30];
	v52 =	vnsel vm0, $0x0, v41;
	v1 =	vadd.s32 v2, v1;
	v2 =	vnsel vm11, $0x0, v25  }
0xf5: {  	v5 =	vnsel vm2, $0x0, v39;
	v16 =	vld [tilespmem:$0xCB0];
	v1 =	vadd.s32 v2, v1;
	v2 =	vnsel vm10, $0x0, v31  }
0xf6: {  	v17 =	vld [tilespmem:$0xC70];
	v3 =	vadd.s32 v20, v21;
	v1 =	vadd.s32 v2, v1;
	v2 =	vnsel vm9, $0x0, v32  }
0xf7: {  	v11 =	vld [tilespmem:$0xD70];
	v3 =	vadd.s32 v23, v3;
	v1 =	vadd.s32 v2, v1;
	v2 =	vnsel vm8, $0x0, v33  }
0xf8: {  	v10 =	vld [tilespmem:$0xDB0];
	v3 =	vadd.s32 v25, v3;
	v1 =	vadd.s32 v2, v1;
	v2 =	vnsel vm7, $0x0, v34  }
0xf9: {  	v13 =	vld [tilespmem:$0xCF0];
	v3 =	vadd.s32 v31, v3;
	v1 =	vadd.s32 v2, v1;
	v2 =	vnsel vm6, $0x0, v35  }
0xfa: {  	v9 =	vld [tilespmem:$0xDF0];
	v3 =	vadd.s32 v32, v3;
	v1 =	vadd.s32 v2, v1;
	v2 =	vnsel vm5, $0x0, v36  }
0xfb: {  	v8 =	vld [tilespmem:$0xE30];
	v4 =	vadd.s32 v17, v16;
	v1 =	vadd.s32 v2, v1;
	v2 =	vnsel vm4, $0x0, v37  }
0xfc: {  	v15 =	vld [tilespmem:$0xDA0];
	v3 =	vadd.s32 v33, v3;
	v1 =	vadd.s32 v2, v1;
	v2 =	vnsel vm3, $0x0, v38  }
0xfd: {  	v6 =	vld [tilespmem:$0xEB0];
	v3 =	vadd.s32 v34, v3;
	v1 =	vadd.s32 v2, v1;
	v2 =	vadd.s32 v43, v44  }
0xfe: {  	v7 =	vld [tilespmem:$0xE70];
	v4 =	vadd.s32 v13, v4;
	v3 =	vadd.s32 v35, v3;
	v2 =	vadd.s32 v63, v2  }
0xff: {  	v21 =	vld [tilespmem:$0xF60];
	v4 =	vadd.s32 v12, v4;
	v3 =	vadd.s32 v36, v3;
	v2 =	vadd.s32 v30, v2  }
0x100: {  	v20 =	vld [tilespmem:$0xFA0];
	v4 =	vadd.s32 v11, v4;
	v3 =	vadd.s32 v37, v3;
	v2 =	vadd.s32 v29, v2  }
0x101: {  	v19 =	vld [tilespmem:$0xFE0];
	v4 =	vadd.s32 v10, v4;
	v3 =	vadd.s32 v38, v3;
	v2 =	vadd.s32 v15, v2  }
0x102: {  	v3 =	vadd.s32 v39, v3;
	v1 =	vadd.s32 v5, v1;
	v5 =	vld [tilespmem:$0xEF0];
	v2 =	vadd.s32 v27, v2  }
0x103: {  	v50 =	vadd.s32 v9, v4;
	v4 =	vld [tilespmem:$0xF30];
	v3 =	vadd.s32 v40, v3;
	v2 =	vadd.s32 v28, v2  }
0x104: {  	v25 =	vadd.s32 v8, v50;
	v51 =	vadd.s32 v41, v3;
	v3 =	vld [tilespmem:$0xF70];
	v2 =	vadd.s32 v26, v2  }
0x105: {  	(xrf0) =	vadd.scan.msk.s32 $0xffff, v46;
	v25 =	vadd.s32 v7, v25;
	v1 =	vadd.s32 v49, v1;
	v53 =	vadd.s32 v18, v2;
	v2 =	vld [tilespmem:$0xFB0]  }
0x106: {  	v25 =	vadd.s32 v6, v25;
	v32 =	vadd.s32 v52, v1;
	v1 =	vld [tilespmem:$0xFF0];
	v33 =	vadd.s32 v24, v53  }
0x107: {  	v54 =	vld [tilespmem:$0x1030];
	v31 =	vadd.s32 v42, v51;
	v25 =	vadd.s32 v5, v25;
	v33 =	vadd.s32 v22, v33  }
0x108: {  	(xrf0) =	vadd.scan.msk.s32 $0xffff, v31;
	v25 =	vadd.s32 v4, v25;
	v33 =	vadd.s32 v21, v33  }
0x109: {  	v55 =	vsel vm14, $0x0, v43;
	v57 =	vld [tilespmem:$0x800];
	v25 =	vadd.s32 v3, v25;
	v33 =	vadd.s32 v20, v33  }
0x10a: {  	v56 =	vnsel vm13, $0x0, v44;
	v33 =	vadd.s32 v19, v33;
	v59 =	vadd.s32 v2, v25  }
0x10b: {  	v62 =	vld [tilespmem:$0x810];
	v35 =	vadd.s32 v55, v56;
	v58, _, _ =	vpop (xrf0);
	v25 =	vadd.s32 v48, v33;
	v61 =	vadd.s32 v1, v59  }
0x10c: {  	v60 =	vsub.s32 v58, v46;
	v63 =	vnsel vm12, $0x0, v63;
	v42 =	vld [tilespmem:$0x820];
	(xrf0) =	vadd.scan.msk.s32 $0xffff, v25;
	v14 =	vadd.s32 v54, v61  }
0x10d: {  	v23 =	vadd.s32 v60, v45;
	v45 =	vld [tilespmem:$0x830];
	v43 =	vadd.s32 v63, v35;
	v30 =	vnsel vm11, $0x0, v30;
	(xrf0) =	vadd.scan.msk.s32 $0xffff, v14  }
0x10e: {  	v30 =	vadd.s32 v30, v43;
	v29 =	vnsel vm10, $0x0, v29;
	v44, _, _ =	vpop (xrf0);
	(xrf0) =	vadd.scan.msk.s32 $0xffff, v57  }
0x10f: {  	v46 =	vld [tilespmem:$0x840];
	v29 =	vadd.s32 v29, v30;
	v15 =	vnsel vm9, $0x0, v15;
	v28 =	vnsel vm7, $0x0, v28  }
0x110: {  	v47 =	vld [tilespmem:$0x850];
	v29 =	vadd.s32 v15, v29;
	v27 =	vnsel vm8, $0x0, v27;
	(xrf0) =	vadd.scan.msk.s32 $0xffff, v62  }
0x111: {  	v27 =	vadd.s32 v27, v29;
	(xrf0) =	vadd.scan.msk.s32 $0xffff, v42  }
0x112: {  	v17 =	vsel vm14, $0x0, v17;
	v49 =	vld [tilespmem:$0x860];
	v27 =	vadd.s32 v28, v27;
	v28, _, _ =	vpop (xrf0);
	(xrf0) =	vadd.scan.msk.s32 $0xffff, v45  }
0x113: {  	v16 =	vnsel vm13, $0x0, v16;
	v36 =	vbroadcast v58, $0xF;
	v50 =	vnsel vm5, $0x0, v18;
	v39 =	vld [tilespmem:$0x870];
	v18, _, _ =	vpop (xrf0)  }
0x114: {  	v16 =	vadd.s32 v17, v16;
	v31 =	vsub.s32 v44, v31;
	v48 =	vbroadcast v23, $0x0;
	v52, _, _ =	vpop (xrf0);
	(xrf0) =	vadd.scan.msk.s32 $0xffff, v46  }
0x115: {  	v12 =	vnsel vm11, $0x0, v12;
	v56 =	vld [tilespmem:$0x880];
	(v2sf) =	vpush v58, $0xF;
	v31 =	vadd.s32 v36, v31;
	(xrf0) =	vadd.scan.msk.s32 $0xffff, v47  }
0x116: {  	v55 =	vbroadcast v23, $0x2;
	v15 =	vadd.s32 v31, v32;
	[tilespmem:$0x11C50] =	vst v31;
	v61 =	vld [tilespmem:$0x890];
	v31 =	vsub.s32 v48, v57;
	v57, _, _ =	vpop (xrf0)  }
0x117: {  	[tilespmem:$0x11C40] =	vst v60;
	v60 =	vbroadcast v23, $0x3;
	v53 =	vbroadcast v23, $0x1;
	v59, _, _ =	vpop (xrf0);
	(xrf0) =	vadd.scan.msk.s32 $0xffff, v49  }
0x118: {  	v63 =	vbroadcast v23, $0x4;
	v41 =	vbroadcast v23, $0x5;
	v26 =	vnsel vm6, $0x0, v26;
	v36 =	vld [tilespmem:$0x8A0];
	v38, _, _ =	vpop (xrf0);
	(xrf0) =	vadd.scan.msk.s32 $0xffff, v39  }
0x119: {  	v58 =	vsub.s32 v53, v62;
	v54 =	vadd.s32 v52, v31;
	v31 =	vsub.s32 v55, v42;
	v42 =	vld [tilespmem:$0x8B0]  }
0x11a: {  	v26 =	vadd.s32 v26, v27;
	v33 =	vsub.s32 v60, v45;
	v45 =	vld [tilespmem:$0x8C0];
	v27 =	vadd.s32 v57, v58;
	(xrf0) =	vadd.scan.msk.s32 $0xffff, v56;
	v40, _, _ =	vpop (xrf0)  }
0x11b: {  	v29 =	vsub.s32 v41, v47;
	v47 =	vld [tilespmem:$0x8D0];
	[tilespmem:$0x1050] =	vst v27;
	v27 =	vsub.s32 v63, v46;
	v46, _, _ =	vpop (xrf0);
	(xrf0) =	vadd.scan.msk.s32 $0xffff, v61  }
0x11c: {  	v11 =	vnsel vm10, $0x0, v11;
	v26 =	vadd.s32 v50, v26;
	v24 =	vnsel vm4, $0x0, v24;
	v52 =	vld [tilespmem:$0x8E0]  }
0x11d: {  	v37 =	vbroadcast v23, $0xC;
	v24 =	vadd.s32 v24, v26;
	v22 =	vnsel vm3, $0x0, v22;
	v48, _, _ =	vpop (xrf0);
	(xrf0) =	vadd.scan.msk.s32 $0xffff, v36  }
0x11e: {  	v51 =	vimm.s32 $0x8000;
	(v2sf) =	vpush v44, $0xF;
	v22 =	vadd.s32 v22, v24;
	v53, _, _ =	vpop (xrf0);
	(xrf0) =	vadd.scan.msk.s32 $0xffff, v42  }
0x11f: {  	v44 =	vbroadcast v23, $0x6;
	v21 =	vnsel vm2, $0x0, v21;
	v26 =	vadd.s32 v38, v33;
	v33 =	vld [tilespmem:$0x8F0];
	(xrf0) =	vadd.scan.msk.s32 $0xffff, v45  }
0x120: {  	v21 =	vadd.s32 v21, v22;
	v20 =	vnsel vm1, $0x0, v20;
	v62 =	vadd.s32 v59, v31;
	v59 =	vld [tilespmem:$0x900];
	v55, _, _ =	vpop (xrf0);
	(xrf0) =	vadd.scan.msk.s32 $0xffff, v47  }
0x121: {  	[tilespmem:$0x11C80] =	vst v51;
	v51 =	vbroadcast v23, $0x8;
	v20 =	vadd.s32 v20, v21;
	v32 =	vld [tilespmem:$0x910];
	v60, _, _ =	vpop (xrf0);
	(xrf0) =	vadd.scan.msk.s32 $0xffff, v52  }
0x122: {  	v19 =	vnsel vm0, $0x0, v19;
	v38 =	vld [tilespmem:$0x920];
	[tilespmem:$0x1070] =	vst v26;
	v26 =	vsub.s32 v44, v49;
	v49 =	vbroadcast v23, $0x7  }
0x123: {  	v41 =	vbroadcast v23, $0xD;
	v19 =	vadd.s32 v19, v20;
	v63 =	vbroadcast v23, $0xB;
	[tilespmem:$0x1060] =	vst v62;
	v62, _, _ =	vpop (xrf0)  }
0x124: {  	[tilespmem:$0x1040] =	vst v54;
	v58 =	vbroadcast v23, $0xA;
	v54 =	vsub.s32 v49, v39;
	v39, _, _ =	vpop (xrf0);
	(xrf0) =	vadd.scan.msk.s32 $0xffff, v33  }
0x125: {  	v43 =	vadd.s32 v40, v27;
	v40 =	vsub.s32 v63, v42;
	v24 =	vadd.s32 v46, v29;
	v42 =	vld [tilespmem:$0x930];
	v44, _, _ =	vpop (xrf0);
	(xrf0) =	vadd.scan.msk.s32 $0xffff, v59  }
0x126: {  	v49 =	vld [tilespmem:$0x940];
	[tilespmem:$0x1090] =	vst v24;
	v24 =	vsub.s32 v51, v56;
	v56 =	vbroadcast v23, $0x9;
	v46, _, _ =	vpop (xrf0);
	(xrf0) =	vadd.scan.msk.s32 $0xffff, v32  }
0x127: {  	v50 =	vadd.s32 v48, v26;
	v51 =	vld [tilespmem:$0x950];
	v22 =	vadd.s32 v53, v54;
	v57 =	vadd.s32 v55, v24;
	v53, _, _ =	vpop (xrf0);
	(xrf0) =	vadd.scan.msk.s32 $0xffff, v38  }
0x128: {  	v48 =	vbroadcast v23, $0xE;
	v23 =	vbroadcast v23, $0xF;
	v61 =	vsub.s32 v56, v61;
	v56 =	vld [tilespmem:$0x960]  }
0x129: {  	(v2sf) =	vpush v28, $0xF;
	[tilespmem:$0x1080] =	vst v43;
	v43 =	vsub.s32 v28, v25;
	v55 =	vbroadcast v15, $0x0  }
0x12a: {  	v23 =	vsub.s32 v23, v33;
	v24 =	vsub.s32 v58, v36;
	[tilespmem:$0x10C0] =	vst v57;
	(xrf0) =	vadd.scan.msk.s32 $0xffff, v42;
	v57, _, _ =	vpop (xrf0)  }
0x12b: {  	v47 =	vsub.s32 v41, v47;
	v21 =	vadd.s32 v60, v61;
	v25 =	vsub.s32 v55, v59;
	v60 =	vld [tilespmem:$0x970];
	(xrf0) =	vadd.scan.msk.s32 $0xffff, v49;
	v58, _, _ =	vpop (xrf0)  }
0x12c: {  	v41 =	vbroadcast v15, $0x4;
	v33 =	vbroadcast v15, $0x3;
	(xrf0) =	vadd.scan.msk.s32 $0xffff, v51;
	v61 =	vadd.s32 v58, v25;
	v25 =	vld [tilespmem:$0x980];
	v63, _, _ =	vpop (xrf0)  }
0x12d: {  	v35 =	vld [tilespmem:$0x990];
	v52 =	vsub.s32 v48, v52;
	[tilespmem:$0x10D0] =	vst v21;
	v21 =	vsub.s32 v37, v45;
	v37, _, _ =	vpop (xrf0);
	(xrf0) =	vadd.scan.msk.s32 $0xffff, v56  }
0x12e: {  	[tilespmem:$0x10A0] =	vst v50;
	v48 =	vsub.s32 v41, v49;
	v20 =	vadd.s32 v39, v40;
	v40 =	vsub.s32 v33, v42;
	v42 =	vld [tilespmem:$0x9A0]  }
0x12f: {  	v36 =	vadd.s32 v62, v24;
	v59 =	vbroadcast v15, $0x1;
	[tilespmem:$0x10F0] =	vst v20;
	v45 =	vadd.s32 v44, v21  }
0x130: {  	v44 =	vbroadcast v15, $0x5;
	[tilespmem:$0x1100] =	vst v45;
	v50 =	vadd.s32 v46, v47;
	v39, _, _ =	vpop (xrf0);
	(xrf0) =	vadd.scan.msk.s32 $0xffff, v60  }
0x131: {  	v45 =	vld [tilespmem:$0x9B0];
	[tilespmem:$0x1110] =	vst v50;
	v50 =	vbroadcast v15, $0x6;
	v20 =	vadd.s32 v57, v23;
	v47, _, _ =	vpop (xrf0);
	(xrf0) =	vadd.scan.msk.s32 $0xffff, v25  }
0x132: {  	v54 =	vadd.s32 v53, v52;
	[tilespmem:$0x1130] =	vst v20;
	v20 =	vsub.s32 v44, v51;
	v51 =	vld [tilespmem:$0x9C0];
	v49, _, _ =	vpop (xrf0);
	(xrf0) =	vadd.scan.msk.s32 $0xffff, v35  }
0x133: {  	v62 =	vbroadcast v15, $0x2;
	[tilespmem:$0x1120] =	vst v54;
	v54 =	vsub.s32 v50, v56;
	v56 =	vld [tilespmem:$0x9D0];
	v53, _, _ =	vpop (xrf0);
	(xrf0) =	vadd.scan.msk.s32 $0xffff, v42  }
0x134: {  	v10 =	vnsel vm9, $0x0, v10;
	s29 =	spop (v2sf);
	v55 =	vbroadcast v15, $0x7;
	v32 =	vsub.s32 v59, v32;
	[tilespmem:$0x1140] =	vst v61;
	v61 =	vld [tilespmem:$0x9E0]  }
0x135: {  	v8 =	vnsel vm7, $0x0, v8;
	v7 =	vnsel vm6, $0x0, v7;
	s30 =	spop (v2sf);
	[tilespmem:$0x10E0] =	vst v36;
	v17 =	vadd.s32 v63, v32;
	v63 =	vld [tilespmem:$0x9F0]  }
0x136: {  	s8 =	sadd.s32 s29, s30;
	v36 =	vsub.s32 v62, v38;
	v59 =	vsub.s32 v55, v60;
	v60 =	vbroadcast v15, $0x9;
	(xrf0) =	vadd.scan.msk.s32 $0xffff, v45;
	v58, _, _ =	vpop (xrf0)  }
0x137: {  	v6 =	vnsel vm5, $0x0, v6;
	v34 =	vbroadcast v15, $0xB;
	v24 =	vadd.s32 s8, v43;
	v62, _, _ =	vpop (xrf0);
	(xrf0) =	vadd.scan.msk.s32 $0xffff, v51  }
0x138: {  	v32 =	vbroadcast v15, $0xA;
	v38 =	vadd.s32 v37, v36;
	v31 =	vsub.s32 v60, v35;
	v35 =	vld [tilespmem:$0xA00];
	v28, _, _ =	vpop (xrf0);
	(xrf0) =	vadd.scan.msk.s32 $0xffff, v56  }
0x139: {  	v46 =	vnsel vm12, $0x0, v13;
	v13 =	vadd.s32 v24, v19;
	[tilespmem:$0x1160] =	vst v38;
	v38 =	vld [tilespmem:$0xA10];
	v36, _, _ =	vpop (xrf0);
	(xrf0) =	vadd.scan.msk.s32 $0xffff, v61  }
0x13a: {  	v16 =	vadd.s32 v46, v16;
	v43 =	vadd.s32 v39, v40;
	v37 =	vsub.s32 v32, v42;
	v42 =	vld [tilespmem:$0xA20];
	(xrf0) =	vadd.scan.msk.s32 $0xffff, v63  }
0x13b: {  	v14 =	vsub.s32 v18, v14;
	v46 =	vld [tilespmem:$0xA30];
	v27 =	vbroadcast v13, $0x3;
	v12 =	vadd.s32 v12, v16  }
0x13c: {  	v11 =	vadd.s32 v11, v12;
	v50 =	vbroadcast v15, $0xE;
	v40 =	vbroadcast v15, $0xC;
	v39, _, _ =	vpop (xrf0)  }
0x13d: {  	v57 =	vbroadcast v15, $0x8;
	v10 =	vadd.s32 v10, v11;
	[tilespmem:$0x1170] =	vst v43;
	v43, _, _ =	vpop (xrf0);
	(xrf0) =	vadd.scan.msk.s32 $0xffff, v35  }
0x13e: {  	[tilespmem:$0x1150] =	vst v17;
	v17 =	vadd.s32 v47, v48;
	v44 =	vsub.s32 v40, v51;
	v48, _, _ =	vpop (xrf0);
	(xrf0) =	vadd.scan.msk.s32 $0xffff, v38  }
0x13f: {  	[tilespmem:$0x1180] =	vst v17;
	v52 =	vadd.s32 v49, v20;
	v17 =	vadd.s32 v53, v54;
	v51 =	vld [tilespmem:$0xA40];
	v54, _, _ =	vpop (xrf0);
	(xrf0) =	vadd.scan.msk.s32 $0xffff, v42  }
0x140: {  	v53 =	vld [tilespmem:$0xA50];
	[tilespmem:$0x11A0] =	vst v17;
	v17 =	vsub.s32 v34, v45;
	v45 =	vbroadcast v15, $0xD;
	v55, _, _ =	vpop (xrf0);
	(xrf0) =	vadd.scan.msk.s32 $0xffff, v46  }
0x141: {  	s31 =	spop (v2sf);
	v19 =	vsub.s32 v57, v25;
	v47 =	vnsel vm8, $0x0, v9;
	[tilespmem:$0x1190] =	vst v52;
	v52 =	vbroadcast v15, $0xF  }
0x142: {  	s8 =	sadd.s32 s8, s31;
	v16 =	vadd.s32 v58, v59;
	v49 =	vsub.s32 v45, v56;
	v56 =	vbroadcast v13, $0x0  }
0x143: {  	v9 =	vadd.s32 s8, v14;
	v10 =	vadd.s32 v47, v10;
	[tilespmem:$0x11B0] =	vst v16;
	v16 =	vsub.s32 v50, v61;
	v61, _, _ =	vpop (xrf0)  }
0x144: {  	v57 =	vld [tilespmem:$0xA60];
	v14 =	vsub.s32 v52, v63;
	v26 =	vadd.s32 v62, v19;
	v62 =	vsub.s32 v56, v35;
	(xrf0) =	vadd.scan.msk.s32 $0xffff, v51;
	v63, _, _ =	vpop (xrf0)  }
0x145: {  	[tilespmem:$0x11C60] =	vst v24;
	v60 =	vld [tilespmem:$0xA70];
	v8 =	vadd.s32 v8, v10;
	v10 =	vadd.s32 v61, v62;
	(xrf0) =	vadd.scan.msk.s32 $0xffff, v53;
	v29, _, _ =	vpop (xrf0)  }
0x146: {  	v24 =	vbroadcast v13, $0x2;
	v7 =	vadd.s32 v7, v8;
	[tilespmem:$0x1240] =	vst v10;
	v10 =	vsub.s32 v27, v46;
	v30, _, _ =	vpop (xrf0)  }
0x147: {  	v6 =	vadd.s32 v6, v7;
	v33 =	vadd.s32 v28, v31;
	v7 =	vadd.s32 v30, v10  }
0x148: {  	v5 =	vnsel vm4, $0x0, v5;
	[tilespmem:$0x11D0] =	vst v33;
	v12 =	vadd.s32 v36, v37  }
0x149: {  	v25 =	vld [tilespmem:$0xA80];
	v33 =	vbroadcast v13, $0x5;
	[tilespmem:$0x11E0] =	vst v12;
	v12 =	vsub.s32 v24, v42;
	(xrf0) =	vadd.scan.msk.s32 $0xffff, v57  }
0x14a: {  	v28 =	vld [tilespmem:$0xA90];
	v31 =	vbroadcast v13, $0x4;
	v8 =	vadd.s32 v29, v12;
	(xrf0) =	vadd.scan.msk.s32 $0xffff, v60;
	[tilespmem:$0x1270] =	vst v7;
	v7, _, _ =	vpop (xrf0)  }
0x14b: {  	v5 =	vadd.s32 v5, v6;
	[tilespmem:$0x1260] =	vst v8;
	v8 =	vsub.s32 v33, v53;
	v36, _, _ =	vpop (xrf0)  }
0x14c: {  	v41 =	vadd.s32 v39, v17;
	v35 =	vsub.s32 v31, v51;
	v6 =	vadd.s32 v36, v8  }
0x14d: {  	v4 =	vnsel vm3, $0x0, v4;
	[tilespmem:$0x11F0] =	vst v41;
	v7 =	vadd.s32 v7, v35  }
0x14e: {  	v32 =	vld [tilespmem:$0xAA0];
	v59 =	vbroadcast v13, $0x1;
	(xrf0) =	vadd.scan.msk.s32 $0xffff, v25;
	[tilespmem:$0x1280] =	vst v7;
	v7 =	vbroadcast v13, $0x7  }
0x14f: {  	v34 =	vld [tilespmem:$0xAB0];
	v37 =	vbroadcast v13, $0x6;
	v11 =	vadd.s32 v43, v44;
	(xrf0) =	vadd.scan.msk.s32 $0xffff, v28;
	[tilespmem:$0x1290] =	vst v6;
	v6, _, _ =	vpop (xrf0)  }
0x150: {  	v4 =	vadd.s32 v4, v5;
	[tilespmem:$0x1200] =	vst v11;
	v11 =	vadd.s32 v48, v49;
	v7 =	vsub.s32 v7, v60;
	v41, _, _ =	vpop (xrf0)  }
0x151: {  	v40 =	vsub.s32 v37, v57;
	[tilespmem:$0x1210] =	vst v11;
	v11 =	vadd.s32 v54, v16;
	v5 =	vadd.s32 v41, v7  }
0x152: {  	[tilespmem:$0x1220] =	vst v11;
	v6 =	vadd.s32 v6, v40  }
0x153: {  	v11 =	vsub.s32 v59, v38;
	v38 =	vld [tilespmem:$0xAC0];
	(xrf0) =	vadd.scan.msk.s32 $0xffff, v32;
	[tilespmem:$0x12A0] =	vst v6;
	v6 =	vbroadcast v13, $0x9  }
0x154: {  	v39 =	vld [tilespmem:$0xAD0];
	v42 =	vbroadcast v13, $0x8;
	(xrf0) =	vadd.scan.msk.s32 $0xffff, v34;
	[tilespmem:$0x12B0] =	vst v5;
	v5, _, _ =	vpop (xrf0)  }
0x155: {  	v3 =	vnsel vm2, $0x0, v3;
	v6 =	vsub.s32 v6, v28;
	v45, _, _ =	vpop (xrf0)  }
0x156: {  	v3 =	vadd.s32 v3, v4;
	v44 =	vsub.s32 v42, v25;
	v4 =	vadd.s32 v45, v6  }
0x157: {  	v5 =	vadd.s32 v5, v44  }
0x158: {  	v43 =	vld [tilespmem:$0xAE0];
	(xrf0) =	vadd.scan.msk.s32 $0xffff, v38;
	[tilespmem:$0x12C0] =	vst v5;
	v5 =	vbroadcast v13, $0xB  }
0x159: {  	v2 =	vnsel vm1, $0x0, v2;
	v46 =	vbroadcast v13, $0xA;
	v7 =	vld [tilespmem:$0xAF0];
	(xrf0) =	vadd.scan.msk.s32 $0xffff, v39;
	[tilespmem:$0x12D0] =	vst v4;
	v4, _, _ =	vpop (xrf0)  }
0x15a: {  	v2 =	vadd.s32 v2, v3;
	v5 =	vsub.s32 v5, v34;
	v48, _, _ =	vpop (xrf0)  }
0x15b: {  	[tilespmem:$0x11C0] =	vst v26;
	v26 =	vadd.s32 v63, v11;
	v11 =	vsub.s32 v46, v32;
	v3 =	vadd.s32 v48, v5  }
0x15c: {  	v4 =	vadd.s32 v4, v11  }
0x15d: {  	v47 =	vld [tilespmem:$0xB00];
	(xrf0) =	vadd.scan.msk.s32 $0xffff, v43;
	[tilespmem:$0x12E0] =	vst v4;
	v4 =	vbroadcast v13, $0xD  }
0x15e: {  	v49 =	vbroadcast v13, $0xC;
	v6 =	vld [tilespmem:$0xB10];
	(xrf0) =	vadd.scan.msk.s32 $0xffff, v7;
	[tilespmem:$0x12F0] =	vst v3;
	v3, _, _ =	vpop (xrf0)  }
0x15f: {  	v1 =	vnsel vm0, $0x0, v1;
	v52 =	vbroadcast v13, $0xE;
	v4 =	vsub.s32 v4, v39;
	v51, _, _ =	vpop (xrf0)  }
0x160: {  	v1 =	vadd.s32 v1, v2;
	v10 =	vsub.s32 v49, v38;
	v2 =	vadd.s32 v51, v4  }
0x161: {  	v3 =	vadd.s32 v3, v10;
	[tilespmem:$0x1310] =	vst v2;
	v2 =	vsub.s32 v52, v43  }
0x162: {  	v50 =	vld [tilespmem:$0xB20];
	(xrf0) =	vadd.scan.msk.s32 $0xffff, v47;
	[tilespmem:$0x1300] =	vst v3;
	v3 =	vbroadcast v13, $0xF  }
0x163: {  	[tilespmem:$0x11C70] =	vst v9;
	v9 =	vadd.s32 v9, v1;
	v5 =	vld [tilespmem:$0xB30];
	(xrf0) =	vadd.scan.msk.s32 $0xffff, v6;
	v1, _, _ =	vpop (xrf0)  }
0x164: {  	v1 =	vadd.s32 v1, v2;
	v3 =	vsub.s32 v3, v7;
	v7 =	vbroadcast v9, $0x0;
	v2, _, _ =	vpop (xrf0)  }
0x165: {  	[tilespmem:$0x1320] =	vst v1;
	v1 =	vadd.s32 v2, v3  }
0x166: {  	v7 =	vsub.s32 v7, v47  }
0x167: {  	v53 =	vld [tilespmem:$0xB40];
	(xrf0) =	vadd.scan.msk.s32 $0xffff, v50;
	v2 =	vbroadcast v9, $0x1  }
0x168: {  	v4 =	vld [tilespmem:$0xB50];
	(xrf0) =	vadd.scan.msk.s32 $0xffff, v5;
	[tilespmem:$0x1330] =	vst v1;
	v1, _, _ =	vpop (xrf0)  }
0x169: {  	v2 =	vsub.s32 v2, v6;
	v6 =	vbroadcast v9, $0x2;
	v1 =	vadd.s32 v1, v7;
	v7, _, _ =	vpop (xrf0)  }
0x16a: {  	[tilespmem:$0x1340] =	vst v1;
	v1 =	vadd.s32 v7, v2  }
0x16b: {  	v6 =	vsub.s32 v6, v50  }
0x16c: {  	v54 =	vld [tilespmem:$0xB60];
	(xrf0) =	vadd.scan.msk.s32 $0xffff, v53;
	v2 =	vbroadcast v9, $0x3  }
0x16d: {  	v3 =	vld [tilespmem:$0xB70];
	(xrf0) =	vadd.scan.msk.s32 $0xffff, v4;
	[tilespmem:$0x1350] =	vst v1;
	v1, _, _ =	vpop (xrf0)  }
0x16e: {  	v2 =	vsub.s32 v2, v5;
	v5 =	vbroadcast v9, $0x4;
	v1 =	vadd.s32 v1, v6;
	v6, _, _ =	vpop (xrf0)  }
0x16f: {  	v58 =	vadd.s32 v55, v14;
	v55 =	vld [tilespmem:$0xB80];
	[tilespmem:$0x1360] =	vst v1;
	v1 =	vadd.s32 v6, v2  }
0x170: {  	v7 =	vld [tilespmem:$0xB90];
	v5 =	vsub.s32 v5, v53  }
0x171: {  	v56 =	vld [tilespmem:$0xBA0];
	(xrf0) =	vadd.scan.msk.s32 $0xffff, v54;
	v2 =	vbroadcast v9, $0x5  }
0x172: {  	v57 =	vld [tilespmem:$0xBB0];
	(xrf0) =	vadd.scan.msk.s32 $0xffff, v3;
	[tilespmem:$0x1370] =	vst v1;
	v1, _, _ =	vpop (xrf0)  }
0x173: {  	v6 =	vld [tilespmem:$0xBC0];
	v2 =	vsub.s32 v2, v4;
	v4 =	vbroadcast v9, $0x6;
	v1 =	vadd.s32 v1, v5;
	v5, _, _ =	vpop (xrf0)  }
0x174: {  	(xrf0) =	vadd.scan.msk.s32 $0xffff, v55;
	[tilespmem:$0x1380] =	vst v1;
	v1 =	vadd.s32 v5, v2  }
0x175: {  	(xrf0) =	vadd.scan.msk.s32 $0xffff, v7;
	v4 =	vsub.s32 v4, v54;
	v2 =	vbroadcast v9, $0x7  }
0x176: {  	[tilespmem:$0x1230] =	vst v58;
	v58 =	vld [tilespmem:$0xBD0];
	(xrf0) =	vadd.scan.msk.s32 $0xffff, v56  }
0x177: {  	v5 =	vld [tilespmem:$0xBE0];
	[tilespmem:$0x1390] =	vst v1;
	v2 =	vsub.s32 v2, v3;
	v1, _, _ =	vpop (xrf0);
	(xrf0) =	vadd.scan.msk.s32 $0xffff, v57  }
0x178: {  	v59 =	vld [tilespmem:$0xBF0];
	v3 =	vbroadcast v9, $0x8;
	v1 =	vadd.s32 v1, v4;
	v4, _, _ =	vpop (xrf0);
	(xrf0) =	vadd.scan.msk.s32 $0xffff, v6  }
0x179: {  	[tilespmem:$0x13A0] =	vst v1;
	v1 =	vadd.s32 v4, v2;
	v4 =	vbroadcast v9, $0x9  }
0x17a: {  	v61 =	vbroadcast v9, $0xC;
	v60 =	vbroadcast v9, $0xA;
	v3 =	vsub.s32 v3, v55;
	v2, _, _ =	vpop (xrf0)  }
0x17b: {  	(xrf0) =	vadd.scan.msk.s32 $0xffff, v58;
	[tilespmem:$0x13B0] =	vst v1;
	v1 =	vadd.s32 v2, v3;
	v2, _, _ =	vpop (xrf0);
	v4 =	vsub.s32 v4, v7  }
0x17c: {  	v3 =	vbroadcast v9, $0xB;
	(xrf0) =	vadd.scan.msk.s32 $0xffff, v5;
	v7, _, _ =	vpop (xrf0)  }
0x17d: {  	[tilespmem:$0x10B0] =	vst v22;
	v10 =	vsub.s32 v60, v56;
	v6 =	vsub.s32 v61, v6;
	(xrf0) =	vadd.scan.msk.s32 $0xffff, v59;
	v62, _, _ =	vpop (xrf0)  }
0x17e: {  	[tilespmem:$0x13C0] =	vst v1;
	v1 =	vadd.s32 v2, v4;
	v2 =	vadd.s32 v7, v10;
	v3 =	vsub.s32 v3, v57;
	v4, _, _ =	vpop (xrf0)  }
0x17f: {  	[tilespmem:$0x13E0] =	vst v2;
	v2 =	vadd.s32 v62, v3;
	v3 =	vadd.s32 v4, v6;
	v4 =	vbroadcast v9, $0xE  }
0x180: {  	v7 =	vbroadcast v9, $0xD;
	[tilespmem:$0x13D0] =	vst v1;
	v1 =	vmul.u32 $0x80, v0  }
0x181: {  	[tilespmem:$0x1250] =	vst v26;
	v4 =	vsub.s32 v4, v5  }
0x182: {  	v7 =	vsub.s32 v7, v58;
	v6, _, _ =	vpop (xrf0);
	[tilespmem:$0x13F0] =	vst v2;
	v9 =	vbroadcast v9, $0xF;
	v2 =	vor.u32 s7, v1  }
0x183: {  	v63, _, _ =	vpop (xrf0);
	[tilespmem:$0x1400] =	vst v3;
	v3 =	vadd.s32 v6, v7  }
0x184: {  	[tilespmem:$0x1410] =	vst v3;
	v5 =	vsub.s32 v9, v59;
	v3 =	vadd.s32 v63, v4;
	v4, _, _ =	vpop (xrf0)  }
0x185: {  	[tilespmem:$0x1420] =	vst v3;
	v3 =	vadd.s32 v4, v5  }
0x186: {  	[tilespmem:$0x1430] =	vst v3  }
0x187: {  	v3 =	vld.idx.msk [tilespmem:v2+s7+$0x0], $0xffff;
	_ =	sdelay $0x4  }
0x188: {  	v3 =	vshll.u32 v3, $0x4  }
0x189: {  	v3 =	vor.u32 v0, v3;
	_ =	sdelay $0x3  }
0x18a: {  	s8 =	simm.s32 $0x1040  }
0x18b: {  	v4 =	vld.idx.msk [tilespmem:v3+s8+$0x0], $0xffff;
	_ =	sdelay $0x1  }
0x18c: {  	s11 =	simm.s32 $0x2;
	s9 =	simm.s32 $0x1440;
	s10 =	simm.s32 $0x1  }
.LBB2_3:
0x18d: {  	p0 =	sne.s32 s11, $0x7F;
	v5 =	vor.u32 s10, v1;
	s10 =	smov.u32 s11;
	_ =	sdelay $0x1  }
0x18e: {  	v6 =	vadd.s32 $0x1, v4  }
0x18f: {  	[tilespmem:v3+s8+$0x0] =	vst.idx.msk $0xffff, v6  }
0x190: {  	[tilespmem:v2+s9+$0x0] =	vst.idx.msk $0xffff, v4;
	v2 =	vmov v5  }
0x191: {  	v3 =	vld.idx.msk [tilespmem:v5+s7+$0x0], $0xffff;
	_ =	sdelay $0x5  }
0x192: {  	v3 =	vshll.u32 v3, $0x4  }
0x193: {  	v3 =	vor.u32 v0, v3;
	_ =	sdelay $0x3  }
.Ltmp1:
0x194: {  	(pc) =	sbr.rel @p0 .LBB2_3-.Ltmp1, $2  }
0x195: {  	v4 =	vld.idx.msk [tilespmem:v3+s8+$0x0], $0xffff;
	_ =	sdelay $0x2  }
0x196: {  	s11 =	sadd.s32 $0x1, s11  }
0x197: {  	_ = 	snop  }
0x198: {  	v1 =	vor.u32 s10, v1;
	_ =	sdelay $0x1  }
0x199: {  	v5 =	vadd.s32 $0x1, v4  }
0x19a: {  	[tilespmem:v3+s8+$0x0] =	vst.idx.msk $0xffff, v5  }
0x19b: {  	[tilespmem:v2+s9+$0x0] =	vst.idx.msk $0xffff, v4  }
0x19c: {  	v2 =	vld.idx.msk [tilespmem:v1+s7+$0x0], $0xffff;
	_ =	sdelay $0x4  }
0x19d: {  	v2 =	vshll.u32 v2, $0x4  }
0x19e: {  	v0 =	vor.u32 v0, v2;
	_ =	sdelay $0x4  }
0x19f: {  	v2 =	vld.idx.msk [tilespmem:v0+s8+$0x0], $0xffff;
	_ =	sdelay $0x4  }
0x1a0: {  	v63 =	vadd.s32 $0x1, v2  }
0x1a1: {  	s4 =	sadd.s32 s4, s5;
	[tilespmem:v0+s8+$0x0] =	vst.idx.msk $0xffff, v63  }
0x1a2: {  	s20 =	simm.s32 $0x0;
	s21 =	simm.s32 $0x1440;
	s22 =	simm.s32 $0x2;
	[tilespmem:v1+s9+$0x0] =	vst.idx.msk $0xffff, v2  }
0x1a3: {  	[hbm4b:s4+s20] =	stream.linear.scatter [tilespmem:s21], [sflag:$0x2], $0x800, $0x38;
	[tilespmem:$0x11C90] =	vst v63  }
0x1a4: {  	_ =	swait.ge [sflag:s22], $0x800  }
0x1a5: {  	s23 =	sshll.u32 s1, $0xD;
	[sflag:s22] =	ssyncset.done $0x0  }
0x1a6: {  	s24 =	simm.s32 $0x1C40;
	s6 =	sadd.s32 s6, s23;
	[sflag:s22] =	ssyncadd.s32 $0xFFFFF800  }
0x1a7: {  	[tilespmem:s24], [sflag:$0x2] =	stream.linear.gather [hbm4b:s6+s20], $0x10000, $0x38;
	[tilespmem:$0x11C90] =	vst v63  }
0x1a8: {  	_ =	swait.ge [sflag:s22], $0x10000  }
0x1a9: {  	[sflag:s22] =	ssyncset.done $0x0  }
0x1aa: {  	s5 =	simm.s32 $0x80;
	s4 =	simm.s32 $0x1;
	[sflag:s22] =	ssyncadd.s32 $0xFFFF0000  }
0x1ab: {  	[hbm4b:s3+s5] =	stream.indirect.scatter [tilespmem:s24], [sflag:$0x1], $0x20, s21, s5, $0xb8;
	[tilespmem:$0x11C90] =	vst v63  }
0x1ac: {  	_ =	swait.ge [sflag:s4], $0x1000  }
0x1ad: {  	[sflag:s4] =	ssyncset.done $0x0  }
0x1ae: {  	s25 =	simm.s32 $0x14C0;
	s26 =	simm.s32 $0x2C40;
	[sflag:s4] =	ssyncadd.s32 $0xFFFFF000  }
0x1af: {  	[hbm4b:s3+s5] =	stream.indirect.scatter [tilespmem:s26], [sflag:$0x1], $0x20, s25, s5, $0xb8;
	[tilespmem:$0x11C90] =	vst v63  }
0x1b0: {  	_ =	swait.ge [sflag:s4], $0x1000  }
0x1b1: {  	[sflag:s4] =	ssyncset.done $0x0  }
0x1b2: {  	s28 =	simm.s32 $0x1540;
	s29 =	simm.s32 $0x3C40;
	[sflag:s4] =	ssyncadd.s32 $0xFFFFF000  }
0x1b3: {  	[hbm4b:s3+s5] =	stream.indirect.scatter [tilespmem:s29], [sflag:$0x1], $0x20, s28, s5, $0xb8;
	[tilespmem:$0x11C90] =	vst v63  }
0x1b4: {  	_ =	swait.ge [sflag:s4], $0x1000  }
0x1b5: {  	[sflag:s4] =	ssyncset.done $0x0  }
0x1b6: {  	s30 =	simm.s32 $0x15C0;
	s31 =	simm.s32 $0x4C40;
	[sflag:s4] =	ssyncadd.s32 $0xFFFFF000  }
0x1b7: {  	[hbm4b:s3+s5] =	stream.indirect.scatter [tilespmem:s31], [sflag:$0x1], $0x20, s30, s5, $0xb8;
	[tilespmem:$0x11C90] =	vst v63  }
0x1b8: {  	_ =	swait.ge [sflag:s4], $0x1000  }
0x1b9: {  	[sflag:s4] =	ssyncset.done $0x0  }
0x1ba: {  	s7 =	simm.s32 $0x1640;
	s8 =	simm.s32 $0x5C40;
	[sflag:s4] =	ssyncadd.s32 $0xFFFFF000  }
0x1bb: {  	[hbm4b:s3+s5] =	stream.indirect.scatter [tilespmem:s8], [sflag:$0x1], $0x20, s7, s5, $0xb8;
	[tilespmem:$0x11C90] =	vst v63  }
0x1bc: {  	_ =	swait.ge [sflag:s4], $0x1000  }
0x1bd: {  	[sflag:s4] =	ssyncset.done $0x0  }
0x1be: {  	s10 =	simm.s32 $0x6C40;
	s9 =	simm.s32 $0x16C0;
	[sflag:s4] =	ssyncadd.s32 $0xFFFFF000  }
0x1bf: {  	[hbm4b:s3+s5] =	stream.indirect.scatter [tilespmem:s10], [sflag:$0x1], $0x20, s9, s5, $0xb8;
	[tilespmem:$0x11C90] =	vst v63  }
0x1c0: {  	_ =	swait.ge [sflag:s4], $0x1000  }
0x1c1: {  	[sflag:s4] =	ssyncset.done $0x0  }
0x1c2: {  	s11 =	simm.s32 $0x1740;
	s12 =	simm.s32 $0x7C40;
	[sflag:s4] =	ssyncadd.s32 $0xFFFFF000  }
0x1c3: {  	[hbm4b:s3+s5] =	stream.indirect.scatter [tilespmem:s12], [sflag:$0x1], $0x20, s11, s5, $0xb8;
	[tilespmem:$0x11C90] =	vst v63  }
0x1c4: {  	_ =	swait.ge [sflag:s4], $0x1000  }
0x1c5: {  	[sflag:s4] =	ssyncset.done $0x0  }
0x1c6: {  	s13 =	simm.s32 $0x17C0;
	s14 =	simm.s32 $0x8C40;
	[sflag:s4] =	ssyncadd.s32 $0xFFFFF000  }
0x1c7: {  	[hbm4b:s3+s5] =	stream.indirect.scatter [tilespmem:s14], [sflag:$0x1], $0x20, s13, s5, $0xb8;
	[tilespmem:$0x11C90] =	vst v63  }
0x1c8: {  	_ =	swait.ge [sflag:s4], $0x1000  }
0x1c9: {  	[sflag:s4] =	ssyncset.done $0x0  }
0x1ca: {  	s15 =	simm.s32 $0x1840;
	s16 =	simm.s32 $0x9C40;
	[sflag:s4] =	ssyncadd.s32 $0xFFFFF000  }
0x1cb: {  	[hbm4b:s3+s5] =	stream.indirect.scatter [tilespmem:s16], [sflag:$0x1], $0x20, s15, s5, $0xb8;
	[tilespmem:$0x11C90] =	vst v63  }
0x1cc: {  	_ =	swait.ge [sflag:s4], $0x1000  }
0x1cd: {  	[sflag:s4] =	ssyncset.done $0x0  }
0x1ce: {  	s17 =	simm.s32 $0x18C0;
	s18 =	simm.s32 $0xAC40;
	[sflag:s4] =	ssyncadd.s32 $0xFFFFF000  }
0x1cf: {  	[hbm4b:s3+s5] =	stream.indirect.scatter [tilespmem:s18], [sflag:$0x1], $0x20, s17, s5, $0xb8;
	[tilespmem:$0x11C90] =	vst v63  }
0x1d0: {  	_ =	swait.ge [sflag:s4], $0x1000  }
0x1d1: {  	[sflag:s4] =	ssyncset.done $0x0  }
0x1d2: {  	s19 =	simm.s32 $0x1940;
	s20 =	simm.s32 $0xBC40;
	[sflag:s4] =	ssyncadd.s32 $0xFFFFF000  }
0x1d3: {  	[hbm4b:s3+s5] =	stream.indirect.scatter [tilespmem:s20], [sflag:$0x1], $0x20, s19, s5, $0xb8;
	[tilespmem:$0x11C90] =	vst v63  }
0x1d4: {  	_ =	swait.ge [sflag:s4], $0x1000  }
0x1d5: {  	[sflag:s4] =	ssyncset.done $0x0  }
0x1d6: {  	s22 =	simm.s32 $0xCC40;
	s21 =	simm.s32 $0x19C0;
	[sflag:s4] =	ssyncadd.s32 $0xFFFFF000  }
0x1d7: {  	[hbm4b:s3+s5] =	stream.indirect.scatter [tilespmem:s22], [sflag:$0x1], $0x20, s21, s5, $0xb8;
	[tilespmem:$0x11C90] =	vst v63  }
0x1d8: {  	_ =	swait.ge [sflag:s4], $0x1000  }
0x1d9: {  	[sflag:s4] =	ssyncset.done $0x0  }
0x1da: {  	s23 =	simm.s32 $0x1A40;
	s24 =	simm.s32 $0xDC40;
	[sflag:s4] =	ssyncadd.s32 $0xFFFFF000  }
0x1db: {  	[hbm4b:s3+s5] =	stream.indirect.scatter [tilespmem:s24], [sflag:$0x1], $0x20, s23, s5, $0xb8;
	[tilespmem:$0x11C90] =	vst v63  }
0x1dc: {  	_ =	swait.ge [sflag:s4], $0x1000  }
0x1dd: {  	[sflag:s4] =	ssyncset.done $0x0  }
0x1de: {  	s25 =	simm.s32 $0x1AC0;
	s26 =	simm.s32 $0xEC40;
	[sflag:s4] =	ssyncadd.s32 $0xFFFFF000  }
0x1df: {  	[hbm4b:s3+s5] =	stream.indirect.scatter [tilespmem:s26], [sflag:$0x1], $0x20, s25, s5, $0xb8;
	[tilespmem:$0x11C90] =	vst v63  }
0x1e0: {  	_ =	swait.ge [sflag:s4], $0x1000  }
0x1e1: {  	[sflag:s4] =	ssyncset.done $0x0  }
0x1e2: {  	s28 =	simm.s32 $0x1B40;
	s29 =	simm.s32 $0xFC40;
	[sflag:s4] =	ssyncadd.s32 $0xFFFFF000  }
0x1e3: {  	[hbm4b:s3+s5] =	stream.indirect.scatter [tilespmem:s29], [sflag:$0x1], $0x20, s28, s5, $0xb8;
	[tilespmem:$0x11C90] =	vst v63  }
0x1e4: {  	_ =	swait.ge [sflag:s4], $0x1000  }
0x1e5: {  	[sflag:s4] =	ssyncset.done $0x0  }
0x1e6: {  	s30 =	simm.s32 $0x1BC0;
	s31 =	simm.s32 $0x10C40;
	[sflag:s4] =	ssyncadd.s32 $0xFFFFF000  }
0x1e7: {  	[hbm4b:s3+s5] =	stream.indirect.scatter [tilespmem:s31], [sflag:$0x1], $0x20, s30, s5, $0xb8;
	[tilespmem:$0x11C90] =	vst v63  }
0x1e8: {  	_ =	swait.ge [sflag:s4], $0x1000  }
0x1e9: {  	[sflag:s4] =	ssyncset.done $0x0  }
0x1ea: {  	p0 =	sne.s32 s1, $0x0;
	[sflag:s4] =	ssyncadd.s32 $0xFFFFF000  }
0x1eb: {  	_ =	sfence.sel @p0 $0x180000  }
0x1ec: {  	[bflag:$0x0] =	sbarrier.arrive @p0 $0xFFFF  }
0x1ed: {  	_ =	strace @p0 $0x90000047  }
0x1ee: {  	s1 =	simm.s32 @!p0 $0x0;
	s3 =	simm.s32 @!p0 $0x11C40;
	[bflag:$0x2] =	sbarrier.arrive @p0 $0xFFFF  }
0x1ef: {  	[hbm4b:s2+s1] =	stream.linear.scatter @!p0 [tilespmem:s3], [sflag:$0x2], $0x50, $0x38;
	[tilespmem:$0x11C90] =	vst v63  }
0x1f0: {  	s1 =	simm.s32 @!p0 $0x2  }
0x1f1: {  	_ =	swait.ge @!p0 [sflag:s1], $0x50  }
0x1f2: {  	[sflag:s1] =	ssyncset.done @!p0 $0x0  }
0x1f3: {  	[sflag:s1] =	ssyncadd.s32 @!p0 $0xFFFFFFB0  }
0x1f4: {  	_ =	sfence.sel @!p0 $0x180000  }
0x1f5: {  	[bflag:$0x0] =	sbarrier.arrive @!p0 $0xFFFF  }
0x1f6: {  	_ =	strace @!p0 $0x90000047  }
0x1f7: {  	s0 =	sadd.s32 @!p0 $0x100000, s0;
	[bflag:$0x2] =	sbarrier.arrive @!p0 $0xFFFF  }
0x1f8: {  	[sflag:s0] =	ssyncadd.tile.s32 @!p0 $0x1;
	_ =	shalt  }
.Lfunc_end2:
_tile_overlayer_lowered:
.L_overlay_start_2:
0x1f9: {  	(tag) =	ssettag $0x2  }
0x1fa: {  	s0 =	rddreg [dreg:$0x0];
	s2 =	stileid.u32  }
0x1fb: {  	s1 =	rddreg [dreg:$0x1];
	p0 =	sne.s32 s2, $0x0  }
0x1fc: {  	s3 =	rddreg [dreg:$0x2];
	[bflag:$0x3] =	sbarrier.arrive $0xFFFF;
	s2 =	simm.s32 @!p0 $0x1C02  }
0x1fd: {  	[timem:s3], [sflag:s2] =	dma.local @!p0 [hbm:s0], s1  }
0x1fe: {  	s0 =	simm.s32 @!p0 $0x2  }
0x1ff: {  	_ =	swait.ge @!p0 [sflag:s0], s1  }
0x200: {  	s1 =	ssub.s32 @!p0 $0x0, s1;
	[sflag:s0] =	ssyncset.done @!p0 $0x0  }
0x201: {  	[sflag:s0] =	ssyncadd.s32 @!p0 s1  }
0x202: {  	[bflag:$0x3] =	sbarrier.arrive $0xFFFF  }
0x203: {  	_ =	shalt  }

// kernel: kernel.9.cloned.1.call-start
scs
__scs_entry_jumppad:
0x0: {  	(pc) =	sbr.rel $0x88, $3  }
0x1: {  	(tag) =	ssettag $0x0;
	lr =	simm.s32 $0x1  }
0x2: {  	[smem:$0x3F90] =	sst lr;
	_ =	strace $0xD0000000  }
0x3: {  	_ = 	snop  }
0x4: {  	_ = 	snop  }
0x5: {  	_ = 	snop  }
0x6: {  	_ = 	snop  }
0x7: {  	_ = 	snop  }
__scs_overlays_trampoline_lowered:
0x8: {  	[smem:$0x3F9F] =	sst s0  }
0x9: {  	[smem:$0x3FA0] =	sst s1  }
0xa: {  	[smem:$0x3FA1] =	sst s2  }
0xb: {  	[smem:$0x3FA2] =	sst s3  }
0xc: {  	[smem:$0x3FA3] =	sst s4  }
0xd: {  	[smem:$0x3FA4] =	sst s5  }
0xe: {  	[smem:$0x3FA5] =	sst s6  }
0xf: {  	[smem:$0x3FA6] =	sst s7  }
0x10: {  	[smem:$0x3FA7] =	sst s8  }
0x11: {  	[smem:$0x3FA8] =	sst s9;
	s0 =	simm.s32 @!p0 $0x0  }
0x12: {  	s1 =	sld [smem:$0x3F8E];
	s0 =	simm.s32 @p0 $0x1  }
0x13: {  	[smem:$0x3FA9] =	sst s0;
	s0 =	simm.s32 @!p1 $0x0  }
0x14: {  	s2 =	sld [smem:$0x3F8D];
	s0 =	simm.s32 @p1 $0x1  }
0x15: {  	[smem:$0x3FAA] =	sst s0;
	s0 =	simm.s32 @!p2 $0x0  }
0x16: {  	s3 =	sld [smem:$0x3FDB];
	s0 =	simm.s32 @p2 $0x1  }
0x17: {  	s4 =	simm.s32 $0x1BF5;
	[smem:$0x3FAC] =	sst s0  }
0x18: {  	s0 =	sld [smem:$0x3F8F];
	_ =	swait.ge [sflag:s4], $0x0  }
0x19: {  	s7 =	sld [smem:$0x3F90]  }
0x1a: {  	s8 =	sadd.s32 $0xFFFFE003, lr  }
0x1b: {  	s9 =	sadd.s32 $0xFFFFFEF7, lr;
	s5 =	simm.s32 $0xFFFFFFFF;
	p2 =	slt.u32 s8, $0xFFFFF086  }
0x1c: {  	p1 =	slt.u32 s9, $0xF7A;
	s5 =	simm.s32 @!p2 $0x0  }
0x1d: {  	s5 =	simm.s32 @p1 $0x1;
	p0 =	seq.s32 s7, s2  }
0x1e: {  	s7 =	smul.u32 @!p0 $0xF7A, s2;
	p2 =	seq.s32 @!p0 s5, $0x0  }
0x1f: {  	s9 =	smul.u32 $0xF7A, s1;
	s8 =	simm.s32 @!p0 $0x1BF5;
	p2 =	por !p2, p0  }
0x20: {  	[sflag:s8] =	ssyncset.s32 @!p0 $0xFFFFF086;
	s6 =	sadd.s32 @!p0 s3, s7;
	s7 =	simm.s32 @!p0 $0x108  }
0x21: {  	s3 =	sadd.s32 s3, s9;
	s6 =	sadd.s32 @!p0 $0x88, s6;
	s7 =	simm.s32 @p2 $0x1082  }
0x22: {  	[simem:s7], [sflag:s8] =	dma.local @!p0 [hbm:s6], $0xF7A  }
0x23: {  	s9 =	sor.u32 $0xD0000000, s2;
	s6 =	simm.s32 $0x108;
	_ =	swait.ge @!p0 [sflag:s8], $0x0  }
0x24: {  	s3 =	sadd.s32 $0x88, s3;
	s6 =	simm.s32 @!p1 $0x1082;
	[sflag:s4] =	ssyncset.s32 $0xFFFFF086  }
0x25: {  	[simem:s6], [sflag:s4] =	dma.local [hbm:s3], $0xF7A  }
0x26: {  	[smem:$0x3F90] =	sst s1;
	(tag) =	ssettag s2;
	_ =	strace s9  }
0x27: {  	s1 =	sld [smem:$0x3FA0]  }
0x28: {  	s2 =	sld [smem:$0x3FA1]  }
0x29: {  	s4 =	sld [smem:$0x3FA3]  }
0x2a: {  	p0 =	seq.s32 s5, $0x0;
	s5 =	sld [smem:$0x3FA4]  }
0x2b: {  	s6 =	sld [smem:$0x3FA5]  }
0x2c: {  	s7 =	sld [smem:$0x3FA6]  }
0x2d: {  	s3 =	simm.s32 $0x108;
	s8 =	sld [smem:$0x3FA7]  }
0x2e: {  	s3 =	simm.s32 @!p0 $0x1082;
	s9 =	sld [smem:$0x3FA8]  }
0x2f: {  	lr =	sadd.s32 s0, s3;
	s0 =	sld [smem:$0x3F9F]  }
0x30: {  	s3 =	sld [smem:$0x3FA2]  }
0x31: {  	[smem:$0x3FAB] =	sst s10  }
0x32: {  	s10 =	sld [smem:$0x3FA9];
	_ =	sdelay $0x3  }
0x33: {  	p0 =	seq.s32 s10, $0x1;
	s10 =	sld [smem:$0x3FAB];
	_ =	sdelay $0x3  }
0x34: {  	[smem:$0x3FAB] =	sst s10  }
0x35: {  	s10 =	sld [smem:$0x3FAA];
	_ =	sdelay $0x3  }
0x36: {  	p1 =	seq.s32 s10, $0x1;
	s10 =	sld [smem:$0x3FAB];
	_ =	sdelay $0x3  }
0x37: {  	[smem:$0x3FAB] =	sst s10  }
0x38: {  	s10 =	sld [smem:$0x3FAC]  }
0x39: {  	_ = 	snop;
	(pc) =	sbr.ind lr, $3  }
0x3a: {  	_ = 	snop  }
0x3b: {  	_ = 	snop  }
0x3c: {  	p2 =	seq.s32 s10, $0x1;
	s10 =	sld [smem:$0x3FAB]  }
0x3d: {  	_ =	shalt  }
0x3e: {  	_ =	shalt  }
0x3f: {  	_ =	shalt  }
0x40: {  	_ =	shalt  }
0x41: {  	_ =	shalt  }
0x42: {  	_ =	shalt  }
0x43: {  	_ =	shalt  }
0x44: {  	_ =	shalt  }
0x45: {  	_ =	shalt  }
0x46: {  	_ =	shalt  }
0x47: {  	_ =	shalt  }
0x48: {  	_ =	shalt  }
0x49: {  	_ =	shalt  }
0x4a: {  	_ =	shalt  }
0x4b: {  	_ =	shalt  }
0x4c: {  	_ =	shalt  }
0x4d: {  	_ =	shalt  }
0x4e: {  	_ =	shalt  }
0x4f: {  	_ =	shalt  }
0x50: {  	_ =	shalt  }
0x51: {  	_ =	shalt  }
0x52: {  	_ =	shalt  }
0x53: {  	_ =	shalt  }
0x54: {  	_ =	shalt  }
0x55: {  	_ =	shalt  }
0x56: {  	_ =	shalt  }
0x57: {  	_ =	shalt  }
0x58: {  	_ =	shalt  }
0x59: {  	_ =	shalt  }
0x5a: {  	_ =	shalt  }
0x5b: {  	_ =	shalt  }
0x5c: {  	_ =	shalt  }
0x5d: {  	_ =	shalt  }
0x5e: {  	_ =	shalt  }
0x5f: {  	_ =	shalt  }
0x60: {  	_ =	shalt  }
0x61: {  	_ =	shalt  }
0x62: {  	_ =	shalt  }
0x63: {  	_ =	shalt  }
0x64: {  	_ =	shalt  }
0x65: {  	_ =	shalt  }
0x66: {  	_ =	shalt  }
0x67: {  	_ =	shalt  }
0x68: {  	_ =	shalt  }
0x69: {  	_ =	shalt  }
0x6a: {  	_ =	shalt  }
0x6b: {  	_ =	shalt  }
0x6c: {  	_ =	shalt  }
0x6d: {  	_ =	shalt  }
0x6e: {  	_ =	shalt  }
0x6f: {  	_ =	shalt  }
0x70: {  	_ =	shalt  }
0x71: {  	_ =	shalt  }
0x72: {  	_ =	shalt  }
0x73: {  	_ =	shalt  }
0x74: {  	_ =	shalt  }
0x75: {  	_ =	shalt  }
0x76: {  	_ =	shalt  }
0x77: {  	_ =	shalt  }
0x78: {  	_ =	shalt  }
0x79: {  	_ =	shalt  }
0x7a: {  	_ =	shalt  }
0x7b: {  	_ =	shalt  }
0x7c: {  	_ =	shalt  }
0x7d: {  	_ =	shalt  }
0x7e: {  	_ =	shalt  }
0x7f: {  	_ =	shalt  }
0x80: {  	_ =	shalt  }
0x81: {  	_ =	shalt  }
0x82: {  	_ =	shalt  }
0x83: {  	_ =	shalt  }
0x84: {  	_ =	shalt  }
0x85: {  	_ =	shalt  }
0x86: {  	_ =	shalt  }
0x87: {  	_ =	shalt  }
.Lfunc_end0:
.L_simem_size_0:
called_computation.1_lowered:
.L_overlay_start_0:
0x88: {  	s0 =	sld [smem:$0x3FD9]  }
0x89: {  	s1 =	sld [smem:$0x3FFE];
	_ =	sdelay $0x3  }
0x8a: {  	s0 =	sadd.s32 s1, s0  }
0x8b: {  	[smem:$0x3FB7] =	sst s0  }
0x8c: {  	_ = 	snop  }
0x8d: {  	s0 =	sld [smem:$0x3FD0];
	(tm) =	ssettm $0x1  }
0x8e: {  	s16 =	sld [smem:$0x3FFB];
	_ =	sdelay $0x3  }
0x8f: {  	_ =	strace s16  }
0x90: {  	s1 =	sld [smem:$0x3FFC];
	_ =	sdelay $0x3  }
0x91: {  	_ =	strace s1  }
0x92: {  	s1 =	sld [smem:$0x3FFD];
	_ =	sdelay $0x3  }
0x93: {  	_ =	strace s1  }
0x94: {  	_ =	strace $0x8FFFFFFF  }
0x95: {  	s17 =	sld [smem:$0x3FDB];
	_ =	sdelay $0x1  }
0x96: {  	s2 =	simm.s32 $_scs_section_size  }
0x97: {  	s3 =	simm.s32 $_size__tile_overlayer_lowered;
	s4 =	simm.s32 $_tile_overlayer_lowered  }
0x98: {  	s20 =	simm.s32 $0x1BFF;
	s19 =	sshll.u32 s4, $0x1;
	s1 =	sadd.s32 s2, s17  }
0x99: {  	s5 =	simm.s32 $0x0;
	s18 =	sshll.u32 s3, $0x1;
	s3 =	sadd.s32 s19, s1  }
0x9a: {  	[timem:s5], [sflag:s20] =	dma.local [hbm:s3], s18  }
0x9b: {  	_ =	swait.ge [sflag:s20], s18  }
0x9c: {  	s2 =	ssub.s32 $0x0, s18;
	[sflag:s20] =	ssyncset.done $0x0  }
0x9d: {  	[sflag:s20] =	ssyncadd.s32 s2;
	_ =	sdelay $0x1  }
0x9e: {  	s21 =	simm.s32 $0x1B8B  }
0x9f: {  	_ =	swait.ge [sflag:s21], $0x1  }
0xa0: {  	[sflag:s21] =	ssyncset.done $0x0  }
0xa1: {  	s23 =	simm.s32 $0x1B8E;
	s22 =	sld [smem:$0x3FFE];
	[sflag:s21] =	ssyncadd.s32 $0xFFFFFFFF  }
0xa2: {  	s24 =	simm.s32 $execute0_lowered;
	[smem:$0x3FD2] =	sst s23  }
0xa3: {  	s3 =	sshll.u32 s24, $0x1;
	_ =	strace $0x80000049;
	[dreg:$0x1] =	wrdreg $0xFFFFFFFF  }
0xa4: {  	s25 =	simm.s32 $_size_execute0_lowered;
	s1 =	sadd.s32 s1, s3;
	[dreg:$0x0] =	wrdreg $0x0  }
0xa5: {  	s3 =	sshll.u32 s25, $0x1;
	[dreg:$0x2] =	wrdreg s1  }
0xa6: {  	[dreg:$0x3] =	wrdreg s3  }
0xa7: {  	[dreg:$0x4] =	wrdreg $0xC0  }
0xa8: {  	_ =	task [dreg:s5], $0x5FFFF  }
0xa9: {  	[dreg:$0x1] =	wrdreg $0xFFFFFFFF  }
0xaa: {  	[dreg:$0x0] =	wrdreg $0x60  }
0xab: {  	[dreg:$0x2] =	wrdreg s22  }
0xac: {  	[dreg:$0x3] =	wrdreg s0  }
0xad: {  	[dreg:$0x4] =	wrdreg $0x9  }
0xae: {  	_ =	task.clear_ibuf [dreg:s5], $0x5FFFF;
	_ =	strace $0x90000049  }
0xaf: {  	s26 =	simm.s32 $0x9;
	_ =	strace $0x8000004B  }
0xb0: {  	_ =	swait.ge [sflag:s26], $0x1  }
0xb1: {  	[sflag:s26] =	ssyncadd.s32 $0xFFFFFFFF  }
0xb2: {  	_ =	strace $0x9000004B  }
0xb3: {  	_ =	sfence  }
0xb4: {  	s28 =	sld [smem:$0x0];
	_ =	sdelay $0x1  }
0xb5: {  	s29 =	srdreg.scid  }
0xb6: {  	s30 =	sshll.u32 s29, $0xD;
	s31 =	sshrl.u32 s29, $0x2  }
0xb7: {  	s2 =	sand.u32 $0x4000, s30;
	s1 =	sand.u32 $0x1, s29;
	s0 =	sadd.s32 s31, s28  }
0xb8: {  	s1 =	sor.u32 s2, s1;
	s0 =	sshll.u32 s0, $0x11  }
0xb9: {  	s0 =	sor.u32 s0, s1  }
0xba: {  	s0 =	sadd.s32 $0x8F2B, s0  }
0xbb: {  	[sflag:s0] =	ssyncadd.remote.s32 $0x1  }
0xbc: {  	_ =	sfence.sel $0xFFFF  }
0xbd: {  	[dreg:$0x0] =	wrdreg $0xFFFFFFFF;
	(pc) =	sbr.abs _section_cstart, $3  }
0xbe: {  	[dreg:$0x1] =	wrdreg $0xFFFFFFFF  }
0xbf: {  	_ =	task.clear_ibuf [dreg:s5], $0x2FFFF;
	_ =	strace $0x9FFFFFFF  }
0xc0: {  	(tm) =	ssettm $0x7FFFFFFF  }
0xc1: {  	_ =	shalt  }
tec
execute0_lowered:
.L_overlay_start_1:
0x0: {  	(tag) =	ssettag $0x1  }
0x1: {  	s8 =	rddreg [dreg:$0x0]  }
0x2: {  	s4 =	rddreg [dreg:$0x1];
	s2 =	simm.s32 $0x0;
	s1 =	stileid.u32  }
0x3: {  	[smem:$0x7FF] =	sst s2;
	s3 =	sshll.u32 s1, $0x8  }
0x4: {  	s0 =	rddreg [dreg:$0x2];
	_ =	strace $0x8000004A;
	s3 =	sadd.s32 s4, s3  }
0x5: {  	[tilespmem:s2], [sflag:$0x2] =	stream.linear.gather [hbm4b:s3+s2], $0x80, $0x38;
	[tilespmem:$0x880] =	vst v63  }
0x6: {  	s3 =	simm.s32 $0x2  }
0x7: {  	_ =	swait.ge [sflag:s3], $0x80  }
0x8: {  	s5 =	simm.s32 $0x80;
	[sflag:s3] =	ssyncset.done $0x0  }
0x9: {  	s6 =	simm.s32 $0x1;
	s7 =	sadd.s32 $0x3600, s8;
	[sflag:s3] =	ssyncadd.s32 $0xFFFFFF80  }
0xa: {  	[tilespmem:s5], [sflag:$0x1] =	stream.indirect.gather [hbm4b:s7+s5], $0x10, s2, s5, $0xb8;
	[tilespmem:$0x880] =	vst v63  }
0xb: {  	_ =	swait.ge [sflag:s6], $0x800  }
0xc: {  	s8 =	sadd.s32 $0x13600, s8;
	s10 =	sshll.u32 s1, $0xC;
	[sflag:s6] =	ssyncset.done $0x0  }
0xd: {  	s9 =	sshll.u32 s1, $0xB;
	s10 =	sadd.s32 s8, s10;
	[sflag:s6] =	ssyncadd.s32 $0xFFFFF800  }
0xe: {  	[hbm4b:s10+s2] =	stream.linear.scatter [tilespmem:s5], [sflag:$0x2], $0x800, $0x38;
	[tilespmem:$0x880] =	vst v63  }
0xf: {  	s21 =	sor.u32 $0x80, s9;
	_ =	swait.ge [sflag:s3], $0x800  }
0x10: {  	s11 =	sshrl.u32 s21, $0x3;
	[sflag:s3] =	ssyncset.done $0x0  }
0x11: {  	s11 =	sadd.s32 s4, s11;
	[sflag:s3] =	ssyncadd.s32 $0xFFFFF800  }
0x12: {  	[tilespmem:s2], [sflag:$0x2] =	stream.linear.gather [hbm4b:s11+s2], $0x80, $0x38;
	[tilespmem:$0x880] =	vst v63  }
0x13: {  	_ =	swait.ge [sflag:s3], $0x80  }
0x14: {  	[sflag:s3] =	ssyncset.done $0x0  }
0x15: {  	[sflag:s3] =	ssyncadd.s32 $0xFFFFFF80  }
0x16: {  	[tilespmem:s5], [sflag:$0x1] =	stream.indirect.gather [hbm4b:s7+s5], $0x10, s2, s5, $0xb8;
	[tilespmem:$0x880] =	vst v63  }
0x17: {  	_ =	swait.ge [sflag:s6], $0x800  }
0x18: {  	s10 =	sshll.u32 s21, $0x1;
	[sflag:s6] =	ssyncset.done $0x0  }
0x19: {  	s10 =	sadd.s32 s8, s10;
	[sflag:s6] =	ssyncadd.s32 $0xFFFFF800  }
0x1a: {  	[hbm4b:s10+s2] =	stream.linear.scatter [tilespmem:s5], [sflag:$0x2], $0x800, $0x38;
	[tilespmem:$0x880] =	vst v63  }
0x1b: {  	s22 =	sor.u32 $0x100, s9;
	_ =	swait.ge [sflag:s3], $0x800  }
0x1c: {  	s23 =	sshrl.u32 s22, $0x3;
	[sflag:s3] =	ssyncset.done $0x0  }
0x1d: {  	s11 =	sadd.s32 s4, s23;
	[sflag:s3] =	ssyncadd.s32 $0xFFFFF800  }
0x1e: {  	[tilespmem:s2], [sflag:$0x2] =	stream.linear.gather [hbm4b:s11+s2], $0x80, $0x38;
	[tilespmem:$0x880] =	vst v63  }
0x1f: {  	_ =	swait.ge [sflag:s3], $0x80  }
0x20: {  	[sflag:s3] =	ssyncset.done $0x0  }
0x21: {  	[sflag:s3] =	ssyncadd.s32 $0xFFFFFF80  }
0x22: {  	[tilespmem:s5], [sflag:$0x1] =	stream.indirect.gather [hbm4b:s7+s5], $0x10, s2, s5, $0xb8;
	[tilespmem:$0x880] =	vst v63  }
0x23: {  	_ =	swait.ge [sflag:s6], $0x800  }
0x24: {  	s10 =	sshll.u32 s22, $0x1;
	[sflag:s6] =	ssyncset.done $0x0  }
0x25: {  	s10 =	sadd.s32 s8, s10;
	[sflag:s6] =	ssyncadd.s32 $0xFFFFF800  }
0x26: {  	[hbm4b:s10+s2] =	stream.linear.scatter [tilespmem:s5], [sflag:$0x2], $0x800, $0x38;
	[tilespmem:$0x880] =	vst v63  }
0x27: {  	s24 =	sor.u32 $0x180, s9;
	_ =	swait.ge [sflag:s3], $0x800  }
0x28: {  	s25 =	sshrl.u32 s24, $0x3;
	[sflag:s3] =	ssyncset.done $0x0  }
0x29: {  	s11 =	sadd.s32 s4, s25;
	[sflag:s3] =	ssyncadd.s32 $0xFFFFF800  }
0x2a: {  	[tilespmem:s2], [sflag:$0x2] =	stream.linear.gather [hbm4b:s11+s2], $0x80, $0x38;
	[tilespmem:$0x880] =	vst v63  }
0x2b: {  	_ =	swait.ge [sflag:s3], $0x80  }
0x2c: {  	[sflag:s3] =	ssyncset.done $0x0  }
0x2d: {  	[sflag:s3] =	ssyncadd.s32 $0xFFFFFF80  }
0x2e: {  	[tilespmem:s5], [sflag:$0x1] =	stream.indirect.gather [hbm4b:s7+s5], $0x10, s2, s5, $0xb8;
	[tilespmem:$0x880] =	vst v63  }
0x2f: {  	_ =	swait.ge [sflag:s6], $0x800  }
0x30: {  	s10 =	sshll.u32 s24, $0x1;
	[sflag:s6] =	ssyncset.done $0x0  }
0x31: {  	s10 =	sadd.s32 s8, s10;
	[sflag:s6] =	ssyncadd.s32 $0xFFFFF800  }
0x32: {  	[hbm4b:s10+s2] =	stream.linear.scatter [tilespmem:s5], [sflag:$0x2], $0x800, $0x38;
	[tilespmem:$0x880] =	vst v63  }
0x33: {  	s26 =	sor.u32 $0x200, s9;
	_ =	swait.ge [sflag:s3], $0x800  }
0x34: {  	s28 =	sshrl.u32 s26, $0x3;
	[sflag:s3] =	ssyncset.done $0x0  }
0x35: {  	s11 =	sadd.s32 s4, s28;
	[sflag:s3] =	ssyncadd.s32 $0xFFFFF800  }
0x36: {  	[tilespmem:s2], [sflag:$0x2] =	stream.linear.gather [hbm4b:s11+s2], $0x80, $0x38;
	[tilespmem:$0x880] =	vst v63  }
0x37: {  	_ =	swait.ge [sflag:s3], $0x80  }
0x38: {  	[sflag:s3] =	ssyncset.done $0x0  }
0x39: {  	[sflag:s3] =	ssyncadd.s32 $0xFFFFFF80  }
0x3a: {  	[tilespmem:s5], [sflag:$0x1] =	stream.indirect.gather [hbm4b:s7+s5], $0x10, s2, s5, $0xb8;
	[tilespmem:$0x880] =	vst v63  }
0x3b: {  	_ =	swait.ge [sflag:s6], $0x800  }
0x3c: {  	s10 =	sshll.u32 s26, $0x1;
	[sflag:s6] =	ssyncset.done $0x0  }
0x3d: {  	s10 =	sadd.s32 s8, s10;
	[sflag:s6] =	ssyncadd.s32 $0xFFFFF800  }
0x3e: {  	[hbm4b:s10+s2] =	stream.linear.scatter [tilespmem:s5], [sflag:$0x2], $0x800, $0x38;
	[tilespmem:$0x880] =	vst v63  }
0x3f: {  	s29 =	sor.u32 $0x280, s9;
	_ =	swait.ge [sflag:s3], $0x800  }
0x40: {  	s30 =	sshrl.u32 s29, $0x3;
	[sflag:s3] =	ssyncset.done $0x0  }
0x41: {  	s11 =	sadd.s32 s4, s30;
	[sflag:s3] =	ssyncadd.s32 $0xFFFFF800  }
0x42: {  	[tilespmem:s2], [sflag:$0x2] =	stream.linear.gather [hbm4b:s11+s2], $0x80, $0x38;
	[tilespmem:$0x880] =	vst v63  }
0x43: {  	_ =	swait.ge [sflag:s3], $0x80  }
0x44: {  	[sflag:s3] =	ssyncset.done $0x0  }
0x45: {  	[sflag:s3] =	ssyncadd.s32 $0xFFFFFF80  }
0x46: {  	[tilespmem:s5], [sflag:$0x1] =	stream.indirect.gather [hbm4b:s7+s5], $0x10, s2, s5, $0xb8;
	[tilespmem:$0x880] =	vst v63  }
0x47: {  	_ =	swait.ge [sflag:s6], $0x800  }
0x48: {  	s10 =	sshll.u32 s29, $0x1;
	[sflag:s6] =	ssyncset.done $0x0  }
0x49: {  	s10 =	sadd.s32 s8, s10;
	[sflag:s6] =	ssyncadd.s32 $0xFFFFF800  }
0x4a: {  	[hbm4b:s10+s2] =	stream.linear.scatter [tilespmem:s5], [sflag:$0x2], $0x800, $0x38;
	[tilespmem:$0x880] =	vst v63  }
0x4b: {  	s31 =	sor.u32 $0x300, s9;
	_ =	swait.ge [sflag:s3], $0x800  }
0x4c: {  	s12 =	sshrl.u32 s31, $0x3;
	[sflag:s3] =	ssyncset.done $0x0  }
0x4d: {  	s11 =	sadd.s32 s4, s12;
	[sflag:s3] =	ssyncadd.s32 $0xFFFFF800  }
0x4e: {  	[tilespmem:s2], [sflag:$0x2] =	stream.linear.gather [hbm4b:s11+s2], $0x80, $0x38;
	[tilespmem:$0x880] =	vst v63  }
0x4f: {  	_ =	swait.ge [sflag:s3], $0x80  }
0x50: {  	[sflag:s3] =	ssyncset.done $0x0  }
0x51: {  	[sflag:s3] =	ssyncadd.s32 $0xFFFFFF80  }
0x52: {  	[tilespmem:s5], [sflag:$0x1] =	stream.indirect.gather [hbm4b:s7+s5], $0x10, s2, s5, $0xb8;
	[tilespmem:$0x880] =	vst v63  }
0x53: {  	_ =	swait.ge [sflag:s6], $0x800  }
0x54: {  	s10 =	sshll.u32 s31, $0x1;
	[sflag:s6] =	ssyncset.done $0x0  }
0x55: {  	s10 =	sadd.s32 s8, s10;
	[sflag:s6] =	ssyncadd.s32 $0xFFFFF800  }
0x56: {  	[hbm4b:s10+s2] =	stream.linear.scatter [tilespmem:s5], [sflag:$0x2], $0x800, $0x38;
	[tilespmem:$0x880] =	vst v63  }
0x57: {  	s13 =	sor.u32 $0x380, s9;
	_ =	swait.ge [sflag:s3], $0x800  }
0x58: {  	s14 =	sshrl.u32 s13, $0x3;
	[sflag:s3] =	ssyncset.done $0x0  }
0x59: {  	s11 =	sadd.s32 s4, s14;
	[sflag:s3] =	ssyncadd.s32 $0xFFFFF800  }
0x5a: {  	[tilespmem:s2], [sflag:$0x2] =	stream.linear.gather [hbm4b:s11+s2], $0x80, $0x38;
	[tilespmem:$0x880] =	vst v63  }
0x5b: {  	_ =	swait.ge [sflag:s3], $0x80  }
0x5c: {  	[sflag:s3] =	ssyncset.done $0x0  }
0x5d: {  	[sflag:s3] =	ssyncadd.s32 $0xFFFFFF80  }
0x5e: {  	[tilespmem:s5], [sflag:$0x1] =	stream.indirect.gather [hbm4b:s7+s5], $0x10, s2, s5, $0xb8;
	[tilespmem:$0x880] =	vst v63  }
0x5f: {  	_ =	swait.ge [sflag:s6], $0x800  }
0x60: {  	s10 =	sshll.u32 s13, $0x1;
	[sflag:s6] =	ssyncset.done $0x0  }
0x61: {  	s10 =	sadd.s32 s8, s10;
	[sflag:s6] =	ssyncadd.s32 $0xFFFFF800  }
0x62: {  	[hbm4b:s10+s2] =	stream.linear.scatter [tilespmem:s5], [sflag:$0x2], $0x800, $0x38;
	[tilespmem:$0x880] =	vst v63  }
0x63: {  	s15 =	sor.u32 $0x400, s9;
	_ =	swait.ge [sflag:s3], $0x800  }
0x64: {  	s16 =	sshrl.u32 s15, $0x3;
	[sflag:s3] =	ssyncset.done $0x0  }
0x65: {  	s11 =	sadd.s32 s4, s16;
	[sflag:s3] =	ssyncadd.s32 $0xFFFFF800  }
0x66: {  	[tilespmem:s2], [sflag:$0x2] =	stream.linear.gather [hbm4b:s11+s2], $0x80, $0x38;
	[tilespmem:$0x880] =	vst v63  }
0x67: {  	_ =	swait.ge [sflag:s3], $0x80  }
0x68: {  	[sflag:s3] =	ssyncset.done $0x0  }
0x69: {  	[sflag:s3] =	ssyncadd.s32 $0xFFFFFF80  }
0x6a: {  	[tilespmem:s5], [sflag:$0x1] =	stream.indirect.gather [hbm4b:s7+s5], $0x10, s2, s5, $0xb8;
	[tilespmem:$0x880] =	vst v63  }
0x6b: {  	_ =	swait.ge [sflag:s6], $0x800  }
0x6c: {  	s10 =	sshll.u32 s15, $0x1;
	[sflag:s6] =	ssyncset.done $0x0  }
0x6d: {  	s10 =	sadd.s32 s8, s10;
	[sflag:s6] =	ssyncadd.s32 $0xFFFFF800  }
0x6e: {  	[hbm4b:s10+s2] =	stream.linear.scatter [tilespmem:s5], [sflag:$0x2], $0x800, $0x38;
	[tilespmem:$0x880] =	vst v63  }
0x6f: {  	s17 =	sor.u32 $0x480, s9;
	_ =	swait.ge [sflag:s3], $0x800  }
0x70: {  	s18 =	sshrl.u32 s17, $0x3;
	[sflag:s3] =	ssyncset.done $0x0  }
0x71: {  	s11 =	sadd.s32 s4, s18;
	[sflag:s3] =	ssyncadd.s32 $0xFFFFF800  }
0x72: {  	[tilespmem:s2], [sflag:$0x2] =	stream.linear.gather [hbm4b:s11+s2], $0x80, $0x38;
	[tilespmem:$0x880] =	vst v63  }
0x73: {  	_ =	swait.ge [sflag:s3], $0x80  }
0x74: {  	[sflag:s3] =	ssyncset.done $0x0  }
0x75: {  	[sflag:s3] =	ssyncadd.s32 $0xFFFFFF80  }
0x76: {  	[tilespmem:s5], [sflag:$0x1] =	stream.indirect.gather [hbm4b:s7+s5], $0x10, s2, s5, $0xb8;
	[tilespmem:$0x880] =	vst v63  }
0x77: {  	_ =	swait.ge [sflag:s6], $0x800  }
0x78: {  	s10 =	sshll.u32 s17, $0x1;
	[sflag:s6] =	ssyncset.done $0x0  }
0x79: {  	s10 =	sadd.s32 s8, s10;
	[sflag:s6] =	ssyncadd.s32 $0xFFFFF800  }
0x7a: {  	[hbm4b:s10+s2] =	stream.linear.scatter [tilespmem:s5], [sflag:$0x2], $0x800, $0x38;
	[tilespmem:$0x880] =	vst v63  }
0x7b: {  	s19 =	sor.u32 $0x500, s9;
	_ =	swait.ge [sflag:s3], $0x800  }
0x7c: {  	s20 =	sshrl.u32 s19, $0x3;
	[sflag:s3] =	ssyncset.done $0x0  }
0x7d: {  	s11 =	sadd.s32 s4, s20;
	[sflag:s3] =	ssyncadd.s32 $0xFFFFF800  }
0x7e: {  	[tilespmem:s2], [sflag:$0x2] =	stream.linear.gather [hbm4b:s11+s2], $0x80, $0x38;
	[tilespmem:$0x880] =	vst v63  }
0x7f: {  	_ =	swait.ge [sflag:s3], $0x80  }
0x80: {  	[sflag:s3] =	ssyncset.done $0x0  }
0x81: {  	[sflag:s3] =	ssyncadd.s32 $0xFFFFFF80  }
0x82: {  	[tilespmem:s5], [sflag:$0x1] =	stream.indirect.gather [hbm4b:s7+s5], $0x10, s2, s5, $0xb8;
	[tilespmem:$0x880] =	vst v63  }
0x83: {  	_ =	swait.ge [sflag:s6], $0x800  }
0x84: {  	s10 =	sshll.u32 s19, $0x1;
	[sflag:s6] =	ssyncset.done $0x0  }
0x85: {  	s10 =	sadd.s32 s8, s10;
	[sflag:s6] =	ssyncadd.s32 $0xFFFFF800  }
0x86: {  	[hbm4b:s10+s2] =	stream.linear.scatter [tilespmem:s5], [sflag:$0x2], $0x800, $0x38;
	[tilespmem:$0x880] =	vst v63  }
0x87: {  	s21 =	sor.u32 $0x580, s9;
	_ =	swait.ge [sflag:s3], $0x800  }
0x88: {  	s22 =	sshrl.u32 s21, $0x3;
	[sflag:s3] =	ssyncset.done $0x0  }
0x89: {  	s11 =	sadd.s32 s4, s22;
	[sflag:s3] =	ssyncadd.s32 $0xFFFFF800  }
0x8a: {  	[tilespmem:s2], [sflag:$0x2] =	stream.linear.gather [hbm4b:s11+s2], $0x80, $0x38;
	[tilespmem:$0x880] =	vst v63  }
0x8b: {  	_ =	swait.ge [sflag:s3], $0x80  }
0x8c: {  	[sflag:s3] =	ssyncset.done $0x0  }
0x8d: {  	[sflag:s3] =	ssyncadd.s32 $0xFFFFFF80  }
0x8e: {  	[tilespmem:s5], [sflag:$0x1] =	stream.indirect.gather [hbm4b:s7+s5], $0x10, s2, s5, $0xb8;
	[tilespmem:$0x880] =	vst v63  }
0x8f: {  	_ =	swait.ge [sflag:s6], $0x800  }
0x90: {  	s10 =	sshll.u32 s21, $0x1;
	[sflag:s6] =	ssyncset.done $0x0  }
0x91: {  	s10 =	sadd.s32 s8, s10;
	[sflag:s6] =	ssyncadd.s32 $0xFFFFF800  }
0x92: {  	[hbm4b:s10+s2] =	stream.linear.scatter [tilespmem:s5], [sflag:$0x2], $0x800, $0x38;
	[tilespmem:$0x880] =	vst v63  }
0x93: {  	s23 =	sor.u32 $0x600, s9;
	_ =	swait.ge [sflag:s3], $0x800  }
0x94: {  	s24 =	sshrl.u32 s23, $0x3;
	[sflag:s3] =	ssyncset.done $0x0  }
0x95: {  	s11 =	sadd.s32 s4, s24;
	[sflag:s3] =	ssyncadd.s32 $0xFFFFF800  }
0x96: {  	[tilespmem:s2], [sflag:$0x2] =	stream.linear.gather [hbm4b:s11+s2], $0x80, $0x38;
	[tilespmem:$0x880] =	vst v63  }
0x97: {  	_ =	swait.ge [sflag:s3], $0x80  }
0x98: {  	[sflag:s3] =	ssyncset.done $0x0  }
0x99: {  	[sflag:s3] =	ssyncadd.s32 $0xFFFFFF80  }
0x9a: {  	[tilespmem:s5], [sflag:$0x1] =	stream.indirect.gather [hbm4b:s7+s5], $0x10, s2, s5, $0xb8;
	[tilespmem:$0x880] =	vst v63  }
0x9b: {  	_ =	swait.ge [sflag:s6], $0x800  }
0x9c: {  	s10 =	sshll.u32 s23, $0x1;
	[sflag:s6] =	ssyncset.done $0x0  }
0x9d: {  	s10 =	sadd.s32 s8, s10;
	[sflag:s6] =	ssyncadd.s32 $0xFFFFF800  }
0x9e: {  	[hbm4b:s10+s2] =	stream.linear.scatter [tilespmem:s5], [sflag:$0x2], $0x800, $0x38;
	[tilespmem:$0x880] =	vst v63  }
0x9f: {  	s25 =	sor.u32 $0x680, s9;
	_ =	swait.ge [sflag:s3], $0x800  }
0xa0: {  	s26 =	sshrl.u32 s25, $0x3;
	[sflag:s3] =	ssyncset.done $0x0  }
0xa1: {  	s11 =	sadd.s32 s4, s26;
	[sflag:s3] =	ssyncadd.s32 $0xFFFFF800  }
0xa2: {  	[tilespmem:s2], [sflag:$0x2] =	stream.linear.gather [hbm4b:s11+s2], $0x80, $0x38;
	[tilespmem:$0x880] =	vst v63  }
0xa3: {  	_ =	swait.ge [sflag:s3], $0x80  }
0xa4: {  	[sflag:s3] =	ssyncset.done $0x0  }
0xa5: {  	[sflag:s3] =	ssyncadd.s32 $0xFFFFFF80  }
0xa6: {  	[tilespmem:s5], [sflag:$0x1] =	stream.indirect.gather [hbm4b:s7+s5], $0x10, s2, s5, $0xb8;
	[tilespmem:$0x880] =	vst v63  }
0xa7: {  	_ =	swait.ge [sflag:s6], $0x800  }
0xa8: {  	s10 =	sshll.u32 s25, $0x1;
	[sflag:s6] =	ssyncset.done $0x0  }
0xa9: {  	s10 =	sadd.s32 s8, s10;
	[sflag:s6] =	ssyncadd.s32 $0xFFFFF800  }
0xaa: {  	[hbm4b:s10+s2] =	stream.linear.scatter [tilespmem:s5], [sflag:$0x2], $0x800, $0x38;
	[tilespmem:$0x880] =	vst v63  }
0xab: {  	s28 =	sor.u32 $0x700, s9;
	_ =	swait.ge [sflag:s3], $0x800  }
0xac: {  	s29 =	sshrl.u32 s28, $0x3;
	[sflag:s3] =	ssyncset.done $0x0  }
0xad: {  	s11 =	sadd.s32 s4, s29;
	[sflag:s3] =	ssyncadd.s32 $0xFFFFF800  }
0xae: {  	[tilespmem:s2], [sflag:$0x2] =	stream.linear.gather [hbm4b:s11+s2], $0x80, $0x38;
	[tilespmem:$0x880] =	vst v63  }
0xaf: {  	_ =	swait.ge [sflag:s3], $0x80  }
0xb0: {  	[sflag:s3] =	ssyncset.done $0x0  }
0xb1: {  	[sflag:s3] =	ssyncadd.s32 $0xFFFFFF80  }
0xb2: {  	[tilespmem:s5], [sflag:$0x1] =	stream.indirect.gather [hbm4b:s7+s5], $0x10, s2, s5, $0xb8;
	[tilespmem:$0x880] =	vst v63  }
0xb3: {  	_ =	swait.ge [sflag:s6], $0x800  }
0xb4: {  	s10 =	sshll.u32 s28, $0x1;
	[sflag:s6] =	ssyncset.done $0x0  }
0xb5: {  	s10 =	sadd.s32 s8, s10;
	[sflag:s6] =	ssyncadd.s32 $0xFFFFF800  }
0xb6: {  	[hbm4b:s10+s2] =	stream.linear.scatter [tilespmem:s5], [sflag:$0x2], $0x800, $0x38;
	[tilespmem:$0x880] =	vst v63  }
0xb7: {  	s9 =	sor.u32 $0x780, s9;
	_ =	swait.ge [sflag:s3], $0x800  }
0xb8: {  	s30 =	sshrl.u32 s9, $0x3;
	[sflag:s3] =	ssyncset.done $0x0  }
0xb9: {  	s4 =	sadd.s32 s4, s30;
	[sflag:s3] =	ssyncadd.s32 $0xFFFFF800  }
0xba: {  	[tilespmem:s2], [sflag:$0x2] =	stream.linear.gather [hbm4b:s4+s2], $0x80, $0x38;
	[tilespmem:$0x880] =	vst v63  }
0xbb: {  	_ =	swait.ge [sflag:s3], $0x80  }
0xbc: {  	[sflag:s3] =	ssyncset.done $0x0  }
0xbd: {  	[sflag:s3] =	ssyncadd.s32 $0xFFFFFF80  }
0xbe: {  	[tilespmem:s5], [sflag:$0x1] =	stream.indirect.gather [hbm4b:s7+s5], $0x10, s2, s5, $0xb8;
	[tilespmem:$0x880] =	vst v63  }
0xbf: {  	_ =	swait.ge [sflag:s6], $0x800  }
0xc0: {  	s31 =	sshll.u32 s9, $0x1;
	[sflag:s6] =	ssyncset.done $0x0  }
0xc1: {  	s4 =	sadd.s32 s8, s31;
	[sflag:s6] =	ssyncadd.s32 $0xFFFFF800  }
0xc2: {  	[hbm4b:s4+s2] =	stream.linear.scatter [tilespmem:s5], [sflag:$0x2], $0x800, $0x38;
	[tilespmem:$0x880] =	vst v63  }
0xc3: {  	_ =	swait.ge [sflag:s3], $0x800  }
0xc4: {  	[sflag:s3] =	ssyncset.done $0x0  }
0xc5: {  	[sflag:s3] =	ssyncadd.s32 $0xFFFFF800  }
0xc6: {  	_ =	sfence.sel $0x180000  }
0xc7: {  	[bflag:$0x0] =	sbarrier.arrive $0xFFFF  }
0xc8: {  	p0 =	sne.s32 s1, $0x0;
	_ =	strace $0x9000004A  }
0xc9: {  	s0 =	sadd.s32 @!p0 $0x100000, s0;
	[bflag:$0x2] =	sbarrier.arrive $0xFFFF  }
0xca: {  	[sflag:s0] =	ssyncadd.tile.s32 @!p0 $0x1;
	_ =	shalt  }
.Lfunc_end2:
_tile_overlayer_lowered:
.L_overlay_start_2:
0xcb: {  	(tag) =	ssettag $0x2  }
0xcc: {  	s0 =	rddreg [dreg:$0x0];
	s2 =	stileid.u32  }
0xcd: {  	s1 =	rddreg [dreg:$0x1];
	p0 =	sne.s32 s2, $0x0  }
0xce: {  	s3 =	rddreg [dreg:$0x2];
	[bflag:$0x3] =	sbarrier.arrive $0xFFFF;
	s2 =	simm.s32 @!p0 $0x1C02  }
0xcf: {  	[timem:s3], [sflag:s2] =	dma.local @!p0 [hbm:s0], s1  }
0xd0: {  	s0 =	simm.s32 @!p0 $0x2  }
0xd1: {  	_ =	swait.ge @!p0 [sflag:s0], s1  }
0xd2: {  	s1 =	ssub.s32 @!p0 $0x0, s1;
	[sflag:s0] =	ssyncset.done @!p0 $0x0  }
0xd3: {  	[sflag:s0] =	ssyncadd.s32 @!p0 s1  }
0xd4: {  	[bflag:$0x3] =	sbarrier.arrive $0xFFFF  }
0xd5: {  	_ =	shalt  }

</sc_bundles>
